<compile_context>
chip_gen: v7x
topology: tpu7x:2x2x1
jax: 0.10.2.dev20260603
libtpu: 0.0.44.dev20260713+nightly
codegen_flags: <defaults>
</compile_context>

<pallas_src>
import functools
import jax
import jax.numpy as jnp
from jax import lax
from jax.experimental import pallas as pl
from jax.experimental.pallas import tpu as pltpu
from jax.experimental.pallas import tpu_sc as plsc

_NN = 50000
_NG = 25
_NPG = 2000
_NE = 800000
_EPG = 32000
_LOG2 = 0.6931471805599453

_NW = 32
_BPW = _NE // _NW
_GC = 128
_NCH = (_BPW + _GC - 1) // _GC
_TAIL = _BPW - _GC

_EC = 4000
_ECH = _NE // _EC
_CPG = _EPG // _EC

_SC_CH = 640
_SC_NCH = _EPG // _SC_CH
_SC_GRP = _SC_CH // 16


def _sp2(x):
    return jax.nn.softplus(x) - _LOG2


def _sc_gather(table, idx_s, idx_d):
    mesh = plsc.VectorSubcoreMesh(core_axis_name="c", subcore_axis_name="s")

    @functools.partial(
        pl.kernel, mesh=mesh,
        compiler_params=pltpu.CompilerParams(use_tc_tiling_on_sc=False, needs_layout_passes=False),
        out_type=(jax.ShapeDtypeStruct((_NE, 32), jnp.float32),
                  jax.ShapeDtypeStruct((_NE, 32), jnp.float32)),
        scratch_types=[
            pltpu.VMEM((_NCH, _GC), jnp.int32),
            pltpu.VMEM((_NCH, _GC), jnp.int32),
            pltpu.VMEM((_GC, 32), jnp.float32),
            pltpu.VMEM((_GC, 32), jnp.float32),
            pltpu.VMEM((_GC, 32), jnp.float32),
            pltpu.VMEM((_GC, 32), jnp.float32),
            pltpu.SemaphoreType.DMA,
            pltpu.SemaphoreType.DMA,
            pltpu.SemaphoreType.DMA,
            pltpu.SemaphoreType.DMA,
        ],
    )
    def k(table_hbm, is_hbm, id_hbm, o1_hbm, o2_hbm, iv1, iv2,
          r1a, r2a, r1b, r2b, sa1, sa2, sb1, sb2):
        wid = lax.axis_index("s") * 2 + lax.axis_index("c")
        base = wid * _BPW
        pltpu.sync_copy(is_hbm.at[wid], iv1)
        pltpu.sync_copy(id_hbm.at[wid], iv2)

        def fire(c, r1, r2, s1, s2):
            pltpu.async_copy(table_hbm.at[iv1.at[c]], r1, s1)
            pltpu.async_copy(table_hbm.at[iv2.at[c]], r2, s2)

        def drain(i, r1, r2, s1, s2):
            off = base + jnp.minimum(i * _GC, _TAIL)
            pltpu.make_async_copy(o1_hbm.at[pl.ds(off, _GC)], r1, s1).wait()
            pltpu.make_async_copy(o2_hbm.at[pl.ds(off, _GC)], r2, s2).wait()
            pltpu.sync_copy(r1, o1_hbm.at[pl.ds(off, _GC)])
            pltpu.sync_copy(r2, o2_hbm.at[pl.ds(off, _GC)])

        fire(0, r1a, r2a, sa1, sa2)

        def body(t, carry):
            i0 = 2 * t
            fire(jnp.minimum(i0 + 1, _NCH - 1), r1b, r2b, sb1, sb2)
            drain(i0, r1a, r2a, sa1, sa2)
            fire(jnp.minimum(i0 + 2, _NCH - 1), r1a, r2a, sa1, sa2)
            drain(jnp.minimum(i0 + 1, _NCH - 1), r1b, r2b, sb1, sb2)
            return carry

        lax.fori_loop(0, _NCH // 2, body, 0)
        drain(_NCH - 1, r1a, r2a, sa1, sa2)

    return k(table, idx_s, idx_d)


def _sc_scatter(enew, dst, zrows, zcnt):
    mesh = plsc.VectorSubcoreMesh(core_axis_name="c", subcore_axis_name="s")

    @functools.partial(
        pl.kernel, mesh=mesh,
        compiler_params=pltpu.CompilerParams(use_tc_tiling_on_sc=False, needs_layout_passes=False),
        out_type=(jax.ShapeDtypeStruct((_NN, 32), jnp.float32),
                  jax.ShapeDtypeStruct((_NN, 16), jnp.float32)),
        scratch_types=[
            pltpu.VMEM((_SC_CH, 32), jnp.float32),
            pltpu.VMEM((_SC_CH,), jnp.int32),
            pltpu.VMEM((_NPG, 32), jnp.float32),
            pltpu.VMEM((_NPG, 16), jnp.float32),
        ],
    )
    def k(e_hbm, d_hbm, zr_hbm, zc_hbm, es_hbm, cn_hbm, ebuf, dbuf, acc, cnt):
        wid = lax.axis_index("s") * 2 + lax.axis_index("c")

        @pl.when(wid < _NG)
        def _():
            pltpu.sync_copy(zr_hbm, acc)
            pltpu.sync_copy(zc_hbm, cnt)
            ji = lax.iota(jnp.int32, 16)
            ones = jnp.ones((16,), jnp.float32)
            nbase = wid * _NPG
            ebase = wid * _EPG

            def chunk(i, carry):
                eb = ebase + i * _SC_CH
                pltpu.sync_copy(e_hbm.at[pl.ds(eb, _SC_CH)], ebuf)
                pltpu.sync_copy(d_hbm.at[pl.ds(eb, _SC_CH)], dbuf)

                def grp(j, c2):
                    dv = dbuf[pl.ds(j * 16, 16)]
                    loc = dv - nbase
                    rows = j * 16 + ji
                    plsc.addupdate_scatter(cnt, [loc, ji], ones)
                    for c in range(32):
                        cf = jnp.full((16,), c, jnp.int32)
                        vals = plsc.load_gather(ebuf, [rows, cf])
                        plsc.addupdate_scatter(acc, [loc, cf], vals)
                    return c2

                lax.fori_loop(0, _SC_GRP, grp, 0)
                return carry

            lax.fori_loop(0, _SC_NCH, chunk, 0)
            pltpu.sync_copy(acc, es_hbm.at[pl.ds(nbase, _NPG)])
            pltpu.sync_copy(cnt, cn_hbm.at[pl.ds(nbase, _NPG)])

    return k(enew, dst, zrows, zcnt)


def _dot(a, b):
    return jnp.dot(a, b, preferred_element_type=jnp.float32)


def _enc_edge_body(x_ref, w1, b1, w2, b2, o_ref):
    x = x_ref[...]
    g = jnp.exp(-(x * x) * 4.0)
    h = _sp2(g * w1[...] + b1[...])
    o_ref[...] = _sp2(_dot(h, w2[...]) + b2[...])


def _enc_edge(x, ps):
    (w1, b1), (w2, b2) = ps
    full = lambda s: pl.BlockSpec(s, lambda i: (0, 0))
    return pl.pallas_call(
        _enc_edge_body,
        grid=(_ECH,),
        in_specs=[pl.BlockSpec((_EC, 1), lambda i: (i, 0)),
                  full((1, 64)), full((1, 64)), full((64, 32)), full((1, 32))],
        out_specs=pl.BlockSpec((_EC, 32), lambda i: (i, 0)),
        out_shape=jax.ShapeDtypeStruct((_NE, 32), jnp.float32),
    )(x, w1.reshape(1, 64), b1.reshape(1, 64), w2, b2.reshape(1, 32))


def _enc_node_body(v_ref, emb, w1, b1, w2, b2, o_ref, f_ref):
    v = v_ref[...]
    ci = lax.broadcasted_iota(jnp.int32, (_NPG, 90), 1)
    sent = jnp.where((ci < 89) & (v > 0), ci, 2000)
    ntype = jnp.min(sent, axis=1, keepdims=True)
    ntype = jnp.where(ntype == 2000, 0, ntype)
    oh = (ntype == lax.broadcasted_iota(jnp.int32, (_NPG, 96), 1)).astype(jnp.float32)
    nf16 = _dot(oh, emb[...])
    h = _sp2(_dot(nf16, w1[...]) + b1[...])
    o_ref[...] = _sp2(_dot(h, w2[...]) + b2[...])
    flagv = jnp.sum(jnp.where(ci == 89, v, 0), axis=1, keepdims=True)
    li = lax.broadcasted_iota(jnp.int32, (_NPG, 1), 0)
    idxv = jnp.where(flagv != 0, li, 2000)
    fv = jnp.minimum(jnp.min(idxv), 20)
    f_ref[...] = jnp.full((1, 1, 128), fv.astype(jnp.float32))


def _enc_node(v, emb, ps):
    (w1, b1), (w2, b2) = ps
    embp = jnp.zeros((96, 16), jnp.float32).at[:89].set(emb)
    full = lambda s: pl.BlockSpec(s, lambda i: (0, 0))
    return pl.pallas_call(
        _enc_node_body,
        grid=(_NG,),
        in_specs=[pl.BlockSpec((_NPG, 90), lambda i: (i, 0)),
                  full((96, 16)), full((16, 64)), full((1, 64)),
                  full((64, 32)), full((1, 32))],
        out_specs=[pl.BlockSpec((_NPG, 32), lambda i: (i, 0)),
                   pl.BlockSpec((1, 1, 128), lambda i: (i, 0, 0))],
        out_shape=[jax.ShapeDtypeStruct((_NN, 32), jnp.float32),
                   jax.ShapeDtypeStruct((_NG, 1, 128), jnp.float32)],
    )(v, embp, w1, b1.reshape(1, 64), w2, b2.reshape(1, 32))


def _enc_state_body(sfeat, focus, semb, w1, b1, w2, b2, o_ref):
    fv = focus[...][:, 0:1].astype(jnp.int32)
    oh = (fv == lax.broadcasted_iota(jnp.int32, (32, 24), 1)).astype(jnp.float32)
    ff = _dot(oh, semb[...])
    x = jnp.concatenate([sfeat[...], ff], axis=1)
    h = _sp2(_dot(x, w1[...]) + b1[...])
    o_ref[...] = _sp2(_dot(h, w2[...]) + b2[...])


def _enc_state(sfeat, focus, semb, ps):
    (w1, b1), (w2, b2) = ps
    sembp = jnp.zeros((24, 8), jnp.float32).at[:21].set(semb)
    sfp = jnp.zeros((32, 8), jnp.float32).at[:_NG].set(sfeat)
    fp = jnp.zeros((32, 128), jnp.float32).at[:_NG].set(focus)
    return pl.pallas_call(
        _enc_state_body,
        out_shape=jax.ShapeDtypeStruct((32, 32), jnp.float32),
    )(sfp, fp, sembp, w1, b1.reshape(1, 64), w2, b2.reshape(1, 32))


def _dense32_body(x_ref, w, b, o_ref):
    o_ref[...] = _sp2(_dot(x_ref[...], w[...]) + b[...])


def _dense_table(x, ps):
    (w, b), = ps
    full = lambda s: pl.BlockSpec(s, lambda i: (0, 0))
    return pl.pallas_call(
        _dense32_body,
        grid=(_NG,),
        in_specs=[pl.BlockSpec((_NPG, 32), lambda i: (i, 0)),
                  full((32, 32)), full((1, 32))],
        out_specs=pl.BlockSpec((_NPG, 32), lambda i: (i, 0)),
        out_shape=jax.ShapeDtypeStruct((_NN, 32), jnp.float32),
    )(x, w, b.reshape(1, 32))


def _dense_state(x, ps):
    (w, b), = ps
    return pl.pallas_call(
        _dense32_body,
        out_shape=jax.ShapeDtypeStruct((32, 32), jnp.float32),
    )(x, w, b.reshape(1, 32))


def _onehot_row(ref, g, rows):
    sel = (lax.broadcasted_iota(jnp.int32, (rows, 1), 0) == g).astype(jnp.float32)
    return _dot(sel.reshape(1, rows), ref[...])


def _edge_block_body(has_dense):
    def body(ep_ref, gs_ref, gd_ref, sd_ref,
             wd, bd, w1s, w1d, w1e, w1u, b1, w2, b2, w3, b3,
             en_ref, eo_ref, ps_ref):
        g = pl.program_id(0) // _CPG
        sg = _onehot_row(sd_ref, g, 32)
        ep = ep_ref[...]
        ed = _sp2(_dot(ep, wd[...]) + bd[...]) if has_dense else ep
        h1 = _sp2(_dot(gs_ref[...], w1s[...]) + _dot(gd_ref[...], w1d[...])
                  + _dot(ed, w1e[...]) + _dot(sg, w1u[...]) + b1[...])
        h2 = _sp2(_dot(h1, w2[...]) + b2[...])
        en = _sp2(_dot(h2, w3[...]) + b3[...])
        eo = en + ep
        en_ref[...] = en
        eo_ref[...] = eo
        s1 = jnp.sum(en, axis=0, keepdims=True)
        s2 = jnp.sum(eo, axis=0, keepdims=True)
        ps_ref[...] = jnp.concatenate(
            [s1, s2, jnp.zeros((1, 64), jnp.float32)], axis=1).reshape(1, 1, 128)
    return body


def _edge_block(ep, gs, gd, sd, bp, has_dense):
    (w1, b1), (w2, b2), (w3, b3) = bp['edge_func']
    if has_dense:
        (wd, bd), = bp['edge_dense']
    else:
        wd = jnp.zeros((32, 32), jnp.float32)
        bd = jnp.zeros((32,), jnp.float32)
    full = lambda s: pl.BlockSpec(s, lambda i: (0, 0))
    eb = lambda: pl.BlockSpec((_EC, 32), lambda i: (i, 0))
    return pl.pallas_call(
        _edge_block_body(has_dense),
        grid=(_ECH,),
        in_specs=[eb(), eb(), eb(), full((32, 32)),
                  full((32, 32)), full((1, 32)),
                  full((32, 64)), full((32, 64)), full((32, 64)), full((32, 64)),
                  full((1, 64)), full((64, 64)), full((1, 64)),
                  full((64, 32)), full((1, 32))],
        out_specs=[eb(), eb(), pl.BlockSpec((1, 1, 128), lambda i: (i, 0, 0))],
        out_shape=[jax.ShapeDtypeStruct((_NE, 32), jnp.float32),
                   jax.ShapeDtypeStruct((_NE, 32), jnp.float32),
                   jax.ShapeDtypeStruct((_ECH, 1, 128), jnp.float32)],
    )(ep, gs, gd, sd, wd, bd.reshape(1, 32),
      w1[0:32], w1[32:64], w1[64:96], w1[96:128], b1.reshape(1, 64),
      w2, b2.reshape(1, 64), w3, b3.reshape(1, 32))


def _node_block_body(np_ref, tb_ref, es_ref, ct_ref, sd_ref,
                     w1n, w1v, w1u, b1, w2, b2, w3, b3,
                     no_ref, ps_ref):
    g = pl.program_id(0)
    sg = _onehot_row(sd_ref, g, 32)
    ve = es_ref[...] / jnp.maximum(jnp.sum(ct_ref[...], axis=1, keepdims=True), 1.0)
    h1 = _sp2(_dot(tb_ref[...], w1n[...]) + _dot(ve, w1v[...])
              + _dot(sg, w1u[...]) + b1[...])
    h2 = _sp2(_dot(h1, w2[...]) + b2[...])
    nn = _sp2(_dot(h2, w3[...]) + b3[...])
    no = nn + np_ref[...]
    no_ref[...] = no
    s1 = jnp.sum(nn, axis=0, keepdims=True)
    s2 = jnp.sum(no, axis=0, keepdims=True)
    ps_ref[...] = jnp.concatenate(
        [s1, s2, jnp.zeros((1, 64), jnp.float32)], axis=1).reshape(1, 1, 128)


def _node_block(nprev, table, esum, cnt, sd, bp):
    (w1, b1), (w2, b2), (w3, b3) = bp['node_func']
    full = lambda s: pl.BlockSpec(s, lambda i: (0, 0))
    nb = lambda: pl.BlockSpec((_NPG, 32), lambda i: (i, 0))
    return pl.pallas_call(
        _node_block_body,
        grid=(_NG,),
        in_specs=[nb(), nb(), nb(), pl.BlockSpec((_NPG, 16), lambda i: (i, 0)),
                  full((32, 32)),
                  full((32, 64)), full((32, 64)), full((32, 64)), full((1, 64)),
                  full((64, 64)), full((1, 64)), full((64, 32)), full((1, 32))],
        out_specs=[nb(), pl.BlockSpec((1, 1, 128), lambda i: (i, 0, 0))],
        out_shape=[jax.ShapeDtypeStruct((_NN, 32), jnp.float32),
                   jax.ShapeDtypeStruct((_NG, 1, 128), jnp.float32)],
    )(nprev, table, esum, cnt, sd,
      w1[0:32], w1[32:64], w1[64:96], b1.reshape(1, 64),
      w2, b2.reshape(1, 64), w3, b3.reshape(1, 32))


def _state_func_body(sp_ref, sd_ref, ue_ref, uv_ref, w1s, w1e, w1v, b1, w2, b2, w3, b3, o_ref):
    h1 = _sp2(_dot(sd_ref[...], w1s[...]) + _dot(ue_ref[...], w1e[...])
              + _dot(uv_ref[...], w1v[...]) + b1[...])
    h2 = _sp2(_dot(h1, w2[...]) + b2[...])
    o_ref[...] = _sp2(_dot(h2, w3[...]) + b3[...]) + sp_ref[...]


def _state_func(sprev, sd, ue, uv, bp):
    (w1, b1), (w2, b2), (w3, b3) = bp['state_func']
    return pl.pallas_call(
        _state_func_body,
        out_shape=jax.ShapeDtypeStruct((32, 32), jnp.float32),
    )(sprev, sd, ue, uv,
      w1[0:32], w1[32:64], w1[64:96], b1.reshape(1, 64),
      w2, b2.reshape(1, 64), w3, b3.reshape(1, 32))


def _final_body(nm_ref, em_ref, s3_ref, w1, b1, w2, b2, w3, b3, o_ref):
    z = jnp.zeros((32, 32), jnp.float32)
    x = jnp.concatenate([z, nm_ref[...], z, em_ref[...], s3_ref[...],
                         jnp.zeros((32, 96), jnp.float32)], axis=1)
    h1 = _sp2(_dot(x, w1[...]) + b1[...])
    h2 = _sp2(_dot(h1, w2[...]) + b2[...])
    o_ref[...] = _dot(h2, w3[...]) + b3[...]


def _final(nmean, emean, s3, ps):
    (w1, b1), (w2, b2), (w3, b3) = ps
    w1p = jnp.zeros((256, 32), jnp.float32).at[:160].set(w1)
    return pl.pallas_call(
        _final_body,
        out_shape=jax.ShapeDtypeStruct((32, 88), jnp.float32),
    )(nmean, emean, s3, w1p, b1.reshape(1, 32),
      w2, b2.reshape(1, 16), w3, b3.reshape(1, 88))


def _mk_gidx(idx):
    x = idx.reshape(_NW, _BPW)
    main = x[:, :_GC * (_NCH - 1)].reshape(_NW, _NCH - 1, _GC)
    tail = x[:, _TAIL:][:, None, :]
    return jnp.concatenate([main, tail], axis=1)


def kernel(edge_index, edge_feat, node_feat, state_feat, params):
    p = params
    src = edge_index[0].astype(jnp.int32)
    dst = edge_index[1].astype(jnp.int32)
    nfi = node_feat.astype(jnp.int32)

    ef = _enc_edge(edge_feat.reshape(_NE, 1), p['edge_enc'])
    nf, focus = _enc_node(nfi, p['node_embed'], p['node_enc'])
    sf = _enc_state(state_feat, focus[:, 0, :], p['state_embed'], p['state_enc'])

    gidx_s = _mk_gidx(src)
    gidx_d = _mk_gidx(dst)
    zrows = jnp.zeros((_NPG, 32), jnp.float32)
    zcnt = jnp.zeros((_NPG, 16), jnp.float32)

    epart3 = None
    npart3 = None
    for b, bp in enumerate(p['blocks']):
        if b > 0:
            table = _dense_table(nf, bp['node_dense'])
            sd = _dense_state(sf, bp['state_dense'])
        else:
            table, sd = nf, sf
        gs, gd = _sc_gather(table, gidx_s, gidx_d)
        enew, eout, epart = _edge_block(ef, gs, gd, sd, bp, has_dense=b > 0)
        esum, cnt = _sc_scatter(enew, dst, zrows, zcnt)
        nout, npart = _node_block(nf, table, esum, cnt, sd, bp)
        eg = epart.reshape(_NG, _CPG, 128).sum(axis=1)
        ng = npart[:, 0, :]
        ue = jnp.zeros((32, 32), jnp.float32).at[:_NG].set(eg[:, 0:32] / _EPG)
        uv = jnp.zeros((32, 32), jnp.float32).at[:_NG].set(ng[:, 0:32] / _NPG)
        sf = _state_func(sf, sd, ue, uv, bp)
        ef, nf = eout, nout
        epart3, npart3 = eg, ng

    nmean = jnp.zeros((32, 32), jnp.float32).at[:_NG].set(npart3[:, 32:64] / _NPG)
    emean = jnp.zeros((32, 32), jnp.float32).at[:_NG].set(epart3[:, 32:64] / _EPG)
    out = _final(nmean, emean, sf, p['out_proj'])
    return out[:_NG]

# --- scband reference (transcript-rebuilt; emitter-appended) ---
"""Pipeline reference for scband-megnet-rl-39883066311301 (READ-ONLY COPY).

The authoritative reference and input builder live on the scoring server;
editing this copy changes nothing except your own understanding.
"""

import jax, jax.numpy as jnp
import numpy as np

N_NODES = 50000
N_GRAPHS = 25
NODES_PER_GRAPH = 2000
N_EDGES = 800000
EDGES_PER_GRAPH = 32000
DIM_NODE = 16
DIM_STATE = 8

def softplus2(x):
    return jax.nn.softplus(x) - jnp.log(2.0)

def mlp(ps, x, activate_last=True):
    n = len(ps)
    for i, (W, b) in enumerate(ps):
        x = x @ W + b
        if i < n - 1 or activate_last:
            x = softplus2(x)
    return x

def _mlp_params(key, dims):
    ps = []
    for i in range(len(dims) - 1):
        key, k = jax.random.split(key)
        W = jax.random.normal(k, (dims[i], dims[i + 1]), jnp.float32) / np.sqrt(dims[i])
        ps.append((W, jnp.zeros((dims[i + 1],), jnp.float32)))
    return key, ps

def setup_inputs(seed: int = 0):
    key = jax.random.key(seed)
    k1, k2, k3, k4, key = jax.random.split(key, 5)
    edge_feat = jax.random.uniform(k1, (N_EDGES,), jnp.float32) * 4.0
    node_feat = jax.random.randint(k2, (N_NODES, 90), 0, 2).astype(jnp.int64)
    state_feat = jax.random.normal(k3, (N_GRAPHS, DIM_STATE), jnp.float32)
    base = jax.random.randint(k4, (2, N_EDGES), 0, NODES_PER_GRAPH)
    off = (jnp.arange(N_EDGES) // EDGES_PER_GRAPH) * NODES_PER_GRAPH
    edge_index = (base + off[None, :]).astype(jnp.int64)
    params = {}
    key, ke = jax.random.split(key)
    params['node_embed'] = jax.random.normal(ke, (89, DIM_NODE), jnp.float32)
    key, ke = jax.random.split(key)
    params['state_embed'] = jax.random.normal(ke, (21, DIM_STATE), jnp.float32)
    key, params['edge_enc'] = _mlp_params(key, [1, 64, 32])
    key, params['node_enc'] = _mlp_params(key, [DIM_NODE, 64, 32])
    key, params['state_enc'] = _mlp_params(key, [2 * DIM_STATE, 64, 32])
    blocks = []
    for bi in range(3):
        bp = {}
        if bi > 0:
            key, bp['edge_dense'] = _mlp_params(key, [32, 32])
            key, bp['node_dense'] = _mlp_params(key, [32, 32])
            key, bp['state_dense'] = _mlp_params(key, [32, 32])
        key, bp['edge_func'] = _mlp_params(key, [128, 64, 64, 32])
        key, bp['node_func'] = _mlp_params(key, [96, 64, 64, 32])
        key, bp['state_func'] = _mlp_params(key, [96, 64, 64, 32])
        blocks.append(bp)
    params['blocks'] = blocks
    for name in ('node_s2s', 'edge_s2s'):
        key, kq = jax.random.split(key)
        key, kh = jax.random.split(key)
        params[name] = {'Wih': jax.random.normal(kq, (64, 128), jnp.float32) / 8.0,
                        'Whh': jax.random.normal(kh, (32, 128), jnp.float32) / np.sqrt(32.0),
                        'b': jnp.zeros((128,), jnp.float32)}
    key, params['out_proj'] = _mlp_params(key, [160, 32, 16, 88])
    return {'edge_index': edge_index, 'edge_feat': edge_feat, 'node_feat': node_feat,
            'state_feat': state_feat, 'params': params}

def lstm_cell(p, x, h, c):
    z = x @ p['Wih'] + h @ p['Whh'] + p['b']
    i, f, g, o = jnp.split(z, 4, axis=1)
    c = jax.nn.sigmoid(f) * c + jax.nn.sigmoid(i) * jnp.tanh(g)
    h = jax.nn.sigmoid(o) * jnp.tanh(c)
    return h, c

def set2set(p, feat, gid):
    d = feat.shape[1]
    q_star = jnp.zeros((N_GRAPHS, 2 * d), feat.dtype)
    h = jnp.zeros((N_GRAPHS, d), feat.dtype)
    c = jnp.zeros((N_GRAPHS, d), feat.dtype)
    h, c = lstm_cell(p, q_star, h, c)
    e = jnp.sum(feat * h[gid], axis=1)
    e_max = jax.ops.segment_max(e, gid, num_segments=N_GRAPHS)
    ex = jnp.exp(e - e_max[gid])
    denom = jax.ops.segment_sum(ex, gid, num_segments=N_GRAPHS)
    alpha = ex / denom[gid]
    r = jax.ops.segment_sum(alpha[:, None] * feat, gid, num_segments=N_GRAPHS)
    return jnp.concatenate([h, r], axis=1)

def megnet_block(bp, edge, node, state, src, dst, egid, ngid):
    e_in, n_in, s_in = edge, node, state
    if 'edge_dense' in bp:
        edge = mlp(bp['edge_dense'], edge)
        node = mlp(bp['node_dense'], node)
        state = mlp(bp['state_dense'], state)
    m = jnp.concatenate([node[src], node[dst], edge, state[egid]], axis=1)
    edge_new = mlp(bp['edge_func'], m)
    esum = jax.ops.segment_sum(edge_new, dst, num_segments=N_NODES)
    ecnt = jax.ops.segment_sum(jnp.ones((N_EDGES,), edge_new.dtype), dst, num_segments=N_NODES)
    ve = esum / jnp.maximum(ecnt, 1.0)[:, None]
    node_new = mlp(bp['node_func'], jnp.concatenate([node, ve, state[ngid]], axis=1))
    ue = jax.ops.segment_sum(edge_new, egid, num_segments=N_GRAPHS) / EDGES_PER_GRAPH
    uv = jax.ops.segment_sum(node_new, ngid, num_segments=N_GRAPHS) / NODES_PER_GRAPH
    state_new = mlp(bp['state_func'], jnp.concatenate([state, ue, uv], axis=1))
    return edge_new + e_in, node_new + n_in, state_new + s_in

def _forward(edge_feat, state_feat, params, node_feat, edge_index):
    ngid = jnp.arange(N_NODES) // NODES_PER_GRAPH
    egid = jnp.arange(N_EDGES) // EDGES_PER_GRAPH
    src, dst = edge_index[0], edge_index[1]
    centers = jnp.linspace(0.0, 5.0, 1)
    ef = jnp.exp(-((edge_feat[:, None] - centers[None, :]) ** 2) / (0.5 ** 2))
    flag = (node_feat[:, -1] != 0).reshape(N_GRAPHS, NODES_PER_GRAPH)
    focus = jnp.where(jnp.any(flag, axis=1), jnp.argmax(flag, axis=1), 20)
    focus = jnp.clip(focus, 0, 20)
    ntype = jnp.argmax(node_feat[:, :-1], axis=1)
    nf = params['node_embed'][ntype]
    focus_feat = params['state_embed'][focus]
    ef = mlp(params['edge_enc'], ef)
    nf = mlp(params['node_enc'], nf)
    sf = mlp(params['state_enc'], jnp.concatenate([state_feat, focus_feat], axis=1))
    for bp in params['blocks']:
        ef, nf, sf = megnet_block(bp, ef, nf, sf, src, dst, egid, ngid)
    node_vec = set2set(params['node_s2s'], nf, ngid)
    edge_vec = set2set(params['edge_s2s'], ef, egid)
    vec = jnp.concatenate([node_vec, edge_vec, sf], axis=1)
    return mlp(params['out_proj'], vec, activate_last=False)

def reference(edge_index, edge_feat, node_feat, state_feat, params):
    return _forward(edge_feat, state_feat, params, node_feat, edge_index)

if __name__ == "__main__":
    import jax
    _d = setup_inputs()
    print(jax.jit(kernel)(*tuple(_d.values())))

</pallas_src>

<mosaic_0001>
#map = affine_map<(d0, d1) -> (0, 0)>
#map1 = affine_map<(d0, d1) -> (0, 0, 0)>
module attributes {stable_mosaic.version = 14 : i64} {
  func.func @k(%arg0: i32, %arg1: i32, %arg2: memref<50000x32xf32, #tpu.memory_space<hbm>>, %arg3: memref<32x196x128xi32, #tpu.memory_space<hbm>>, %arg4: memref<32x196x128xi32, #tpu.memory_space<hbm>>, %arg5: memref<800000x32xf32, #tpu.memory_space<hbm>>, %arg6: memref<800000x32xf32, #tpu.memory_space<hbm>>, %arg7: memref<196x128xi32, #tpu.memory_space<vmem>>, %arg8: memref<196x128xi32, #tpu.memory_space<vmem>>, %arg9: memref<128x32xf32, #tpu.memory_space<vmem>>, %arg10: memref<128x32xf32, #tpu.memory_space<vmem>>, %arg11: memref<128x32xf32, #tpu.memory_space<vmem>>, %arg12: memref<128x32xf32, #tpu.memory_space<vmem>>, %arg13: memref<!tpu.dma_semaphore, #tpu.memory_space<semaphore_mem>>, %arg14: memref<!tpu.dma_semaphore, #tpu.memory_space<semaphore_mem>>, %arg15: memref<!tpu.dma_semaphore, #tpu.memory_space<semaphore_mem>>, %arg16: memref<!tpu.dma_semaphore, #tpu.memory_space<semaphore_mem>>) attributes {dimension_semantics = [#tpu.dimension_semantics<core_parallel>, #tpu.dimension_semantics<subcore_parallel>], iteration_bounds = array<i64: 2, 16>, scalar_prefetch = 0 : i64, scratch_operands = 10 : i64, tpu.core_type = #tpu.core_type<sc_vector_subcore>, window_params = [{transform_indices = #map}, {transform_indices = #map1}, {transform_indices = #map1}, {transform_indices = #map}, {transform_indices = #map}]} {
    %mul3A = arith.constant 2 : i32
    %mul3A_0 = arith.muli %arg1, %mul3A : i32
    %add3A = arith.addi %mul3A_0, %arg0 : i32
    %mul3A_1 = arith.constant 25000 : i32
    %mul3A_2 = arith.muli %add3A, %mul3A_1 : i32
    "tpu.region"() ({
      %run_scoped3A = tpu.sem_alloc : memref<!tpu.dma_semaphore, #tpu.memory_space<semaphore_mem>>
      %dma_start3A_31 = arith.constant 0 : i32
      %dma_start3A_32 = arith.constant 0 : i32
      %dma_start3A_33 = tpu.memref_slice %arg3[%add3A, %dma_start3A_31, %dma_start3A_32] : memref<32x196x128xi32, #tpu.memory_space<hbm>> -> memref<1x196x128xi32, #tpu.memory_space<hbm>>
      %dma_start3A_34 = tpu.memref_squeeze %dma_start3A_33 : memref<1x196x128xi32, #tpu.memory_space<hbm>> -> memref<196x128xi32, #tpu.memory_space<hbm>>
      %dma_start3A_35 = arith.constant 0 : i32
      %dma_start3A_36 = arith.constant 0 : i32
      %dma_start3A_37 = tpu.memref_slice %arg3[%add3A, %dma_start3A_35, %dma_start3A_36] : memref<32x196x128xi32, #tpu.memory_space<hbm>> -> memref<1x196x128xi32, #tpu.memory_space<hbm>>
      %dma_start3A_38 = tpu.memref_squeeze %dma_start3A_37 : memref<1x196x128xi32, #tpu.memory_space<hbm>> -> memref<196x128xi32, #tpu.memory_space<hbm>>
      tpu.enqueue_dma source(%dma_start3A_38 : memref<196x128xi32, #tpu.memory_space<hbm>>) target(%arg7 : memref<196x128xi32, #tpu.memory_space<vmem>>) target_semaphore(%run_scoped3A : memref<!tpu.dma_semaphore, #tpu.memory_space<semaphore_mem>>)
      %dma_wait3A_39 = arith.constant 0 : i32
      %dma_wait3A_40 = arith.constant 0 : i32
      %dma_wait3A_41 = tpu.memref_slice %arg3[%add3A, %dma_wait3A_39, %dma_wait3A_40] : memref<32x196x128xi32, #tpu.memory_space<hbm>> -> memref<1x196x128xi32, #tpu.memory_space<hbm>>
      %dma_wait3A_42 = tpu.memref_squeeze %dma_wait3A_41 : memref<1x196x128xi32, #tpu.memory_space<hbm>> -> memref<196x128xi32, #tpu.memory_space<hbm>>
      %dma_wait3A_43 = arith.constant 0 : i32
      %dma_wait3A_44 = arith.constant 0 : i32
      %dma_wait3A_45 = tpu.memref_slice %arg3[%add3A, %dma_wait3A_43, %dma_wait3A_44] : memref<32x196x128xi32, #tpu.memory_space<hbm>> -> memref<1x196x128xi32, #tpu.memory_space<hbm>>
      %dma_wait3A_46 = tpu.memref_squeeze %dma_wait3A_45 : memref<1x196x128xi32, #tpu.memory_space<hbm>> -> memref<196x128xi32, #tpu.memory_space<hbm>>
      tpu.wait_dma2 semaphore(%run_scoped3A : memref<!tpu.dma_semaphore, #tpu.memory_space<semaphore_mem>>) src(%dma_wait3A_46 : memref<196x128xi32, #tpu.memory_space<hbm>>) dst(%arg7 : memref<196x128xi32, #tpu.memory_space<vmem>>)
      tpu.yield
    }) : () -> ()
    "tpu.region"() ({
      %run_scoped3A = tpu.sem_alloc : memref<!tpu.dma_semaphore, #tpu.memory_space<semaphore_mem>>
      %dma_start3A_31 = arith.constant 0 : i32
      %dma_start3A_32 = arith.constant 0 : i32
      %dma_start3A_33 = tpu.memref_slice %arg4[%add3A, %dma_start3A_31, %dma_start3A_32] : memref<32x196x128xi32, #tpu.memory_space<hbm>> -> memref<1x196x128xi32, #tpu.memory_space<hbm>>
      %dma_start3A_34 = tpu.memref_squeeze %dma_start3A_33 : memref<1x196x128xi32, #tpu.memory_space<hbm>> -> memref<196x128xi32, #tpu.memory_space<hbm>>
      %dma_start3A_35 = arith.constant 0 : i32
      %dma_start3A_36 = arith.constant 0 : i32
      %dma_start3A_37 = tpu.memref_slice %arg4[%add3A, %dma_start3A_35, %dma_start3A_36] : memref<32x196x128xi32, #tpu.memory_space<hbm>> -> memref<1x196x128xi32, #tpu.memory_space<hbm>>
      %dma_start3A_38 = tpu.memref_squeeze %dma_start3A_37 : memref<1x196x128xi32, #tpu.memory_space<hbm>> -> memref<196x128xi32, #tpu.memory_space<hbm>>
      tpu.enqueue_dma source(%dma_start3A_38 : memref<196x128xi32, #tpu.memory_space<hbm>>) target(%arg8 : memref<196x128xi32, #tpu.memory_space<vmem>>) target_semaphore(%run_scoped3A : memref<!tpu.dma_semaphore, #tpu.memory_space<semaphore_mem>>)
      %dma_wait3A_39 = arith.constant 0 : i32
      %dma_wait3A_40 = arith.constant 0 : i32
      %dma_wait3A_41 = tpu.memref_slice %arg4[%add3A, %dma_wait3A_39, %dma_wait3A_40] : memref<32x196x128xi32, #tpu.memory_space<hbm>> -> memref<1x196x128xi32, #tpu.memory_space<hbm>>
      %dma_wait3A_42 = tpu.memref_squeeze %dma_wait3A_41 : memref<1x196x128xi32, #tpu.memory_space<hbm>> -> memref<196x128xi32, #tpu.memory_space<hbm>>
      %dma_wait3A_43 = arith.constant 0 : i32
      %dma_wait3A_44 = arith.constant 0 : i32
      %dma_wait3A_45 = tpu.memref_slice %arg4[%add3A, %dma_wait3A_43, %dma_wait3A_44] : memref<32x196x128xi32, #tpu.memory_space<hbm>> -> memref<1x196x128xi32, #tpu.memory_space<hbm>>
      %dma_wait3A_46 = tpu.memref_squeeze %dma_wait3A_45 : memref<1x196x128xi32, #tpu.memory_space<hbm>> -> memref<196x128xi32, #tpu.memory_space<hbm>>
      tpu.wait_dma2 semaphore(%run_scoped3A : memref<!tpu.dma_semaphore, #tpu.memory_space<semaphore_mem>>) src(%dma_wait3A_46 : memref<196x128xi32, #tpu.memory_space<hbm>>) dst(%arg8 : memref<196x128xi32, #tpu.memory_space<vmem>>)
      tpu.yield
    }) : () -> ()
    %dma_start3A = arith.constant 0 : i32
    %dma_start3A_3 = arith.constant 0 : i32
    %dma_start3A_4 = tpu.memref_slice %arg7[%dma_start3A, %dma_start3A_3] : memref<196x128xi32, #tpu.memory_space<vmem>> -> memref<1x128xi32, #tpu.memory_space<vmem>>
    %dma_start3A_5 = tpu.memref_squeeze %dma_start3A_4 : memref<1x128xi32, #tpu.memory_space<vmem>> -> memref<128xi32, #tpu.memory_space<vmem>>
    %dma_start3A_6 = arith.constant 0 : i32
    %dma_start3A_7 = arith.constant 0 : i32
    %dma_start3A_8 = tpu.memref_slice %arg2[%dma_start3A_6, %dma_start3A_7] : memref<50000x32xf32, #tpu.memory_space<hbm>> -> memref<50000x32xf32, #tpu.memory_space<hbm>>
    tpu.enqueue_indirect_dma source(%dma_start3A_8 : memref<50000x32xf32, #tpu.memory_space<hbm>>) target(%arg9 : memref<128x32xf32, #tpu.memory_space<vmem>>) offsets(%dma_start3A_5 : memref<128xi32, #tpu.memory_space<vmem>>) semaphore(%arg13 : memref<!tpu.dma_semaphore, #tpu.memory_space<semaphore_mem>>)
    %dma_start3A_9 = arith.constant 0 : i32
    %dma_start3A_10 = arith.constant 0 : i32
    %dma_start3A_11 = tpu.memref_slice %arg8[%dma_start3A_9, %dma_start3A_10] : memref<196x128xi32, #tpu.memory_space<vmem>> -> memref<1x128xi32, #tpu.memory_space<vmem>>
    %dma_start3A_12 = tpu.memref_squeeze %dma_start3A_11 : memref<1x128xi32, #tpu.memory_space<vmem>> -> memref<128xi32, #tpu.memory_space<vmem>>
    %dma_start3A_13 = arith.constant 0 : i32
    %dma_start3A_14 = arith.constant 0 : i32
    %dma_start3A_15 = tpu.memref_slice %arg2[%dma_start3A_13, %dma_start3A_14] : memref<50000x32xf32, #tpu.memory_space<hbm>> -> memref<50000x32xf32, #tpu.memory_space<hbm>>
    tpu.enqueue_indirect_dma source(%dma_start3A_15 : memref<50000x32xf32, #tpu.memory_space<hbm>>) target(%arg10 : memref<128x32xf32, #tpu.memory_space<vmem>>) offsets(%dma_start3A_12 : memref<128xi32, #tpu.memory_space<vmem>>) semaphore(%arg14 : memref<!tpu.dma_semaphore, #tpu.memory_space<semaphore_mem>>)
    %scan3A = arith.constant 0 : i32
    %scan3A_16 = arith.constant 0 : i32
    %scan3A_17 = arith.constant 98 : i32
    %scan3A_18 = arith.addi %scan3A_16, %scan3A_17 : i32
    %scan3A_19 = arith.constant 1 : i32
    scf.for %scan3A_31 = %scan3A_16 to %scan3A_18 step %scan3A_19  : i32 {
      %mul3A_32 = arith.constant 2 : i32
      %mul3A_33 = arith.muli %mul3A_32, %scan3A_31 : i32
      %add3A_34 = arith.constant 1 : i32
      %add3A_35 = arith.addi %mul3A_33, %add3A_34 : i32
      %min3A_36 = arith.constant 195 : i32
      %min3A_37 = arith.minsi %add3A_35, %min3A_36 : i32
      %dma_start3A_38 = arith.constant 0 : i32
      %dma_start3A_39 = tpu.memref_slice %arg7[%min3A_37, %dma_start3A_38] : memref<196x128xi32, #tpu.memory_space<vmem>> -> memref<1x128xi32, #tpu.memory_space<vmem>>
      %dma_start3A_40 = tpu.memref_squeeze %dma_start3A_39 : memref<1x128xi32, #tpu.memory_space<vmem>> -> memref<128xi32, #tpu.memory_space<vmem>>
      %dma_start3A_41 = arith.constant 0 : i32
      %dma_start3A_42 = arith.constant 0 : i32
      %dma_start3A_43 = tpu.memref_slice %arg2[%dma_start3A_41, %dma_start3A_42] : memref<50000x32xf32, #tpu.memory_space<hbm>> -> memref<50000x32xf32, #tpu.memory_space<hbm>>
      tpu.enqueue_indirect_dma source(%dma_start3A_43 : memref<50000x32xf32, #tpu.memory_space<hbm>>) target(%arg11 : memref<128x32xf32, #tpu.memory_space<vmem>>) offsets(%dma_start3A_40 : memref<128xi32, #tpu.memory_space<vmem>>) semaphore(%arg15 : memref<!tpu.dma_semaphore, #tpu.memory_space<semaphore_mem>>)
      %dma_start3A_44 = arith.constant 0 : i32
      %dma_start3A_45 = tpu.memref_slice %arg8[%min3A_37, %dma_start3A_44] : memref<196x128xi32, #tpu.memory_space<vmem>> -> memref<1x128xi32, #tpu.memory_space<vmem>>
      %dma_start3A_46 = tpu.memref_squeeze %dma_start3A_45 : memref<1x128xi32, #tpu.memory_space<vmem>> -> memref<128xi32, #tpu.memory_space<vmem>>
      %dma_start3A_47 = arith.constant 0 : i32
      %dma_start3A_48 = arith.constant 0 : i32
      %dma_start3A_49 = tpu.memref_slice %arg2[%dma_start3A_47, %dma_start3A_48] : memref<50000x32xf32, #tpu.memory_space<hbm>> -> memref<50000x32xf32, #tpu.memory_space<hbm>>
      tpu.enqueue_indirect_dma source(%dma_start3A_49 : memref<50000x32xf32, #tpu.memory_space<hbm>>) target(%arg12 : memref<128x32xf32, #tpu.memory_space<vmem>>) offsets(%dma_start3A_46 : memref<128xi32, #tpu.memory_space<vmem>>) semaphore(%arg16 : memref<!tpu.dma_semaphore, #tpu.memory_space<semaphore_mem>>)
      %mul3A_50 = arith.constant 128 : i32
      %mul3A_51 = arith.muli %mul3A_33, %mul3A_50 : i32
      %min3A_52 = arith.constant 24872 : i32
      %min3A_53 = arith.minsi %mul3A_51, %min3A_52 : i32
      %add3A_54 = arith.addi %mul3A_2, %min3A_53 : i32
      %dma_wait3A_55 = arith.constant 0 : i32
      %dma_wait3A_56 = tpu.memref_slice %arg5[%add3A_54, %dma_wait3A_55] : memref<800000x32xf32, #tpu.memory_space<hbm>> -> memref<128x32xf32, #tpu.memory_space<hbm>>
      %dma_wait3A_57 = arith.constant 0 : i32
      %dma_wait3A_58 = tpu.memref_slice %arg5[%add3A_54, %dma_wait3A_57] : memref<800000x32xf32, #tpu.memory_space<hbm>> -> memref<128x32xf32, #tpu.memory_space<hbm>>
      tpu.wait_dma2 semaphore(%arg13 : memref<!tpu.dma_semaphore, #tpu.memory_space<semaphore_mem>>) src(%dma_wait3A_58 : memref<128x32xf32, #tpu.memory_space<hbm>>) dst(%arg9 : memref<128x32xf32, #tpu.memory_space<vmem>>)
      %dma_wait3A_59 = arith.constant 0 : i32
      %dma_wait3A_60 = tpu.memref_slice %arg6[%add3A_54, %dma_wait3A_59] : memref<800000x32xf32, #tpu.memory_space<hbm>> -> memref<128x32xf32, #tpu.memory_space<hbm>>
      %dma_wait3A_61 = arith.constant 0 : i32
      %dma_wait3A_62 = tpu.memref_slice %arg6[%add3A_54, %dma_wait3A_61] : memref<800000x32xf32, #tpu.memory_space<hbm>> -> memref<128x32xf32, #tpu.memory_space<hbm>>
      tpu.wait_dma2 semaphore(%arg14 : memref<!tpu.dma_semaphore, #tpu.memory_space<semaphore_mem>>) src(%dma_wait3A_62 : memref<128x32xf32, #tpu.memory_space<hbm>>) dst(%arg10 : memref<128x32xf32, #tpu.memory_space<vmem>>)
      "tpu.region"() ({
        %run_scoped3A = tpu.sem_alloc : memref<!tpu.dma_semaphore, #tpu.memory_space<semaphore_mem>>
        %dma_start3A_96 = arith.constant 0 : i32
        %dma_start3A_97 = tpu.memref_slice %arg5[%add3A_54, %dma_start3A_96] : memref<800000x32xf32, #tpu.memory_space<hbm>> -> memref<128x32xf32, #tpu.memory_space<hbm>>
        %dma_start3A_98 = arith.constant 0 : i32
        %dma_start3A_99 = tpu.memref_slice %arg5[%add3A_54, %dma_start3A_98] : memref<800000x32xf32, #tpu.memory_space<hbm>> -> memref<128x32xf32, #tpu.memory_space<hbm>>
        tpu.enqueue_dma source(%arg9 : memref<128x32xf32, #tpu.memory_space<vmem>>) target(%dma_start3A_99 : memref<128x32xf32, #tpu.memory_space<hbm>>) target_semaphore(%run_scoped3A : memref<!tpu.dma_semaphore, #tpu.memory_space<semaphore_mem>>)
        %dma_wait3A_100 = arith.constant 0 : i32
        %dma_wait3A_101 = tpu.memref_slice %arg5[%add3A_54, %dma_wait3A_100] : memref<800000x32xf32, #tpu.memory_space<hbm>> -> memref<128x32xf32, #tpu.memory_space<hbm>>
        %dma_wait3A_102 = arith.constant 0 : i32
        %dma_wait3A_103 = tpu.memref_slice %arg5[%add3A_54, %dma_wait3A_102] : memref<800000x32xf32, #tpu.memory_space<hbm>> -> memref<128x32xf32, #tpu.memory_space<hbm>>
        tpu.wait_dma2 semaphore(%run_scoped3A : memref<!tpu.dma_semaphore, #tpu.memory_space<semaphore_mem>>) src(%arg9 : memref<128x32xf32, #tpu.memory_space<vmem>>) dst(%dma_wait3A_103 : memref<128x32xf32, #tpu.memory_space<hbm>>)
        tpu.yield
      }) : () -> ()
      "tpu.region"() ({
        %run_scoped3A = tpu.sem_alloc : memref<!tpu.dma_semaphore, #tpu.memory_space<semaphore_mem>>
        %dma_start3A_96 = arith.constant 0 : i32
        %dma_start3A_97 = tpu.memref_slice %arg6[%add3A_54, %dma_start3A_96] : memref<800000x32xf32, #tpu.memory_space<hbm>> -> memref<128x32xf32, #tpu.memory_space<hbm>>
        %dma_start3A_98 = arith.constant 0 : i32
        %dma_start3A_99 = tpu.memref_slice %arg6[%add3A_54, %dma_start3A_98] : memref<800000x32xf32, #tpu.memory_space<hbm>> -> memref<128x32xf32, #tpu.memory_space<hbm>>
        tpu.enqueue_dma source(%arg10 : memref<128x32xf32, #tpu.memory_space<vmem>>) target(%dma_start3A_99 : memref<128x32xf32, #tpu.memory_space<hbm>>) target_semaphore(%run_scoped3A : memref<!tpu.dma_semaphore, #tpu.memory_space<semaphore_mem>>)
        %dma_wait3A_100 = arith.constant 0 : i32
        %dma_wait3A_101 = tpu.memref_slice %arg6[%add3A_54, %dma_wait3A_100] : memref<800000x32xf32, #tpu.memory_space<hbm>> -> memref<128x32xf32, #tpu.memory_space<hbm>>
        %dma_wait3A_102 = arith.constant 0 : i32
        %dma_wait3A_103 = tpu.memref_slice %arg6[%add3A_54, %dma_wait3A_102] : memref<800000x32xf32, #tpu.memory_space<hbm>> -> memref<128x32xf32, #tpu.memory_space<hbm>>
        tpu.wait_dma2 semaphore(%run_scoped3A : memref<!tpu.dma_semaphore, #tpu.memory_space<semaphore_mem>>) src(%arg10 : memref<128x32xf32, #tpu.memory_space<vmem>>) dst(%dma_wait3A_103 : memref<128x32xf32, #tpu.memory_space<hbm>>)
        tpu.yield
      }) : () -> ()
      %add3A_63 = arith.constant 2 : i32
      %add3A_64 = arith.addi %mul3A_33, %add3A_63 : i32
      %min3A_65 = arith.constant 195 : i32
      %min3A_66 = arith.minsi %add3A_64, %min3A_65 : i32
      %dma_start3A_67 = arith.constant 0 : i32
      %dma_start3A_68 = tpu.memref_slice %arg7[%min3A_66, %dma_start3A_67] : memref<196x128xi32, #tpu.memory_space<vmem>> -> memref<1x128xi32, #tpu.memory_space<vmem>>
      %dma_start3A_69 = tpu.memref_squeeze %dma_start3A_68 : memref<1x128xi32, #tpu.memory_space<vmem>> -> memref<128xi32, #tpu.memory_space<vmem>>
      %dma_start3A_70 = arith.constant 0 : i32
      %dma_start3A_71 = arith.constant 0 : i32
      %dma_start3A_72 = tpu.memref_slice %arg2[%dma_start3A_70, %dma_start3A_71] : memref<50000x32xf32, #tpu.memory_space<hbm>> -> memref<50000x32xf32, #tpu.memory_space<hbm>>
      tpu.enqueue_indirect_dma source(%dma_start3A_72 : memref<50000x32xf32, #tpu.memory_space<hbm>>) target(%arg9 : memref<128x32xf32, #tpu.memory_space<vmem>>) offsets(%dma_start3A_69 : memref<128xi32, #tpu.memory_space<vmem>>) semaphore(%arg13 : memref<!tpu.dma_semaphore, #tpu.memory_space<semaphore_mem>>)
      %dma_start3A_73 = arith.constant 0 : i32
      %dma_start3A_74 = tpu.memref_slice %arg8[%min3A_66, %dma_start3A_73] : memref<196x128xi32, #tpu.memory_space<vmem>> -> memref<1x128xi32, #tpu.memory_space<vmem>>
      %dma_start3A_75 = tpu.memref_squeeze %dma_start3A_74 : memref<1x128xi32, #tpu.memory_space<vmem>> -> memref<128xi32, #tpu.memory_space<vmem>>
      %dma_start3A_76 = arith.constant 0 : i32
      %dma_start3A_77 = arith.constant 0 : i32
      %dma_start3A_78 = tpu.memref_slice %arg2[%dma_start3A_76, %dma_start3A_77] : memref<50000x32xf32, #tpu.memory_space<hbm>> -> memref<50000x32xf32, #tpu.memory_space<hbm>>
      tpu.enqueue_indirect_dma source(%dma_start3A_78 : memref<50000x32xf32, #tpu.memory_space<hbm>>) target(%arg10 : memref<128x32xf32, #tpu.memory_space<vmem>>) offsets(%dma_start3A_75 : memref<128xi32, #tpu.memory_space<vmem>>) semaphore(%arg14 : memref<!tpu.dma_semaphore, #tpu.memory_space<semaphore_mem>>)
      %add3A_79 = arith.constant 1 : i32
      %add3A_80 = arith.addi %mul3A_33, %add3A_79 : i32
      %min3A_81 = arith.constant 195 : i32
      %min3A_82 = arith.minsi %add3A_80, %min3A_81 : i32
      %mul3A_83 = arith.constant 128 : i32
      %mul3A_84 = arith.muli %min3A_82, %mul3A_83 : i32
      %min3A_85 = arith.constant 24872 : i32
      %min3A_86 = arith.minsi %mul3A_84, %min3A_85 : i32
      %add3A_87 = arith.addi %mul3A_2, %min3A_86 : i32
      %dma_wait3A_88 = arith.constant 0 : i32
      %dma_wait3A_89 = tpu.memref_slice %arg5[%add3A_87, %dma_wait3A_88] : memref<800000x32xf32, #tpu.memory_space<hbm>> -> memref<128x32xf32, #tpu.memory_space<hbm>>
      %dma_wait3A_90 = arith.constant 0 : i32
      %dma_wait3A_91 = tpu.memref_slice %arg5[%add3A_87, %dma_wait3A_90] : memref<800000x32xf32, #tpu.memory_space<hbm>> -> memref<128x32xf32, #tpu.memory_space<hbm>>
      tpu.wait_dma2 semaphore(%arg15 : memref<!tpu.dma_semaphore, #tpu.memory_space<semaphore_mem>>) src(%dma_wait3A_91 : memref<128x32xf32, #tpu.memory_space<hbm>>) dst(%arg11 : memref<128x32xf32, #tpu.memory_space<vmem>>)
      %dma_wait3A_92 = arith.constant 0 : i32
      %dma_wait3A_93 = tpu.memref_slice %arg6[%add3A_87, %dma_wait3A_92] : memref<800000x32xf32, #tpu.memory_space<hbm>> -> memref<128x32xf32, #tpu.memory_space<hbm>>
      %dma_wait3A_94 = arith.constant 0 : i32
      %dma_wait3A_95 = tpu.memref_slice %arg6[%add3A_87, %dma_wait3A_94] : memref<800000x32xf32, #tpu.memory_space<hbm>> -> memref<128x32xf32, #tpu.memory_space<hbm>>
      tpu.wait_dma2 semaphore(%arg16 : memref<!tpu.dma_semaphore, #tpu.memory_space<semaphore_mem>>) src(%dma_wait3A_95 : memref<128x32xf32, #tpu.memory_space<hbm>>) dst(%arg12 : memref<128x32xf32, #tpu.memory_space<vmem>>)
      "tpu.region"() ({
        %run_scoped3A = tpu.sem_alloc : memref<!tpu.dma_semaphore, #tpu.memory_space<semaphore_mem>>
        %dma_start3A_96 = arith.constant 0 : i32
        %dma_start3A_97 = tpu.memref_slice %arg5[%add3A_87, %dma_start3A_96] : memref<800000x32xf32, #tpu.memory_space<hbm>> -> memref<128x32xf32, #tpu.memory_space<hbm>>
        %dma_start3A_98 = arith.constant 0 : i32
        %dma_start3A_99 = tpu.memref_slice %arg5[%add3A_87, %dma_start3A_98] : memref<800000x32xf32, #tpu.memory_space<hbm>> -> memref<128x32xf32, #tpu.memory_space<hbm>>
        tpu.enqueue_dma source(%arg11 : memref<128x32xf32, #tpu.memory_space<vmem>>) target(%dma_start3A_99 : memref<128x32xf32, #tpu.memory_space<hbm>>) target_semaphore(%run_scoped3A : memref<!tpu.dma_semaphore, #tpu.memory_space<semaphore_mem>>)
        %dma_wait3A_100 = arith.constant 0 : i32
        %dma_wait3A_101 = tpu.memref_slice %arg5[%add3A_87, %dma_wait3A_100] : memref<800000x32xf32, #tpu.memory_space<hbm>> -> memref<128x32xf32, #tpu.memory_space<hbm>>
        %dma_wait3A_102 = arith.constant 0 : i32
        %dma_wait3A_103 = tpu.memref_slice %arg5[%add3A_87, %dma_wait3A_102] : memref<800000x32xf32, #tpu.memory_space<hbm>> -> memref<128x32xf32, #tpu.memory_space<hbm>>
        tpu.wait_dma2 semaphore(%run_scoped3A : memref<!tpu.dma_semaphore, #tpu.memory_space<semaphore_mem>>) src(%arg11 : memref<128x32xf32, #tpu.memory_space<vmem>>) dst(%dma_wait3A_103 : memref<128x32xf32, #tpu.memory_space<hbm>>)
        tpu.yield
      }) : () -> ()
      "tpu.region"() ({
        %run_scoped3A = tpu.sem_alloc : memref<!tpu.dma_semaphore, #tpu.memory_space<semaphore_mem>>
        %dma_start3A_96 = arith.constant 0 : i32
        %dma_start3A_97 = tpu.memref_slice %arg6[%add3A_87, %dma_start3A_96] : memref<800000x32xf32, #tpu.memory_space<hbm>> -> memref<128x32xf32, #tpu.memory_space<hbm>>
        %dma_start3A_98 = arith.constant 0 : i32
        %dma_start3A_99 = tpu.memref_slice %arg6[%add3A_87, %dma_start3A_98] : memref<800000x32xf32, #tpu.memory_space<hbm>> -> memref<128x32xf32, #tpu.memory_space<hbm>>
        tpu.enqueue_dma source(%arg12 : memref<128x32xf32, #tpu.memory_space<vmem>>) target(%dma_start3A_99 : memref<128x32xf32, #tpu.memory_space<hbm>>) target_semaphore(%run_scoped3A : memref<!tpu.dma_semaphore, #tpu.memory_space<semaphore_mem>>)
        %dma_wait3A_100 = arith.constant 0 : i32
        %dma_wait3A_101 = tpu.memref_slice %arg6[%add3A_87, %dma_wait3A_100] : memref<800000x32xf32, #tpu.memory_space<hbm>> -> memref<128x32xf32, #tpu.memory_space<hbm>>
        %dma_wait3A_102 = arith.constant 0 : i32
        %dma_wait3A_103 = tpu.memref_slice %arg6[%add3A_87, %dma_wait3A_102] : memref<800000x32xf32, #tpu.memory_space<hbm>> -> memref<128x32xf32, #tpu.memory_space<hbm>>
        tpu.wait_dma2 semaphore(%run_scoped3A : memref<!tpu.dma_semaphore, #tpu.memory_space<semaphore_mem>>) src(%arg12 : memref<128x32xf32, #tpu.memory_space<vmem>>) dst(%dma_wait3A_103 : memref<128x32xf32, #tpu.memory_space<hbm>>)
        tpu.yield
      }) : () -> ()
    }
    %scan3A_20 = arith.constant 98 : i32
    %min3A = arith.constant 24960 : i32
    %min3A_21 = arith.constant 24872 : i32
    %min3A_22 = arith.minsi %min3A, %min3A_21 : i32
    %add3A_23 = arith.addi %mul3A_2, %min3A_22 : i32
    %dma_wait3A = arith.constant 0 : i32
    %dma_wait3A_24 = tpu.memref_slice %arg5[%add3A_23, %dma_wait3A] : memref<800000x32xf32, #tpu.memory_space<hbm>> -> memref<128x32xf32, #tpu.memory_space<hbm>>
    %dma_wait3A_25 = arith.constant 0 : i32
    %dma_wait3A_26 = tpu.memref_slice %arg5[%add3A_23, %dma_wait3A_25] : memref<800000x32xf32, #tpu.memory_space<hbm>> -> memref<128x32xf32, #tpu.memory_space<hbm>>
    tpu.wait_dma2 semaphore(%arg13 : memref<!tpu.dma_semaphore, #tpu.memory_space<semaphore_mem>>) src(%dma_wait3A_26 : memref<128x32xf32, #tpu.memory_space<hbm>>) dst(%arg9 : memref<128x32xf32, #tpu.memory_space<vmem>>)
    %dma_wait3A_27 = arith.constant 0 : i32
    %dma_wait3A_28 = tpu.memref_slice %arg6[%add3A_23, %dma_wait3A_27] : memref<800000x32xf32, #tpu.memory_space<hbm>> -> memref<128x32xf32, #tpu.memory_space<hbm>>
    %dma_wait3A_29 = arith.constant 0 : i32
    %dma_wait3A_30 = tpu.memref_slice %arg6[%add3A_23, %dma_wait3A_29] : memref<800000x32xf32, #tpu.memory_space<hbm>> -> memref<128x32xf32, #tpu.memory_space<hbm>>
    tpu.wait_dma2 semaphore(%arg14 : memref<!tpu.dma_semaphore, #tpu.memory_space<semaphore_mem>>) src(%dma_wait3A_30 : memref<128x32xf32, #tpu.memory_space<hbm>>) dst(%arg10 : memref<128x32xf32, #tpu.memory_space<vmem>>)
    "tpu.region"() ({
      %run_scoped3A = tpu.sem_alloc : memref<!tpu.dma_semaphore, #tpu.memory_space<semaphore_mem>>
      %dma_start3A_31 = arith.constant 0 : i32
      %dma_start3A_32 = tpu.memref_slice %arg5[%add3A_23, %dma_start3A_31] : memref<800000x32xf32, #tpu.memory_space<hbm>> -> memref<128x32xf32, #tpu.memory_space<hbm>>
      %dma_start3A_33 = arith.constant 0 : i32
      %dma_start3A_34 = tpu.memref_slice %arg5[%add3A_23, %dma_start3A_33] : memref<800000x32xf32, #tpu.memory_space<hbm>> -> memref<128x32xf32, #tpu.memory_space<hbm>>
      tpu.enqueue_dma source(%arg9 : memref<128x32xf32, #tpu.memory_space<vmem>>) target(%dma_start3A_34 : memref<128x32xf32, #tpu.memory_space<hbm>>) target_semaphore(%run_scoped3A : memref<!tpu.dma_semaphore, #tpu.memory_space<semaphore_mem>>)
      %dma_wait3A_35 = arith.constant 0 : i32
      %dma_wait3A_36 = tpu.memref_slice %arg5[%add3A_23, %dma_wait3A_35] : memref<800000x32xf32, #tpu.memory_space<hbm>> -> memref<128x32xf32, #tpu.memory_space<hbm>>
      %dma_wait3A_37 = arith.constant 0 : i32
      %dma_wait3A_38 = tpu.memref_slice %arg5[%add3A_23, %dma_wait3A_37] : memref<800000x32xf32, #tpu.memory_space<hbm>> -> memref<128x32xf32, #tpu.memory_space<hbm>>
      tpu.wait_dma2 semaphore(%run_scoped3A : memref<!tpu.dma_semaphore, #tpu.memory_space<semaphore_mem>>) src(%arg9 : memref<128x32xf32, #tpu.memory_space<vmem>>) dst(%dma_wait3A_38 : memref<128x32xf32, #tpu.memory_space<hbm>>)
      tpu.yield
    }) : () -> ()
    "tpu.region"() ({
      %run_scoped3A = tpu.sem_alloc : memref<!tpu.dma_semaphore, #tpu.memory_space<semaphore_mem>>
      %dma_start3A_31 = arith.constant 0 : i32
      %dma_start3A_32 = tpu.memref_slice %arg6[%add3A_23, %dma_start3A_31] : memref<800000x32xf32, #tpu.memory_space<hbm>> -> memref<128x32xf32, #tpu.memory_space<hbm>>
      %dma_start3A_33 = arith.constant 0 : i32
      %dma_start3A_34 = tpu.memref_slice %arg6[%add3A_23, %dma_start3A_33] : memref<800000x32xf32, #tpu.memory_space<hbm>> -> memref<128x32xf32, #tpu.memory_space<hbm>>
      tpu.enqueue_dma source(%arg10 : memref<128x32xf32, #tpu.memory_space<vmem>>) target(%dma_start3A_34 : memref<128x32xf32, #tpu.memory_space<hbm>>) target_semaphore(%run_scoped3A : memref<!tpu.dma_semaphore, #tpu.memory_space<semaphore_mem>>)
      %dma_wait3A_35 = arith.constant 0 : i32
      %dma_wait3A_36 = tpu.memref_slice %arg6[%add3A_23, %dma_wait3A_35] : memref<800000x32xf32, #tpu.memory_space<hbm>> -> memref<128x32xf32, #tpu.memory_space<hbm>>
      %dma_wait3A_37 = arith.constant 0 : i32
      %dma_wait3A_38 = tpu.memref_slice %arg6[%add3A_23, %dma_wait3A_37] : memref<800000x32xf32, #tpu.memory_space<hbm>> -> memref<128x32xf32, #tpu.memory_space<hbm>>
      tpu.wait_dma2 semaphore(%run_scoped3A : memref<!tpu.dma_semaphore, #tpu.memory_space<semaphore_mem>>) src(%arg10 : memref<128x32xf32, #tpu.memory_space<vmem>>) dst(%dma_wait3A_38 : memref<128x32xf32, #tpu.memory_space<hbm>>)
      tpu.yield
    }) : () -> ()
    return
  }
}

#map = affine_map<(d0, d1) -> (0, 0)>
#map1 = affine_map<(d0, d1) -> (0)>
module attributes {stable_mosaic.version = 14 : i64} {
  func.func @k(%arg0: i32, %arg1: i32, %arg2: memref<800000x32xf32, #tpu.memory_space<hbm>>, %arg3: memref<800000xi32, #tpu.memory_space<hbm>>, %arg4: memref<2000x32xf32, #tpu.memory_space<hbm>>, %arg5: memref<2000x16xf32, #tpu.memory_space<hbm>>, %arg6: memref<50000x32xf32, #tpu.memory_space<hbm>>, %arg7: memref<50000x16xf32, #tpu.memory_space<hbm>>, %arg8: memref<640x32xf32, #tpu.memory_space<vmem>>, %arg9: memref<640xi32, #tpu.memory_space<vmem>>, %arg10: memref<2000x32xf32, #tpu.memory_space<vmem>>, %arg11: memref<2000x16xf32, #tpu.memory_space<vmem>>) attributes {dimension_semantics = [#tpu.dimension_semantics<core_parallel>, #tpu.dimension_semantics<subcore_parallel>], iteration_bounds = array<i64: 2, 16>, scalar_prefetch = 0 : i64, scratch_operands = 4 : i64, tpu.core_type = #tpu.core_type<sc_vector_subcore>, window_params = [{transform_indices = #map}, {transform_indices = #map1}, {transform_indices = #map}, {transform_indices = #map}, {transform_indices = #map}, {transform_indices = #map}]} {
    %mul3A = arith.constant 2 : i32
    %mul3A_0 = arith.muli %arg1, %mul3A : i32
    %add3A = arith.addi %mul3A_0, %arg0 : i32
    %lt3A = arith.constant 25 : i32
    %lt3A_1 = arith.cmpi slt, %add3A, %lt3A : i32
    %convert_element_type3A = arith.extui %lt3A_1 : i1 to i32
    %cond3A = arith.constant 0 : i32
    %cond3A_2 = arith.cmpi ne, %convert_element_type3A, %cond3A : i32
    scf.if %cond3A_2 {
      "tpu.region"() ({
        %run_scoped3A = tpu.sem_alloc : memref<!tpu.dma_semaphore, #tpu.memory_space<semaphore_mem>>
        tpu.enqueue_dma source(%arg4 : memref<2000x32xf32, #tpu.memory_space<hbm>>) target(%arg10 : memref<2000x32xf32, #tpu.memory_space<vmem>>) target_semaphore(%run_scoped3A : memref<!tpu.dma_semaphore, #tpu.memory_space<semaphore_mem>>)
        tpu.wait_dma2 semaphore(%run_scoped3A : memref<!tpu.dma_semaphore, #tpu.memory_space<semaphore_mem>>) src(%arg4 : memref<2000x32xf32, #tpu.memory_space<hbm>>) dst(%arg10 : memref<2000x32xf32, #tpu.memory_space<vmem>>)
        tpu.yield
      }) : () -> ()
      "tpu.region"() ({
        %run_scoped3A = tpu.sem_alloc : memref<!tpu.dma_semaphore, #tpu.memory_space<semaphore_mem>>
        tpu.enqueue_dma source(%arg5 : memref<2000x16xf32, #tpu.memory_space<hbm>>) target(%arg11 : memref<2000x16xf32, #tpu.memory_space<vmem>>) target_semaphore(%run_scoped3A : memref<!tpu.dma_semaphore, #tpu.memory_space<semaphore_mem>>)
        tpu.wait_dma2 semaphore(%run_scoped3A : memref<!tpu.dma_semaphore, #tpu.memory_space<semaphore_mem>>) src(%arg5 : memref<2000x16xf32, #tpu.memory_space<hbm>>) dst(%arg11 : memref<2000x16xf32, #tpu.memory_space<vmem>>)
        tpu.yield
      }) : () -> ()
      %iota3A = tpu.iota {dimensions = array<i32: 0>} : vector<16xi32>
      %broadcast_in_dim3A = arith.constant 1.000000e+00 : f32
      %broadcast_in_dim3A_3 = vector.broadcast %broadcast_in_dim3A : f32 to vector<16xf32>
      %mul3A_4 = arith.constant 2000 : i32
      %mul3A_5 = arith.muli %add3A, %mul3A_4 : i32
      %mul3A_6 = arith.constant 32000 : i32
      %mul3A_7 = arith.muli %add3A, %mul3A_6 : i32
      %scan3A = arith.constant 0 : i32
      %scan3A_8 = arith.constant 0 : i32
      %scan3A_9 = arith.constant 50 : i32
      %scan3A_10 = arith.addi %scan3A_8, %scan3A_9 : i32
      %scan3A_11 = arith.constant 1 : i32
      scf.for %scan3A_13 = %scan3A_8 to %scan3A_10 step %scan3A_11  : i32 {
        %mul3A_14 = arith.constant 640 : i32
        %mul3A_15 = arith.muli %scan3A_13, %mul3A_14 : i32
        %add3A_16 = arith.addi %mul3A_7, %mul3A_15 : i32
        "tpu.region"() ({
          %run_scoped3A = tpu.sem_alloc : memref<!tpu.dma_semaphore, #tpu.memory_space<semaphore_mem>>
          %dma_start3A = arith.constant 0 : i32
          %dma_start3A_23 = tpu.memref_slice %arg2[%add3A_16, %dma_start3A] : memref<800000x32xf32, #tpu.memory_space<hbm>> -> memref<640x32xf32, #tpu.memory_space<hbm>>
          %dma_start3A_24 = arith.constant 0 : i32
          %dma_start3A_25 = tpu.memref_slice %arg2[%add3A_16, %dma_start3A_24] : memref<800000x32xf32, #tpu.memory_space<hbm>> -> memref<640x32xf32, #tpu.memory_space<hbm>>
          tpu.enqueue_dma source(%dma_start3A_25 : memref<640x32xf32, #tpu.memory_space<hbm>>) target(%arg8 : memref<640x32xf32, #tpu.memory_space<vmem>>) target_semaphore(%run_scoped3A : memref<!tpu.dma_semaphore, #tpu.memory_space<semaphore_mem>>)
          %dma_wait3A = arith.constant 0 : i32
          %dma_wait3A_26 = tpu.memref_slice %arg2[%add3A_16, %dma_wait3A] : memref<800000x32xf32, #tpu.memory_space<hbm>> -> memref<640x32xf32, #tpu.memory_space<hbm>>
          %dma_wait3A_27 = arith.constant 0 : i32
          %dma_wait3A_28 = tpu.memref_slice %arg2[%add3A_16, %dma_wait3A_27] : memref<800000x32xf32, #tpu.memory_space<hbm>> -> memref<640x32xf32, #tpu.memory_space<hbm>>
          tpu.wait_dma2 semaphore(%run_scoped3A : memref<!tpu.dma_semaphore, #tpu.memory_space<semaphore_mem>>) src(%dma_wait3A_28 : memref<640x32xf32, #tpu.memory_space<hbm>>) dst(%arg8 : memref<640x32xf32, #tpu.memory_space<vmem>>)
          tpu.yield
        }) : () -> ()
        "tpu.region"() ({
          %run_scoped3A = tpu.sem_alloc : memref<!tpu.dma_semaphore, #tpu.memory_space<semaphore_mem>>
          %dma_start3A = tpu.memref_slice %arg3[%add3A_16] : memref<800000xi32, #tpu.memory_space<hbm>> -> memref<640xi32, #tpu.memory_space<hbm>>
          %dma_start3A_23 = tpu.memref_slice %arg3[%add3A_16] : memref<800000xi32, #tpu.memory_space<hbm>> -> memref<640xi32, #tpu.memory_space<hbm>>
          tpu.enqueue_dma source(%dma_start3A_23 : memref<640xi32, #tpu.memory_space<hbm>>) target(%arg9 : memref<640xi32, #tpu.memory_space<vmem>>) target_semaphore(%run_scoped3A : memref<!tpu.dma_semaphore, #tpu.memory_space<semaphore_mem>>)
          %dma_wait3A = tpu.memref_slice %arg3[%add3A_16] : memref<800000xi32, #tpu.memory_space<hbm>> -> memref<640xi32, #tpu.memory_space<hbm>>
          %dma_wait3A_24 = tpu.memref_slice %arg3[%add3A_16] : memref<800000xi32, #tpu.memory_space<hbm>> -> memref<640xi32, #tpu.memory_space<hbm>>
          tpu.wait_dma2 semaphore(%run_scoped3A : memref<!tpu.dma_semaphore, #tpu.memory_space<semaphore_mem>>) src(%dma_wait3A_24 : memref<640xi32, #tpu.memory_space<hbm>>) dst(%arg9 : memref<640xi32, #tpu.memory_space<vmem>>)
          tpu.yield
        }) : () -> ()
        %scan3A_17 = arith.constant 0 : i32
        %scan3A_18 = arith.constant 0 : i32
        %scan3A_19 = arith.constant 40 : i32
        %scan3A_20 = arith.addi %scan3A_18, %scan3A_19 : i32
        %scan3A_21 = arith.constant 1 : i32
        scf.for %scan3A_23 = %scan3A_18 to %scan3A_20 step %scan3A_21  : i32 {
          %mul3A_24 = arith.constant 16 : i32
          %mul3A_25 = arith.muli %scan3A_23, %mul3A_24 : i32
          %get3A = arith.index_cast %mul3A_25 : i32 to index
          %get3A_26 = tpu.vector_load %arg9[%get3A] {strides = array<i32>} : memref<640xi32, #tpu.memory_space<vmem>>, vector<16xi32>,
          %sub3A = vector.broadcast %mul3A_5 : i32 to vector<16xi32>
          %sub3A_27 = arith.subi %get3A_26, %sub3A : vector<16xi32>
          %mul3A_28 = arith.constant 16 : i32
          %mul3A_29 = arith.muli %scan3A_23, %mul3A_28 : i32
          %add3A_30 = vector.broadcast %mul3A_29 : i32 to vector<16xi32>
          %add3A_31 = arith.addi %add3A_30, %iota3A : vector<16xi32>
          tpu.vector_store_idx %arg11[%sub3A_27, %iota3A], %broadcast_in_dim3A_3 {add = true} : memref<2000x16xf32, #tpu.memory_space<vmem>>[vector<16xi32>, vector<16xi32>], vector<16xf32>,
          %broadcast_in_dim3A_32 = arith.constant 0 : i32
          %broadcast_in_dim3A_33 = vector.broadcast %broadcast_in_dim3A_32 : i32 to vector<16xi32>
          %gather3A = tpu.vector_load_idx %arg8[%add3A_31, %broadcast_in_dim3A_33] : memref<640x32xf32, #tpu.memory_space<vmem>>[vector<16xi32>, vector<16xi32>], vector<16xf32>,
          tpu.vector_store_idx %arg10[%sub3A_27, %broadcast_in_dim3A_33], %gather3A {add = true} : memref<2000x32xf32, #tpu.memory_space<vmem>>[vector<16xi32>, vector<16xi32>], vector<16xf32>,
          %broadcast_in_dim3A_34 = arith.constant 1 : i32
          %broadcast_in_dim3A_35 = vector.broadcast %broadcast_in_dim3A_34 : i32 to vector<16xi32>
          %gather3A_36 = tpu.vector_load_idx %arg8[%add3A_31, %broadcast_in_dim3A_35] : memref<640x32xf32, #tpu.memory_space<vmem>>[vector<16xi32>, vector<16xi32>], vector<16xf32>,
          tpu.vector_store_idx %arg10[%sub3A_27, %broadcast_in_dim3A_35], %gather3A_36 {add = true} : memref<2000x32xf32, #tpu.memory_space<vmem>>[vector<16xi32>, vector<16xi32>], vector<16xf32>,
          %broadcast_in_dim3A_37 = arith.constant 2 : i32
          %broadcast_in_dim3A_38 = vector.broadcast %broadcast_in_dim3A_37 : i32 to vector<16xi32>
          %gather3A_39 = tpu.vector_load_idx %arg8[%add3A_31, %broadcast_in_dim3A_38] : memref<640x32xf32, #tpu.memory_space<vmem>>[vector<16xi32>, vector<16xi32>], vector<16xf32>,
          tpu.vector_store_idx %arg10[%sub3A_27, %broadcast_in_dim3A_38], %gather3A_39 {add = true} : memref<2000x32xf32, #tpu.memory_space<vmem>>[vector<16xi32>, vector<16xi32>], vector<16xf32>,
          %broadcast_in_dim3A_40 = arith.constant 3 : i32
          %broadcast_in_dim3A_41 = vector.broadcast %broadcast_in_dim3A_40 : i32 to vector<16xi32>
          %gather3A_42 = tpu.vector_load_idx %arg8[%add3A_31, %broadcast_in_dim3A_41] : memref<640x32xf32, #tpu.memory_space<vmem>>[vector<16xi32>, vector<16xi32>], vector<16xf32>,
          tpu.vector_store_idx %arg10[%sub3A_27, %broadcast_in_dim3A_41], %gather3A_42 {add = true} : memref<2000x32xf32, #tpu.memory_space<vmem>>[vector<16xi32>, vector<16xi32>], vector<16xf32>,
          %broadcast_in_dim3A_43 = arith.constant 4 : i32
          %broadcast_in_dim3A_44 = vector.broadcast %broadcast_in_dim3A_43 : i32 to vector<16xi32>
          %gather3A_45 = tpu.vector_load_idx %arg8[%add3A_31, %broadcast_in_dim3A_44] : memref<640x32xf32, #tpu.memory_space<vmem>>[vector<16xi32>, vector<16xi32>], vector<16xf32>,
          tpu.vector_store_idx %arg10[%sub3A_27, %broadcast_in_dim3A_44], %gather3A_45 {add = true} : memref<2000x32xf32, #tpu.memory_space<vmem>>[vector<16xi32>, vector<16xi32>], vector<16xf32>,
          %broadcast_in_dim3A_46 = arith.constant 5 : i32
          %broadcast_in_dim3A_47 = vector.broadcast %broadcast_in_dim3A_46 : i32 to vector<16xi32>
          %gather3A_48 = tpu.vector_load_idx %arg8[%add3A_31, %broadcast_in_dim3A_47] : memref<640x32xf32, #tpu.memory_space<vmem>>[vector<16xi32>, vector<16xi32>], vector<16xf32>,
          tpu.vector_store_idx %arg10[%sub3A_27, %broadcast_in_dim3A_47], %gather3A_48 {add = true} : memref<2000x32xf32, #tpu.memory_space<vmem>>[vector<16xi32>, vector<16xi32>], vector<16xf32>,
          %broadcast_in_dim3A_49 = arith.constant 6 : i32
          %broadcast_in_dim3A_50 = vector.broadcast %broadcast_in_dim3A_49 : i32 to vector<16xi32>
          %gather3A_51 = tpu.vector_load_idx %arg8[%add3A_31, %broadcast_in_dim3A_50] : memref<640x32xf32, #tpu.memory_space<vmem>>[vector<16xi32>, vector<16xi32>], vector<16xf32>,
          tpu.vector_store_idx %arg10[%sub3A_27, %broadcast_in_dim3A_50], %gather3A_51 {add = true} : memref<2000x32xf32, #tpu.memory_space<vmem>>[vector<16xi32>, vector<16xi32>], vector<16xf32>,
          %broadcast_in_dim3A_52 = arith.constant 7 : i32
          %broadcast_in_dim3A_53 = vector.broadcast %broadcast_in_dim3A_52 : i32 to vector<16xi32>
          %gather3A_54 = tpu.vector_load_idx %arg8[%add3A_31, %broadcast_in_dim3A_53] : memref<640x32xf32, #tpu.memory_space<vmem>>[vector<16xi32>, vector<16xi32>], vector<16xf32>,
          tpu.vector_store_idx %arg10[%sub3A_27, %broadcast_in_dim3A_53], %gather3A_54 {add = true} : memref<2000x32xf32, #tpu.memory_space<vmem>>[vector<16xi32>, vector<16xi32>], vector<16xf32>,
          %broadcast_in_dim3A_55 = arith.constant 8 : i32
          %broadcast_in_dim3A_56 = vector.broadcast %broadcast_in_dim3A_55 : i32 to vector<16xi32>
          %gather3A_57 = tpu.vector_load_idx %arg8[%add3A_31, %broadcast_in_dim3A_56] : memref<640x32xf32, #tpu.memory_space<vmem>>[vector<16xi32>, vector<16xi32>], vector<16xf32>,
          tpu.vector_store_idx %arg10[%sub3A_27, %broadcast_in_dim3A_56], %gather3A_57 {add = true} : memref<2000x32xf32, #tpu.memory_space<vmem>>[vector<16xi32>, vector<16xi32>], vector<16xf32>,
          %broadcast_in_dim3A_58 = arith.constant 9 : i32
          %broadcast_in_dim3A_59 = vector.broadcast %broadcast_in_dim3A_58 : i32 to vector<16xi32>
          %gather3A_60 = tpu.vector_load_idx %arg8[%add3A_31, %broadcast_in_dim3A_59] : memref<640x32xf32, #tpu.memory_space<vmem>>[vector<16xi32>, vector<16xi32>], vector<16xf32>,
          tpu.vector_store_idx %arg10[%sub3A_27, %broadcast_in_dim3A_59], %gather3A_60 {add = true} : memref<2000x32xf32, #tpu.memory_space<vmem>>[vector<16xi32>, vector<16xi32>], vector<16xf32>,
          %broadcast_in_dim3A_61 = arith.constant 10 : i32
          %broadcast_in_dim3A_62 = vector.broadcast %broadcast_in_dim3A_61 : i32 to vector<16xi32>
          %gather3A_63 = tpu.vector_load_idx %arg8[%add3A_31, %broadcast_in_dim3A_62] : memref<640x32xf32, #tpu.memory_space<vmem>>[vector<16xi32>, vector<16xi32>], vector<16xf32>,
          tpu.vector_store_idx %arg10[%sub3A_27, %broadcast_in_dim3A_62], %gather3A_63 {add = true} : memref<2000x32xf32, #tpu.memory_space<vmem>>[vector<16xi32>, vector<16xi32>], vector<16xf32>,
          %broadcast_in_dim3A_64 = arith.constant 11 : i32
          %broadcast_in_dim3A_65 = vector.broadcast %broadcast_in_dim3A_64 : i32 to vector<16xi32>
          %gather3A_66 = tpu.vector_load_idx %arg8[%add3A_31, %broadcast_in_dim3A_65] : memref<640x32xf32, #tpu.memory_space<vmem>>[vector<16xi32>, vector<16xi32>], vector<16xf32>,
          tpu.vector_store_idx %arg10[%sub3A_27, %broadcast_in_dim3A_65], %gather3A_66 {add = true} : memref<2000x32xf32, #tpu.memory_space<vmem>>[vector<16xi32>, vector<16xi32>], vector<16xf32>,
          %broadcast_in_dim3A_67 = arith.constant 12 : i32
          %broadcast_in_dim3A_68 = vector.broadcast %broadcast_in_dim3A_67 : i32 to vector<16xi32>
          %gather3A_69 = tpu.vector_load_idx %arg8[%add3A_31, %broadcast_in_dim3A_68] : memref<640x32xf32, #tpu.memory_space<vmem>>[vector<16xi32>, vector<16xi32>], vector<16xf32>,
          tpu.vector_store_idx %arg10[%sub3A_27, %broadcast_in_dim3A_68], %gather3A_69 {add = true} : memref<2000x32xf32, #tpu.memory_space<vmem>>[vector<16xi32>, vector<16xi32>], vector<16xf32>,
          %broadcast_in_dim3A_70 = arith.constant 13 : i32
          %broadcast_in_dim3A_71 = vector.broadcast %broadcast_in_dim3A_70 : i32 to vector<16xi32>
          %gather3A_72 = tpu.vector_load_idx %arg8[%add3A_31, %broadcast_in_dim3A_71] : memref<640x32xf32, #tpu.memory_space<vmem>>[vector<16xi32>, vector<16xi32>], vector<16xf32>,
          tpu.vector_store_idx %arg10[%sub3A_27, %broadcast_in_dim3A_71], %gather3A_72 {add = true} : memref<2000x32xf32, #tpu.memory_space<vmem>>[vector<16xi32>, vector<16xi32>], vector<16xf32>,
          %broadcast_in_dim3A_73 = arith.constant 14 : i32
          %broadcast_in_dim3A_74 = vector.broadcast %broadcast_in_dim3A_73 : i32 to vector<16xi32>
          %gather3A_75 = tpu.vector_load_idx %arg8[%add3A_31, %broadcast_in_dim3A_74] : memref<640x32xf32, #tpu.memory_space<vmem>>[vector<16xi32>, vector<16xi32>], vector<16xf32>,
          tpu.vector_store_idx %arg10[%sub3A_27, %broadcast_in_dim3A_74], %gather3A_75 {add = true} : memref<2000x32xf32, #tpu.memory_space<vmem>>[vector<16xi32>, vector<16xi32>], vector<16xf32>,
          %broadcast_in_dim3A_76 = arith.constant 15 : i32
          %broadcast_in_dim3A_77 = vector.broadcast %broadcast_in_dim3A_76 : i32 to vector<16xi32>
          %gather3A_78 = tpu.vector_load_idx %arg8[%add3A_31, %broadcast_in_dim3A_77] : memref<640x32xf32, #tpu.memory_space<vmem>>[vector<16xi32>, vector<16xi32>], vector<16xf32>,
          tpu.vector_store_idx %arg10[%sub3A_27, %broadcast_in_dim3A_77], %gather3A_78 {add = true} : memref<2000x32xf32, #tpu.memory_space<vmem>>[vector<16xi32>, vector<16xi32>], vector<16xf32>,
          %broadcast_in_dim3A_79 = arith.constant 16 : i32
          %broadcast_in_dim3A_80 = vector.broadcast %broadcast_in_dim3A_79 : i32 to vector<16xi32>
          %gather3A_81 = tpu.vector_load_idx %arg8[%add3A_31, %broadcast_in_dim3A_80] : memref<640x32xf32, #tpu.memory_space<vmem>>[vector<16xi32>, vector<16xi32>], vector<16xf32>,
          tpu.vector_store_idx %arg10[%sub3A_27, %broadcast_in_dim3A_80], %gather3A_81 {add = true} : memref<2000x32xf32, #tpu.memory_space<vmem>>[vector<16xi32>, vector<16xi32>], vector<16xf32>,
          %broadcast_in_dim3A_82 = arith.constant 17 : i32
          %broadcast_in_dim3A_83 = vector.broadcast %broadcast_in_dim3A_82 : i32 to vector<16xi32>
          %gather3A_84 = tpu.vector_load_idx %arg8[%add3A_31, %broadcast_in_dim3A_83] : memref<640x32xf32, #tpu.memory_space<vmem>>[vector<16xi32>, vector<16xi32>], vector<16xf32>,
          tpu.vector_store_idx %arg10[%sub3A_27, %broadcast_in_dim3A_83], %gather3A_84 {add = true} : memref<2000x32xf32, #tpu.memory_space<vmem>>[vector<16xi32>, vector<16xi32>], vector<16xf32>,
          %broadcast_in_dim3A_85 = arith.constant 18 : i32
          %broadcast_in_dim3A_86 = vector.broadcast %broadcast_in_dim3A_85 : i32 to vector<16xi32>
          %gather3A_87 = tpu.vector_load_idx %arg8[%add3A_31, %broadcast_in_dim3A_86] : memref<640x32xf32, #tpu.memory_space<vmem>>[vector<16xi32>, vector<16xi32>], vector<16xf32>,
          tpu.vector_store_idx %arg10[%sub3A_27, %broadcast_in_dim3A_86], %gather3A_87 {add = true} : memref<2000x32xf32, #tpu.memory_space<vmem>>[vector<16xi32>, vector<16xi32>], vector<16xf32>,
          %broadcast_in_dim3A_88 = arith.constant 19 : i32
          %broadcast_in_dim3A_89 = vector.broadcast %broadcast_in_dim3A_88 : i32 to vector<16xi32>
          %gather3A_90 = tpu.vector_load_idx %arg8[%add3A_31, %broadcast_in_dim3A_89] : memref<640x32xf32, #tpu.memory_space<vmem>>[vector<16xi32>, vector<16xi32>], vector<16xf32>,
          tpu.vector_store_idx %arg10[%sub3A_27, %broadcast_in_dim3A_89], %gather3A_90 {add = true} : memref<2000x32xf32, #tpu.memory_space<vmem>>[vector<16xi32>, vector<16xi32>], vector<16xf32>,
          %broadcast_in_dim3A_91 = arith.constant 20 : i32
          %broadcast_in_dim3A_92 = vector.broadcast %broadcast_in_dim3A_91 : i32 to vector<16xi32>
          %gather3A_93 = tpu.vector_load_idx %arg8[%add3A_31, %broadcast_in_dim3A_92] : memref<640x32xf32, #tpu.memory_space<vmem>>[vector<16xi32>, vector<16xi32>], vector<16xf32>,
          tpu.vector_store_idx %arg10[%sub3A_27, %broadcast_in_dim3A_92], %gather3A_93 {add = true} : memref<2000x32xf32, #tpu.memory_space<vmem>>[vector<16xi32>, vector<16xi32>], vector<16xf32>,
          %broadcast_in_dim3A_94 = arith.constant 21 : i32
          %broadcast_in_dim3A_95 = vector.broadcast %broadcast_in_dim3A_94 : i32 to vector<16xi32>
          %gather3A_96 = tpu.vector_load_idx %arg8[%add3A_31, %broadcast_in_dim3A_95] : memref<640x32xf32, #tpu.memory_space<vmem>>[vector<16xi32>, vector<16xi32>], vector<16xf32>,
          tpu.vector_store_idx %arg10[%sub3A_27, %broadcast_in_dim3A_95], %gather3A_96 {add = true} : memref<2000x32xf32, #tpu.memory_space<vmem>>[vector<16xi32>, vector<16xi32>], vector<16xf32>,
          %broadcast_in_dim3A_97 = arith.constant 22 : i32
          %broadcast_in_dim3A_98 = vector.broadcast %broadcast_in_dim3A_97 : i32 to vector<16xi32>
          %gather3A_99 = tpu.vector_load_idx %arg8[%add3A_31, %broadcast_in_dim3A_98] : memref<640x32xf32, #tpu.memory_space<vmem>>[vector<16xi32>, vector<16xi32>], vector<16xf32>,
          tpu.vector_store_idx %arg10[%sub3A_27, %broadcast_in_dim3A_98], %gather3A_99 {add = true} : memref<2000x32xf32, #tpu.memory_space<vmem>>[vector<16xi32>, vector<16xi32>], vector<16xf32>,
          %broadcast_in_dim3A_100 = arith.constant 23 : i32
          %broadcast_in_dim3A_101 = vector.broadcast %broadcast_in_dim3A_100 : i32 to vector<16xi32>
          %gather3A_102 = tpu.vector_load_idx %arg8[%add3A_31, %broadcast_in_dim3A_101] : memref<640x32xf32, #tpu.memory_space<vmem>>[vector<16xi32>, vector<16xi32>], vector<16xf32>,
          tpu.vector_store_idx %arg10[%sub3A_27, %broadcast_in_dim3A_101], %gather3A_102 {add = true} : memref<2000x32xf32, #tpu.memory_space<vmem>>[vector<16xi32>, vector<16xi32>], vector<16xf32>,
          %broadcast_in_dim3A_103 = arith.constant 24 : i32
          %broadcast_in_dim3A_104 = vector.broadcast %broadcast_in_dim3A_103 : i32 to vector<16xi32>
          %gather3A_105 = tpu.vector_load_idx %arg8[%add3A_31, %broadcast_in_dim3A_104] : memref<640x32xf32, #tpu.memory_space<vmem>>[vector<16xi32>, vector<16xi32>], vector<16xf32>,
          tpu.vector_store_idx %arg10[%sub3A_27, %broadcast_in_dim3A_104], %gather3A_105 {add = true} : memref<2000x32xf32, #tpu.memory_space<vmem>>[vector<16xi32>, vector<16xi32>], vector<16xf32>,
          %broadcast_in_dim3A_106 = arith.constant 25 : i32
          %broadcast_in_dim3A_107 = vector.broadcast %broadcast_in_dim3A_106 : i32 to vector<16xi32>
          %gather3A_108 = tpu.vector_load_idx %arg8[%add3A_31, %broadcast_in_dim3A_107] : memref<640x32xf32, #tpu.memory_space<vmem>>[vector<16xi32>, vector<16xi32>], vector<16xf32>,
          tpu.vector_store_idx %arg10[%sub3A_27, %broadcast_in_dim3A_107], %gather3A_108 {add = true} : memref<2000x32xf32, #tpu.memory_space<vmem>>[vector<16xi32>, vector<16xi32>], vector<16xf32>,
          %broadcast_in_dim3A_109 = arith.constant 26 : i32
          %broadcast_in_dim3A_110 = vector.broadcast %broadcast_in_dim3A_109 : i32 to vector<16xi32>
          %gather3A_111 = tpu.vector_load_idx %arg8[%add3A_31, %broadcast_in_dim3A_110] : memref<640x32xf32, #tpu.memory_space<vmem>>[vector<16xi32>, vector<16xi32>], vector<16xf32>,
          tpu.vector_store_idx %arg10[%sub3A_27, %broadcast_in_dim3A_110], %gather3A_111 {add = true} : memref<2000x32xf32, #tpu.memory_space<vmem>>[vector<16xi32>, vector<16xi32>], vector<16xf32>,
          %broadcast_in_dim3A_112 = arith.constant 27 : i32
          %broadcast_in_dim3A_113 = vector.broadcast %broadcast_in_dim3A_112 : i32 to vector<16xi32>
          %gather3A_114 = tpu.vector_load_idx %arg8[%add3A_31, %broadcast_in_dim3A_113] : memref<640x32xf32, #tpu.memory_space<vmem>>[vector<16xi32>, vector<16xi32>], vector<16xf32>,
          tpu.vector_store_idx %arg10[%sub3A_27, %broadcast_in_dim3A_113], %gather3A_114 {add = true} : memref<2000x32xf32, #tpu.memory_space<vmem>>[vector<16xi32>, vector<16xi32>], vector<16xf32>,
          %broadcast_in_dim3A_115 = arith.constant 28 : i32
          %broadcast_in_dim3A_116 = vector.broadcast %broadcast_in_dim3A_115 : i32 to vector<16xi32>
          %gather3A_117 = tpu.vector_load_idx %arg8[%add3A_31, %broadcast_in_dim3A_116] : memref<640x32xf32, #tpu.memory_space<vmem>>[vector<16xi32>, vector<16xi32>], vector<16xf32>,
          tpu.vector_store_idx %arg10[%sub3A_27, %broadcast_in_dim3A_116], %gather3A_117 {add = true} : memref<2000x32xf32, #tpu.memory_space<vmem>>[vector<16xi32>, vector<16xi32>], vector<16xf32>,
          %broadcast_in_dim3A_118 = arith.constant 29 : i32
          %broadcast_in_dim3A_119 = vector.broadcast %broadcast_in_dim3A_118 : i32 to vector<16xi32>
          %gather3A_120 = tpu.vector_load_idx %arg8[%add3A_31, %broadcast_in_dim3A_119] : memref<640x32xf32, #tpu.memory_space<vmem>>[vector<16xi32>, vector<16xi32>], vector<16xf32>,
          tpu.vector_store_idx %arg10[%sub3A_27, %broadcast_in_dim3A_119], %gather3A_120 {add = true} : memref<2000x32xf32, #tpu.memory_space<vmem>>[vector<16xi32>, vector<16xi32>], vector<16xf32>,
          %broadcast_in_dim3A_121 = arith.constant 30 : i32
          %broadcast_in_dim3A_122 = vector.broadcast %broadcast_in_dim3A_121 : i32 to vector<16xi32>
          %gather3A_123 = tpu.vector_load_idx %arg8[%add3A_31, %broadcast_in_dim3A_122] : memref<640x32xf32, #tpu.memory_space<vmem>>[vector<16xi32>, vector<16xi32>], vector<16xf32>,
          tpu.vector_store_idx %arg10[%sub3A_27, %broadcast_in_dim3A_122], %gather3A_123 {add = true} : memref<2000x32xf32, #tpu.memory_space<vmem>>[vector<16xi32>, vector<16xi32>], vector<16xf32>,
          %broadcast_in_dim3A_124 = arith.constant 31 : i32
          %broadcast_in_dim3A_125 = vector.broadcast %broadcast_in_dim3A_124 : i32 to vector<16xi32>
          %gather3A_126 = tpu.vector_load_idx %arg8[%add3A_31, %broadcast_in_dim3A_125] : memref<640x32xf32, #tpu.memory_space<vmem>>[vector<16xi32>, vector<16xi32>], vector<16xf32>,
          tpu.vector_store_idx %arg10[%sub3A_27, %broadcast_in_dim3A_125], %gather3A_126 {add = true} : memref<2000x32xf32, #tpu.memory_space<vmem>>[vector<16xi32>, vector<16xi32>], vector<16xf32>,
        }
        %scan3A_22 = arith.constant 40 : i32
      }
      %scan3A_12 = arith.constant 50 : i32
      "tpu.region"() ({
        %run_scoped3A = tpu.sem_alloc : memref<!tpu.dma_semaphore, #tpu.memory_space<semaphore_mem>>
        %dma_start3A = arith.constant 0 : i32
        %dma_start3A_13 = tpu.memref_slice %arg6[%mul3A_5, %dma_start3A] : memref<50000x32xf32, #tpu.memory_space<hbm>> -> memref<2000x32xf32, #tpu.memory_space<hbm>>
        %dma_start3A_14 = arith.constant 0 : i32
        %dma_start3A_15 = tpu.memref_slice %arg6[%mul3A_5, %dma_start3A_14] : memref<50000x32xf32, #tpu.memory_space<hbm>> -> memref<2000x32xf32, #tpu.memory_space<hbm>>
        tpu.enqueue_dma source(%arg10 : memref<2000x32xf32, #tpu.memory_space<vmem>>) target(%dma_start3A_15 : memref<2000x32xf32, #tpu.memory_space<hbm>>) target_semaphore(%run_scoped3A : memref<!tpu.dma_semaphore, #tpu.memory_space<semaphore_mem>>)
        %dma_wait3A = arith.constant 0 : i32
        %dma_wait3A_16 = tpu.memref_slice %arg6[%mul3A_5, %dma_wait3A] : memref<50000x32xf32, #tpu.memory_space<hbm>> -> memref<2000x32xf32, #tpu.memory_space<hbm>>
        %dma_wait3A_17 = arith.constant 0 : i32
        %dma_wait3A_18 = tpu.memref_slice %arg6[%mul3A_5, %dma_wait3A_17] : memref<50000x32xf32, #tpu.memory_space<hbm>> -> memref<2000x32xf32, #tpu.memory_space<hbm>>
        tpu.wait_dma2 semaphore(%run_scoped3A : memref<!tpu.dma_semaphore, #tpu.memory_space<semaphore_mem>>) src(%arg10 : memref<2000x32xf32, #tpu.memory_space<vmem>>) dst(%dma_wait3A_18 : memref<2000x32xf32, #tpu.memory_space<hbm>>)
        tpu.yield
      }) : () -> ()
      "tpu.region"() ({
        %run_scoped3A = tpu.sem_alloc : memref<!tpu.dma_semaphore, #tpu.memory_space<semaphore_mem>>
        %dma_start3A = arith.constant 0 : i32
        %dma_start3A_13 = tpu.memref_slice %arg7[%mul3A_5, %dma_start3A] : memref<50000x16xf32, #tpu.memory_space<hbm>> -> memref<2000x16xf32, #tpu.memory_space<hbm>>
        %dma_start3A_14 = arith.constant 0 : i32
        %dma_start3A_15 = tpu.memref_slice %arg7[%mul3A_5, %dma_start3A_14] : memref<50000x16xf32, #tpu.memory_space<hbm>> -> memref<2000x16xf32, #tpu.memory_space<hbm>>
        tpu.enqueue_dma source(%arg11 : memref<2000x16xf32, #tpu.memory_space<vmem>>) target(%dma_start3A_15 : memref<2000x16xf32, #tpu.memory_space<hbm>>) target_semaphore(%run_scoped3A : memref<!tpu.dma_semaphore, #tpu.memory_space<semaphore_mem>>)
        %dma_wait3A = arith.constant 0 : i32
        %dma_wait3A_16 = tpu.memref_slice %arg7[%mul3A_5, %dma_wait3A] : memref<50000x16xf32, #tpu.memory_space<hbm>> -> memref<2000x16xf32, #tpu.memory_space<hbm>>
        %dma_wait3A_17 = arith.constant 0 : i32
        %dma_wait3A_18 = tpu.memref_slice %arg7[%mul3A_5, %dma_wait3A_17] : memref<50000x16xf32, #tpu.memory_space<hbm>> -> memref<2000x16xf32, #tpu.memory_space<hbm>>
        tpu.wait_dma2 semaphore(%run_scoped3A : memref<!tpu.dma_semaphore, #tpu.memory_space<semaphore_mem>>) src(%arg11 : memref<2000x16xf32, #tpu.memory_space<vmem>>) dst(%dma_wait3A_18 : memref<2000x16xf32, #tpu.memory_space<hbm>>)
        tpu.yield
      }) : () -> ()
    } else {
    }
    return
  }
}

#map = affine_map<(d0, d1) -> (0, 0)>
#map1 = affine_map<(d0, d1) -> (0, 0, 0)>
module attributes {stable_mosaic.version = 14 : i64} {
  func.func @k(%arg0: i32, %arg1: i32, %arg2: memref<50000x32xf32, #tpu.memory_space<hbm>>, %arg3: memref<32x196x128xi32, #tpu.memory_space<hbm>>, %arg4: memref<32x196x128xi32, #tpu.memory_space<hbm>>, %arg5: memref<800000x32xf32, #tpu.memory_space<hbm>>, %arg6: memref<800000x32xf32, #tpu.memory_space<hbm>>, %arg7: memref<196x128xi32, #tpu.memory_space<vmem>>, %arg8: memref<196x128xi32, #tpu.memory_space<vmem>>, %arg9: memref<128x32xf32, #tpu.memory_space<vmem>>, %arg10: memref<128x32xf32, #tpu.memory_space<vmem>>, %arg11: memref<128x32xf32, #tpu.memory_space<vmem>>, %arg12: memref<128x32xf32, #tpu.memory_space<vmem>>, %arg13: memref<!tpu.dma_semaphore, #tpu.memory_space<semaphore_mem>>, %arg14: memref<!tpu.dma_semaphore, #tpu.memory_space<semaphore_mem>>, %arg15: memref<!tpu.dma_semaphore, #tpu.memory_space<semaphore_mem>>, %arg16: memref<!tpu.dma_semaphore, #tpu.memory_space<semaphore_mem>>) attributes {dimension_semantics = [#tpu.dimension_semantics<core_parallel>, #tpu.dimension_semantics<subcore_parallel>], iteration_bounds = array<i64: 2, 16>, scalar_prefetch = 0 : i64, scratch_operands = 10 : i64, tpu.core_type = #tpu.core_type<sc_vector_subcore>, window_params = [{transform_indices = #map}, {transform_indices = #map1}, {transform_indices = #map1}, {transform_indices = #map}, {transform_indices = #map}]} {
    %mul3A = arith.constant 2 : i32
    %mul3A_0 = arith.muli %arg1, %mul3A : i32
    %add3A = arith.addi %mul3A_0, %arg0 : i32
    %mul3A_1 = arith.constant 25000 : i32
    %mul3A_2 = arith.muli %add3A, %mul3A_1 : i32
    "tpu.region"() ({
      %run_scoped3A = tpu.sem_alloc : memref<!tpu.dma_semaphore, #tpu.memory_space<semaphore_mem>>
      %dma_start3A_31 = arith.constant 0 : i32
      %dma_start3A_32 = arith.constant 0 : i32
      %dma_start3A_33 = tpu.memref_slice %arg3[%add3A, %dma_start3A_31, %dma_start3A_32] : memref<32x196x128xi32, #tpu.memory_space<hbm>> -> memref<1x196x128xi32, #tpu.memory_space<hbm>>
      %dma_start3A_34 = tpu.memref_squeeze %dma_start3A_33 : memref<1x196x128xi32, #tpu.memory_space<hbm>> -> memref<196x128xi32, #tpu.memory_space<hbm>>
      %dma_start3A_35 = arith.constant 0 : i32
      %dma_start3A_36 = arith.constant 0 : i32
      %dma_start3A_37 = tpu.memref_slice %arg3[%add3A, %dma_start3A_35, %dma_start3A_36] : memref<32x196x128xi32, #tpu.memory_space<hbm>> -> memref<1x196x128xi32, #tpu.memory_space<hbm>>
      %dma_start3A_38 = tpu.memref_squeeze %dma_start3A_37 : memref<1x196x128xi32, #tpu.memory_space<hbm>> -> memref<196x128xi32, #tpu.memory_space<hbm>>
      tpu.enqueue_dma source(%dma_start3A_38 : memref<196x128xi32, #tpu.memory_space<hbm>>) target(%arg7 : memref<196x128xi32, #tpu.memory_space<vmem>>) target_semaphore(%run_scoped3A : memref<!tpu.dma_semaphore, #tpu.memory_space<semaphore_mem>>)
      %dma_wait3A_39 = arith.constant 0 : i32
      %dma_wait3A_40 = arith.constant 0 : i32
      %dma_wait3A_41 = tpu.memref_slice %arg3[%add3A, %dma_wait3A_39, %dma_wait3A_40] : memref<32x196x128xi32, #tpu.memory_space<hbm>> -> memref<1x196x128xi32, #tpu.memory_space<hbm>>
      %dma_wait3A_42 = tpu.memref_squeeze %dma_wait3A_41 : memref<1x196x128xi32, #tpu.memory_space<hbm>> -> memref<196x128xi32, #tpu.memory_space<hbm>>
      %dma_wait3A_43 = arith.constant 0 : i32
      %dma_wait3A_44 = arith.constant 0 : i32
      %dma_wait3A_45 = tpu.memref_slice %arg3[%add3A, %dma_wait3A_43, %dma_wait3A_44] : memref<32x196x128xi32, #tpu.memory_space<hbm>> -> memref<1x196x128xi32, #tpu.memory_space<hbm>>
      %dma_wait3A_46 = tpu.memref_squeeze %dma_wait3A_45 : memref<1x196x128xi32, #tpu.memory_space<hbm>> -> memref<196x128xi32, #tpu.memory_space<hbm>>
      tpu.wait_dma2 semaphore(%run_scoped3A : memref<!tpu.dma_semaphore, #tpu.memory_space<semaphore_mem>>) src(%dma_wait3A_46 : memref<196x128xi32, #tpu.memory_space<hbm>>) dst(%arg7 : memref<196x128xi32, #tpu.memory_space<vmem>>)
      tpu.yield
    }) : () -> ()
    "tpu.region"() ({
      %run_scoped3A = tpu.sem_alloc : memref<!tpu.dma_semaphore, #tpu.memory_space<semaphore_mem>>
      %dma_start3A_31 = arith.constant 0 : i32
      %dma_start3A_32 = arith.constant 0 : i32
      %dma_start3A_33 = tpu.memref_slice %arg4[%add3A, %dma_start3A_31, %dma_start3A_32] : memref<32x196x128xi32, #tpu.memory_space<hbm>> -> memref<1x196x128xi32, #tpu.memory_space<hbm>>
      %dma_start3A_34 = tpu.memref_squeeze %dma_start3A_33 : memref<1x196x128xi32, #tpu.memory_space<hbm>> -> memref<196x128xi32, #tpu.memory_space<hbm>>
      %dma_start3A_35 = arith.constant 0 : i32
      %dma_start3A_36 = arith.constant 0 : i32
      %dma_start3A_37 = tpu.memref_slice %arg4[%add3A, %dma_start3A_35, %dma_start3A_36] : memref<32x196x128xi32, #tpu.memory_space<hbm>> -> memref<1x196x128xi32, #tpu.memory_space<hbm>>
      %dma_start3A_38 = tpu.memref_squeeze %dma_start3A_37 : memref<1x196x128xi32, #tpu.memory_space<hbm>> -> memref<196x128xi32, #tpu.memory_space<hbm>>
      tpu.enqueue_dma source(%dma_start3A_38 : memref<196x128xi32, #tpu.memory_space<hbm>>) target(%arg8 : memref<196x128xi32, #tpu.memory_space<vmem>>) target_semaphore(%run_scoped3A : memref<!tpu.dma_semaphore, #tpu.memory_space<semaphore_mem>>)
      %dma_wait3A_39 = arith.constant 0 : i32
      %dma_wait3A_40 = arith.constant 0 : i32
      %dma_wait3A_41 = tpu.memref_slice %arg4[%add3A, %dma_wait3A_39, %dma_wait3A_40] : memref<32x196x128xi32, #tpu.memory_space<hbm>> -> memref<1x196x128xi32, #tpu.memory_space<hbm>>
      %dma_wait3A_42 = tpu.memref_squeeze %dma_wait3A_41 : memref<1x196x128xi32, #tpu.memory_space<hbm>> -> memref<196x128xi32, #tpu.memory_space<hbm>>
      %dma_wait3A_43 = arith.constant 0 : i32
      %dma_wait3A_44 = arith.constant 0 : i32
      %dma_wait3A_45 = tpu.memref_slice %arg4[%add3A, %dma_wait3A_43, %dma_wait3A_44] : memref<32x196x128xi32, #tpu.memory_space<hbm>> -> memref<1x196x128xi32, #tpu.memory_space<hbm>>
      %dma_wait3A_46 = tpu.memref_squeeze %dma_wait3A_45 : memref<1x196x128xi32, #tpu.memory_space<hbm>> -> memref<196x128xi32, #tpu.memory_space<hbm>>
      tpu.wait_dma2 semaphore(%run_scoped3A : memref<!tpu.dma_semaphore, #tpu.memory_space<semaphore_mem>>) src(%dma_wait3A_46 : memref<196x128xi32, #tpu.memory_space<hbm>>) dst(%arg8 : memref<196x128xi32, #tpu.memory_space<vmem>>)
      tpu.yield
    }) : () -> ()
    %dma_start3A = arith.constant 0 : i32
    %dma_start3A_3 = arith.constant 0 : i32
    %dma_start3A_4 = tpu.memref_slice %arg7[%dma_start3A, %dma_start3A_3] : memref<196x128xi32, #tpu.memory_space<vmem>> -> memref<1x128xi32, #tpu.memory_space<vmem>>
    %dma_start3A_5 = tpu.memref_squeeze %dma_start3A_4 : memref<1x128xi32, #tpu.memory_space<vmem>> -> memref<128xi32, #tpu.memory_space<vmem>>
    %dma_start3A_6 = arith.constant 0 : i32
    %dma_start3A_7 = arith.constant 0 : i32
    %dma_start3A_8 = tpu.memref_slice %arg2[%dma_start3A_6, %dma_start3A_7] : memref<50000x32xf32, #tpu.memory_space<hbm>> -> memref<50000x32xf32, #tpu.memory_space<hbm>>
    tpu.enqueue_indirect_dma source(%dma_start3A_8 : memref<50000x32xf32, #tpu.memory_space<hbm>>) target(%arg9 : memref<128x32xf32, #tpu.memory_space<vmem>>) offsets(%dma_start3A_5 : memref<128xi32, #tpu.memory_space<vmem>>) semaphore(%arg13 : memref<!tpu.dma_semaphore, #tpu.memory_space<semaphore_mem>>)
    %dma_start3A_9 = arith.constant 0 : i32
    %dma_start3A_10 = arith.constant 0 : i32
    %dma_start3A_11 = tpu.memref_slice %arg8[%dma_start3A_9, %dma_start3A_10] : memref<196x128xi32, #tpu.memory_space<vmem>> -> memref<1x128xi32, #tpu.memory_space<vmem>>
    %dma_start3A_12 = tpu.memref_squeeze %dma_start3A_11 : memref<1x128xi32, #tpu.memory_space<vmem>> -> memref<128xi32, #tpu.memory_space<vmem>>
    %dma_start3A_13 = arith.constant 0 : i32
    %dma_start3A_14 = arith.constant 0 : i32
    %dma_start3A_15 = tpu.memref_slice %arg2[%dma_start3A_13, %dma_start3A_14] : memref<50000x32xf32, #tpu.memory_space<hbm>> -> memref<50000x32xf32, #tpu.memory_space<hbm>>
    tpu.enqueue_indirect_dma source(%dma_start3A_15 : memref<50000x32xf32, #tpu.memory_space<hbm>>) target(%arg10 : memref<128x32xf32, #tpu.memory_space<vmem>>) offsets(%dma_start3A_12 : memref<128xi32, #tpu.memory_space<vmem>>) semaphore(%arg14 : memref<!tpu.dma_semaphore, #tpu.memory_space<semaphore_mem>>)
    %scan3A = arith.constant 0 : i32
    %scan3A_16 = arith.constant 0 : i32
    %scan3A_17 = arith.constant 98 : i32
    %scan3A_18 = arith.addi %scan3A_16, %scan3A_17 : i32
    %scan3A_19 = arith.constant 1 : i32
    scf.for %scan3A_31 = %scan3A_16 to %scan3A_18 step %scan3A_19  : i32 {
      %mul3A_32 = arith.constant 2 : i32
      %mul3A_33 = arith.muli %mul3A_32, %scan3A_31 : i32
      %add3A_34 = arith.constant 1 : i32
      %add3A_35 = arith.addi %mul3A_33, %add3A_34 : i32
      %min3A_36 = arith.constant 195 : i32
      %min3A_37 = arith.minsi %add3A_35, %min3A_36 : i32
      %dma_start3A_38 = arith.constant 0 : i32
      %dma_start3A_39 = tpu.memref_slice %arg7[%min3A_37, %dma_start3A_38] : memref<196x128xi32, #tpu.memory_space<vmem>> -> memref<1x128xi32, #tpu.memory_space<vmem>>
      %dma_start3A_40 = tpu.memref_squeeze %dma_start3A_39 : memref<1x128xi32, #tpu.memory_space<vmem>> -> memref<128xi32, #tpu.memory_space<vmem>>
      %dma_start3A_41 = arith.constant 0 : i32
      %dma_start3A_42 = arith.constant 0 : i32
      %dma_start3A_43 = tpu.memref_slice %arg2[%dma_start3A_41, %dma_start3A_42] : memref<50000x32xf32, #tpu.memory_space<hbm>> -> memref<50000x32xf32, #tpu.memory_space<hbm>>
      tpu.enqueue_indirect_dma source(%dma_start3A_43 : memref<50000x32xf32, #tpu.memory_space<hbm>>) target(%arg11 : memref<128x32xf32, #tpu.memory_space<vmem>>) offsets(%dma_start3A_40 : memref<128xi32, #tpu.memory_space<vmem>>) semaphore(%arg15 : memref<!tpu.dma_semaphore, #tpu.memory_space<semaphore_mem>>)
      %dma_start3A_44 = arith.constant 0 : i32
      %dma_start3A_45 = tpu.memref_slice %arg8[%min3A_37, %dma_start3A_44] : memref<196x128xi32, #tpu.memory_space<vmem>> -> memref<1x128xi32, #tpu.memory_space<vmem>>
      %dma_start3A_46 = tpu.memref_squeeze %dma_start3A_45 : memref<1x128xi32, #tpu.memory_space<vmem>> -> memref<128xi32, #tpu.memory_space<vmem>>
      %dma_start3A_47 = arith.constant 0 : i32
      %dma_start3A_48 = arith.constant 0 : i32
      %dma_start3A_49 = tpu.memref_slice %arg2[%dma_start3A_47, %dma_start3A_48] : memref<50000x32xf32, #tpu.memory_space<hbm>> -> memref<50000x32xf32, #tpu.memory_space<hbm>>
      tpu.enqueue_indirect_dma source(%dma_start3A_49 : memref<50000x32xf32, #tpu.memory_space<hbm>>) target(%arg12 : memref<128x32xf32, #tpu.memory_space<vmem>>) offsets(%dma_start3A_46 : memref<128xi32, #tpu.memory_space<vmem>>) semaphore(%arg16 : memref<!tpu.dma_semaphore, #tpu.memory_space<semaphore_mem>>)
      %mul3A_50 = arith.constant 128 : i32
      %mul3A_51 = arith.muli %mul3A_33, %mul3A_50 : i32
      %min3A_52 = arith.constant 24872 : i32
      %min3A_53 = arith.minsi %mul3A_51, %min3A_52 : i32
      %add3A_54 = arith.addi %mul3A_2, %min3A_53 : i32
      %dma_wait3A_55 = arith.constant 0 : i32
      %dma_wait3A_56 = tpu.memref_slice %arg5[%add3A_54, %dma_wait3A_55] : memref<800000x32xf32, #tpu.memory_space<hbm>> -> memref<128x32xf32, #tpu.memory_space<hbm>>
      %dma_wait3A_57 = arith.constant 0 : i32
      %dma_wait3A_58 = tpu.memref_slice %arg5[%add3A_54, %dma_wait3A_57] : memref<800000x32xf32, #tpu.memory_space<hbm>> -> memref<128x32xf32, #tpu.memory_space<hbm>>
      tpu.wait_dma2 semaphore(%arg13 : memref<!tpu.dma_semaphore, #tpu.memory_space<semaphore_mem>>) src(%dma_wait3A_58 : memref<128x32xf32, #tpu.memory_space<hbm>>) dst(%arg9 : memref<128x32xf32, #tpu.memory_space<vmem>>)
      %dma_wait3A_59 = arith.constant 0 : i32
      %dma_wait3A_60 = tpu.memref_slice %arg6[%add3A_54, %dma_wait3A_59] : memref<800000x32xf32, #tpu.memory_space<hbm>> -> memref<128x32xf32, #tpu.memory_space<hbm>>
      %dma_wait3A_61 = arith.constant 0 : i32
      %dma_wait3A_62 = tpu.memref_slice %arg6[%add3A_54, %dma_wait3A_61] : memref<800000x32xf32, #tpu.memory_space<hbm>> -> memref<128x32xf32, #tpu.memory_space<hbm>>
      tpu.wait_dma2 semaphore(%arg14 : memref<!tpu.dma_semaphore, #tpu.memory_space<semaphore_mem>>) src(%dma_wait3A_62 : memref<128x32xf32, #tpu.memory_space<hbm>>) dst(%arg10 : memref<128x32xf32, #tpu.memory_space<vmem>>)
      "tpu.region"() ({
        %run_scoped3A = tpu.sem_alloc : memref<!tpu.dma_semaphore, #tpu.memory_space<semaphore_mem>>
        %dma_start3A_96 = arith.constant 0 : i32
        %dma_start3A_97 = tpu.memref_slice %arg5[%add3A_54, %dma_start3A_96] : memref<800000x32xf32, #tpu.memory_space<hbm>> -> memref<128x32xf32, #tpu.memory_space<hbm>>
        %dma_start3A_98 = arith.constant 0 : i32
        %dma_start3A_99 = tpu.memref_slice %arg5[%add3A_54, %dma_start3A_98] : memref<800000x32xf32, #tpu.memory_space<hbm>> -> memref<128x32xf32, #tpu.memory_space<hbm>>
        tpu.enqueue_dma source(%arg9 : memref<128x32xf32, #tpu.memory_space<vmem>>) target(%dma_start3A_99 : memref<128x32xf32, #tpu.memory_space<hbm>>) target_semaphore(%run_scoped3A : memref<!tpu.dma_semaphore, #tpu.memory_space<semaphore_mem>>)
        %dma_wait3A_100 = arith.constant 0 : i32
        %dma_wait3A_101 = tpu.memref_slice %arg5[%add3A_54, %dma_wait3A_100] : memref<800000x32xf32, #tpu.memory_space<hbm>> -> memref<128x32xf32, #tpu.memory_space<hbm>>
        %dma_wait3A_102 = arith.constant 0 : i32
        %dma_wait3A_103 = tpu.memref_slice %arg5[%add3A_54, %dma_wait3A_102] : memref<800000x32xf32, #tpu.memory_space<hbm>> -> memref<128x32xf32, #tpu.memory_space<hbm>>
        tpu.wait_dma2 semaphore(%run_scoped3A : memref<!tpu.dma_semaphore, #tpu.memory_space<semaphore_mem>>) src(%arg9 : memref<128x32xf32, #tpu.memory_space<vmem>>) dst(%dma_wait3A_103 : memref<128x32xf32, #tpu.memory_space<hbm>>)
        tpu.yield
      }) : () -> ()
      "tpu.region"() ({
        %run_scoped3A = tpu.sem_alloc : memref<!tpu.dma_semaphore, #tpu.memory_space<semaphore_mem>>
        %dma_start3A_96 = arith.constant 0 : i32
        %dma_start3A_97 = tpu.memref_slice %arg6[%add3A_54, %dma_start3A_96] : memref<800000x32xf32, #tpu.memory_space<hbm>> -> memref<128x32xf32, #tpu.memory_space<hbm>>
        %dma_start3A_98 = arith.constant 0 : i32
        %dma_start3A_99 = tpu.memref_slice %arg6[%add3A_54, %dma_start3A_98] : memref<800000x32xf32, #tpu.memory_space<hbm>> -> memref<128x32xf32, #tpu.memory_space<hbm>>
        tpu.enqueue_dma source(%arg10 : memref<128x32xf32, #tpu.memory_space<vmem>>) target(%dma_start3A_99 : memref<128x32xf32, #tpu.memory_space<hbm>>) target_semaphore(%run_scoped3A : memref<!tpu.dma_semaphore, #tpu.memory_space<semaphore_mem>>)
        %dma_wait3A_100 = arith.constant 0 : i32
        %dma_wait3A_101 = tpu.memref_slice %arg6[%add3A_54, %dma_wait3A_100] : memref<800000x32xf32, #tpu.memory_space<hbm>> -> memref<128x32xf32, #tpu.memory_space<hbm>>
        %dma_wait3A_102 = arith.constant 0 : i32
        %dma_wait3A_103 = tpu.memref_slice %arg6[%add3A_54, %dma_wait3A_102] : memref<800000x32xf32, #tpu.memory_space<hbm>> -> memref<128x32xf32, #tpu.memory_space<hbm>>
        tpu.wait_dma2 semaphore(%run_scoped3A : memref<!tpu.dma_semaphore, #tpu.memory_space<semaphore_mem>>) src(%arg10 : memref<128x32xf32, #tpu.memory_space<vmem>>) dst(%dma_wait3A_103 : memref<128x32xf32, #tpu.memory_space<hbm>>)
        tpu.yield
      }) : () -> ()
      %add3A_63 = arith.constant 2 : i32
      %add3A_64 = arith.addi %mul3A_33, %add3A_63 : i32
      %min3A_65 = arith.constant 195 : i32
      %min3A_66 = arith.minsi %add3A_64, %min3A_65 : i32
      %dma_start3A_67 = arith.constant 0 : i32
      %dma_start3A_68 = tpu.memref_slice %arg7[%min3A_66, %dma_start3A_67] : memref<196x128xi32, #tpu.memory_space<vmem>> -> memref<1x128xi32, #tpu.memory_space<vmem>>
      %dma_start3A_69 = tpu.memref_squeeze %dma_start3A_68 : memref<1x128xi32, #tpu.memory_space<vmem>> -> memref<128xi32, #tpu.memory_space<vmem>>
      %dma_start3A_70 = arith.constant 0 : i32
      %dma_start3A_71 = arith.constant 0 : i32
      %dma_start3A_72 = tpu.memref_slice %arg2[%dma_start3A_70, %dma_start3A_71] : memref<50000x32xf32, #tpu.memory_space<hbm>> -> memref<50000x32xf32, #tpu.memory_space<hbm>>
      tpu.enqueue_indirect_dma source(%dma_start3A_72 : memref<50000x32xf32, #tpu.memory_space<hbm>>) target(%arg9 : memref<128x32xf32, #tpu.memory_space<vmem>>) offsets(%dma_start3A_69 : memref<128xi32, #tpu.memory_space<vmem>>) semaphore(%arg13 : memref<!tpu.dma_semaphore, #tpu.memory_space<semaphore_mem>>)
      %dma_start3A_73 = arith.constant 0 : i32
      %dma_start3A_74 = tpu.memref_slice %arg8[%min3A_66, %dma_start3A_73] : memref<196x128xi32, #tpu.memory_space<vmem>> -> memref<1x128xi32, #tpu.memory_space<vmem>>
      %dma_start3A_75 = tpu.memref_squeeze %dma_start3A_74 : memref<1x128xi32, #tpu.memory_space<vmem>> -> memref<128xi32, #tpu.memory_space<vmem>>
      %dma_start3A_76 = arith.constant 0 : i32
      %dma_start3A_77 = arith.constant 0 : i32
      %dma_start3A_78 = tpu.memref_slice %arg2[%dma_start3A_76, %dma_start3A_77] : memref<50000x32xf32, #tpu.memory_space<hbm>> -> memref<50000x32xf32, #tpu.memory_space<hbm>>
      tpu.enqueue_indirect_dma source(%dma_start3A_78 : memref<50000x32xf32, #tpu.memory_space<hbm>>) target(%arg10 : memref<128x32xf32, #tpu.memory_space<vmem>>) offsets(%dma_start3A_75 : memref<128xi32, #tpu.memory_space<vmem>>) semaphore(%arg14 : memref<!tpu.dma_semaphore, #tpu.memory_space<semaphore_mem>>)
      %add3A_79 = arith.constant 1 : i32
      %add3A_80 = arith.addi %mul3A_33, %add3A_79 : i32
      %min3A_81 = arith.constant 195 : i32
      %min3A_82 = arith.minsi %add3A_80, %min3A_81 : i32
      %mul3A_83 = arith.constant 128 : i32
      %mul3A_84 = arith.muli %min3A_82, %mul3A_83 : i32
      %min3A_85 = arith.constant 24872 : i32
      %min3A_86 = arith.minsi %mul3A_84, %min3A_85 : i32
      %add3A_87 = arith.addi %mul3A_2, %min3A_86 : i32
      %dma_wait3A_88 = arith.constant 0 : i32
      %dma_wait3A_89 = tpu.memref_slice %arg5[%add3A_87, %dma_wait3A_88] : memref<800000x32xf32, #tpu.memory_space<hbm>> -> memref<128x32xf32, #tpu.memory_space<hbm>>
      %dma_wait3A_90 = arith.constant 0 : i32
      %dma_wait3A_91 = tpu.memref_slice %arg5[%add3A_87, %dma_wait3A_90] : memref<800000x32xf32, #tpu.memory_space<hbm>> -> memref<128x32xf32, #tpu.memory_space<hbm>>
      tpu.wait_dma2 semaphore(%arg15 : memref<!tpu.dma_semaphore, #tpu.memory_space<semaphore_mem>>) src(%dma_wait3A_91 : memref<128x32xf32, #tpu.memory_space<hbm>>) dst(%arg11 : memref<128x32xf32, #tpu.memory_space<vmem>>)
      %dma_wait3A_92 = arith.constant 0 : i32
      %dma_wait3A_93 = tpu.memref_slice %arg6[%add3A_87, %dma_wait3A_92] : memref<800000x32xf32, #tpu.memory_space<hbm>> -> memref<128x32xf32, #tpu.memory_space<hbm>>
      %dma_wait3A_94 = arith.constant 0 : i32
      %dma_wait3A_95 = tpu.memref_slice %arg6[%add3A_87, %dma_wait3A_94] : memref<800000x32xf32, #tpu.memory_space<hbm>> -> memref<128x32xf32, #tpu.memory_space<hbm>>
      tpu.wait_dma2 semaphore(%arg16 : memref<!tpu.dma_semaphore, #tpu.memory_space<semaphore_mem>>) src(%dma_wait3A_95 : memref<128x32xf32, #tpu.memory_space<hbm>>) dst(%arg12 : memref<128x32xf32, #tpu.memory_space<vmem>>)
      "tpu.region"() ({
        %run_scoped3A = tpu.sem_alloc : memref<!tpu.dma_semaphore, #tpu.memory_space<semaphore_mem>>
        %dma_start3A_96 = arith.constant 0 : i32
        %dma_start3A_97 = tpu.memref_slice %arg5[%add3A_87, %dma_start3A_96] : memref<800000x32xf32, #tpu.memory_space<hbm>> -> memref<128x32xf32, #tpu.memory_space<hbm>>
        %dma_start3A_98 = arith.constant 0 : i32
        %dma_start3A_99 = tpu.memref_slice %arg5[%add3A_87, %dma_start3A_98] : memref<800000x32xf32, #tpu.memory_space<hbm>> -> memref<128x32xf32, #tpu.memory_space<hbm>>
        tpu.enqueue_dma source(%arg11 : memref<128x32xf32, #tpu.memory_space<vmem>>) target(%dma_start3A_99 : memref<128x32xf32, #tpu.memory_space<hbm>>) target_semaphore(%run_scoped3A : memref<!tpu.dma_semaphore, #tpu.memory_space<semaphore_mem>>)
        %dma_wait3A_100 = arith.constant 0 : i32
        %dma_wait3A_101 = tpu.memref_slice %arg5[%add3A_87, %dma_wait3A_100] : memref<800000x32xf32, #tpu.memory_space<hbm>> -> memref<128x32xf32, #tpu.memory_space<hbm>>
        %dma_wait3A_102 = arith.constant 0 : i32
        %dma_wait3A_103 = tpu.memref_slice %arg5[%add3A_87, %dma_wait3A_102] : memref<800000x32xf32, #tpu.memory_space<hbm>> -> memref<128x32xf32, #tpu.memory_space<hbm>>
        tpu.wait_dma2 semaphore(%run_scoped3A : memref<!tpu.dma_semaphore, #tpu.memory_space<semaphore_mem>>) src(%arg11 : memref<128x32xf32, #tpu.memory_space<vmem>>) dst(%dma_wait3A_103 : memref<128x32xf32, #tpu.memory_space<hbm>>)
        tpu.yield
      }) : () -> ()
      "tpu.region"() ({
        %run_scoped3A = tpu.sem_alloc : memref<!tpu.dma_semaphore, #tpu.memory_space<semaphore_mem>>
        %dma_start3A_96 = arith.constant 0 : i32
        %dma_start3A_97 = tpu.memref_slice %arg6[%add3A_87, %dma_start3A_96] : memref<800000x32xf32, #tpu.memory_space<hbm>> -> memref<128x32xf32, #tpu.memory_space<hbm>>
        %dma_start3A_98 = arith.constant 0 : i32
        %dma_start3A_99 = tpu.memref_slice %arg6[%add3A_87, %dma_start3A_98] : memref<800000x32xf32, #tpu.memory_space<hbm>> -> memref<128x32xf32, #tpu.memory_space<hbm>>
        tpu.enqueue_dma source(%arg12 : memref<128x32xf32, #tpu.memory_space<vmem>>) target(%dma_start3A_99 : memref<128x32xf32, #tpu.memory_space<hbm>>) target_semaphore(%run_scoped3A : memref<!tpu.dma_semaphore, #tpu.memory_space<semaphore_mem>>)
        %dma_wait3A_100 = arith.constant 0 : i32
        %dma_wait3A_101 = tpu.memref_slice %arg6[%add3A_87, %dma_wait3A_100] : memref<800000x32xf32, #tpu.memory_space<hbm>> -> memref<128x32xf32, #tpu.memory_space<hbm>>
        %dma_wait3A_102 = arith.constant 0 : i32
        %dma_wait3A_103 = tpu.memref_slice %arg6[%add3A_87, %dma_wait3A_102] : memref<800000x32xf32, #tpu.memory_space<hbm>> -> memref<128x32xf32, #tpu.memory_space<hbm>>
        tpu.wait_dma2 semaphore(%run_scoped3A : memref<!tpu.dma_semaphore, #tpu.memory_space<semaphore_mem>>) src(%arg12 : memref<128x32xf32, #tpu.memory_space<vmem>>) dst(%dma_wait3A_103 : memref<128x32xf32, #tpu.memory_space<hbm>>)
        tpu.yield
      }) : () -> ()
    }
    %scan3A_20 = arith.constant 98 : i32
    %min3A = arith.constant 24960 : i32
    %min3A_21 = arith.constant 24872 : i32
    %min3A_22 = arith.minsi %min3A, %min3A_21 : i32
    %add3A_23 = arith.addi %mul3A_2, %min3A_22 : i32
    %dma_wait3A = arith.constant 0 : i32
    %dma_wait3A_24 = tpu.memref_slice %arg5[%add3A_23, %dma_wait3A] : memref<800000x32xf32, #tpu.memory_space<hbm>> -> memref<128x32xf32, #tpu.memory_space<hbm>>
    %dma_wait3A_25 = arith.constant 0 : i32
    %dma_wait3A_26 = tpu.memref_slice %arg5[%add3A_23, %dma_wait3A_25] : memref<800000x32xf32, #tpu.memory_space<hbm>> -> memref<128x32xf32, #tpu.memory_space<hbm>>
    tpu.wait_dma2 semaphore(%arg13 : memref<!tpu.dma_semaphore, #tpu.memory_space<semaphore_mem>>) src(%dma_wait3A_26 : memref<128x32xf32, #tpu.memory_space<hbm>>) dst(%arg9 : memref<128x32xf32, #tpu.memory_space<vmem>>)
    %dma_wait3A_27 = arith.constant 0 : i32
    %dma_wait3A_28 = tpu.memref_slice %arg6[%add3A_23, %dma_wait3A_27] : memref<800000x32xf32, #tpu.memory_space<hbm>> -> memref<128x32xf32, #tpu.memory_space<hbm>>
    %dma_wait3A_29 = arith.constant 0 : i32
    %dma_wait3A_30 = tpu.memref_slice %arg6[%add3A_23, %dma_wait3A_29] : memref<800000x32xf32, #tpu.memory_space<hbm>> -> memref<128x32xf32, #tpu.memory_space<hbm>>
    tpu.wait_dma2 semaphore(%arg14 : memref<!tpu.dma_semaphore, #tpu.memory_space<semaphore_mem>>) src(%dma_wait3A_30 : memref<128x32xf32, #tpu.memory_space<hbm>>) dst(%arg10 : memref<128x32xf32, #tpu.memory_space<vmem>>)
    "tpu.region"() ({
      %run_scoped3A = tpu.sem_alloc : memref<!tpu.dma_semaphore, #tpu.memory_space<semaphore_mem>>
      %dma_start3A_31 = arith.constant 0 : i32
      %dma_start3A_32 = tpu.memref_slice %arg5[%add3A_23, %dma_start3A_31] : memref<800000x32xf32, #tpu.memory_space<hbm>> -> memref<128x32xf32, #tpu.memory_space<hbm>>
      %dma_start3A_33 = arith.constant 0 : i32
      %dma_start3A_34 = tpu.memref_slice %arg5[%add3A_23, %dma_start3A_33] : memref<800000x32xf32, #tpu.memory_space<hbm>> -> memref<128x32xf32, #tpu.memory_space<hbm>>
      tpu.enqueue_dma source(%arg9 : memref<128x32xf32, #tpu.memory_space<vmem>>) target(%dma_start3A_34 : memref<128x32xf32, #tpu.memory_space<hbm>>) target_semaphore(%run_scoped3A : memref<!tpu.dma_semaphore, #tpu.memory_space<semaphore_mem>>)
      %dma_wait3A_35 = arith.constant 0 : i32
      %dma_wait3A_36 = tpu.memref_slice %arg5[%add3A_23, %dma_wait3A_35] : memref<800000x32xf32, #tpu.memory_space<hbm>> -> memref<128x32xf32, #tpu.memory_space<hbm>>
      %dma_wait3A_37 = arith.constant 0 : i32
      %dma_wait3A_38 = tpu.memref_slice %arg5[%add3A_23, %dma_wait3A_37] : memref<800000x32xf32, #tpu.memory_space<hbm>> -> memref<128x32xf32, #tpu.memory_space<hbm>>
      tpu.wait_dma2 semaphore(%run_scoped3A : memref<!tpu.dma_semaphore, #tpu.memory_space<semaphore_mem>>) src(%arg9 : memref<128x32xf32, #tpu.memory_space<vmem>>) dst(%dma_wait3A_38 : memref<128x32xf32, #tpu.memory_space<hbm>>)
      tpu.yield
    }) : () -> ()
    "tpu.region"() ({
      %run_scoped3A = tpu.sem_alloc : memref<!tpu.dma_semaphore, #tpu.memory_space<semaphore_mem>>
      %dma_start3A_31 = arith.constant 0 : i32
      %dma_start3A_32 = tpu.memref_slice %arg6[%add3A_23, %dma_start3A_31] : memref<800000x32xf32, #tpu.memory_space<hbm>> -> memref<128x32xf32, #tpu.memory_space<hbm>>
      %dma_start3A_33 = arith.constant 0 : i32
      %dma_start3A_34 = tpu.memref_slice %arg6[%add3A_23, %dma_start3A_33] : memref<800000x32xf32, #tpu.memory_space<hbm>> -> memref<128x32xf32, #tpu.memory_space<hbm>>
      tpu.enqueue_dma source(%arg10 : memref<128x32xf32, #tpu.memory_space<vmem>>) target(%dma_start3A_34 : memref<128x32xf32, #tpu.memory_space<hbm>>) target_semaphore(%run_scoped3A : memref<!tpu.dma_semaphore, #tpu.memory_space<semaphore_mem>>)
      %dma_wait3A_35 = arith.constant 0 : i32
      %dma_wait3A_36 = tpu.memref_slice %arg6[%add3A_23, %dma_wait3A_35] : memref<800000x32xf32, #tpu.memory_space<hbm>> -> memref<128x32xf32, #tpu.memory_space<hbm>>
      %dma_wait3A_37 = arith.constant 0 : i32
      %dma_wait3A_38 = tpu.memref_slice %arg6[%add3A_23, %dma_wait3A_37] : memref<800000x32xf32, #tpu.memory_space<hbm>> -> memref<128x32xf32, #tpu.memory_space<hbm>>
      tpu.wait_dma2 semaphore(%run_scoped3A : memref<!tpu.dma_semaphore, #tpu.memory_space<semaphore_mem>>) src(%arg10 : memref<128x32xf32, #tpu.memory_space<vmem>>) dst(%dma_wait3A_38 : memref<128x32xf32, #tpu.memory_space<hbm>>)
      tpu.yield
    }) : () -> ()
    return
  }
}

#map = affine_map<(d0, d1) -> (0, 0)>
#map1 = affine_map<(d0, d1) -> (0)>
module attributes {stable_mosaic.version = 14 : i64} {
  func.func @k(%arg0: i32, %arg1: i32, %arg2: memref<800000x32xf32, #tpu.memory_space<hbm>>, %arg3: memref<800000xi32, #tpu.memory_space<hbm>>, %arg4: memref<2000x32xf32, #tpu.memory_space<hbm>>, %arg5: memref<2000x16xf32, #tpu.memory_space<hbm>>, %arg6: memref<50000x32xf32, #tpu.memory_space<hbm>>, %arg7: memref<50000x16xf32, #tpu.memory_space<hbm>>, %arg8: memref<640x32xf32, #tpu.memory_space<vmem>>, %arg9: memref<640xi32, #tpu.memory_space<vmem>>, %arg10: memref<2000x32xf32, #tpu.memory_space<vmem>>, %arg11: memref<2000x16xf32, #tpu.memory_space<vmem>>) attributes {dimension_semantics = [#tpu.dimension_semantics<core_parallel>, #tpu.dimension_semantics<subcore_parallel>], iteration_bounds = array<i64: 2, 16>, scalar_prefetch = 0 : i64, scratch_operands = 4 : i64, tpu.core_type = #tpu.core_type<sc_vector_subcore>, window_params = [{transform_indices = #map}, {transform_indices = #map1}, {transform_indices = #map}, {transform_indices = #map}, {transform_indices = #map}, {transform_indices = #map}]} {
    %mul3A = arith.constant 2 : i32
    %mul3A_0 = arith.muli %arg1, %mul3A : i32
    %add3A = arith.addi %mul3A_0, %arg0 : i32
    %lt3A = arith.constant 25 : i32
    %lt3A_1 = arith.cmpi slt, %add3A, %lt3A : i32
    %convert_element_type3A = arith.extui %lt3A_1 : i1 to i32
    %cond3A = arith.constant 0 : i32
    %cond3A_2 = arith.cmpi ne, %convert_element_type3A, %cond3A : i32
    scf.if %cond3A_2 {
      "tpu.region"() ({
        %run_scoped3A = tpu.sem_alloc : memref<!tpu.dma_semaphore, #tpu.memory_space<semaphore_mem>>
        tpu.enqueue_dma source(%arg4 : memref<2000x32xf32, #tpu.memory_space<hbm>>) target(%arg10 : memref<2000x32xf32, #tpu.memory_space<vmem>>) target_semaphore(%run_scoped3A : memref<!tpu.dma_semaphore, #tpu.memory_space<semaphore_mem>>)
        tpu.wait_dma2 semaphore(%run_scoped3A : memref<!tpu.dma_semaphore, #tpu.memory_space<semaphore_mem>>) src(%arg4 : memref<2000x32xf32, #tpu.memory_space<hbm>>) dst(%arg10 : memref<2000x32xf32, #tpu.memory_space<vmem>>)
        tpu.yield
      }) : () -> ()
      "tpu.region"() ({
        %run_scoped3A = tpu.sem_alloc : memref<!tpu.dma_semaphore, #tpu.memory_space<semaphore_mem>>
        tpu.enqueue_dma source(%arg5 : memref<2000x16xf32, #tpu.memory_space<hbm>>) target(%arg11 : memref<2000x16xf32, #tpu.memory_space<vmem>>) target_semaphore(%run_scoped3A : memref<!tpu.dma_semaphore, #tpu.memory_space<semaphore_mem>>)
        tpu.wait_dma2 semaphore(%run_scoped3A : memref<!tpu.dma_semaphore, #tpu.memory_space<semaphore_mem>>) src(%arg5 : memref<2000x16xf32, #tpu.memory_space<hbm>>) dst(%arg11 : memref<2000x16xf32, #tpu.memory_space<vmem>>)
        tpu.yield
      }) : () -> ()
      %iota3A = tpu.iota {dimensions = array<i32: 0>} : vector<16xi32>
      %broadcast_in_dim3A = arith.constant 1.000000e+00 : f32
      %broadcast_in_dim3A_3 = vector.broadcast %broadcast_in_dim3A : f32 to vector<16xf32>
      %mul3A_4 = arith.constant 2000 : i32
      %mul3A_5 = arith.muli %add3A, %mul3A_4 : i32
      %mul3A_6 = arith.constant 32000 : i32
      %mul3A_7 = arith.muli %add3A, %mul3A_6 : i32
      %scan3A = arith.constant 0 : i32
      %scan3A_8 = arith.constant 0 : i32
      %scan3A_9 = arith.constant 50 : i32
      %scan3A_10 = arith.addi %scan3A_8, %scan3A_9 : i32
      %scan3A_11 = arith.constant 1 : i32
      scf.for %scan3A_13 = %scan3A_8 to %scan3A_10 step %scan3A_11  : i32 {
        %mul3A_14 = arith.constant 640 : i32
        %mul3A_15 = arith.muli %scan3A_13, %mul3A_14 : i32
        %add3A_16 = arith.addi %mul3A_7, %mul3A_15 : i32
        "tpu.region"() ({
          %run_scoped3A = tpu.sem_alloc : memref<!tpu.dma_semaphore, #tpu.memory_space<semaphore_mem>>
          %dma_start3A = arith.constant 0 : i32
          %dma_start3A_23 = tpu.memref_slice %arg2[%add3A_16, %dma_start3A] : memref<800000x32xf32, #tpu.memory_space<hbm>> -> memref<640x32xf32, #tpu.memory_space<hbm>>
          %dma_start3A_24 = arith.constant 0 : i32
          %dma_start3A_25 = tpu.memref_slice %arg2[%add3A_16, %dma_start3A_24] : memref<800000x32xf32, #tpu.memory_space<hbm>> -> memref<640x32xf32, #tpu.memory_space<hbm>>
          tpu.enqueue_dma source(%dma_start3A_25 : memref<640x32xf32, #tpu.memory_space<hbm>>) target(%arg8 : memref<640x32xf32, #tpu.memory_space<vmem>>) target_semaphore(%run_scoped3A : memref<!tpu.dma_semaphore, #tpu.memory_space<semaphore_mem>>)
          %dma_wait3A = arith.constant 0 : i32
          %dma_wait3A_26 = tpu.memref_slice %arg2[%add3A_16, %dma_wait3A] : memref<800000x32xf32, #tpu.memory_space<hbm>> -> memref<640x32xf32, #tpu.memory_space<hbm>>
          %dma_wait3A_27 = arith.constant 0 : i32
          %dma_wait3A_28 = tpu.memref_slice %arg2[%add3A_16, %dma_wait3A_27] : memref<800000x32xf32, #tpu.memory_space<hbm>> -> memref<640x32xf32, #tpu.memory_space<hbm>>
          tpu.wait_dma2 semaphore(%run_scoped3A : memref<!tpu.dma_semaphore, #tpu.memory_space<semaphore_mem>>) src(%dma_wait3A_28 : memref<640x32xf32, #tpu.memory_space<hbm>>) dst(%arg8 : memref<640x32xf32, #tpu.memory_space<vmem>>)
          tpu.yield
        }) : () -> ()
        "tpu.region"() ({
          %run_scoped3A = tpu.sem_alloc : memref<!tpu.dma_semaphore, #tpu.memory_space<semaphore_mem>>
          %dma_start3A = tpu.memref_slice %arg3[%add3A_16] : memref<800000xi32, #tpu.memory_space<hbm>> -> memref<640xi32, #tpu.memory_space<hbm>>
          %dma_start3A_23 = tpu.memref_slice %arg3[%add3A_16] : memref<800000xi32, #tpu.memory_space<hbm>> -> memref<640xi32, #tpu.memory_space<hbm>>
          tpu.enqueue_dma source(%dma_start3A_23 : memref<640xi32, #tpu.memory_space<hbm>>) target(%arg9 : memref<640xi32, #tpu.memory_space<vmem>>) target_semaphore(%run_scoped3A : memref<!tpu.dma_semaphore, #tpu.memory_space<semaphore_mem>>)
          %dma_wait3A = tpu.memref_slice %arg3[%add3A_16] : memref<800000xi32, #tpu.memory_space<hbm>> -> memref<640xi32, #tpu.memory_space<hbm>>
          %dma_wait3A_24 = tpu.memref_slice %arg3[%add3A_16] : memref<800000xi32, #tpu.memory_space<hbm>> -> memref<640xi32, #tpu.memory_space<hbm>>
          tpu.wait_dma2 semaphore(%run_scoped3A : memref<!tpu.dma_semaphore, #tpu.memory_space<semaphore_mem>>) src(%dma_wait3A_24 : memref<640xi32, #tpu.memory_space<hbm>>) dst(%arg9 : memref<640xi32, #tpu.memory_space<vmem>>)
          tpu.yield
        }) : () -> ()
        %scan3A_17 = arith.constant 0 : i32
        %scan3A_18 = arith.constant 0 : i32
        %scan3A_19 = arith.constant 40 : i32
        %scan3A_20 = arith.addi %scan3A_18, %scan3A_19 : i32
        %scan3A_21 = arith.constant 1 : i32
        scf.for %scan3A_23 = %scan3A_18 to %scan3A_20 step %scan3A_21  : i32 {
          %mul3A_24 = arith.constant 16 : i32
          %mul3A_25 = arith.muli %scan3A_23, %mul3A_24 : i32
          %get3A = arith.index_cast %mul3A_25 : i32 to index
          %get3A_26 = tpu.vector_load %arg9[%get3A] {strides = array<i32>} : memref<640xi32, #tpu.memory_space<vmem>>, vector<16xi32>,
          %sub3A = vector.broadcast %mul3A_5 : i32 to vector<16xi32>
          %sub3A_27 = arith.subi %get3A_26, %sub3A : vector<16xi32>
          %mul3A_28 = arith.constant 16 : i32
          %mul3A_29 = arith.muli %scan3A_23, %mul3A_28 : i32
          %add3A_30 = vector.broadcast %mul3A_29 : i32 to vector<16xi32>
          %add3A_31 = arith.addi %add3A_30, %iota3A : vector<16xi32>
          tpu.vector_store_idx %arg11[%sub3A_27, %iota3A], %broadcast_in_dim3A_3 {add = true} : memref<2000x16xf32, #tpu.memory_space<vmem>>[vector<16xi32>, vector<16xi32>], vector<16xf32>,
          %broadcast_in_dim3A_32 = arith.constant 0 : i32
          %broadcast_in_dim3A_33 = vector.broadcast %broadcast_in_dim3A_32 : i32 to vector<16xi32>
          %gather3A = tpu.vector_load_idx %arg8[%add3A_31, %broadcast_in_dim3A_33] : memref<640x32xf32, #tpu.memory_space<vmem>>[vector<16xi32>, vector<16xi32>], vector<16xf32>,
          tpu.vector_store_idx %arg10[%sub3A_27, %broadcast_in_dim3A_33], %gather3A {add = true} : memref<2000x32xf32, #tpu.memory_space<vmem>>[vector<16xi32>, vector<16xi32>], vector<16xf32>,
          %broadcast_in_dim3A_34 = arith.constant 1 : i32
          %broadcast_in_dim3A_35 = vector.broadcast %broadcast_in_dim3A_34 : i32 to vector<16xi32>
          %gather3A_36 = tpu.vector_load_idx %arg8[%add3A_31, %broadcast_in_dim3A_35] : memref<640x32xf32, #tpu.memory_space<vmem>>[vector<16xi32>, vector<16xi32>], vector<16xf32>,
          tpu.vector_store_idx %arg10[%sub3A_27, %broadcast_in_dim3A_35], %gather3A_36 {add = true} : memref<2000x32xf32, #tpu.memory_space<vmem>>[vector<16xi32>, vector<16xi32>], vector<16xf32>,
          %broadcast_in_dim3A_37 = arith.constant 2 : i32
          %broadcast_in_dim3A_38 = vector.broadcast %broadcast_in_dim3A_37 : i32 to vector<16xi32>
          %gather3A_39 = tpu.vector_load_idx %arg8[%add3A_31, %broadcast_in_dim3A_38] : memref<640x32xf32, #tpu.memory_space<vmem>>[vector<16xi32>, vector<16xi32>], vector<16xf32>,
          tpu.vector_store_idx %arg10[%sub3A_27, %broadcast_in_dim3A_38], %gather3A_39 {add = true} : memref<2000x32xf32, #tpu.memory_space<vmem>>[vector<16xi32>, vector<16xi32>], vector<16xf32>,
          %broadcast_in_dim3A_40 = arith.constant 3 : i32
          %broadcast_in_dim3A_41 = vector.broadcast %broadcast_in_dim3A_40 : i32 to vector<16xi32>
          %gather3A_42 = tpu.vector_load_idx %arg8[%add3A_31, %broadcast_in_dim3A_41] : memref<640x32xf32, #tpu.memory_space<vmem>>[vector<16xi32>, vector<16xi32>], vector<16xf32>,
          tpu.vector_store_idx %arg10[%sub3A_27, %broadcast_in_dim3A_41], %gather3A_42 {add = true} : memref<2000x32xf32, #tpu.memory_space<vmem>>[vector<16xi32>, vector<16xi32>], vector<16xf32>,
          %broadcast_in_dim3A_43 = arith.constant 4 : i32
          %broadcast_in_dim3A_44 = vector.broadcast %broadcast_in_dim3A_43 : i32 to vector<16xi32>
          %gather3A_45 = tpu.vector_load_idx %arg8[%add3A_31, %broadcast_in_dim3A_44] : memref<640x32xf32, #tpu.memory_space<vmem>>[vector<16xi32>, vector<16xi32>], vector<16xf32>,
          tpu.vector_store_idx %arg10[%sub3A_27, %broadcast_in_dim3A_44], %gather3A_45 {add = true} : memref<2000x32xf32, #tpu.memory_space<vmem>>[vector<16xi32>, vector<16xi32>], vector<16xf32>,
          %broadcast_in_dim3A_46 = arith.constant 5 : i32
          %broadcast_in_dim3A_47 = vector.broadcast %broadcast_in_dim3A_46 : i32 to vector<16xi32>
          %gather3A_48 = tpu.vector_load_idx %arg8[%add3A_31, %broadcast_in_dim3A_47] : memref<640x32xf32, #tpu.memory_space<vmem>>[vector<16xi32>, vector<16xi32>], vector<16xf32>,
          tpu.vector_store_idx %arg10[%sub3A_27, %broadcast_in_dim3A_47], %gather3A_48 {add = true} : memref<2000x32xf32, #tpu.memory_space<vmem>>[vector<16xi32>, vector<16xi32>], vector<16xf32>,
          %broadcast_in_dim3A_49 = arith.constant 6 : i32
          %broadcast_in_dim3A_50 = vector.broadcast %broadcast_in_dim3A_49 : i32 to vector<16xi32>
          %gather3A_51 = tpu.vector_load_idx %arg8[%add3A_31, %broadcast_in_dim3A_50] : memref<640x32xf32, #tpu.memory_space<vmem>>[vector<16xi32>, vector<16xi32>], vector<16xf32>,
          tpu.vector_store_idx %arg10[%sub3A_27, %broadcast_in_dim3A_50], %gather3A_51 {add = true} : memref<2000x32xf32, #tpu.memory_space<vmem>>[vector<16xi32>, vector<16xi32>], vector<16xf32>,
          %broadcast_in_dim3A_52 = arith.constant 7 : i32
          %broadcast_in_dim3A_53 = vector.broadcast %broadcast_in_dim3A_52 : i32 to vector<16xi32>
          %gather3A_54 = tpu.vector_load_idx %arg8[%add3A_31, %broadcast_in_dim3A_53] : memref<640x32xf32, #tpu.memory_space<vmem>>[vector<16xi32>, vector<16xi32>], vector<16xf32>,
          tpu.vector_store_idx %arg10[%sub3A_27, %broadcast_in_dim3A_53], %gather3A_54 {add = true} : memref<2000x32xf32, #tpu.memory_space<vmem>>[vector<16xi32>, vector<16xi32>], vector<16xf32>,
          %broadcast_in_dim3A_55 = arith.constant 8 : i32
          %broadcast_in_dim3A_56 = vector.broadcast %broadcast_in_dim3A_55 : i32 to vector<16xi32>
          %gather3A_57 = tpu.vector_load_idx %arg8[%add3A_31, %broadcast_in_dim3A_56] : memref<640x32xf32, #tpu.memory_space<vmem>>[vector<16xi32>, vector<16xi32>], vector<16xf32>,
          tpu.vector_store_idx %arg10[%sub3A_27, %broadcast_in_dim3A_56], %gather3A_57 {add = true} : memref<2000x32xf32, #tpu.memory_space<vmem>>[vector<16xi32>, vector<16xi32>], vector<16xf32>,
          %broadcast_in_dim3A_58 = arith.constant 9 : i32
          %broadcast_in_dim3A_59 = vector.broadcast %broadcast_in_dim3A_58 : i32 to vector<16xi32>
          %gather3A_60 = tpu.vector_load_idx %arg8[%add3A_31, %broadcast_in_dim3A_59] : memref<640x32xf32, #tpu.memory_space<vmem>>[vector<16xi32>, vector<16xi32>], vector<16xf32>,
          tpu.vector_store_idx %arg10[%sub3A_27, %broadcast_in_dim3A_59], %gather3A_60 {add = true} : memref<2000x32xf32, #tpu.memory_space<vmem>>[vector<16xi32>, vector<16xi32>], vector<16xf32>,
          %broadcast_in_dim3A_61 = arith.constant 10 : i32
          %broadcast_in_dim3A_62 = vector.broadcast %broadcast_in_dim3A_61 : i32 to vector<16xi32>
          %gather3A_63 = tpu.vector_load_idx %arg8[%add3A_31, %broadcast_in_dim3A_62] : memref<640x32xf32, #tpu.memory_space<vmem>>[vector<16xi32>, vector<16xi32>], vector<16xf32>,
          tpu.vector_store_idx %arg10[%sub3A_27, %broadcast_in_dim3A_62], %gather3A_63 {add = true} : memref<2000x32xf32, #tpu.memory_space<vmem>>[vector<16xi32>, vector<16xi32>], vector<16xf32>,
          %broadcast_in_dim3A_64 = arith.constant 11 : i32
          %broadcast_in_dim3A_65 = vector.broadcast %broadcast_in_dim3A_64 : i32 to vector<16xi32>
          %gather3A_66 = tpu.vector_load_idx %arg8[%add3A_31, %broadcast_in_dim3A_65] : memref<640x32xf32, #tpu.memory_space<vmem>>[vector<16xi32>, vector<16xi32>], vector<16xf32>,
          tpu.vector_store_idx %arg10[%sub3A_27, %broadcast_in_dim3A_65], %gather3A_66 {add = true} : memref<2000x32xf32, #tpu.memory_space<vmem>>[vector<16xi32>, vector<16xi32>], vector<16xf32>,
          %broadcast_in_dim3A_67 = arith.constant 12 : i32
          %broadcast_in_dim3A_68 = vector.broadcast %broadcast_in_dim3A_67 : i32 to vector<16xi32>
          %gather3A_69 = tpu.vector_load_idx %arg8[%add3A_31, %broadcast_in_dim3A_68] : memref<640x32xf32, #tpu.memory_space<vmem>>[vector<16xi32>, vector<16xi32>], vector<16xf32>,
          tpu.vector_store_idx %arg10[%sub3A_27, %broadcast_in_dim3A_68], %gather3A_69 {add = true} : memref<2000x32xf32, #tpu.memory_space<vmem>>[vector<16xi32>, vector<16xi32>], vector<16xf32>,
          %broadcast_in_dim3A_70 = arith.constant 13 : i32
          %broadcast_in_dim3A_71 = vector.broadcast %broadcast_in_dim3A_70 : i32 to vector<16xi32>
          %gather3A_72 = tpu.vector_load_idx %arg8[%add3A_31, %broadcast_in_dim3A_71] : memref<640x32xf32, #tpu.memory_space<vmem>>[vector<16xi32>, vector<16xi32>], vector<16xf32>,
          tpu.vector_store_idx %arg10[%sub3A_27, %broadcast_in_dim3A_71], %gather3A_72 {add = true} : memref<2000x32xf32, #tpu.memory_space<vmem>>[vector<16xi32>, vector<16xi32>], vector<16xf32>,
          %broadcast_in_dim3A_73 = arith.constant 14 : i32
          %broadcast_in_dim3A_74 = vector.broadcast %broadcast_in_dim3A_73 : i32 to vector<16xi32>
          %gather3A_75 = tpu.vector_load_idx %arg8[%add3A_31, %broadcast_in_dim3A_74] : memref<640x32xf32, #tpu.memory_space<vmem>>[vector<16xi32>, vector<16xi32>], vector<16xf32>,
          tpu.vector_store_idx %arg10[%sub3A_27, %broadcast_in_dim3A_74], %gather3A_75 {add = true} : memref<2000x32xf32, #tpu.memory_space<vmem>>[vector<16xi32>, vector<16xi32>], vector<16xf32>,
          %broadcast_in_dim3A_76 = arith.constant 15 : i32
          %broadcast_in_dim3A_77 = vector.broadcast %broadcast_in_dim3A_76 : i32 to vector<16xi32>
          %gather3A_78 = tpu.vector_load_idx %arg8[%add3A_31, %broadcast_in_dim3A_77] : memref<640x32xf32, #tpu.memory_space<vmem>>[vector<16xi32>, vector<16xi32>], vector<16xf32>,
          tpu.vector_store_idx %arg10[%sub3A_27, %broadcast_in_dim3A_77], %gather3A_78 {add = true} : memref<2000x32xf32, #tpu.memory_space<vmem>>[vector<16xi32>, vector<16xi32>], vector<16xf32>,
          %broadcast_in_dim3A_79 = arith.constant 16 : i32
          %broadcast_in_dim3A_80 = vector.broadcast %broadcast_in_dim3A_79 : i32 to vector<16xi32>
          %gather3A_81 = tpu.vector_load_idx %arg8[%add3A_31, %broadcast_in_dim3A_80] : memref<640x32xf32, #tpu.memory_space<vmem>>[vector<16xi32>, vector<16xi32>], vector<16xf32>,
          tpu.vector_store_idx %arg10[%sub3A_27, %broadcast_in_dim3A_80], %gather3A_81 {add = true} : memref<2000x32xf32, #tpu.memory_space<vmem>>[vector<16xi32>, vector<16xi32>], vector<16xf32>,
          %broadcast_in_dim3A_82 = arith.constant 17 : i32
          %broadcast_in_dim3A_83 = vector.broadcast %broadcast_in_dim3A_82 : i32 to vector<16xi32>
          %gather3A_84 = tpu.vector_load_idx %arg8[%add3A_31, %broadcast_in_dim3A_83] : memref<640x32xf32, #tpu.memory_space<vmem>>[vector<16xi32>, vector<16xi32>], vector<16xf32>,
          tpu.vector_store_idx %arg10[%sub3A_27, %broadcast_in_dim3A_83], %gather3A_84 {add = true} : memref<2000x32xf32, #tpu.memory_space<vmem>>[vector<16xi32>, vector<16xi32>], vector<16xf32>,
          %broadcast_in_dim3A_85 = arith.constant 18 : i32
          %broadcast_in_dim3A_86 = vector.broadcast %broadcast_in_dim3A_85 : i32 to vector<16xi32>
          %gather3A_87 = tpu.vector_load_idx %arg8[%add3A_31, %broadcast_in_dim3A_86] : memref<640x32xf32, #tpu.memory_space<vmem>>[vector<16xi32>, vector<16xi32>], vector<16xf32>,
          tpu.vector_store_idx %arg10[%sub3A_27, %broadcast_in_dim3A_86], %gather3A_87 {add = true} : memref<2000x32xf32, #tpu.memory_space<vmem>>[vector<16xi32>, vector<16xi32>], vector<16xf32>,
          %broadcast_in_dim3A_88 = arith.constant 19 : i32
          %broadcast_in_dim3A_89 = vector.broadcast %broadcast_in_dim3A_88 : i32 to vector<16xi32>
          %gather3A_90 = tpu.vector_load_idx %arg8[%add3A_31, %broadcast_in_dim3A_89] : memref<640x32xf32, #tpu.memory_space<vmem>>[vector<16xi32>, vector<16xi32>], vector<16xf32>,
          tpu.vector_store_idx %arg10[%sub3A_27, %broadcast_in_dim3A_89], %gather3A_90 {add = true} : memref<2000x32xf32, #tpu.memory_space<vmem>>[vector<16xi32>, vector<16xi32>], vector<16xf32>,
          %broadcast_in_dim3A_91 = arith.constant 20 : i32
          %broadcast_in_dim3A_92 = vector.broadcast %broadcast_in_dim3A_91 : i32 to vector<16xi32>
          %gather3A_93 = tpu.vector_load_idx %arg8[%add3A_31, %broadcast_in_dim3A_92] : memref<640x32xf32, #tpu.memory_space<vmem>>[vector<16xi32>, vector<16xi32>], vector<16xf32>,
          tpu.vector_store_idx %arg10[%sub3A_27, %broadcast_in_dim3A_92], %gather3A_93 {add = true} : memref<2000x32xf32, #tpu.memory_space<vmem>>[vector<16xi32>, vector<16xi32>], vector<16xf32>,
          %broadcast_in_dim3A_94 = arith.constant 21 : i32
          %broadcast_in_dim3A_95 = vector.broadcast %broadcast_in_dim3A_94 : i32 to vector<16xi32>
          %gather3A_96 = tpu.vector_load_idx %arg8[%add3A_31, %broadcast_in_dim3A_95] : memref<640x32xf32, #tpu.memory_space<vmem>>[vector<16xi32>, vector<16xi32>], vector<16xf32>,
          tpu.vector_store_idx %arg10[%sub3A_27, %broadcast_in_dim3A_95], %gather3A_96 {add = true} : memref<2000x32xf32, #tpu.memory_space<vmem>>[vector<16xi32>, vector<16xi32>], vector<16xf32>,
          %broadcast_in_dim3A_97 = arith.constant 22 : i32
          %broadcast_in_dim3A_98 = vector.broadcast %broadcast_in_dim3A_97 : i32 to vector<16xi32>
          %gather3A_99 = tpu.vector_load_idx %arg8[%add3A_31, %broadcast_in_dim3A_98] : memref<640x32xf32, #tpu.memory_space<vmem>>[vector<16xi32>, vector<16xi32>], vector<16xf32>,
          tpu.vector_store_idx %arg10[%sub3A_27, %broadcast_in_dim3A_98], %gather3A_99 {add = true} : memref<2000x32xf32, #tpu.memory_space<vmem>>[vector<16xi32>, vector<16xi32>], vector<16xf32>,
          %broadcast_in_dim3A_100 = arith.constant 23 : i32
          %broadcast_in_dim3A_101 = vector.broadcast %broadcast_in_dim3A_100 : i32 to vector<16xi32>
          %gather3A_102 = tpu.vector_load_idx %arg8[%add3A_31, %broadcast_in_dim3A_101] : memref<640x32xf32, #tpu.memory_space<vmem>>[vector<16xi32>, vector<16xi32>], vector<16xf32>,
          tpu.vector_store_idx %arg10[%sub3A_27, %broadcast_in_dim3A_101], %gather3A_102 {add = true} : memref<2000x32xf32, #tpu.memory_space<vmem>>[vector<16xi32>, vector<16xi32>], vector<16xf32>,
          %broadcast_in_dim3A_103 = arith.constant 24 : i32
          %broadcast_in_dim3A_104 = vector.broadcast %broadcast_in_dim3A_103 : i32 to vector<16xi32>
          %gather3A_105 = tpu.vector_load_idx %arg8[%add3A_31, %broadcast_in_dim3A_104] : memref<640x32xf32, #tpu.memory_space<vmem>>[vector<16xi32>, vector<16xi32>], vector<16xf32>,
          tpu.vector_store_idx %arg10[%sub3A_27, %broadcast_in_dim3A_104], %gather3A_105 {add = true} : memref<2000x32xf32, #tpu.memory_space<vmem>>[vector<16xi32>, vector<16xi32>], vector<16xf32>,
          %broadcast_in_dim3A_106 = arith.constant 25 : i32
          %broadcast_in_dim3A_107 = vector.broadcast %broadcast_in_dim3A_106 : i32 to vector<16xi32>
          %gather3A_108 = tpu.vector_load_idx %arg8[%add3A_31, %broadcast_in_dim3A_107] : memref<640x32xf32, #tpu.memory_space<vmem>>[vector<16xi32>, vector<16xi32>], vector<16xf32>,
          tpu.vector_store_idx %arg10[%sub3A_27, %broadcast_in_dim3A_107], %gather3A_108 {add = true} : memref<2000x32xf32, #tpu.memory_space<vmem>>[vector<16xi32>, vector<16xi32>], vector<16xf32>,
          %broadcast_in_dim3A_109 = arith.constant 26 : i32
          %broadcast_in_dim3A_110 = vector.broadcast %broadcast_in_dim3A_109 : i32 to vector<16xi32>
          %gather3A_111 = tpu.vector_load_idx %arg8[%add3A_31, %broadcast_in_dim3A_110] : memref<640x32xf32, #tpu.memory_space<vmem>>[vector<16xi32>, vector<16xi32>], vector<16xf32>,
          tpu.vector_store_idx %arg10[%sub3A_27, %broadcast_in_dim3A_110], %gather3A_111 {add = true} : memref<2000x32xf32, #tpu.memory_space<vmem>>[vector<16xi32>, vector<16xi32>], vector<16xf32>,
          %broadcast_in_dim3A_112 = arith.constant 27 : i32
          %broadcast_in_dim3A_113 = vector.broadcast %broadcast_in_dim3A_112 : i32 to vector<16xi32>
          %gather3A_114 = tpu.vector_load_idx %arg8[%add3A_31, %broadcast_in_dim3A_113] : memref<640x32xf32, #tpu.memory_space<vmem>>[vector<16xi32>, vector<16xi32>], vector<16xf32>,
          tpu.vector_store_idx %arg10[%sub3A_27, %broadcast_in_dim3A_113], %gather3A_114 {add = true} : memref<2000x32xf32, #tpu.memory_space<vmem>>[vector<16xi32>, vector<16xi32>], vector<16xf32>,
          %broadcast_in_dim3A_115 = arith.constant 28 : i32
          %broadcast_in_dim3A_116 = vector.broadcast %broadcast_in_dim3A_115 : i32 to vector<16xi32>
          %gather3A_117 = tpu.vector_load_idx %arg8[%add3A_31, %broadcast_in_dim3A_116] : memref<640x32xf32, #tpu.memory_space<vmem>>[vector<16xi32>, vector<16xi32>], vector<16xf32>,
          tpu.vector_store_idx %arg10[%sub3A_27, %broadcast_in_dim3A_116], %gather3A_117 {add = true} : memref<2000x32xf32, #tpu.memory_space<vmem>>[vector<16xi32>, vector<16xi32>], vector<16xf32>,
          %broadcast_in_dim3A_118 = arith.constant 29 : i32
          %broadcast_in_dim3A_119 = vector.broadcast %broadcast_in_dim3A_118 : i32 to vector<16xi32>
          %gather3A_120 = tpu.vector_load_idx %arg8[%add3A_31, %broadcast_in_dim3A_119] : memref<640x32xf32, #tpu.memory_space<vmem>>[vector<16xi32>, vector<16xi32>], vector<16xf32>,
          tpu.vector_store_idx %arg10[%sub3A_27, %broadcast_in_dim3A_119], %gather3A_120 {add = true} : memref<2000x32xf32, #tpu.memory_space<vmem>>[vector<16xi32>, vector<16xi32>], vector<16xf32>,
          %broadcast_in_dim3A_121 = arith.constant 30 : i32
          %broadcast_in_dim3A_122 = vector.broadcast %broadcast_in_dim3A_121 : i32 to vector<16xi32>
          %gather3A_123 = tpu.vector_load_idx %arg8[%add3A_31, %broadcast_in_dim3A_122] : memref<640x32xf32, #tpu.memory_space<vmem>>[vector<16xi32>, vector<16xi32>], vector<16xf32>,
          tpu.vector_store_idx %arg10[%sub3A_27, %broadcast_in_dim3A_122], %gather3A_123 {add = true} : memref<2000x32xf32, #tpu.memory_space<vmem>>[vector<16xi32>, vector<16xi32>], vector<16xf32>,
          %broadcast_in_dim3A_124 = arith.constant 31 : i32
          %broadcast_in_dim3A_125 = vector.broadcast %broadcast_in_dim3A_124 : i32 to vector<16xi32>
          %gather3A_126 = tpu.vector_load_idx %arg8[%add3A_31, %broadcast_in_dim3A_125] : memref<640x32xf32, #tpu.memory_space<vmem>>[vector<16xi32>, vector<16xi32>], vector<16xf32>,
          tpu.vector_store_idx %arg10[%sub3A_27, %broadcast_in_dim3A_125], %gather3A_126 {add = true} : memref<2000x32xf32, #tpu.memory_space<vmem>>[vector<16xi32>, vector<16xi32>], vector<16xf32>,
        }
        %scan3A_22 = arith.constant 40 : i32
      }
      %scan3A_12 = arith.constant 50 : i32
      "tpu.region"() ({
        %run_scoped3A = tpu.sem_alloc : memref<!tpu.dma_semaphore, #tpu.memory_space<semaphore_mem>>
        %dma_start3A = arith.constant 0 : i32
        %dma_start3A_13 = tpu.memref_slice %arg6[%mul3A_5, %dma_start3A] : memref<50000x32xf32, #tpu.memory_space<hbm>> -> memref<2000x32xf32, #tpu.memory_space<hbm>>
        %dma_start3A_14 = arith.constant 0 : i32
        %dma_start3A_15 = tpu.memref_slice %arg6[%mul3A_5, %dma_start3A_14] : memref<50000x32xf32, #tpu.memory_space<hbm>> -> memref<2000x32xf32, #tpu.memory_space<hbm>>
        tpu.enqueue_dma source(%arg10 : memref<2000x32xf32, #tpu.memory_space<vmem>>) target(%dma_start3A_15 : memref<2000x32xf32, #tpu.memory_space<hbm>>) target_semaphore(%run_scoped3A : memref<!tpu.dma_semaphore, #tpu.memory_space<semaphore_mem>>)
        %dma_wait3A = arith.constant 0 : i32
        %dma_wait3A_16 = tpu.memref_slice %arg6[%mul3A_5, %dma_wait3A] : memref<50000x32xf32, #tpu.memory_space<hbm>> -> memref<2000x32xf32, #tpu.memory_space<hbm>>
        %dma_wait3A_17 = arith.constant 0 : i32
        %dma_wait3A_18 = tpu.memref_slice %arg6[%mul3A_5, %dma_wait3A_17] : memref<50000x32xf32, #tpu.memory_space<hbm>> -> memref<2000x32xf32, #tpu.memory_space<hbm>>
        tpu.wait_dma2 semaphore(%run_scoped3A : memref<!tpu.dma_semaphore, #tpu.memory_space<semaphore_mem>>) src(%arg10 : memref<2000x32xf32, #tpu.memory_space<vmem>>) dst(%dma_wait3A_18 : memref<2000x32xf32, #tpu.memory_space<hbm>>)
        tpu.yield
      }) : () -> ()
      "tpu.region"() ({
        %run_scoped3A = tpu.sem_alloc : memref<!tpu.dma_semaphore, #tpu.memory_space<semaphore_mem>>
        %dma_start3A = arith.constant 0 : i32
        %dma_start3A_13 = tpu.memref_slice %arg7[%mul3A_5, %dma_start3A] : memref<50000x16xf32, #tpu.memory_space<hbm>> -> memref<2000x16xf32, #tpu.memory_space<hbm>>
        %dma_start3A_14 = arith.constant 0 : i32
        %dma_start3A_15 = tpu.memref_slice %arg7[%mul3A_5, %dma_start3A_14] : memref<50000x16xf32, #tpu.memory_space<hbm>> -> memref<2000x16xf32, #tpu.memory_space<hbm>>
        tpu.enqueue_dma source(%arg11 : memref<2000x16xf32, #tpu.memory_space<vmem>>) target(%dma_start3A_15 : memref<2000x16xf32, #tpu.memory_space<hbm>>) target_semaphore(%run_scoped3A : memref<!tpu.dma_semaphore, #tpu.memory_space<semaphore_mem>>)
        %dma_wait3A = arith.constant 0 : i32
        %dma_wait3A_16 = tpu.memref_slice %arg7[%mul3A_5, %dma_wait3A] : memref<50000x16xf32, #tpu.memory_space<hbm>> -> memref<2000x16xf32, #tpu.memory_space<hbm>>
        %dma_wait3A_17 = arith.constant 0 : i32
        %dma_wait3A_18 = tpu.memref_slice %arg7[%mul3A_5, %dma_wait3A_17] : memref<50000x16xf32, #tpu.memory_space<hbm>> -> memref<2000x16xf32, #tpu.memory_space<hbm>>
        tpu.wait_dma2 semaphore(%run_scoped3A : memref<!tpu.dma_semaphore, #tpu.memory_space<semaphore_mem>>) src(%arg11 : memref<2000x16xf32, #tpu.memory_space<vmem>>) dst(%dma_wait3A_18 : memref<2000x16xf32, #tpu.memory_space<hbm>>)
        tpu.yield
      }) : () -> ()
    } else {
    }
    return
  }
}

#map = affine_map<(d0, d1) -> (0, 0)>
#map1 = affine_map<(d0, d1) -> (0, 0, 0)>
module attributes {stable_mosaic.version = 14 : i64} {
  func.func @k(%arg0: i32, %arg1: i32, %arg2: memref<50000x32xf32, #tpu.memory_space<hbm>>, %arg3: memref<32x196x128xi32, #tpu.memory_space<hbm>>, %arg4: memref<32x196x128xi32, #tpu.memory_space<hbm>>, %arg5: memref<800000x32xf32, #tpu.memory_space<hbm>>, %arg6: memref<800000x32xf32, #tpu.memory_space<hbm>>, %arg7: memref<196x128xi32, #tpu.memory_space<vmem>>, %arg8: memref<196x128xi32, #tpu.memory_space<vmem>>, %arg9: memref<128x32xf32, #tpu.memory_space<vmem>>, %arg10: memref<128x32xf32, #tpu.memory_space<vmem>>, %arg11: memref<128x32xf32, #tpu.memory_space<vmem>>, %arg12: memref<128x32xf32, #tpu.memory_space<vmem>>, %arg13: memref<!tpu.dma_semaphore, #tpu.memory_space<semaphore_mem>>, %arg14: memref<!tpu.dma_semaphore, #tpu.memory_space<semaphore_mem>>, %arg15: memref<!tpu.dma_semaphore, #tpu.memory_space<semaphore_mem>>, %arg16: memref<!tpu.dma_semaphore, #tpu.memory_space<semaphore_mem>>) attributes {dimension_semantics = [#tpu.dimension_semantics<core_parallel>, #tpu.dimension_semantics<subcore_parallel>], iteration_bounds = array<i64: 2, 16>, scalar_prefetch = 0 : i64, scratch_operands = 10 : i64, tpu.core_type = #tpu.core_type<sc_vector_subcore>, window_params = [{transform_indices = #map}, {transform_indices = #map1}, {transform_indices = #map1}, {transform_indices = #map}, {transform_indices = #map}]} {
    %mul3A = arith.constant 2 : i32
    %mul3A_0 = arith.muli %arg1, %mul3A : i32
    %add3A = arith.addi %mul3A_0, %arg0 : i32
    %mul3A_1 = arith.constant 25000 : i32
    %mul3A_2 = arith.muli %add3A, %mul3A_1 : i32
    "tpu.region"() ({
      %run_scoped3A = tpu.sem_alloc : memref<!tpu.dma_semaphore, #tpu.memory_space<semaphore_mem>>
      %dma_start3A_31 = arith.constant 0 : i32
      %dma_start3A_32 = arith.constant 0 : i32
      %dma_start3A_33 = tpu.memref_slice %arg3[%add3A, %dma_start3A_31, %dma_start3A_32] : memref<32x196x128xi32, #tpu.memory_space<hbm>> -> memref<1x196x128xi32, #tpu.memory_space<hbm>>
      %dma_start3A_34 = tpu.memref_squeeze %dma_start3A_33 : memref<1x196x128xi32, #tpu.memory_space<hbm>> -> memref<196x128xi32, #tpu.memory_space<hbm>>
      %dma_start3A_35 = arith.constant 0 : i32
      %dma_start3A_36 = arith.constant 0 : i32
      %dma_start3A_37 = tpu.memref_slice %arg3[%add3A, %dma_start3A_35, %dma_start3A_36] : memref<32x196x128xi32, #tpu.memory_space<hbm>> -> memref<1x196x128xi32, #tpu.memory_space<hbm>>
      %dma_start3A_38 = tpu.memref_squeeze %dma_start3A_37 : memref<1x196x128xi32, #tpu.memory_space<hbm>> -> memref<196x128xi32, #tpu.memory_space<hbm>>
      tpu.enqueue_dma source(%dma_start3A_38 : memref<196x128xi32, #tpu.memory_space<hbm>>) target(%arg7 : memref<196x128xi32, #tpu.memory_space<vmem>>) target_semaphore(%run_scoped3A : memref<!tpu.dma_semaphore, #tpu.memory_space<semaphore_mem>>)
      %dma_wait3A_39 = arith.constant 0 : i32
      %dma_wait3A_40 = arith.constant 0 : i32
      %dma_wait3A_41 = tpu.memref_slice %arg3[%add3A, %dma_wait3A_39, %dma_wait3A_40] : memref<32x196x128xi32, #tpu.memory_space<hbm>> -> memref<1x196x128xi32, #tpu.memory_space<hbm>>
      %dma_wait3A_42 = tpu.memref_squeeze %dma_wait3A_41 : memref<1x196x128xi32, #tpu.memory_space<hbm>> -> memref<196x128xi32, #tpu.memory_space<hbm>>
      %dma_wait3A_43 = arith.constant 0 : i32
      %dma_wait3A_44 = arith.constant 0 : i32
      %dma_wait3A_45 = tpu.memref_slice %arg3[%add3A, %dma_wait3A_43, %dma_wait3A_44] : memref<32x196x128xi32, #tpu.memory_space<hbm>> -> memref<1x196x128xi32, #tpu.memory_space<hbm>>
      %dma_wait3A_46 = tpu.memref_squeeze %dma_wait3A_45 : memref<1x196x128xi32, #tpu.memory_space<hbm>> -> memref<196x128xi32, #tpu.memory_space<hbm>>
      tpu.wait_dma2 semaphore(%run_scoped3A : memref<!tpu.dma_semaphore, #tpu.memory_space<semaphore_mem>>) src(%dma_wait3A_46 : memref<196x128xi32, #tpu.memory_space<hbm>>) dst(%arg7 : memref<196x128xi32, #tpu.memory_space<vmem>>)
      tpu.yield
    }) : () -> ()
    "tpu.region"() ({
      %run_scoped3A = tpu.sem_alloc : memref<!tpu.dma_semaphore, #tpu.memory_space<semaphore_mem>>
      %dma_start3A_31 = arith.constant 0 : i32
      %dma_start3A_32 = arith.constant 0 : i32
      %dma_start3A_33 = tpu.memref_slice %arg4[%add3A, %dma_start3A_31, %dma_start3A_32] : memref<32x196x128xi32, #tpu.memory_space<hbm>> -> memref<1x196x128xi32, #tpu.memory_space<hbm>>
      %dma_start3A_34 = tpu.memref_squeeze %dma_start3A_33 : memref<1x196x128xi32, #tpu.memory_space<hbm>> -> memref<196x128xi32, #tpu.memory_space<hbm>>
      %dma_start3A_35 = arith.constant 0 : i32
      %dma_start3A_36 = arith.constant 0 : i32
      %dma_start3A_37 = tpu.memref_slice %arg4[%add3A, %dma_start3A_35, %dma_start3A_36] : memref<32x196x128xi32, #tpu.memory_space<hbm>> -> memref<1x196x128xi32, #tpu.memory_space<hbm>>
      %dma_start3A_38 = tpu.memref_squeeze %dma_start3A_37 : memref<1x196x128xi32, #tpu.memory_space<hbm>> -> memref<196x128xi32, #tpu.memory_space<hbm>>
      tpu.enqueue_dma source(%dma_start3A_38 : memref<196x128xi32, #tpu.memory_space<hbm>>) target(%arg8 : memref<196x128xi32, #tpu.memory_space<vmem>>) target_semaphore(%run_scoped3A : memref<!tpu.dma_semaphore, #tpu.memory_space<semaphore_mem>>)
      %dma_wait3A_39 = arith.constant 0 : i32
      %dma_wait3A_40 = arith.constant 0 : i32
      %dma_wait3A_41 = tpu.memref_slice %arg4[%add3A, %dma_wait3A_39, %dma_wait3A_40] : memref<32x196x128xi32, #tpu.memory_space<hbm>> -> memref<1x196x128xi32, #tpu.memory_space<hbm>>
      %dma_wait3A_42 = tpu.memref_squeeze %dma_wait3A_41 : memref<1x196x128xi32, #tpu.memory_space<hbm>> -> memref<196x128xi32, #tpu.memory_space<hbm>>
      %dma_wait3A_43 = arith.constant 0 : i32
      %dma_wait3A_44 = arith.constant 0 : i32
      %dma_wait3A_45 = tpu.memref_slice %arg4[%add3A, %dma_wait3A_43, %dma_wait3A_44] : memref<32x196x128xi32, #tpu.memory_space<hbm>> -> memref<1x196x128xi32, #tpu.memory_space<hbm>>
      %dma_wait3A_46 = tpu.memref_squeeze %dma_wait3A_45 : memref<1x196x128xi32, #tpu.memory_space<hbm>> -> memref<196x128xi32, #tpu.memory_space<hbm>>
      tpu.wait_dma2 semaphore(%run_scoped3A : memref<!tpu.dma_semaphore, #tpu.memory_space<semaphore_mem>>) src(%dma_wait3A_46 : memref<196x128xi32, #tpu.memory_space<hbm>>) dst(%arg8 : memref<196x128xi32, #tpu.memory_space<vmem>>)
      tpu.yield
    }) : () -> ()
    %dma_start3A = arith.constant 0 : i32
    %dma_start3A_3 = arith.constant 0 : i32
    %dma_start3A_4 = tpu.memref_slice %arg7[%dma_start3A, %dma_start3A_3] : memref<196x128xi32, #tpu.memory_space<vmem>> -> memref<1x128xi32, #tpu.memory_space<vmem>>
    %dma_start3A_5 = tpu.memref_squeeze %dma_start3A_4 : memref<1x128xi32, #tpu.memory_space<vmem>> -> memref<128xi32, #tpu.memory_space<vmem>>
    %dma_start3A_6 = arith.constant 0 : i32
    %dma_start3A_7 = arith.constant 0 : i32
    %dma_start3A_8 = tpu.memref_slice %arg2[%dma_start3A_6, %dma_start3A_7] : memref<50000x32xf32, #tpu.memory_space<hbm>> -> memref<50000x32xf32, #tpu.memory_space<hbm>>
    tpu.enqueue_indirect_dma source(%dma_start3A_8 : memref<50000x32xf32, #tpu.memory_space<hbm>>) target(%arg9 : memref<128x32xf32, #tpu.memory_space<vmem>>) offsets(%dma_start3A_5 : memref<128xi32, #tpu.memory_space<vmem>>) semaphore(%arg13 : memref<!tpu.dma_semaphore, #tpu.memory_space<semaphore_mem>>)
    %dma_start3A_9 = arith.constant 0 : i32
    %dma_start3A_10 = arith.constant 0 : i32
    %dma_start3A_11 = tpu.memref_slice %arg8[%dma_start3A_9, %dma_start3A_10] : memref<196x128xi32, #tpu.memory_space<vmem>> -> memref<1x128xi32, #tpu.memory_space<vmem>>
    %dma_start3A_12 = tpu.memref_squeeze %dma_start3A_11 : memref<1x128xi32, #tpu.memory_space<vmem>> -> memref<128xi32, #tpu.memory_space<vmem>>
    %dma_start3A_13 = arith.constant 0 : i32
    %dma_start3A_14 = arith.constant 0 : i32
    %dma_start3A_15 = tpu.memref_slice %arg2[%dma_start3A_13, %dma_start3A_14] : memref<50000x32xf32, #tpu.memory_space<hbm>> -> memref<50000x32xf32, #tpu.memory_space<hbm>>
    tpu.enqueue_indirect_dma source(%dma_start3A_15 : memref<50000x32xf32, #tpu.memory_space<hbm>>) target(%arg10 : memref<128x32xf32, #tpu.memory_space<vmem>>) offsets(%dma_start3A_12 : memref<128xi32, #tpu.memory_space<vmem>>) semaphore(%arg14 : memref<!tpu.dma_semaphore, #tpu.memory_space<semaphore_mem>>)
    %scan3A = arith.constant 0 : i32
    %scan3A_16 = arith.constant 0 : i32
    %scan3A_17 = arith.constant 98 : i32
    %scan3A_18 = arith.addi %scan3A_16, %scan3A_17 : i32
    %scan3A_19 = arith.constant 1 : i32
    scf.for %scan3A_31 = %scan3A_16 to %scan3A_18 step %scan3A_19  : i32 {
      %mul3A_32 = arith.constant 2 : i32
      %mul3A_33 = arith.muli %mul3A_32, %scan3A_31 : i32
      %add3A_34 = arith.constant 1 : i32
      %add3A_35 = arith.addi %mul3A_33, %add3A_34 : i32
      %min3A_36 = arith.constant 195 : i32
      %min3A_37 = arith.minsi %add3A_35, %min3A_36 : i32
      %dma_start3A_38 = arith.constant 0 : i32
      %dma_start3A_39 = tpu.memref_slice %arg7[%min3A_37, %dma_start3A_38] : memref<196x128xi32, #tpu.memory_space<vmem>> -> memref<1x128xi32, #tpu.memory_space<vmem>>
      %dma_start3A_40 = tpu.memref_squeeze %dma_start3A_39 : memref<1x128xi32, #tpu.memory_space<vmem>> -> memref<128xi32, #tpu.memory_space<vmem>>
      %dma_start3A_41 = arith.constant 0 : i32
      %dma_start3A_42 = arith.constant 0 : i32
      %dma_start3A_43 = tpu.memref_slice %arg2[%dma_start3A_41, %dma_start3A_42] : memref<50000x32xf32, #tpu.memory_space<hbm>> -> memref<50000x32xf32, #tpu.memory_space<hbm>>
      tpu.enqueue_indirect_dma source(%dma_start3A_43 : memref<50000x32xf32, #tpu.memory_space<hbm>>) target(%arg11 : memref<128x32xf32, #tpu.memory_space<vmem>>) offsets(%dma_start3A_40 : memref<128xi32, #tpu.memory_space<vmem>>) semaphore(%arg15 : memref<!tpu.dma_semaphore, #tpu.memory_space<semaphore_mem>>)
      %dma_start3A_44 = arith.constant 0 : i32
      %dma_start3A_45 = tpu.memref_slice %arg8[%min3A_37, %dma_start3A_44] : memref<196x128xi32, #tpu.memory_space<vmem>> -> memref<1x128xi32, #tpu.memory_space<vmem>>
      %dma_start3A_46 = tpu.memref_squeeze %dma_start3A_45 : memref<1x128xi32, #tpu.memory_space<vmem>> -> memref<128xi32, #tpu.memory_space<vmem>>
      %dma_start3A_47 = arith.constant 0 : i32
      %dma_start3A_48 = arith.constant 0 : i32
      %dma_start3A_49 = tpu.memref_slice %arg2[%dma_start3A_47, %dma_start3A_48] : memref<50000x32xf32, #tpu.memory_space<hbm>> -> memref<50000x32xf32, #tpu.memory_space<hbm>>
      tpu.enqueue_indirect_dma source(%dma_start3A_49 : memref<50000x32xf32, #tpu.memory_space<hbm>>) target(%arg12 : memref<128x32xf32, #tpu.memory_space<vmem>>) offsets(%dma_start3A_46 : memref<128xi32, #tpu.memory_space<vmem>>) semaphore(%arg16 : memref<!tpu.dma_semaphore, #tpu.memory_space<semaphore_mem>>)
      %mul3A_50 = arith.constant 128 : i32
      %mul3A_51 = arith.muli %mul3A_33, %mul3A_50 : i32
      %min3A_52 = arith.constant 24872 : i32
      %min3A_53 = arith.minsi %mul3A_51, %min3A_52 : i32
      %add3A_54 = arith.addi %mul3A_2, %min3A_53 : i32
      %dma_wait3A_55 = arith.constant 0 : i32
      %dma_wait3A_56 = tpu.memref_slice %arg5[%add3A_54, %dma_wait3A_55] : memref<800000x32xf32, #tpu.memory_space<hbm>> -> memref<128x32xf32, #tpu.memory_space<hbm>>
      %dma_wait3A_57 = arith.constant 0 : i32
      %dma_wait3A_58 = tpu.memref_slice %arg5[%add3A_54, %dma_wait3A_57] : memref<800000x32xf32, #tpu.memory_space<hbm>> -> memref<128x32xf32, #tpu.memory_space<hbm>>
      tpu.wait_dma2 semaphore(%arg13 : memref<!tpu.dma_semaphore, #tpu.memory_space<semaphore_mem>>) src(%dma_wait3A_58 : memref<128x32xf32, #tpu.memory_space<hbm>>) dst(%arg9 : memref<128x32xf32, #tpu.memory_space<vmem>>)
      %dma_wait3A_59 = arith.constant 0 : i32
      %dma_wait3A_60 = tpu.memref_slice %arg6[%add3A_54, %dma_wait3A_59] : memref<800000x32xf32, #tpu.memory_space<hbm>> -> memref<128x32xf32, #tpu.memory_space<hbm>>
      %dma_wait3A_61 = arith.constant 0 : i32
      %dma_wait3A_62 = tpu.memref_slice %arg6[%add3A_54, %dma_wait3A_61] : memref<800000x32xf32, #tpu.memory_space<hbm>> -> memref<128x32xf32, #tpu.memory_space<hbm>>
      tpu.wait_dma2 semaphore(%arg14 : memref<!tpu.dma_semaphore, #tpu.memory_space<semaphore_mem>>) src(%dma_wait3A_62 : memref<128x32xf32, #tpu.memory_space<hbm>>) dst(%arg10 : memref<128x32xf32, #tpu.memory_space<vmem>>)
      "tpu.region"() ({
        %run_scoped3A = tpu.sem_alloc : memref<!tpu.dma_semaphore, #tpu.memory_space<semaphore_mem>>
        %dma_start3A_96 = arith.constant 0 : i32
        %dma_start3A_97 = tpu.memref_slice %arg5[%add3A_54, %dma_start3A_96] : memref<800000x32xf32, #tpu.memory_space<hbm>> -> memref<128x32xf32, #tpu.memory_space<hbm>>
        %dma_start3A_98 = arith.constant 0 : i32
        %dma_start3A_99 = tpu.memref_slice %arg5[%add3A_54, %dma_start3A_98] : memref<800000x32xf32, #tpu.memory_space<hbm>> -> memref<128x32xf32, #tpu.memory_space<hbm>>
        tpu.enqueue_dma source(%arg9 : memref<128x32xf32, #tpu.memory_space<vmem>>) target(%dma_start3A_99 : memref<128x32xf32, #tpu.memory_space<hbm>>) target_semaphore(%run_scoped3A : memref<!tpu.dma_semaphore, #tpu.memory_space<semaphore_mem>>)
        %dma_wait3A_100 = arith.constant 0 : i32
        %dma_wait3A_101 = tpu.memref_slice %arg5[%add3A_54, %dma_wait3A_100] : memref<800000x32xf32, #tpu.memory_space<hbm>> -> memref<128x32xf32, #tpu.memory_space<hbm>>
        %dma_wait3A_102 = arith.constant 0 : i32
        %dma_wait3A_103 = tpu.memref_slice %arg5[%add3A_54, %dma_wait3A_102] : memref<800000x32xf32, #tpu.memory_space<hbm>> -> memref<128x32xf32, #tpu.memory_space<hbm>>
        tpu.wait_dma2 semaphore(%run_scoped3A : memref<!tpu.dma_semaphore, #tpu.memory_space<semaphore_mem>>) src(%arg9 : memref<128x32xf32, #tpu.memory_space<vmem>>) dst(%dma_wait3A_103 : memref<128x32xf32, #tpu.memory_space<hbm>>)
        tpu.yield
      }) : () -> ()
      "tpu.region"() ({
        %run_scoped3A = tpu.sem_alloc : memref<!tpu.dma_semaphore, #tpu.memory_space<semaphore_mem>>
        %dma_start3A_96 = arith.constant 0 : i32
        %dma_start3A_97 = tpu.memref_slice %arg6[%add3A_54, %dma_start3A_96] : memref<800000x32xf32, #tpu.memory_space<hbm>> -> memref<128x32xf32, #tpu.memory_space<hbm>>
        %dma_start3A_98 = arith.constant 0 : i32
        %dma_start3A_99 = tpu.memref_slice %arg6[%add3A_54, %dma_start3A_98] : memref<800000x32xf32, #tpu.memory_space<hbm>> -> memref<128x32xf32, #tpu.memory_space<hbm>>
        tpu.enqueue_dma source(%arg10 : memref<128x32xf32, #tpu.memory_space<vmem>>) target(%dma_start3A_99 : memref<128x32xf32, #tpu.memory_space<hbm>>) target_semaphore(%run_scoped3A : memref<!tpu.dma_semaphore, #tpu.memory_space<semaphore_mem>>)
        %dma_wait3A_100 = arith.constant 0 : i32
        %dma_wait3A_101 = tpu.memref_slice %arg6[%add3A_54, %dma_wait3A_100] : memref<800000x32xf32, #tpu.memory_space<hbm>> -> memref<128x32xf32, #tpu.memory_space<hbm>>
        %dma_wait3A_102 = arith.constant 0 : i32
        %dma_wait3A_103 = tpu.memref_slice %arg6[%add3A_54, %dma_wait3A_102] : memref<800000x32xf32, #tpu.memory_space<hbm>> -> memref<128x32xf32, #tpu.memory_space<hbm>>
        tpu.wait_dma2 semaphore(%run_scoped3A : memref<!tpu.dma_semaphore, #tpu.memory_space<semaphore_mem>>) src(%arg10 : memref<128x32xf32, #tpu.memory_space<vmem>>) dst(%dma_wait3A_103 : memref<128x32xf32, #tpu.memory_space<hbm>>)
        tpu.yield
      }) : () -> ()
      %add3A_63 = arith.constant 2 : i32
      %add3A_64 = arith.addi %mul3A_33, %add3A_63 : i32
      %min3A_65 = arith.constant 195 : i32
      %min3A_66 = arith.minsi %add3A_64, %min3A_65 : i32
      %dma_start3A_67 = arith.constant 0 : i32
      %dma_start3A_68 = tpu.memref_slice %arg7[%min3A_66, %dma_start3A_67] : memref<196x128xi32, #tpu.memory_space<vmem>> -> memref<1x128xi32, #tpu.memory_space<vmem>>
      %dma_start3A_69 = tpu.memref_squeeze %dma_start3A_68 : memref<1x128xi32, #tpu.memory_space<vmem>> -> memref<128xi32, #tpu.memory_space<vmem>>
      %dma_start3A_70 = arith.constant 0 : i32
      %dma_start3A_71 = arith.constant 0 : i32
      %dma_start3A_72 = tpu.memref_slice %arg2[%dma_start3A_70, %dma_start3A_71] : memref<50000x32xf32, #tpu.memory_space<hbm>> -> memref<50000x32xf32, #tpu.memory_space<hbm>>
      tpu.enqueue_indirect_dma source(%dma_start3A_72 : memref<50000x32xf32, #tpu.memory_space<hbm>>) target(%arg9 : memref<128x32xf32, #tpu.memory_space<vmem>>) offsets(%dma_start3A_69 : memref<128xi32, #tpu.memory_space<vmem>>) semaphore(%arg13 : memref<!tpu.dma_semaphore, #tpu.memory_space<semaphore_mem>>)
      %dma_start3A_73 = arith.constant 0 : i32
      %dma_start3A_74 = tpu.memref_slice %arg8[%min3A_66, %dma_start3A_73] : memref<196x128xi32, #tpu.memory_space<vmem>> -> memref<1x128xi32, #tpu.memory_space<vmem>>
      %dma_start3A_75 = tpu.memref_squeeze %dma_start3A_74 : memref<1x128xi32, #tpu.memory_space<vmem>> -> memref<128xi32, #tpu.memory_space<vmem>>
      %dma_start3A_76 = arith.constant 0 : i32
      %dma_start3A_77 = arith.constant 0 : i32
      %dma_start3A_78 = tpu.memref_slice %arg2[%dma_start3A_76, %dma_start3A_77] : memref<50000x32xf32, #tpu.memory_space<hbm>> -> memref<50000x32xf32, #tpu.memory_space<hbm>>
      tpu.enqueue_indirect_dma source(%dma_start3A_78 : memref<50000x32xf32, #tpu.memory_space<hbm>>) target(%arg10 : memref<128x32xf32, #tpu.memory_space<vmem>>) offsets(%dma_start3A_75 : memref<128xi32, #tpu.memory_space<vmem>>) semaphore(%arg14 : memref<!tpu.dma_semaphore, #tpu.memory_space<semaphore_mem>>)
      %add3A_79 = arith.constant 1 : i32
      %add3A_80 = arith.addi %mul3A_33, %add3A_79 : i32
      %min3A_81 = arith.constant 195 : i32
      %min3A_82 = arith.minsi %add3A_80, %min3A_81 : i32
      %mul3A_83 = arith.constant 128 : i32
      %mul3A_84 = arith.muli %min3A_82, %mul3A_83 : i32
      %min3A_85 = arith.constant 24872 : i32
      %min3A_86 = arith.minsi %mul3A_84, %min3A_85 : i32
      %add3A_87 = arith.addi %mul3A_2, %min3A_86 : i32
      %dma_wait3A_88 = arith.constant 0 : i32
      %dma_wait3A_89 = tpu.memref_slice %arg5[%add3A_87, %dma_wait3A_88] : memref<800000x32xf32, #tpu.memory_space<hbm>> -> memref<128x32xf32, #tpu.memory_space<hbm>>
      %dma_wait3A_90 = arith.constant 0 : i32
      %dma_wait3A_91 = tpu.memref_slice %arg5[%add3A_87, %dma_wait3A_90] : memref<800000x32xf32, #tpu.memory_space<hbm>> -> memref<128x32xf32, #tpu.memory_space<hbm>>
      tpu.wait_dma2 semaphore(%arg15 : memref<!tpu.dma_semaphore, #tpu.memory_space<semaphore_mem>>) src(%dma_wait3A_91 : memref<128x32xf32, #tpu.memory_space<hbm>>) dst(%arg11 : memref<128x32xf32, #tpu.memory_space<vmem>>)
      %dma_wait3A_92 = arith.constant 0 : i32
      %dma_wait3A_93 = tpu.memref_slice %arg6[%add3A_87, %dma_wait3A_92] : memref<800000x32xf32, #tpu.memory_space<hbm>> -> memref<128x32xf32, #tpu.memory_space<hbm>>
      %dma_wait3A_94 = arith.constant 0 : i32
      %dma_wait3A_95 = tpu.memref_slice %arg6[%add3A_87, %dma_wait3A_94] : memref<800000x32xf32, #tpu.memory_space<hbm>> -> memref<128x32xf32, #tpu.memory_space<hbm>>
      tpu.wait_dma2 semaphore(%arg16 : memref<!tpu.dma_semaphore, #tpu.memory_space<semaphore_mem>>) src(%dma_wait3A_95 : memref<128x32xf32, #tpu.memory_space<hbm>>) dst(%arg12 : memref<128x32xf32, #tpu.memory_space<vmem>>)
      "tpu.region"() ({
        %run_scoped3A = tpu.sem_alloc : memref<!tpu.dma_semaphore, #tpu.memory_space<semaphore_mem>>
        %dma_start3A_96 = arith.constant 0 : i32
        %dma_start3A_97 = tpu.memref_slice %arg5[%add3A_87, %dma_start3A_96] : memref<800000x32xf32, #tpu.memory_space<hbm>> -> memref<128x32xf32, #tpu.memory_space<hbm>>
        %dma_start3A_98 = arith.constant 0 : i32
        %dma_start3A_99 = tpu.memref_slice %arg5[%add3A_87, %dma_start3A_98] : memref<800000x32xf32, #tpu.memory_space<hbm>> -> memref<128x32xf32, #tpu.memory_space<hbm>>
        tpu.enqueue_dma source(%arg11 : memref<128x32xf32, #tpu.memory_space<vmem>>) target(%dma_start3A_99 : memref<128x32xf32, #tpu.memory_space<hbm>>) target_semaphore(%run_scoped3A : memref<!tpu.dma_semaphore, #tpu.memory_space<semaphore_mem>>)
        %dma_wait3A_100 = arith.constant 0 : i32
        %dma_wait3A_101 = tpu.memref_slice %arg5[%add3A_87, %dma_wait3A_100] : memref<800000x32xf32, #tpu.memory_space<hbm>> -> memref<128x32xf32, #tpu.memory_space<hbm>>
        %dma_wait3A_102 = arith.constant 0 : i32
        %dma_wait3A_103 = tpu.memref_slice %arg5[%add3A_87, %dma_wait3A_102] : memref<800000x32xf32, #tpu.memory_space<hbm>> -> memref<128x32xf32, #tpu.memory_space<hbm>>
        tpu.wait_dma2 semaphore(%run_scoped3A : memref<!tpu.dma_semaphore, #tpu.memory_space<semaphore_mem>>) src(%arg11 : memref<128x32xf32, #tpu.memory_space<vmem>>) dst(%dma_wait3A_103 : memref<128x32xf32, #tpu.memory_space<hbm>>)
        tpu.yield
      }) : () -> ()
      "tpu.region"() ({
        %run_scoped3A = tpu.sem_alloc : memref<!tpu.dma_semaphore, #tpu.memory_space<semaphore_mem>>
        %dma_start3A_96 = arith.constant 0 : i32
        %dma_start3A_97 = tpu.memref_slice %arg6[%add3A_87, %dma_start3A_96] : memref<800000x32xf32, #tpu.memory_space<hbm>> -> memref<128x32xf32, #tpu.memory_space<hbm>>
        %dma_start3A_98 = arith.constant 0 : i32
        %dma_start3A_99 = tpu.memref_slice %arg6[%add3A_87, %dma_start3A_98] : memref<800000x32xf32, #tpu.memory_space<hbm>> -> memref<128x32xf32, #tpu.memory_space<hbm>>
        tpu.enqueue_dma source(%arg12 : memref<128x32xf32, #tpu.memory_space<vmem>>) target(%dma_start3A_99 : memref<128x32xf32, #tpu.memory_space<hbm>>) target_semaphore(%run_scoped3A : memref<!tpu.dma_semaphore, #tpu.memory_space<semaphore_mem>>)
        %dma_wait3A_100 = arith.constant 0 : i32
        %dma_wait3A_101 = tpu.memref_slice %arg6[%add3A_87, %dma_wait3A_100] : memref<800000x32xf32, #tpu.memory_space<hbm>> -> memref<128x32xf32, #tpu.memory_space<hbm>>
        %dma_wait3A_102 = arith.constant 0 : i32
        %dma_wait3A_103 = tpu.memref_slice %arg6[%add3A_87, %dma_wait3A_102] : memref<800000x32xf32, #tpu.memory_space<hbm>> -> memref<128x32xf32, #tpu.memory_space<hbm>>
        tpu.wait_dma2 semaphore(%run_scoped3A : memref<!tpu.dma_semaphore, #tpu.memory_space<semaphore_mem>>) src(%arg12 : memref<128x32xf32, #tpu.memory_space<vmem>>) dst(%dma_wait3A_103 : memref<128x32xf32, #tpu.memory_space<hbm>>)
        tpu.yield
      }) : () -> ()
    }
    %scan3A_20 = arith.constant 98 : i32
    %min3A = arith.constant 24960 : i32
    %min3A_21 = arith.constant 24872 : i32
    %min3A_22 = arith.minsi %min3A, %min3A_21 : i32
    %add3A_23 = arith.addi %mul3A_2, %min3A_22 : i32
    %dma_wait3A = arith.constant 0 : i32
    %dma_wait3A_24 = tpu.memref_slice %arg5[%add3A_23, %dma_wait3A] : memref<800000x32xf32, #tpu.memory_space<hbm>> -> memref<128x32xf32, #tpu.memory_space<hbm>>
    %dma_wait3A_25 = arith.constant 0 : i32
    %dma_wait3A_26 = tpu.memref_slice %arg5[%add3A_23, %dma_wait3A_25] : memref<800000x32xf32, #tpu.memory_space<hbm>> -> memref<128x32xf32, #tpu.memory_space<hbm>>
    tpu.wait_dma2 semaphore(%arg13 : memref<!tpu.dma_semaphore, #tpu.memory_space<semaphore_mem>>) src(%dma_wait3A_26 : memref<128x32xf32, #tpu.memory_space<hbm>>) dst(%arg9 : memref<128x32xf32, #tpu.memory_space<vmem>>)
    %dma_wait3A_27 = arith.constant 0 : i32
    %dma_wait3A_28 = tpu.memref_slice %arg6[%add3A_23, %dma_wait3A_27] : memref<800000x32xf32, #tpu.memory_space<hbm>> -> memref<128x32xf32, #tpu.memory_space<hbm>>
    %dma_wait3A_29 = arith.constant 0 : i32
    %dma_wait3A_30 = tpu.memref_slice %arg6[%add3A_23, %dma_wait3A_29] : memref<800000x32xf32, #tpu.memory_space<hbm>> -> memref<128x32xf32, #tpu.memory_space<hbm>>
    tpu.wait_dma2 semaphore(%arg14 : memref<!tpu.dma_semaphore, #tpu.memory_space<semaphore_mem>>) src(%dma_wait3A_30 : memref<128x32xf32, #tpu.memory_space<hbm>>) dst(%arg10 : memref<128x32xf32, #tpu.memory_space<vmem>>)
    "tpu.region"() ({
      %run_scoped3A = tpu.sem_alloc : memref<!tpu.dma_semaphore, #tpu.memory_space<semaphore_mem>>
      %dma_start3A_31 = arith.constant 0 : i32
      %dma_start3A_32 = tpu.memref_slice %arg5[%add3A_23, %dma_start3A_31] : memref<800000x32xf32, #tpu.memory_space<hbm>> -> memref<128x32xf32, #tpu.memory_space<hbm>>
      %dma_start3A_33 = arith.constant 0 : i32
      %dma_start3A_34 = tpu.memref_slice %arg5[%add3A_23, %dma_start3A_33] : memref<800000x32xf32, #tpu.memory_space<hbm>> -> memref<128x32xf32, #tpu.memory_space<hbm>>
      tpu.enqueue_dma source(%arg9 : memref<128x32xf32, #tpu.memory_space<vmem>>) target(%dma_start3A_34 : memref<128x32xf32, #tpu.memory_space<hbm>>) target_semaphore(%run_scoped3A : memref<!tpu.dma_semaphore, #tpu.memory_space<semaphore_mem>>)
      %dma_wait3A_35 = arith.constant 0 : i32
      %dma_wait3A_36 = tpu.memref_slice %arg5[%add3A_23, %dma_wait3A_35] : memref<800000x32xf32, #tpu.memory_space<hbm>> -> memref<128x32xf32, #tpu.memory_space<hbm>>
      %dma_wait3A_37 = arith.constant 0 : i32
      %dma_wait3A_38 = tpu.memref_slice %arg5[%add3A_23, %dma_wait3A_37] : memref<800000x32xf32, #tpu.memory_space<hbm>> -> memref<128x32xf32, #tpu.memory_space<hbm>>
      tpu.wait_dma2 semaphore(%run_scoped3A : memref<!tpu.dma_semaphore, #tpu.memory_space<semaphore_mem>>) src(%arg9 : memref<128x32xf32, #tpu.memory_space<vmem>>) dst(%dma_wait3A_38 : memref<128x32xf32, #tpu.memory_space<hbm>>)
      tpu.yield
    }) : () -> ()
    "tpu.region"() ({
      %run_scoped3A = tpu.sem_alloc : memref<!tpu.dma_semaphore, #tpu.memory_space<semaphore_mem>>
      %dma_start3A_31 = arith.constant 0 : i32
      %dma_start3A_32 = tpu.memref_slice %arg6[%add3A_23, %dma_start3A_31] : memref<800000x32xf32, #tpu.memory_space<hbm>> -> memref<128x32xf32, #tpu.memory_space<hbm>>
      %dma_start3A_33 = arith.constant 0 : i32
      %dma_start3A_34 = tpu.memref_slice %arg6[%add3A_23, %dma_start3A_33] : memref<800000x32xf32, #tpu.memory_space<hbm>> -> memref<128x32xf32, #tpu.memory_space<hbm>>
      tpu.enqueue_dma source(%arg10 : memref<128x32xf32, #tpu.memory_space<vmem>>) target(%dma_start3A_34 : memref<128x32xf32, #tpu.memory_space<hbm>>) target_semaphore(%run_scoped3A : memref<!tpu.dma_semaphore, #tpu.memory_space<semaphore_mem>>)
      %dma_wait3A_35 = arith.constant 0 : i32
      %dma_wait3A_36 = tpu.memref_slice %arg6[%add3A_23, %dma_wait3A_35] : memref<800000x32xf32, #tpu.memory_space<hbm>> -> memref<128x32xf32, #tpu.memory_space<hbm>>
      %dma_wait3A_37 = arith.constant 0 : i32
      %dma_wait3A_38 = tpu.memref_slice %arg6[%add3A_23, %dma_wait3A_37] : memref<800000x32xf32, #tpu.memory_space<hbm>> -> memref<128x32xf32, #tpu.memory_space<hbm>>
      tpu.wait_dma2 semaphore(%run_scoped3A : memref<!tpu.dma_semaphore, #tpu.memory_space<semaphore_mem>>) src(%arg10 : memref<128x32xf32, #tpu.memory_space<vmem>>) dst(%dma_wait3A_38 : memref<128x32xf32, #tpu.memory_space<hbm>>)
      tpu.yield
    }) : () -> ()
    return
  }
}

#map = affine_map<(d0, d1) -> (0, 0)>
#map1 = affine_map<(d0, d1) -> (0)>
module attributes {stable_mosaic.version = 14 : i64} {
  func.func @k(%arg0: i32, %arg1: i32, %arg2: memref<800000x32xf32, #tpu.memory_space<hbm>>, %arg3: memref<800000xi32, #tpu.memory_space<hbm>>, %arg4: memref<2000x32xf32, #tpu.memory_space<hbm>>, %arg5: memref<2000x16xf32, #tpu.memory_space<hbm>>, %arg6: memref<50000x32xf32, #tpu.memory_space<hbm>>, %arg7: memref<50000x16xf32, #tpu.memory_space<hbm>>, %arg8: memref<640x32xf32, #tpu.memory_space<vmem>>, %arg9: memref<640xi32, #tpu.memory_space<vmem>>, %arg10: memref<2000x32xf32, #tpu.memory_space<vmem>>, %arg11: memref<2000x16xf32, #tpu.memory_space<vmem>>) attributes {dimension_semantics = [#tpu.dimension_semantics<core_parallel>, #tpu.dimension_semantics<subcore_parallel>], iteration_bounds = array<i64: 2, 16>, scalar_prefetch = 0 : i64, scratch_operands = 4 : i64, tpu.core_type = #tpu.core_type<sc_vector_subcore>, window_params = [{transform_indices = #map}, {transform_indices = #map1}, {transform_indices = #map}, {transform_indices = #map}, {transform_indices = #map}, {transform_indices = #map}]} {
    %mul3A = arith.constant 2 : i32
    %mul3A_0 = arith.muli %arg1, %mul3A : i32
    %add3A = arith.addi %mul3A_0, %arg0 : i32
    %lt3A = arith.constant 25 : i32
    %lt3A_1 = arith.cmpi slt, %add3A, %lt3A : i32
    %convert_element_type3A = arith.extui %lt3A_1 : i1 to i32
    %cond3A = arith.constant 0 : i32
    %cond3A_2 = arith.cmpi ne, %convert_element_type3A, %cond3A : i32
    scf.if %cond3A_2 {
      "tpu.region"() ({
        %run_scoped3A = tpu.sem_alloc : memref<!tpu.dma_semaphore, #tpu.memory_space<semaphore_mem>>
        tpu.enqueue_dma source(%arg4 : memref<2000x32xf32, #tpu.memory_space<hbm>>) target(%arg10 : memref<2000x32xf32, #tpu.memory_space<vmem>>) target_semaphore(%run_scoped3A : memref<!tpu.dma_semaphore, #tpu.memory_space<semaphore_mem>>)
        tpu.wait_dma2 semaphore(%run_scoped3A : memref<!tpu.dma_semaphore, #tpu.memory_space<semaphore_mem>>) src(%arg4 : memref<2000x32xf32, #tpu.memory_space<hbm>>) dst(%arg10 : memref<2000x32xf32, #tpu.memory_space<vmem>>)
        tpu.yield
      }) : () -> ()
      "tpu.region"() ({
        %run_scoped3A = tpu.sem_alloc : memref<!tpu.dma_semaphore, #tpu.memory_space<semaphore_mem>>
        tpu.enqueue_dma source(%arg5 : memref<2000x16xf32, #tpu.memory_space<hbm>>) target(%arg11 : memref<2000x16xf32, #tpu.memory_space<vmem>>) target_semaphore(%run_scoped3A : memref<!tpu.dma_semaphore, #tpu.memory_space<semaphore_mem>>)
        tpu.wait_dma2 semaphore(%run_scoped3A : memref<!tpu.dma_semaphore, #tpu.memory_space<semaphore_mem>>) src(%arg5 : memref<2000x16xf32, #tpu.memory_space<hbm>>) dst(%arg11 : memref<2000x16xf32, #tpu.memory_space<vmem>>)
        tpu.yield
      }) : () -> ()
      %iota3A = tpu.iota {dimensions = array<i32: 0>} : vector<16xi32>
      %broadcast_in_dim3A = arith.constant 1.000000e+00 : f32
      %broadcast_in_dim3A_3 = vector.broadcast %broadcast_in_dim3A : f32 to vector<16xf32>
      %mul3A_4 = arith.constant 2000 : i32
      %mul3A_5 = arith.muli %add3A, %mul3A_4 : i32
      %mul3A_6 = arith.constant 32000 : i32
      %mul3A_7 = arith.muli %add3A, %mul3A_6 : i32
      %scan3A = arith.constant 0 : i32
      %scan3A_8 = arith.constant 0 : i32
      %scan3A_9 = arith.constant 50 : i32
      %scan3A_10 = arith.addi %scan3A_8, %scan3A_9 : i32
      %scan3A_11 = arith.constant 1 : i32
      scf.for %scan3A_13 = %scan3A_8 to %scan3A_10 step %scan3A_11  : i32 {
        %mul3A_14 = arith.constant 640 : i32
        %mul3A_15 = arith.muli %scan3A_13, %mul3A_14 : i32
        %add3A_16 = arith.addi %mul3A_7, %mul3A_15 : i32
        "tpu.region"() ({
          %run_scoped3A = tpu.sem_alloc : memref<!tpu.dma_semaphore, #tpu.memory_space<semaphore_mem>>
          %dma_start3A = arith.constant 0 : i32
          %dma_start3A_23 = tpu.memref_slice %arg2[%add3A_16, %dma_start3A] : memref<800000x32xf32, #tpu.memory_space<hbm>> -> memref<640x32xf32, #tpu.memory_space<hbm>>
          %dma_start3A_24 = arith.constant 0 : i32
          %dma_start3A_25 = tpu.memref_slice %arg2[%add3A_16, %dma_start3A_24] : memref<800000x32xf32, #tpu.memory_space<hbm>> -> memref<640x32xf32, #tpu.memory_space<hbm>>
          tpu.enqueue_dma source(%dma_start3A_25 : memref<640x32xf32, #tpu.memory_space<hbm>>) target(%arg8 : memref<640x32xf32, #tpu.memory_space<vmem>>) target_semaphore(%run_scoped3A : memref<!tpu.dma_semaphore, #tpu.memory_space<semaphore_mem>>)
          %dma_wait3A = arith.constant 0 : i32
          %dma_wait3A_26 = tpu.memref_slice %arg2[%add3A_16, %dma_wait3A] : memref<800000x32xf32, #tpu.memory_space<hbm>> -> memref<640x32xf32, #tpu.memory_space<hbm>>
          %dma_wait3A_27 = arith.constant 0 : i32
          %dma_wait3A_28 = tpu.memref_slice %arg2[%add3A_16, %dma_wait3A_27] : memref<800000x32xf32, #tpu.memory_space<hbm>> -> memref<640x32xf32, #tpu.memory_space<hbm>>
          tpu.wait_dma2 semaphore(%run_scoped3A : memref<!tpu.dma_semaphore, #tpu.memory_space<semaphore_mem>>) src(%dma_wait3A_28 : memref<640x32xf32, #tpu.memory_space<hbm>>) dst(%arg8 : memref<640x32xf32, #tpu.memory_space<vmem>>)
          tpu.yield
        }) : () -> ()
        "tpu.region"() ({
          %run_scoped3A = tpu.sem_alloc : memref<!tpu.dma_semaphore, #tpu.memory_space<semaphore_mem>>
          %dma_start3A = tpu.memref_slice %arg3[%add3A_16] : memref<800000xi32, #tpu.memory_space<hbm>> -> memref<640xi32, #tpu.memory_space<hbm>>
          %dma_start3A_23 = tpu.memref_slice %arg3[%add3A_16] : memref<800000xi32, #tpu.memory_space<hbm>> -> memref<640xi32, #tpu.memory_space<hbm>>
          tpu.enqueue_dma source(%dma_start3A_23 : memref<640xi32, #tpu.memory_space<hbm>>) target(%arg9 : memref<640xi32, #tpu.memory_space<vmem>>) target_semaphore(%run_scoped3A : memref<!tpu.dma_semaphore, #tpu.memory_space<semaphore_mem>>)
          %dma_wait3A = tpu.memref_slice %arg3[%add3A_16] : memref<800000xi32, #tpu.memory_space<hbm>> -> memref<640xi32, #tpu.memory_space<hbm>>
          %dma_wait3A_24 = tpu.memref_slice %arg3[%add3A_16] : memref<800000xi32, #tpu.memory_space<hbm>> -> memref<640xi32, #tpu.memory_space<hbm>>
          tpu.wait_dma2 semaphore(%run_scoped3A : memref<!tpu.dma_semaphore, #tpu.memory_space<semaphore_mem>>) src(%dma_wait3A_24 : memref<640xi32, #tpu.memory_space<hbm>>) dst(%arg9 : memref<640xi32, #tpu.memory_space<vmem>>)
          tpu.yield
        }) : () -> ()
        %scan3A_17 = arith.constant 0 : i32
        %scan3A_18 = arith.constant 0 : i32
        %scan3A_19 = arith.constant 40 : i32
        %scan3A_20 = arith.addi %scan3A_18, %scan3A_19 : i32
        %scan3A_21 = arith.constant 1 : i32
        scf.for %scan3A_23 = %scan3A_18 to %scan3A_20 step %scan3A_21  : i32 {
          %mul3A_24 = arith.constant 16 : i32
          %mul3A_25 = arith.muli %scan3A_23, %mul3A_24 : i32
          %get3A = arith.index_cast %mul3A_25 : i32 to index
          %get3A_26 = tpu.vector_load %arg9[%get3A] {strides = array<i32>} : memref<640xi32, #tpu.memory_space<vmem>>, vector<16xi32>,
          %sub3A = vector.broadcast %mul3A_5 : i32 to vector<16xi32>
          %sub3A_27 = arith.subi %get3A_26, %sub3A : vector<16xi32>
          %mul3A_28 = arith.constant 16 : i32
          %mul3A_29 = arith.muli %scan3A_23, %mul3A_28 : i32
          %add3A_30 = vector.broadcast %mul3A_29 : i32 to vector<16xi32>
          %add3A_31 = arith.addi %add3A_30, %iota3A : vector<16xi32>
          tpu.vector_store_idx %arg11[%sub3A_27, %iota3A], %broadcast_in_dim3A_3 {add = true} : memref<2000x16xf32, #tpu.memory_space<vmem>>[vector<16xi32>, vector<16xi32>], vector<16xf32>,
          %broadcast_in_dim3A_32 = arith.constant 0 : i32
          %broadcast_in_dim3A_33 = vector.broadcast %broadcast_in_dim3A_32 : i32 to vector<16xi32>
          %gather3A = tpu.vector_load_idx %arg8[%add3A_31, %broadcast_in_dim3A_33] : memref<640x32xf32, #tpu.memory_space<vmem>>[vector<16xi32>, vector<16xi32>], vector<16xf32>,
          tpu.vector_store_idx %arg10[%sub3A_27, %broadcast_in_dim3A_33], %gather3A {add = true} : memref<2000x32xf32, #tpu.memory_space<vmem>>[vector<16xi32>, vector<16xi32>], vector<16xf32>,
          %broadcast_in_dim3A_34 = arith.constant 1 : i32
          %broadcast_in_dim3A_35 = vector.broadcast %broadcast_in_dim3A_34 : i32 to vector<16xi32>
          %gather3A_36 = tpu.vector_load_idx %arg8[%add3A_31, %broadcast_in_dim3A_35] : memref<640x32xf32, #tpu.memory_space<vmem>>[vector<16xi32>, vector<16xi32>], vector<16xf32>,
          tpu.vector_store_idx %arg10[%sub3A_27, %broadcast_in_dim3A_35], %gather3A_36 {add = true} : memref<2000x32xf32, #tpu.memory_space<vmem>>[vector<16xi32>, vector<16xi32>], vector<16xf32>,
          %broadcast_in_dim3A_37 = arith.constant 2 : i32
          %broadcast_in_dim3A_38 = vector.broadcast %broadcast_in_dim3A_37 : i32 to vector<16xi32>
          %gather3A_39 = tpu.vector_load_idx %arg8[%add3A_31, %broadcast_in_dim3A_38] : memref<640x32xf32, #tpu.memory_space<vmem>>[vector<16xi32>, vector<16xi32>], vector<16xf32>,
          tpu.vector_store_idx %arg10[%sub3A_27, %broadcast_in_dim3A_38], %gather3A_39 {add = true} : memref<2000x32xf32, #tpu.memory_space<vmem>>[vector<16xi32>, vector<16xi32>], vector<16xf32>,
          %broadcast_in_dim3A_40 = arith.constant 3 : i32
          %broadcast_in_dim3A_41 = vector.broadcast %broadcast_in_dim3A_40 : i32 to vector<16xi32>
          %gather3A_42 = tpu.vector_load_idx %arg8[%add3A_31, %broadcast_in_dim3A_41] : memref<640x32xf32, #tpu.memory_space<vmem>>[vector<16xi32>, vector<16xi32>], vector<16xf32>,
          tpu.vector_store_idx %arg10[%sub3A_27, %broadcast_in_dim3A_41], %gather3A_42 {add = true} : memref<2000x32xf32, #tpu.memory_space<vmem>>[vector<16xi32>, vector<16xi32>], vector<16xf32>,
          %broadcast_in_dim3A_43 = arith.constant 4 : i32
          %broadcast_in_dim3A_44 = vector.broadcast %broadcast_in_dim3A_43 : i32 to vector<16xi32>
          %gather3A_45 = tpu.vector_load_idx %arg8[%add3A_31, %broadcast_in_dim3A_44] : memref<640x32xf32, #tpu.memory_space<vmem>>[vector<16xi32>, vector<16xi32>], vector<16xf32>,
          tpu.vector_store_idx %arg10[%sub3A_27, %broadcast_in_dim3A_44], %gather3A_45 {add = true} : memref<2000x32xf32, #tpu.memory_space<vmem>>[vector<16xi32>, vector<16xi32>], vector<16xf32>,
          %broadcast_in_dim3A_46 = arith.constant 5 : i32
          %broadcast_in_dim3A_47 = vector.broadcast %broadcast_in_dim3A_46 : i32 to vector<16xi32>
          %gather3A_48 = tpu.vector_load_idx %arg8[%add3A_31, %broadcast_in_dim3A_47] : memref<640x32xf32, #tpu.memory_space<vmem>>[vector<16xi32>, vector<16xi32>], vector<16xf32>,
          tpu.vector_store_idx %arg10[%sub3A_27, %broadcast_in_dim3A_47], %gather3A_48 {add = true} : memref<2000x32xf32, #tpu.memory_space<vmem>>[vector<16xi32>, vector<16xi32>], vector<16xf32>,
          %broadcast_in_dim3A_49 = arith.constant 6 : i32
          %broadcast_in_dim3A_50 = vector.broadcast %broadcast_in_dim3A_49 : i32 to vector<16xi32>
          %gather3A_51 = tpu.vector_load_idx %arg8[%add3A_31, %broadcast_in_dim3A_50] : memref<640x32xf32, #tpu.memory_space<vmem>>[vector<16xi32>, vector<16xi32>], vector<16xf32>,
          tpu.vector_store_idx %arg10[%sub3A_27, %broadcast_in_dim3A_50], %gather3A_51 {add = true} : memref<2000x32xf32, #tpu.memory_space<vmem>>[vector<16xi32>, vector<16xi32>], vector<16xf32>,
          %broadcast_in_dim3A_52 = arith.constant 7 : i32
          %broadcast_in_dim3A_53 = vector.broadcast %broadcast_in_dim3A_52 : i32 to vector<16xi32>
          %gather3A_54 = tpu.vector_load_idx %arg8[%add3A_31, %broadcast_in_dim3A_53] : memref<640x32xf32, #tpu.memory_space<vmem>>[vector<16xi32>, vector<16xi32>], vector<16xf32>,
          tpu.vector_store_idx %arg10[%sub3A_27, %broadcast_in_dim3A_53], %gather3A_54 {add = true} : memref<2000x32xf32, #tpu.memory_space<vmem>>[vector<16xi32>, vector<16xi32>], vector<16xf32>,
          %broadcast_in_dim3A_55 = arith.constant 8 : i32
          %broadcast_in_dim3A_56 = vector.broadcast %broadcast_in_dim3A_55 : i32 to vector<16xi32>
          %gather3A_57 = tpu.vector_load_idx %arg8[%add3A_31, %broadcast_in_dim3A_56] : memref<640x32xf32, #tpu.memory_space<vmem>>[vector<16xi32>, vector<16xi32>], vector<16xf32>,
          tpu.vector_store_idx %arg10[%sub3A_27, %broadcast_in_dim3A_56], %gather3A_57 {add = true} : memref<2000x32xf32, #tpu.memory_space<vmem>>[vector<16xi32>, vector<16xi32>], vector<16xf32>,
          %broadcast_in_dim3A_58 = arith.constant 9 : i32
          %broadcast_in_dim3A_59 = vector.broadcast %broadcast_in_dim3A_58 : i32 to vector<16xi32>
          %gather3A_60 = tpu.vector_load_idx %arg8[%add3A_31, %broadcast_in_dim3A_59] : memref<640x32xf32, #tpu.memory_space<vmem>>[vector<16xi32>, vector<16xi32>], vector<16xf32>,
          tpu.vector_store_idx %arg10[%sub3A_27, %broadcast_in_dim3A_59], %gather3A_60 {add = true} : memref<2000x32xf32, #tpu.memory_space<vmem>>[vector<16xi32>, vector<16xi32>], vector<16xf32>,
          %broadcast_in_dim3A_61 = arith.constant 10 : i32
          %broadcast_in_dim3A_62 = vector.broadcast %broadcast_in_dim3A_61 : i32 to vector<16xi32>
          %gather3A_63 = tpu.vector_load_idx %arg8[%add3A_31, %broadcast_in_dim3A_62] : memref<640x32xf32, #tpu.memory_space<vmem>>[vector<16xi32>, vector<16xi32>], vector<16xf32>,
          tpu.vector_store_idx %arg10[%sub3A_27, %broadcast_in_dim3A_62], %gather3A_63 {add = true} : memref<2000x32xf32, #tpu.memory_space<vmem>>[vector<16xi32>, vector<16xi32>], vector<16xf32>,
          %broadcast_in_dim3A_64 = arith.constant 11 : i32
          %broadcast_in_dim3A_65 = vector.broadcast %broadcast_in_dim3A_64 : i32 to vector<16xi32>
          %gather3A_66 = tpu.vector_load_idx %arg8[%add3A_31, %broadcast_in_dim3A_65] : memref<640x32xf32, #tpu.memory_space<vmem>>[vector<16xi32>, vector<16xi32>], vector<16xf32>,
          tpu.vector_store_idx %arg10[%sub3A_27, %broadcast_in_dim3A_65], %gather3A_66 {add = true} : memref<2000x32xf32, #tpu.memory_space<vmem>>[vector<16xi32>, vector<16xi32>], vector<16xf32>,
          %broadcast_in_dim3A_67 = arith.constant 12 : i32
          %broadcast_in_dim3A_68 = vector.broadcast %broadcast_in_dim3A_67 : i32 to vector<16xi32>
          %gather3A_69 = tpu.vector_load_idx %arg8[%add3A_31, %broadcast_in_dim3A_68] : memref<640x32xf32, #tpu.memory_space<vmem>>[vector<16xi32>, vector<16xi32>], vector<16xf32>,
          tpu.vector_store_idx %arg10[%sub3A_27, %broadcast_in_dim3A_68], %gather3A_69 {add = true} : memref<2000x32xf32, #tpu.memory_space<vmem>>[vector<16xi32>, vector<16xi32>], vector<16xf32>,
          %broadcast_in_dim3A_70 = arith.constant 13 : i32
          %broadcast_in_dim3A_71 = vector.broadcast %broadcast_in_dim3A_70 : i32 to vector<16xi32>
          %gather3A_72 = tpu.vector_load_idx %arg8[%add3A_31, %broadcast_in_dim3A_71] : memref<640x32xf32, #tpu.memory_space<vmem>>[vector<16xi32>, vector<16xi32>], vector<16xf32>,
          tpu.vector_store_idx %arg10[%sub3A_27, %broadcast_in_dim3A_71], %gather3A_72 {add = true} : memref<2000x32xf32, #tpu.memory_space<vmem>>[vector<16xi32>, vector<16xi32>], vector<16xf32>,
          %broadcast_in_dim3A_73 = arith.constant 14 : i32
          %broadcast_in_dim3A_74 = vector.broadcast %broadcast_in_dim3A_73 : i32 to vector<16xi32>
          %gather3A_75 = tpu.vector_load_idx %arg8[%add3A_31, %broadcast_in_dim3A_74] : memref<640x32xf32, #tpu.memory_space<vmem>>[vector<16xi32>, vector<16xi32>], vector<16xf32>,
          tpu.vector_store_idx %arg10[%sub3A_27, %broadcast_in_dim3A_74], %gather3A_75 {add = true} : memref<2000x32xf32, #tpu.memory_space<vmem>>[vector<16xi32>, vector<16xi32>], vector<16xf32>,
          %broadcast_in_dim3A_76 = arith.constant 15 : i32
          %broadcast_in_dim3A_77 = vector.broadcast %broadcast_in_dim3A_76 : i32 to vector<16xi32>
          %gather3A_78 = tpu.vector_load_idx %arg8[%add3A_31, %broadcast_in_dim3A_77] : memref<640x32xf32, #tpu.memory_space<vmem>>[vector<16xi32>, vector<16xi32>], vector<16xf32>,
          tpu.vector_store_idx %arg10[%sub3A_27, %broadcast_in_dim3A_77], %gather3A_78 {add = true} : memref<2000x32xf32, #tpu.memory_space<vmem>>[vector<16xi32>, vector<16xi32>], vector<16xf32>,
          %broadcast_in_dim3A_79 = arith.constant 16 : i32
          %broadcast_in_dim3A_80 = vector.broadcast %broadcast_in_dim3A_79 : i32 to vector<16xi32>
          %gather3A_81 = tpu.vector_load_idx %arg8[%add3A_31, %broadcast_in_dim3A_80] : memref<640x32xf32, #tpu.memory_space<vmem>>[vector<16xi32>, vector<16xi32>], vector<16xf32>,
          tpu.vector_store_idx %arg10[%sub3A_27, %broadcast_in_dim3A_80], %gather3A_81 {add = true} : memref<2000x32xf32, #tpu.memory_space<vmem>>[vector<16xi32>, vector<16xi32>], vector<16xf32>,
          %broadcast_in_dim3A_82 = arith.constant 17 : i32
          %broadcast_in_dim3A_83 = vector.broadcast %broadcast_in_dim3A_82 : i32 to vector<16xi32>
          %gather3A_84 = tpu.vector_load_idx %arg8[%add3A_31, %broadcast_in_dim3A_83] : memref<640x32xf32, #tpu.memory_space<vmem>>[vector<16xi32>, vector<16xi32>], vector<16xf32>,
          tpu.vector_store_idx %arg10[%sub3A_27, %broadcast_in_dim3A_83], %gather3A_84 {add = true} : memref<2000x32xf32, #tpu.memory_space<vmem>>[vector<16xi32>, vector<16xi32>], vector<16xf32>,
          %broadcast_in_dim3A_85 = arith.constant 18 : i32
          %broadcast_in_dim3A_86 = vector.broadcast %broadcast_in_dim3A_85 : i32 to vector<16xi32>
          %gather3A_87 = tpu.vector_load_idx %arg8[%add3A_31, %broadcast_in_dim3A_86] : memref<640x32xf32, #tpu.memory_space<vmem>>[vector<16xi32>, vector<16xi32>], vector<16xf32>,
          tpu.vector_store_idx %arg10[%sub3A_27, %broadcast_in_dim3A_86], %gather3A_87 {add = true} : memref<2000x32xf32, #tpu.memory_space<vmem>>[vector<16xi32>, vector<16xi32>], vector<16xf32>,
          %broadcast_in_dim3A_88 = arith.constant 19 : i32
          %broadcast_in_dim3A_89 = vector.broadcast %broadcast_in_dim3A_88 : i32 to vector<16xi32>
          %gather3A_90 = tpu.vector_load_idx %arg8[%add3A_31, %broadcast_in_dim3A_89] : memref<640x32xf32, #tpu.memory_space<vmem>>[vector<16xi32>, vector<16xi32>], vector<16xf32>,
          tpu.vector_store_idx %arg10[%sub3A_27, %broadcast_in_dim3A_89], %gather3A_90 {add = true} : memref<2000x32xf32, #tpu.memory_space<vmem>>[vector<16xi32>, vector<16xi32>], vector<16xf32>,
          %broadcast_in_dim3A_91 = arith.constant 20 : i32
          %broadcast_in_dim3A_92 = vector.broadcast %broadcast_in_dim3A_91 : i32 to vector<16xi32>
          %gather3A_93 = tpu.vector_load_idx %arg8[%add3A_31, %broadcast_in_dim3A_92] : memref<640x32xf32, #tpu.memory_space<vmem>>[vector<16xi32>, vector<16xi32>], vector<16xf32>,
          tpu.vector_store_idx %arg10[%sub3A_27, %broadcast_in_dim3A_92], %gather3A_93 {add = true} : memref<2000x32xf32, #tpu.memory_space<vmem>>[vector<16xi32>, vector<16xi32>], vector<16xf32>,
          %broadcast_in_dim3A_94 = arith.constant 21 : i32
          %broadcast_in_dim3A_95 = vector.broadcast %broadcast_in_dim3A_94 : i32 to vector<16xi32>
          %gather3A_96 = tpu.vector_load_idx %arg8[%add3A_31, %broadcast_in_dim3A_95] : memref<640x32xf32, #tpu.memory_space<vmem>>[vector<16xi32>, vector<16xi32>], vector<16xf32>,
          tpu.vector_store_idx %arg10[%sub3A_27, %broadcast_in_dim3A_95], %gather3A_96 {add = true} : memref<2000x32xf32, #tpu.memory_space<vmem>>[vector<16xi32>, vector<16xi32>], vector<16xf32>,
          %broadcast_in_dim3A_97 = arith.constant 22 : i32
          %broadcast_in_dim3A_98 = vector.broadcast %broadcast_in_dim3A_97 : i32 to vector<16xi32>
          %gather3A_99 = tpu.vector_load_idx %arg8[%add3A_31, %broadcast_in_dim3A_98] : memref<640x32xf32, #tpu.memory_space<vmem>>[vector<16xi32>, vector<16xi32>], vector<16xf32>,
          tpu.vector_store_idx %arg10[%sub3A_27, %broadcast_in_dim3A_98], %gather3A_99 {add = true} : memref<2000x32xf32, #tpu.memory_space<vmem>>[vector<16xi32>, vector<16xi32>], vector<16xf32>,
          %broadcast_in_dim3A_100 = arith.constant 23 : i32
          %broadcast_in_dim3A_101 = vector.broadcast %broadcast_in_dim3A_100 : i32 to vector<16xi32>
          %gather3A_102 = tpu.vector_load_idx %arg8[%add3A_31, %broadcast_in_dim3A_101] : memref<640x32xf32, #tpu.memory_space<vmem>>[vector<16xi32>, vector<16xi32>], vector<16xf32>,
          tpu.vector_store_idx %arg10[%sub3A_27, %broadcast_in_dim3A_101], %gather3A_102 {add = true} : memref<2000x32xf32, #tpu.memory_space<vmem>>[vector<16xi32>, vector<16xi32>], vector<16xf32>,
          %broadcast_in_dim3A_103 = arith.constant 24 : i32
          %broadcast_in_dim3A_104 = vector.broadcast %broadcast_in_dim3A_103 : i32 to vector<16xi32>
          %gather3A_105 = tpu.vector_load_idx %arg8[%add3A_31, %broadcast_in_dim3A_104] : memref<640x32xf32, #tpu.memory_space<vmem>>[vector<16xi32>, vector<16xi32>], vector<16xf32>,
          tpu.vector_store_idx %arg10[%sub3A_27, %broadcast_in_dim3A_104], %gather3A_105 {add = true} : memref<2000x32xf32, #tpu.memory_space<vmem>>[vector<16xi32>, vector<16xi32>], vector<16xf32>,
          %broadcast_in_dim3A_106 = arith.constant 25 : i32
          %broadcast_in_dim3A_107 = vector.broadcast %broadcast_in_dim3A_106 : i32 to vector<16xi32>
          %gather3A_108 = tpu.vector_load_idx %arg8[%add3A_31, %broadcast_in_dim3A_107] : memref<640x32xf32, #tpu.memory_space<vmem>>[vector<16xi32>, vector<16xi32>], vector<16xf32>,
          tpu.vector_store_idx %arg10[%sub3A_27, %broadcast_in_dim3A_107], %gather3A_108 {add = true} : memref<2000x32xf32, #tpu.memory_space<vmem>>[vector<16xi32>, vector<16xi32>], vector<16xf32>,
          %broadcast_in_dim3A_109 = arith.constant 26 : i32
          %broadcast_in_dim3A_110 = vector.broadcast %broadcast_in_dim3A_109 : i32 to vector<16xi32>
          %gather3A_111 = tpu.vector_load_idx %arg8[%add3A_31, %broadcast_in_dim3A_110] : memref<640x32xf32, #tpu.memory_space<vmem>>[vector<16xi32>, vector<16xi32>], vector<16xf32>,
          tpu.vector_store_idx %arg10[%sub3A_27, %broadcast_in_dim3A_110], %gather3A_111 {add = true} : memref<2000x32xf32, #tpu.memory_space<vmem>>[vector<16xi32>, vector<16xi32>], vector<16xf32>,
          %broadcast_in_dim3A_112 = arith.constant 27 : i32
          %broadcast_in_dim3A_113 = vector.broadcast %broadcast_in_dim3A_112 : i32 to vector<16xi32>
          %gather3A_114 = tpu.vector_load_idx %arg8[%add3A_31, %broadcast_in_dim3A_113] : memref<640x32xf32, #tpu.memory_space<vmem>>[vector<16xi32>, vector<16xi32>], vector<16xf32>,
          tpu.vector_store_idx %arg10[%sub3A_27, %broadcast_in_dim3A_113], %gather3A_114 {add = true} : memref<2000x32xf32, #tpu.memory_space<vmem>>[vector<16xi32>, vector<16xi32>], vector<16xf32>,
          %broadcast_in_dim3A_115 = arith.constant 28 : i32
          %broadcast_in_dim3A_116 = vector.broadcast %broadcast_in_dim3A_115 : i32 to vector<16xi32>
          %gather3A_117 = tpu.vector_load_idx %arg8[%add3A_31, %broadcast_in_dim3A_116] : memref<640x32xf32, #tpu.memory_space<vmem>>[vector<16xi32>, vector<16xi32>], vector<16xf32>,
          tpu.vector_store_idx %arg10[%sub3A_27, %broadcast_in_dim3A_116], %gather3A_117 {add = true} : memref<2000x32xf32, #tpu.memory_space<vmem>>[vector<16xi32>, vector<16xi32>], vector<16xf32>,
          %broadcast_in_dim3A_118 = arith.constant 29 : i32
          %broadcast_in_dim3A_119 = vector.broadcast %broadcast_in_dim3A_118 : i32 to vector<16xi32>
          %gather3A_120 = tpu.vector_load_idx %arg8[%add3A_31, %broadcast_in_dim3A_119] : memref<640x32xf32, #tpu.memory_space<vmem>>[vector<16xi32>, vector<16xi32>], vector<16xf32>,
          tpu.vector_store_idx %arg10[%sub3A_27, %broadcast_in_dim3A_119], %gather3A_120 {add = true} : memref<2000x32xf32, #tpu.memory_space<vmem>>[vector<16xi32>, vector<16xi32>], vector<16xf32>,
          %broadcast_in_dim3A_121 = arith.constant 30 : i32
          %broadcast_in_dim3A_122 = vector.broadcast %broadcast_in_dim3A_121 : i32 to vector<16xi32>
          %gather3A_123 = tpu.vector_load_idx %arg8[%add3A_31, %broadcast_in_dim3A_122] : memref<640x32xf32, #tpu.memory_space<vmem>>[vector<16xi32>, vector<16xi32>], vector<16xf32>,
          tpu.vector_store_idx %arg10[%sub3A_27, %broadcast_in_dim3A_122], %gather3A_123 {add = true} : memref<2000x32xf32, #tpu.memory_space<vmem>>[vector<16xi32>, vector<16xi32>], vector<16xf32>,
          %broadcast_in_dim3A_124 = arith.constant 31 : i32
          %broadcast_in_dim3A_125 = vector.broadcast %broadcast_in_dim3A_124 : i32 to vector<16xi32>
          %gather3A_126 = tpu.vector_load_idx %arg8[%add3A_31, %broadcast_in_dim3A_125] : memref<640x32xf32, #tpu.memory_space<vmem>>[vector<16xi32>, vector<16xi32>], vector<16xf32>,
          tpu.vector_store_idx %arg10[%sub3A_27, %broadcast_in_dim3A_125], %gather3A_126 {add = true} : memref<2000x32xf32, #tpu.memory_space<vmem>>[vector<16xi32>, vector<16xi32>], vector<16xf32>,
        }
        %scan3A_22 = arith.constant 40 : i32
      }
      %scan3A_12 = arith.constant 50 : i32
      "tpu.region"() ({
        %run_scoped3A = tpu.sem_alloc : memref<!tpu.dma_semaphore, #tpu.memory_space<semaphore_mem>>
        %dma_start3A = arith.constant 0 : i32
        %dma_start3A_13 = tpu.memref_slice %arg6[%mul3A_5, %dma_start3A] : memref<50000x32xf32, #tpu.memory_space<hbm>> -> memref<2000x32xf32, #tpu.memory_space<hbm>>
        %dma_start3A_14 = arith.constant 0 : i32
        %dma_start3A_15 = tpu.memref_slice %arg6[%mul3A_5, %dma_start3A_14] : memref<50000x32xf32, #tpu.memory_space<hbm>> -> memref<2000x32xf32, #tpu.memory_space<hbm>>
        tpu.enqueue_dma source(%arg10 : memref<2000x32xf32, #tpu.memory_space<vmem>>) target(%dma_start3A_15 : memref<2000x32xf32, #tpu.memory_space<hbm>>) target_semaphore(%run_scoped3A : memref<!tpu.dma_semaphore, #tpu.memory_space<semaphore_mem>>)
        %dma_wait3A = arith.constant 0 : i32
        %dma_wait3A_16 = tpu.memref_slice %arg6[%mul3A_5, %dma_wait3A] : memref<50000x32xf32, #tpu.memory_space<hbm>> -> memref<2000x32xf32, #tpu.memory_space<hbm>>
        %dma_wait3A_17 = arith.constant 0 : i32
        %dma_wait3A_18 = tpu.memref_slice %arg6[%mul3A_5, %dma_wait3A_17] : memref<50000x32xf32, #tpu.memory_space<hbm>> -> memref<2000x32xf32, #tpu.memory_space<hbm>>
        tpu.wait_dma2 semaphore(%run_scoped3A : memref<!tpu.dma_semaphore, #tpu.memory_space<semaphore_mem>>) src(%arg10 : memref<2000x32xf32, #tpu.memory_space<vmem>>) dst(%dma_wait3A_18 : memref<2000x32xf32, #tpu.memory_space<hbm>>)
        tpu.yield
      }) : () -> ()
      "tpu.region"() ({
        %run_scoped3A = tpu.sem_alloc : memref<!tpu.dma_semaphore, #tpu.memory_space<semaphore_mem>>
        %dma_start3A = arith.constant 0 : i32
        %dma_start3A_13 = tpu.memref_slice %arg7[%mul3A_5, %dma_start3A] : memref<50000x16xf32, #tpu.memory_space<hbm>> -> memref<2000x16xf32, #tpu.memory_space<hbm>>
        %dma_start3A_14 = arith.constant 0 : i32
        %dma_start3A_15 = tpu.memref_slice %arg7[%mul3A_5, %dma_start3A_14] : memref<50000x16xf32, #tpu.memory_space<hbm>> -> memref<2000x16xf32, #tpu.memory_space<hbm>>
        tpu.enqueue_dma source(%arg11 : memref<2000x16xf32, #tpu.memory_space<vmem>>) target(%dma_start3A_15 : memref<2000x16xf32, #tpu.memory_space<hbm>>) target_semaphore(%run_scoped3A : memref<!tpu.dma_semaphore, #tpu.memory_space<semaphore_mem>>)
        %dma_wait3A = arith.constant 0 : i32
        %dma_wait3A_16 = tpu.memref_slice %arg7[%mul3A_5, %dma_wait3A] : memref<50000x16xf32, #tpu.memory_space<hbm>> -> memref<2000x16xf32, #tpu.memory_space<hbm>>
        %dma_wait3A_17 = arith.constant 0 : i32
        %dma_wait3A_18 = tpu.memref_slice %arg7[%mul3A_5, %dma_wait3A_17] : memref<50000x16xf32, #tpu.memory_space<hbm>> -> memref<2000x16xf32, #tpu.memory_space<hbm>>
        tpu.wait_dma2 semaphore(%run_scoped3A : memref<!tpu.dma_semaphore, #tpu.memory_space<semaphore_mem>>) src(%arg11 : memref<2000x16xf32, #tpu.memory_space<vmem>>) dst(%dma_wait3A_18 : memref<2000x16xf32, #tpu.memory_space<hbm>>)
        tpu.yield
      }) : () -> ()
    } else {
    }
    return
  }
}

module attributes {stable_mosaic.version = 14 : i64} {
  func.func @_enc_node_body(%arg0: i32, %arg1: memref<2000x90xi32, #tpu.memory_space<vmem>>, %arg2: memref<96x16xf32, #tpu.memory_space<vmem>>, %arg3: memref<16x64xf32, #tpu.memory_space<vmem>>, %arg4: memref<1x64xf32, #tpu.memory_space<vmem>>, %arg5: memref<64x32xf32, #tpu.memory_space<vmem>>, %arg6: memref<1x32xf32, #tpu.memory_space<vmem>>, %arg7: memref<2000x32xf32, #tpu.memory_space<vmem>>, %arg8: memref<1x1x128xf32, #tpu.memory_space<vmem>>) attributes {dimension_semantics = [#tpu.dimension_semantics<arbitrary>], iteration_bounds = array<i64: 25>, scalar_prefetch = 0 : i64, scratch_operands = 0 : i64, tpu.core_type = #tpu.core_type<tc>, window_params = [{transform_indices = @transform_0, window_bounds = array<i64: 2000, 90>}, {pipeline_mode = #tpu.pipeline_mode<synchronous>, transform_indices = @transform_1, window_bounds = array<i64: 96, 16>}, {pipeline_mode = #tpu.pipeline_mode<synchronous>, transform_indices = @transform_2, window_bounds = array<i64: 16, 64>}, {pipeline_mode = #tpu.pipeline_mode<synchronous>, transform_indices = @transform_3, window_bounds = array<i64: 1, 64>}, {pipeline_mode = #tpu.pipeline_mode<synchronous>, transform_indices = @transform_4, window_bounds = array<i64: 64, 32>}, {pipeline_mode = #tpu.pipeline_mode<synchronous>, transform_indices = @transform_5, window_bounds = array<i64: 1, 32>}, {transform_indices = @transform_6, window_bounds = array<i64: 2000, 32>}, {transform_indices = @transform_7, window_bounds = array<i64: 1, 1, 128>}]} {
    %get3A = arith.constant 0 : index
    %get3A_0 = arith.constant 0 : index
    %get3A_1 = vector.load %arg1[%get3A, %get3A_0] : memref<2000x90xi32, #tpu.memory_space<vmem>>, vector<2000x90xi32>
    %iota3A = tpu.iota {dimensions = array<i32: 1>} : vector<2000x90xi32>
    %lt3A = arith.constant 89 : i32
    %lt3A_2 = vector.broadcast %lt3A : i32 to vector<2000x90xi32>
    %lt3A_3 = arith.cmpi slt, %iota3A, %lt3A_2 : vector<2000x90xi32>
    %gt3A = arith.constant 0 : i32
    %gt3A_4 = vector.broadcast %gt3A : i32 to vector<2000x90xi32>
    %gt3A_5 = arith.cmpi sgt, %get3A_1, %gt3A_4 : vector<2000x90xi32>
    %and3A = arith.andi %lt3A_3, %gt3A_5 : vector<2000x90xi1>
    %jit3A = arith.constant 2000 : i32
    %broadcast_in_dim3A = vector.broadcast %jit3A : i32 to vector<2000x90xi32>
    %select_n3A = arith.select %and3A, %iota3A, %broadcast_in_dim3A : vector<2000x90xi1>, vector<2000x90xi32>
    %reduce_min3A = arith.constant dense<2147483647> : vector<2000xi32>
    %reduce_min3A_6 = vector.multi_reduction <minsi>, %select_n3A, %reduce_min3A [1] : vector<2000x90xi32> to vector<2000xi32>
    %broadcast_in_dim3A_7 = vector.shape_cast %reduce_min3A_6 : vector<2000xi32> to vector<2000x1xi32>
    %eq3A = arith.constant 2000 : i32
    %eq3A_8 = vector.broadcast %eq3A : i32 to vector<2000x1xi32>
    %eq3A_9 = arith.cmpi eq, %broadcast_in_dim3A_7, %eq3A_8 : vector<2000x1xi32>
    %jit3A_10 = arith.constant 0 : i32
    %broadcast_in_dim3A_11 = vector.broadcast %jit3A_10 : i32 to vector<2000x1xi32>
    %select_n3A_12 = arith.select %eq3A_9, %broadcast_in_dim3A_11, %broadcast_in_dim3A_7 : vector<2000x1xi1>, vector<2000x1xi32>
    %iota3A_13 = tpu.iota {dimensions = array<i32: 1>} : vector<2000x96xi32>
    %eq3A_14 = vector.broadcast %select_n3A_12 : vector<2000x1xi32> to vector<2000x96xi32>
    %eq3A_15 = arith.cmpi eq, %eq3A_14, %iota3A_13 : vector<2000x96xi32>
    %convert_element_type3A = arith.extui %eq3A_15 : vector<2000x96xi1> to vector<2000x96xi32>
    %convert_element_type3A_16 = arith.sitofp %convert_element_type3A : vector<2000x96xi32> to vector<2000x96xf32>
    %get3A_17 = arith.constant 0 : index
    %get3A_18 = arith.constant 0 : index
    %get3A_19 = vector.load %arg2[%get3A_17, %get3A_18] : memref<96x16xf32, #tpu.memory_space<vmem>>, vector<96x16xf32>
    %dot_general3A = arith.constant dense<0.000000e+00> : vector<2000x16xf32>
    %dot_general3A_20 = tpu.matmul %convert_element_type3A_16, %get3A_19, %dot_general3A {dimension_numbers = #tpu.dot_dimension_numbers<[1], [0], [0], [1], [0, 0, 1, 1], [], []>, transpose_lhs_hint = false} : vector<2000x96xf32>, vector<96x16xf32>, vector<2000x16xf32> -> vector<2000x16xf32>
    %get3A_21 = arith.constant 0 : index
    %get3A_22 = arith.constant 0 : index
    %get3A_23 = vector.load %arg3[%get3A_21, %get3A_22] : memref<16x64xf32, #tpu.memory_space<vmem>>, vector<16x64xf32>
    %dot_general3A_24 = arith.constant dense<0.000000e+00> : vector<2000x64xf32>
    %dot_general3A_25 = tpu.matmul %dot_general3A_20, %get3A_23, %dot_general3A_24 {dimension_numbers = #tpu.dot_dimension_numbers<[1], [0], [0], [1], [0, 0, 1, 1], [], []>, transpose_lhs_hint = false} : vector<2000x16xf32>, vector<16x64xf32>, vector<2000x64xf32> -> vector<2000x64xf32>
    %get3A_26 = arith.constant 0 : index
    %get3A_27 = arith.constant 0 : index
    %get3A_28 = vector.load %arg4[%get3A_26, %get3A_27] : memref<1x64xf32, #tpu.memory_space<vmem>>, vector<1x64xf32>
    %add3A = vector.broadcast %get3A_28 : vector<1x64xf32> to vector<2000x64xf32>
    %add3A_29 = arith.addf %dot_general3A_25, %add3A : vector<2000x64xf32>
    %custom_jvp_call3A = arith.constant 0.000000e+00 : f32
    %max3A = vector.broadcast %custom_jvp_call3A : f32 to vector<2000x64xf32>
    %max3A_30 = arith.maximumf %add3A_29, %max3A : vector<2000x64xf32>
    %sub3A = vector.broadcast %custom_jvp_call3A : f32 to vector<2000x64xf32>
    %sub3A_31 = arith.subf %add3A_29, %sub3A : vector<2000x64xf32>
    %ne3A = arith.cmpf one, %sub3A_31, %sub3A_31 : vector<2000x64xf32>
    %add3A_32 = vector.broadcast %custom_jvp_call3A : f32 to vector<2000x64xf32>
    %add3A_33 = arith.addf %add3A_29, %add3A_32 : vector<2000x64xf32>
    %abs3A = math.absf %sub3A_31 : vector<2000x64xf32>
    %neg3A = arith.constant 0.000000e+00 : f32
    %neg3A_34 = vector.broadcast %neg3A : f32 to vector<2000x64xf32>
    %neg3A_35 = arith.subf %neg3A_34, %abs3A : vector<2000x64xf32>
    %exp3A = math.exp %neg3A_35 : vector<2000x64xf32>
    %log1p3A = math.log1p %exp3A : vector<2000x64xf32>
    %add3A_36 = arith.addf %max3A_30, %log1p3A : vector<2000x64xf32>
    %select_n3A_37 = arith.select %ne3A, %add3A_33, %add3A_36 : vector<2000x64xi1>, vector<2000x64xf32>
    %sub3A_38 = arith.constant 0.693147182 : f32
    %sub3A_39 = vector.broadcast %sub3A_38 : f32 to vector<2000x64xf32>
    %sub3A_40 = arith.subf %select_n3A_37, %sub3A_39 : vector<2000x64xf32>
    %get3A_41 = arith.constant 0 : index
    %get3A_42 = arith.constant 0 : index
    %get3A_43 = vector.load %arg5[%get3A_41, %get3A_42] : memref<64x32xf32, #tpu.memory_space<vmem>>, vector<64x32xf32>
    %dot_general3A_44 = arith.constant dense<0.000000e+00> : vector<2000x32xf32>
    %dot_general3A_45 = tpu.matmul %sub3A_40, %get3A_43, %dot_general3A_44 {dimension_numbers = #tpu.dot_dimension_numbers<[1], [0], [0], [1], [0, 0, 1, 1], [], []>, transpose_lhs_hint = false} : vector<2000x64xf32>, vector<64x32xf32>, vector<2000x32xf32> -> vector<2000x32xf32>
    %get3A_46 = arith.constant 0 : index
    %get3A_47 = arith.constant 0 : index
    %get3A_48 = vector.load %arg6[%get3A_46, %get3A_47] : memref<1x32xf32, #tpu.memory_space<vmem>>, vector<1x32xf32>
    %add3A_49 = vector.broadcast %get3A_48 : vector<1x32xf32> to vector<2000x32xf32>
    %add3A_50 = arith.addf %dot_general3A_45, %add3A_49 : vector<2000x32xf32>
    %custom_jvp_call3A_51 = arith.constant 0.000000e+00 : f32
    %max3A_52 = vector.broadcast %custom_jvp_call3A_51 : f32 to vector<2000x32xf32>
    %max3A_53 = arith.maximumf %add3A_50, %max3A_52 : vector<2000x32xf32>
    %sub3A_54 = vector.broadcast %custom_jvp_call3A_51 : f32 to vector<2000x32xf32>
    %sub3A_55 = arith.subf %add3A_50, %sub3A_54 : vector<2000x32xf32>
    %ne3A_56 = arith.cmpf one, %sub3A_55, %sub3A_55 : vector<2000x32xf32>
    %add3A_57 = vector.broadcast %custom_jvp_call3A_51 : f32 to vector<2000x32xf32>
    %add3A_58 = arith.addf %add3A_50, %add3A_57 : vector<2000x32xf32>
    %abs3A_59 = math.absf %sub3A_55 : vector<2000x32xf32>
    %neg3A_60 = arith.constant 0.000000e+00 : f32
    %neg3A_61 = vector.broadcast %neg3A_60 : f32 to vector<2000x32xf32>
    %neg3A_62 = arith.subf %neg3A_61, %abs3A_59 : vector<2000x32xf32>
    %exp3A_63 = math.exp %neg3A_62 : vector<2000x32xf32>
    %log1p3A_64 = math.log1p %exp3A_63 : vector<2000x32xf32>
    %add3A_65 = arith.addf %max3A_53, %log1p3A_64 : vector<2000x32xf32>
    %select_n3A_66 = arith.select %ne3A_56, %add3A_58, %add3A_65 : vector<2000x32xi1>, vector<2000x32xf32>
    %sub3A_67 = arith.constant 0.693147182 : f32
    %sub3A_68 = vector.broadcast %sub3A_67 : f32 to vector<2000x32xf32>
    %sub3A_69 = arith.subf %select_n3A_66, %sub3A_68 : vector<2000x32xf32>
    %swap3A = arith.constant 0 : index
    %swap3A_70 = arith.constant 0 : index
    %swap3A_71 = vector.load %arg7[%swap3A, %swap3A_70] : memref<2000x32xf32, #tpu.memory_space<vmem>>, vector<2000x32xf32>
    tpu.vector_store %arg7[%swap3A, %swap3A_70], %sub3A_69 {strides = array<i32>} : memref<2000x32xf32, #tpu.memory_space<vmem>>, vector<2000x32xf32>,
    %eq3A_72 = arith.constant 89 : i32
    %eq3A_73 = vector.broadcast %eq3A_72 : i32 to vector<2000x90xi32>
    %eq3A_74 = arith.cmpi eq, %iota3A, %eq3A_73 : vector<2000x90xi32>
    %jit3A_75 = arith.constant 0 : i32
    %broadcast_in_dim3A_76 = vector.broadcast %jit3A_75 : i32 to vector<2000x90xi32>
    %select_n3A_77 = arith.select %eq3A_74, %get3A_1, %broadcast_in_dim3A_76 : vector<2000x90xi1>, vector<2000x90xi32>
    %reduce_sum3A = arith.constant dense<0> : vector<2000xi32>
    %reduce_sum3A_78 = vector.multi_reduction <add>, %select_n3A_77, %reduce_sum3A [1] : vector<2000x90xi32> to vector<2000xi32>
    %broadcast_in_dim3A_79 = vector.shape_cast %reduce_sum3A_78 : vector<2000xi32> to vector<2000x1xi32>
    %iota3A_80 = tpu.iota {dimensions = array<i32: 0>} : vector<2000x1xi32>
    %ne3A_81 = arith.constant 0 : i32
    %ne3A_82 = vector.broadcast %ne3A_81 : i32 to vector<2000x1xi32>
    %ne3A_83 = arith.cmpi ne, %broadcast_in_dim3A_79, %ne3A_82 : vector<2000x1xi32>
    %jit3A_84 = arith.constant 2000 : i32
    %broadcast_in_dim3A_85 = vector.broadcast %jit3A_84 : i32 to vector<2000x1xi32>
    %select_n3A_86 = arith.select %ne3A_83, %iota3A_80, %broadcast_in_dim3A_85 : vector<2000x1xi1>, vector<2000x1xi32>
    %reduce_min3A_87 = vector.shape_cast %select_n3A_86 : vector<2000x1xi32> to vector<1x2000x1xi32>
    %reduce_min3A_88 = arith.constant dense<2147483647> : vector<1xi32>
    %reduce_min3A_89 = vector.multi_reduction <minsi>, %reduce_min3A_87, %reduce_min3A_88 [1, 2] : vector<1x2000x1xi32> to vector<1xi32>
    %reduce_min3A_90 = vector.shape_cast %reduce_min3A_89 : vector<1xi32> to vector<1x1x1xi32>
    %reduce_min3A_91 = vector.extract %reduce_min3A_90[0, 0, 0] : i32 from vector<1x1x1xi32>
    %min3A = arith.constant 20 : i32
    %min3A_92 = arith.minsi %reduce_min3A_91, %min3A : i32
    %convert_element_type3A_93 = arith.sitofp %min3A_92 : i32 to f32
    %broadcast_in_dim3A_94 = vector.broadcast %convert_element_type3A_93 : f32 to vector<1x1x128xf32>
    %swap3A_95 = arith.constant 0 : index
    %swap3A_96 = arith.constant 0 : index
    %swap3A_97 = arith.constant 0 : index
    %swap3A_98 = vector.load %arg8[%swap3A_95, %swap3A_96, %swap3A_97] : memref<1x1x128xf32, #tpu.memory_space<vmem>>, vector<1x1x128xf32>
    tpu.vector_store %arg8[%swap3A_95, %swap3A_96, %swap3A_97], %broadcast_in_dim3A_94 {strides = array<i32>} : memref<1x1x128xf32, #tpu.memory_space<vmem>>, vector<1x1x128xf32>,
    return
  }
  func.func @transform_0(%arg0: i32) -> (i32, i32) {
    %c0_i32 = arith.constant 0 : i32
    %c0_i32_0 = arith.constant 0 : i32
    return %arg0, %c0_i32 : i32, i32
  }
  func.func @transform_1(%arg0: i32) -> (i32, i32) {
    %c0_i32 = arith.constant 0 : i32
    %c0_i32_0 = arith.constant 0 : i32
    %c0_i32_1 = arith.constant 0 : i32
    return %c0_i32, %c0_i32_0 : i32, i32
  }
  func.func @transform_2(%arg0: i32) -> (i32, i32) {
    %c0_i32 = arith.constant 0 : i32
    %c0_i32_0 = arith.constant 0 : i32
    %c0_i32_1 = arith.constant 0 : i32
    return %c0_i32, %c0_i32_0 : i32, i32
  }
  func.func @transform_3(%arg0: i32) -> (i32, i32) {
    %c0_i32 = arith.constant 0 : i32
    %c0_i32_0 = arith.constant 0 : i32
    %c0_i32_1 = arith.constant 0 : i32
    return %c0_i32, %c0_i32_0 : i32, i32
  }
  func.func @transform_4(%arg0: i32) -> (i32, i32) {
    %c0_i32 = arith.constant 0 : i32
    %c0_i32_0 = arith.constant 0 : i32
    %c0_i32_1 = arith.constant 0 : i32
    return %c0_i32, %c0_i32_0 : i32, i32
  }
  func.func @transform_5(%arg0: i32) -> (i32, i32) {
    %c0_i32 = arith.constant 0 : i32
    %c0_i32_0 = arith.constant 0 : i32
    %c0_i32_1 = arith.constant 0 : i32
    return %c0_i32, %c0_i32_0 : i32, i32
  }
  func.func @transform_6(%arg0: i32) -> (i32, i32) {
    %c0_i32 = arith.constant 0 : i32
    %c0_i32_0 = arith.constant 0 : i32
    return %arg0, %c0_i32 : i32, i32
  }
  func.func @transform_7(%arg0: i32) -> (i32, i32, i32) {
    %c0_i32 = arith.constant 0 : i32
    %c0_i32_0 = arith.constant 0 : i32
    %c0_i32_1 = arith.constant 0 : i32
    return %arg0, %c0_i32, %c0_i32_0 : i32, i32, i32
  }
}

module attributes {stable_mosaic.version = 14 : i64} {
  func.func @_enc_edge_body(%arg0: i32, %arg1: memref<4000x1xf32, #tpu.memory_space<vmem>>, %arg2: memref<1x64xf32, #tpu.memory_space<vmem>>, %arg3: memref<1x64xf32, #tpu.memory_space<vmem>>, %arg4: memref<64x32xf32, #tpu.memory_space<vmem>>, %arg5: memref<1x32xf32, #tpu.memory_space<vmem>>, %arg6: memref<4000x32xf32, #tpu.memory_space<vmem>>) attributes {dimension_semantics = [#tpu.dimension_semantics<arbitrary>], iteration_bounds = array<i64: 200>, scalar_prefetch = 0 : i64, scratch_operands = 0 : i64, tpu.core_type = #tpu.core_type<tc>, window_params = [{transform_indices = @transform_0, window_bounds = array<i64: 4000, 1>}, {pipeline_mode = #tpu.pipeline_mode<synchronous>, transform_indices = @transform_1, window_bounds = array<i64: 1, 64>}, {pipeline_mode = #tpu.pipeline_mode<synchronous>, transform_indices = @transform_2, window_bounds = array<i64: 1, 64>}, {pipeline_mode = #tpu.pipeline_mode<synchronous>, transform_indices = @transform_3, window_bounds = array<i64: 64, 32>}, {pipeline_mode = #tpu.pipeline_mode<synchronous>, transform_indices = @transform_4, window_bounds = array<i64: 1, 32>}, {transform_indices = @transform_5, window_bounds = array<i64: 4000, 32>}]} {
    %get3A = arith.constant 0 : index
    %get3A_0 = arith.constant 0 : index
    %get3A_1 = vector.load %arg1[%get3A, %get3A_0] : memref<4000x1xf32, #tpu.memory_space<vmem>>, vector<4000x1xf32>
    %mul3A = arith.mulf %get3A_1, %get3A_1 : vector<4000x1xf32>
    %neg3A = arith.constant 0.000000e+00 : f32
    %neg3A_2 = vector.broadcast %neg3A : f32 to vector<4000x1xf32>
    %neg3A_3 = arith.subf %neg3A_2, %mul3A : vector<4000x1xf32>
    %mul3A_4 = arith.constant 4.000000e+00 : f32
    %mul3A_5 = vector.broadcast %mul3A_4 : f32 to vector<4000x1xf32>
    %mul3A_6 = arith.mulf %neg3A_3, %mul3A_5 : vector<4000x1xf32>
    %exp3A = math.exp %mul3A_6 : vector<4000x1xf32>
    %get3A_7 = arith.constant 0 : index
    %get3A_8 = arith.constant 0 : index
    %get3A_9 = vector.load %arg2[%get3A_7, %get3A_8] : memref<1x64xf32, #tpu.memory_space<vmem>>, vector<1x64xf32>
    %mul3A_10 = vector.broadcast %exp3A : vector<4000x1xf32> to vector<4000x64xf32>
    %mul3A_11 = vector.broadcast %get3A_9 : vector<1x64xf32> to vector<4000x64xf32>
    %mul3A_12 = arith.mulf %mul3A_10, %mul3A_11 : vector<4000x64xf32>
    %get3A_13 = arith.constant 0 : index
    %get3A_14 = arith.constant 0 : index
    %get3A_15 = vector.load %arg3[%get3A_13, %get3A_14] : memref<1x64xf32, #tpu.memory_space<vmem>>, vector<1x64xf32>
    %add3A = vector.broadcast %get3A_15 : vector<1x64xf32> to vector<4000x64xf32>
    %add3A_16 = arith.addf %mul3A_12, %add3A : vector<4000x64xf32>
    %custom_jvp_call3A = arith.constant 0.000000e+00 : f32
    %max3A = vector.broadcast %custom_jvp_call3A : f32 to vector<4000x64xf32>
    %max3A_17 = arith.maximumf %add3A_16, %max3A : vector<4000x64xf32>
    %sub3A = vector.broadcast %custom_jvp_call3A : f32 to vector<4000x64xf32>
    %sub3A_18 = arith.subf %add3A_16, %sub3A : vector<4000x64xf32>
    %ne3A = arith.cmpf one, %sub3A_18, %sub3A_18 : vector<4000x64xf32>
    %add3A_19 = vector.broadcast %custom_jvp_call3A : f32 to vector<4000x64xf32>
    %add3A_20 = arith.addf %add3A_16, %add3A_19 : vector<4000x64xf32>
    %abs3A = math.absf %sub3A_18 : vector<4000x64xf32>
    %neg3A_21 = arith.constant 0.000000e+00 : f32
    %neg3A_22 = vector.broadcast %neg3A_21 : f32 to vector<4000x64xf32>
    %neg3A_23 = arith.subf %neg3A_22, %abs3A : vector<4000x64xf32>
    %exp3A_24 = math.exp %neg3A_23 : vector<4000x64xf32>
    %log1p3A = math.log1p %exp3A_24 : vector<4000x64xf32>
    %add3A_25 = arith.addf %max3A_17, %log1p3A : vector<4000x64xf32>
    %select_n3A = arith.select %ne3A, %add3A_20, %add3A_25 : vector<4000x64xi1>, vector<4000x64xf32>
    %sub3A_26 = arith.constant 0.693147182 : f32
    %sub3A_27 = vector.broadcast %sub3A_26 : f32 to vector<4000x64xf32>
    %sub3A_28 = arith.subf %select_n3A, %sub3A_27 : vector<4000x64xf32>
    %get3A_29 = arith.constant 0 : index
    %get3A_30 = arith.constant 0 : index
    %get3A_31 = vector.load %arg4[%get3A_29, %get3A_30] : memref<64x32xf32, #tpu.memory_space<vmem>>, vector<64x32xf32>
    %dot_general3A = arith.constant dense<0.000000e+00> : vector<4000x32xf32>
    %dot_general3A_32 = tpu.matmul %sub3A_28, %get3A_31, %dot_general3A {dimension_numbers = #tpu.dot_dimension_numbers<[1], [0], [0], [1], [0, 0, 1, 1], [], []>, transpose_lhs_hint = false} : vector<4000x64xf32>, vector<64x32xf32>, vector<4000x32xf32> -> vector<4000x32xf32>
    %get3A_33 = arith.constant 0 : index
    %get3A_34 = arith.constant 0 : index
    %get3A_35 = vector.load %arg5[%get3A_33, %get3A_34] : memref<1x32xf32, #tpu.memory_space<vmem>>, vector<1x32xf32>
    %add3A_36 = vector.broadcast %get3A_35 : vector<1x32xf32> to vector<4000x32xf32>
    %add3A_37 = arith.addf %dot_general3A_32, %add3A_36 : vector<4000x32xf32>
    %custom_jvp_call3A_38 = arith.constant 0.000000e+00 : f32
    %max3A_39 = vector.broadcast %custom_jvp_call3A_38 : f32 to vector<4000x32xf32>
    %max3A_40 = arith.maximumf %add3A_37, %max3A_39 : vector<4000x32xf32>
    %sub3A_41 = vector.broadcast %custom_jvp_call3A_38 : f32 to vector<4000x32xf32>
    %sub3A_42 = arith.subf %add3A_37, %sub3A_41 : vector<4000x32xf32>
    %ne3A_43 = arith.cmpf one, %sub3A_42, %sub3A_42 : vector<4000x32xf32>
    %add3A_44 = vector.broadcast %custom_jvp_call3A_38 : f32 to vector<4000x32xf32>
    %add3A_45 = arith.addf %add3A_37, %add3A_44 : vector<4000x32xf32>
    %abs3A_46 = math.absf %sub3A_42 : vector<4000x32xf32>
    %neg3A_47 = arith.constant 0.000000e+00 : f32
    %neg3A_48 = vector.broadcast %neg3A_47 : f32 to vector<4000x32xf32>
    %neg3A_49 = arith.subf %neg3A_48, %abs3A_46 : vector<4000x32xf32>
    %exp3A_50 = math.exp %neg3A_49 : vector<4000x32xf32>
    %log1p3A_51 = math.log1p %exp3A_50 : vector<4000x32xf32>
    %add3A_52 = arith.addf %max3A_40, %log1p3A_51 : vector<4000x32xf32>
    %select_n3A_53 = arith.select %ne3A_43, %add3A_45, %add3A_52 : vector<4000x32xi1>, vector<4000x32xf32>
    %sub3A_54 = arith.constant 0.693147182 : f32
    %sub3A_55 = vector.broadcast %sub3A_54 : f32 to vector<4000x32xf32>
    %sub3A_56 = arith.subf %select_n3A_53, %sub3A_55 : vector<4000x32xf32>
    %swap3A = arith.constant 0 : index
    %swap3A_57 = arith.constant 0 : index
    %swap3A_58 = vector.load %arg6[%swap3A, %swap3A_57] : memref<4000x32xf32, #tpu.memory_space<vmem>>, vector<4000x32xf32>
    tpu.vector_store %arg6[%swap3A, %swap3A_57], %sub3A_56 {strides = array<i32>} : memref<4000x32xf32, #tpu.memory_space<vmem>>, vector<4000x32xf32>,
    return
  }
  func.func @transform_0(%arg0: i32) -> (i32, i32) {
    %c0_i32 = arith.constant 0 : i32
    %c0_i32_0 = arith.constant 0 : i32
    return %arg0, %c0_i32 : i32, i32
  }
  func.func @transform_1(%arg0: i32) -> (i32, i32) {
    %c0_i32 = arith.constant 0 : i32
    %c0_i32_0 = arith.constant 0 : i32
    %c0_i32_1 = arith.constant 0 : i32
    return %c0_i32, %c0_i32_0 : i32, i32
  }
  func.func @transform_2(%arg0: i32) -> (i32, i32) {
    %c0_i32 = arith.constant 0 : i32
    %c0_i32_0 = arith.constant 0 : i32
    %c0_i32_1 = arith.constant 0 : i32
    return %c0_i32, %c0_i32_0 : i32, i32
  }
  func.func @transform_3(%arg0: i32) -> (i32, i32) {
    %c0_i32 = arith.constant 0 : i32
    %c0_i32_0 = arith.constant 0 : i32
    %c0_i32_1 = arith.constant 0 : i32
    return %c0_i32, %c0_i32_0 : i32, i32
  }
  func.func @transform_4(%arg0: i32) -> (i32, i32) {
    %c0_i32 = arith.constant 0 : i32
    %c0_i32_0 = arith.constant 0 : i32
    %c0_i32_1 = arith.constant 0 : i32
    return %c0_i32, %c0_i32_0 : i32, i32
  }
  func.func @transform_5(%arg0: i32) -> (i32, i32) {
    %c0_i32 = arith.constant 0 : i32
    %c0_i32_0 = arith.constant 0 : i32
    return %arg0, %c0_i32 : i32, i32
  }
}

module attributes {stable_mosaic.version = 14 : i64} {
  func.func @_enc_state_body(%arg0: memref<32x8xf32, #tpu.memory_space<vmem>>, %arg1: memref<32x128xf32, #tpu.memory_space<vmem>>, %arg2: memref<24x8xf32, #tpu.memory_space<vmem>>, %arg3: memref<16x64xf32, #tpu.memory_space<vmem>>, %arg4: memref<1x64xf32, #tpu.memory_space<vmem>>, %arg5: memref<64x32xf32, #tpu.memory_space<vmem>>, %arg6: memref<1x32xf32, #tpu.memory_space<vmem>>, %arg7: memref<32x32xf32, #tpu.memory_space<vmem>>) attributes {dimension_semantics = [], scalar_prefetch = 0 : i64, scratch_operands = 0 : i64, tpu.core_type = #tpu.core_type<tc>} {
    %get3A = arith.constant 0 : index
    %get3A_0 = arith.constant 0 : index
    %get3A_1 = vector.load %arg1[%get3A, %get3A_0] : memref<32x128xf32, #tpu.memory_space<vmem>>, vector<32x128xf32>
    %slice3A = vector.extract_strided_slice %get3A_1 {offsets = [0, 0], sizes = [32, 1], strides = [1, 1]} : vector<32x128xf32> to vector<32x1xf32>
    %convert_element_type3A = arith.fptosi %slice3A : vector<32x1xf32> to vector<32x1xi32>
    %iota3A = tpu.iota {dimensions = array<i32: 1>} : vector<32x24xi32>
    %eq3A = vector.broadcast %convert_element_type3A : vector<32x1xi32> to vector<32x24xi32>
    %eq3A_2 = arith.cmpi eq, %eq3A, %iota3A : vector<32x24xi32>
    %convert_element_type3A_3 = arith.extui %eq3A_2 : vector<32x24xi1> to vector<32x24xi32>
    %convert_element_type3A_4 = arith.sitofp %convert_element_type3A_3 : vector<32x24xi32> to vector<32x24xf32>
    %get3A_5 = arith.constant 0 : index
    %get3A_6 = arith.constant 0 : index
    %get3A_7 = vector.load %arg2[%get3A_5, %get3A_6] : memref<24x8xf32, #tpu.memory_space<vmem>>, vector<24x8xf32>
    %dot_general3A = arith.constant dense<0.000000e+00> : vector<32x8xf32>
    %dot_general3A_8 = tpu.matmul %convert_element_type3A_4, %get3A_7, %dot_general3A {dimension_numbers = #tpu.dot_dimension_numbers<[1], [0], [0], [1], [0, 0, 1, 1], [], []>, transpose_lhs_hint = false} : vector<32x24xf32>, vector<24x8xf32>, vector<32x8xf32> -> vector<32x8xf32>
    %get3A_9 = arith.constant 0 : index
    %get3A_10 = arith.constant 0 : index
    %get3A_11 = vector.load %arg0[%get3A_9, %get3A_10] : memref<32x8xf32, #tpu.memory_space<vmem>>, vector<32x8xf32>
    %concatenate3A = tpu.concatenate %get3A_11, %dot_general3A_8 in 1 : vector<32x8xf32>, vector<32x8xf32> -> vector<32x16xf32>
    %get3A_12 = arith.constant 0 : index
    %get3A_13 = arith.constant 0 : index
    %get3A_14 = vector.load %arg3[%get3A_12, %get3A_13] : memref<16x64xf32, #tpu.memory_space<vmem>>, vector<16x64xf32>
    %dot_general3A_15 = arith.constant dense<0.000000e+00> : vector<32x64xf32>
    %dot_general3A_16 = tpu.matmul %concatenate3A, %get3A_14, %dot_general3A_15 {dimension_numbers = #tpu.dot_dimension_numbers<[1], [0], [0], [1], [0, 0, 1, 1], [], []>, transpose_lhs_hint = false} : vector<32x16xf32>, vector<16x64xf32>, vector<32x64xf32> -> vector<32x64xf32>
    %get3A_17 = arith.constant 0 : index
    %get3A_18 = arith.constant 0 : index
    %get3A_19 = vector.load %arg4[%get3A_17, %get3A_18] : memref<1x64xf32, #tpu.memory_space<vmem>>, vector<1x64xf32>
    %add3A = vector.broadcast %get3A_19 : vector<1x64xf32> to vector<32x64xf32>
    %add3A_20 = arith.addf %dot_general3A_16, %add3A : vector<32x64xf32>
    %custom_jvp_call3A = arith.constant 0.000000e+00 : f32
    %max3A = vector.broadcast %custom_jvp_call3A : f32 to vector<32x64xf32>
    %max3A_21 = arith.maximumf %add3A_20, %max3A : vector<32x64xf32>
    %sub3A = vector.broadcast %custom_jvp_call3A : f32 to vector<32x64xf32>
    %sub3A_22 = arith.subf %add3A_20, %sub3A : vector<32x64xf32>
    %ne3A = arith.cmpf one, %sub3A_22, %sub3A_22 : vector<32x64xf32>
    %add3A_23 = vector.broadcast %custom_jvp_call3A : f32 to vector<32x64xf32>
    %add3A_24 = arith.addf %add3A_20, %add3A_23 : vector<32x64xf32>
    %abs3A = math.absf %sub3A_22 : vector<32x64xf32>
    %neg3A = arith.constant 0.000000e+00 : f32
    %neg3A_25 = vector.broadcast %neg3A : f32 to vector<32x64xf32>
    %neg3A_26 = arith.subf %neg3A_25, %abs3A : vector<32x64xf32>
    %exp3A = math.exp %neg3A_26 : vector<32x64xf32>
    %log1p3A = math.log1p %exp3A : vector<32x64xf32>
    %add3A_27 = arith.addf %max3A_21, %log1p3A : vector<32x64xf32>
    %select_n3A = arith.select %ne3A, %add3A_24, %add3A_27 : vector<32x64xi1>, vector<32x64xf32>
    %sub3A_28 = arith.constant 0.693147182 : f32
    %sub3A_29 = vector.broadcast %sub3A_28 : f32 to vector<32x64xf32>
    %sub3A_30 = arith.subf %select_n3A, %sub3A_29 : vector<32x64xf32>
    %get3A_31 = arith.constant 0 : index
    %get3A_32 = arith.constant 0 : index
    %get3A_33 = vector.load %arg5[%get3A_31, %get3A_32] : memref<64x32xf32, #tpu.memory_space<vmem>>, vector<64x32xf32>
    %dot_general3A_34 = arith.constant dense<0.000000e+00> : vector<32x32xf32>
    %dot_general3A_35 = tpu.matmul %sub3A_30, %get3A_33, %dot_general3A_34 {dimension_numbers = #tpu.dot_dimension_numbers<[1], [0], [0], [1], [0, 0, 1, 1], [], []>, transpose_lhs_hint = false} : vector<32x64xf32>, vector<64x32xf32>, vector<32x32xf32> -> vector<32x32xf32>
    %get3A_36 = arith.constant 0 : index
    %get3A_37 = arith.constant 0 : index
    %get3A_38 = vector.load %arg6[%get3A_36, %get3A_37] : memref<1x32xf32, #tpu.memory_space<vmem>>, vector<1x32xf32>
    %add3A_39 = vector.broadcast %get3A_38 : vector<1x32xf32> to vector<32x32xf32>
    %add3A_40 = arith.addf %dot_general3A_35, %add3A_39 : vector<32x32xf32>
    %custom_jvp_call3A_41 = arith.constant 0.000000e+00 : f32
    %max3A_42 = vector.broadcast %custom_jvp_call3A_41 : f32 to vector<32x32xf32>
    %max3A_43 = arith.maximumf %add3A_40, %max3A_42 : vector<32x32xf32>
    %sub3A_44 = vector.broadcast %custom_jvp_call3A_41 : f32 to vector<32x32xf32>
    %sub3A_45 = arith.subf %add3A_40, %sub3A_44 : vector<32x32xf32>
    %ne3A_46 = arith.cmpf one, %sub3A_45, %sub3A_45 : vector<32x32xf32>
    %add3A_47 = vector.broadcast %custom_jvp_call3A_41 : f32 to vector<32x32xf32>
    %add3A_48 = arith.addf %add3A_40, %add3A_47 : vector<32x32xf32>
    %abs3A_49 = math.absf %sub3A_45 : vector<32x32xf32>
    %neg3A_50 = arith.constant 0.000000e+00 : f32
    %neg3A_51 = vector.broadcast %neg3A_50 : f32 to vector<32x32xf32>
    %neg3A_52 = arith.subf %neg3A_51, %abs3A_49 : vector<32x32xf32>
    %exp3A_53 = math.exp %neg3A_52 : vector<32x32xf32>
    %log1p3A_54 = math.log1p %exp3A_53 : vector<32x32xf32>
    %add3A_55 = arith.addf %max3A_43, %log1p3A_54 : vector<32x32xf32>
    %select_n3A_56 = arith.select %ne3A_46, %add3A_48, %add3A_55 : vector<32x32xi1>, vector<32x32xf32>
    %sub3A_57 = arith.constant 0.693147182 : f32
    %sub3A_58 = vector.broadcast %sub3A_57 : f32 to vector<32x32xf32>
    %sub3A_59 = arith.subf %select_n3A_56, %sub3A_58 : vector<32x32xf32>
    %swap3A = arith.constant 0 : index
    %swap3A_60 = arith.constant 0 : index
    %swap3A_61 = vector.load %arg7[%swap3A, %swap3A_60] : memref<32x32xf32, #tpu.memory_space<vmem>>, vector<32x32xf32>
    tpu.vector_store %arg7[%swap3A, %swap3A_60], %sub3A_59 {strides = array<i32>} : memref<32x32xf32, #tpu.memory_space<vmem>>, vector<32x32xf32>,
    return
  }
}

module attributes {stable_mosaic.version = 14 : i64} {
  func.func @body(%arg0: i32, %arg1: memref<4000x32xf32, #tpu.memory_space<vmem>>, %arg2: memref<4000x32xf32, #tpu.memory_space<vmem>>, %arg3: memref<4000x32xf32, #tpu.memory_space<vmem>>, %arg4: memref<32x32xf32, #tpu.memory_space<vmem>>, %arg5: memref<32x32xf32, #tpu.memory_space<vmem>>, %arg6: memref<1x32xf32, #tpu.memory_space<vmem>>, %arg7: memref<32x64xf32, #tpu.memory_space<vmem>>, %arg8: memref<32x64xf32, #tpu.memory_space<vmem>>, %arg9: memref<32x64xf32, #tpu.memory_space<vmem>>, %arg10: memref<32x64xf32, #tpu.memory_space<vmem>>, %arg11: memref<1x64xf32, #tpu.memory_space<vmem>>, %arg12: memref<64x64xf32, #tpu.memory_space<vmem>>, %arg13: memref<1x64xf32, #tpu.memory_space<vmem>>, %arg14: memref<64x32xf32, #tpu.memory_space<vmem>>, %arg15: memref<1x32xf32, #tpu.memory_space<vmem>>, %arg16: memref<4000x32xf32, #tpu.memory_space<vmem>>, %arg17: memref<4000x32xf32, #tpu.memory_space<vmem>>, %arg18: memref<1x1x128xf32, #tpu.memory_space<vmem>>) attributes {dimension_semantics = [#tpu.dimension_semantics<arbitrary>], iteration_bounds = array<i64: 200>, scalar_prefetch = 0 : i64, scratch_operands = 0 : i64, tpu.core_type = #tpu.core_type<tc>, window_params = [{transform_indices = @transform_0, window_bounds = array<i64: 4000, 32>}, {transform_indices = @transform_1, window_bounds = array<i64: 4000, 32>}, {transform_indices = @transform_2, window_bounds = array<i64: 4000, 32>}, {pipeline_mode = #tpu.pipeline_mode<synchronous>, transform_indices = @transform_3, window_bounds = array<i64: 32, 32>}, {pipeline_mode = #tpu.pipeline_mode<synchronous>, transform_indices = @transform_4, window_bounds = array<i64: 32, 32>}, {pipeline_mode = #tpu.pipeline_mode<synchronous>, transform_indices = @transform_5, window_bounds = array<i64: 1, 32>}, {pipeline_mode = #tpu.pipeline_mode<synchronous>, transform_indices = @transform_6, window_bounds = array<i64: 32, 64>}, {pipeline_mode = #tpu.pipeline_mode<synchronous>, transform_indices = @transform_7, window_bounds = array<i64: 32, 64>}, {pipeline_mode = #tpu.pipeline_mode<synchronous>, transform_indices = @transform_8, window_bounds = array<i64: 32, 64>}, {pipeline_mode = #tpu.pipeline_mode<synchronous>, transform_indices = @transform_9, window_bounds = array<i64: 32, 64>}, {pipeline_mode = #tpu.pipeline_mode<synchronous>, transform_indices = @transform_10, window_bounds = array<i64: 1, 64>}, {pipeline_mode = #tpu.pipeline_mode<synchronous>, transform_indices = @transform_11, window_bounds = array<i64: 64, 64>}, {pipeline_mode = #tpu.pipeline_mode<synchronous>, transform_indices = @transform_12, window_bounds = array<i64: 1, 64>}, {pipeline_mode = #tpu.pipeline_mode<synchronous>, transform_indices = @transform_13, window_bounds = array<i64: 64, 32>}, {pipeline_mode = #tpu.pipeline_mode<synchronous>, transform_indices = @transform_14, window_bounds = array<i64: 1, 32>}, {transform_indices = @transform_15, window_bounds = array<i64: 4000, 32>}, {transform_indices = @transform_16, window_bounds = array<i64: 4000, 32>}, {transform_indices = @transform_17, window_bounds = array<i64: 1, 1, 128>}]} {
    %jit3A = arith.constant 8 : i32
    %div3A = arith.divsi %arg0, %jit3A : i32
    %sign3A = arith.constant 0 : i32
    %sign3A_0 = arith.cmpi sgt, %arg0, %sign3A : i32
    %sign3A_1 = arith.extui %sign3A_0 : i1 to i32
    %sign3A_2 = arith.constant 0 : i32
    %sign3A_3 = arith.cmpi slt, %arg0, %sign3A_2 : i32
    %sign3A_4 = arith.extui %sign3A_3 : i1 to i32
    %sign3A_5 = arith.subi %sign3A_1, %sign3A_4 : i32
    %sign3A_6 = arith.constant 0 : i32
    %sign3A_7 = arith.cmpi sgt, %jit3A, %sign3A_6 : i32
    %sign3A_8 = arith.extui %sign3A_7 : i1 to i32
    %sign3A_9 = arith.constant 0 : i32
    %sign3A_10 = arith.cmpi slt, %jit3A, %sign3A_9 : i32
    %sign3A_11 = arith.extui %sign3A_10 : i1 to i32
    %sign3A_12 = arith.subi %sign3A_8, %sign3A_11 : i32
    %ne3A = arith.cmpi ne, %sign3A_5, %sign3A_12 : i32
    %rem3A = arith.remsi %arg0, %jit3A : i32
    %ne3A_13 = arith.constant 0 : i32
    %ne3A_14 = arith.cmpi ne, %rem3A, %ne3A_13 : i32
    %and3A = arith.andi %ne3A, %ne3A_14 : i1
    %sub3A = arith.constant 1 : i32
    %sub3A_15 = arith.subi %div3A, %sub3A : i32
    %select_n3A = arith.select %and3A, %sub3A_15, %div3A : i32
    %iota3A = tpu.iota {dimensions = array<i32: 0>} : vector<32x1xi32>
    %eq3A = vector.broadcast %select_n3A : i32 to vector<32x1xi32>
    %eq3A_16 = arith.cmpi eq, %iota3A, %eq3A : vector<32x1xi32>
    %convert_element_type3A = arith.extui %eq3A_16 : vector<32x1xi1> to vector<32x1xi32>
    %convert_element_type3A_17 = arith.sitofp %convert_element_type3A : vector<32x1xi32> to vector<32x1xf32>
    %reshape3A = vector.shape_cast %convert_element_type3A_17 : vector<32x1xf32> to vector<1x32xf32>
    %get3A = arith.constant 0 : index
    %get3A_18 = arith.constant 0 : index
    %get3A_19 = vector.load %arg4[%get3A, %get3A_18] : memref<32x32xf32, #tpu.memory_space<vmem>>, vector<32x32xf32>
    %dot_general3A = arith.constant dense<0.000000e+00> : vector<1x32xf32>
    %dot_general3A_20 = tpu.matmul %reshape3A, %get3A_19, %dot_general3A {dimension_numbers = #tpu.dot_dimension_numbers<[1], [0], [0], [1], [0, 0, 1, 1], [], []>, transpose_lhs_hint = false} : vector<1x32xf32>, vector<32x32xf32>, vector<1x32xf32> -> vector<1x32xf32>
    %get3A_21 = arith.constant 0 : index
    %get3A_22 = arith.constant 0 : index
    %get3A_23 = vector.load %arg1[%get3A_21, %get3A_22] : memref<4000x32xf32, #tpu.memory_space<vmem>>, vector<4000x32xf32>
    %get3A_24 = arith.constant 0 : index
    %get3A_25 = arith.constant 0 : index
    %get3A_26 = vector.load %arg2[%get3A_24, %get3A_25] : memref<4000x32xf32, #tpu.memory_space<vmem>>, vector<4000x32xf32>
    %get3A_27 = arith.constant 0 : index
    %get3A_28 = arith.constant 0 : index
    %get3A_29 = vector.load %arg7[%get3A_27, %get3A_28] : memref<32x64xf32, #tpu.memory_space<vmem>>, vector<32x64xf32>
    %dot_general3A_30 = arith.constant dense<0.000000e+00> : vector<4000x64xf32>
    %dot_general3A_31 = tpu.matmul %get3A_26, %get3A_29, %dot_general3A_30 {dimension_numbers = #tpu.dot_dimension_numbers<[1], [0], [0], [1], [0, 0, 1, 1], [], []>, transpose_lhs_hint = false} : vector<4000x32xf32>, vector<32x64xf32>, vector<4000x64xf32> -> vector<4000x64xf32>
    %get3A_32 = arith.constant 0 : index
    %get3A_33 = arith.constant 0 : index
    %get3A_34 = vector.load %arg3[%get3A_32, %get3A_33] : memref<4000x32xf32, #tpu.memory_space<vmem>>, vector<4000x32xf32>
    %get3A_35 = arith.constant 0 : index
    %get3A_36 = arith.constant 0 : index
    %get3A_37 = vector.load %arg8[%get3A_35, %get3A_36] : memref<32x64xf32, #tpu.memory_space<vmem>>, vector<32x64xf32>
    %dot_general3A_38 = arith.constant dense<0.000000e+00> : vector<4000x64xf32>
    %dot_general3A_39 = tpu.matmul %get3A_34, %get3A_37, %dot_general3A_38 {dimension_numbers = #tpu.dot_dimension_numbers<[1], [0], [0], [1], [0, 0, 1, 1], [], []>, transpose_lhs_hint = false} : vector<4000x32xf32>, vector<32x64xf32>, vector<4000x64xf32> -> vector<4000x64xf32>
    %add3A = arith.addf %dot_general3A_31, %dot_general3A_39 : vector<4000x64xf32>
    %get3A_40 = arith.constant 0 : index
    %get3A_41 = arith.constant 0 : index
    %get3A_42 = vector.load %arg9[%get3A_40, %get3A_41] : memref<32x64xf32, #tpu.memory_space<vmem>>, vector<32x64xf32>
    %dot_general3A_43 = arith.constant dense<0.000000e+00> : vector<4000x64xf32>
    %dot_general3A_44 = tpu.matmul %get3A_23, %get3A_42, %dot_general3A_43 {dimension_numbers = #tpu.dot_dimension_numbers<[1], [0], [0], [1], [0, 0, 1, 1], [], []>, transpose_lhs_hint = false} : vector<4000x32xf32>, vector<32x64xf32>, vector<4000x64xf32> -> vector<4000x64xf32>
    %add3A_45 = arith.addf %add3A, %dot_general3A_44 : vector<4000x64xf32>
    %get3A_46 = arith.constant 0 : index
    %get3A_47 = arith.constant 0 : index
    %get3A_48 = vector.load %arg10[%get3A_46, %get3A_47] : memref<32x64xf32, #tpu.memory_space<vmem>>, vector<32x64xf32>
    %dot_general3A_49 = arith.constant dense<0.000000e+00> : vector<1x64xf32>
    %dot_general3A_50 = tpu.matmul %dot_general3A_20, %get3A_48, %dot_general3A_49 {dimension_numbers = #tpu.dot_dimension_numbers<[1], [0], [0], [1], [0, 0, 1, 1], [], []>, transpose_lhs_hint = false} : vector<1x32xf32>, vector<32x64xf32>, vector<1x64xf32> -> vector<1x64xf32>
    %add3A_51 = vector.broadcast %dot_general3A_50 : vector<1x64xf32> to vector<4000x64xf32>
    %add3A_52 = arith.addf %add3A_45, %add3A_51 : vector<4000x64xf32>
    %get3A_53 = arith.constant 0 : index
    %get3A_54 = arith.constant 0 : index
    %get3A_55 = vector.load %arg11[%get3A_53, %get3A_54] : memref<1x64xf32, #tpu.memory_space<vmem>>, vector<1x64xf32>
    %add3A_56 = vector.broadcast %get3A_55 : vector<1x64xf32> to vector<4000x64xf32>
    %add3A_57 = arith.addf %add3A_52, %add3A_56 : vector<4000x64xf32>
    %custom_jvp_call3A = arith.constant 0.000000e+00 : f32
    %max3A = vector.broadcast %custom_jvp_call3A : f32 to vector<4000x64xf32>
    %max3A_58 = arith.maximumf %add3A_57, %max3A : vector<4000x64xf32>
    %sub3A_59 = vector.broadcast %custom_jvp_call3A : f32 to vector<4000x64xf32>
    %sub3A_60 = arith.subf %add3A_57, %sub3A_59 : vector<4000x64xf32>
    %ne3A_61 = arith.cmpf one, %sub3A_60, %sub3A_60 : vector<4000x64xf32>
    %add3A_62 = vector.broadcast %custom_jvp_call3A : f32 to vector<4000x64xf32>
    %add3A_63 = arith.addf %add3A_57, %add3A_62 : vector<4000x64xf32>
    %abs3A = math.absf %sub3A_60 : vector<4000x64xf32>
    %neg3A = arith.constant 0.000000e+00 : f32
    %neg3A_64 = vector.broadcast %neg3A : f32 to vector<4000x64xf32>
    %neg3A_65 = arith.subf %neg3A_64, %abs3A : vector<4000x64xf32>
    %exp3A = math.exp %neg3A_65 : vector<4000x64xf32>
    %log1p3A = math.log1p %exp3A : vector<4000x64xf32>
    %add3A_66 = arith.addf %max3A_58, %log1p3A : vector<4000x64xf32>
    %select_n3A_67 = arith.select %ne3A_61, %add3A_63, %add3A_66 : vector<4000x64xi1>, vector<4000x64xf32>
    %sub3A_68 = arith.constant 0.693147182 : f32
    %sub3A_69 = vector.broadcast %sub3A_68 : f32 to vector<4000x64xf32>
    %sub3A_70 = arith.subf %select_n3A_67, %sub3A_69 : vector<4000x64xf32>
    %get3A_71 = arith.constant 0 : index
    %get3A_72 = arith.constant 0 : index
    %get3A_73 = vector.load %arg12[%get3A_71, %get3A_72] : memref<64x64xf32, #tpu.memory_space<vmem>>, vector<64x64xf32>
    %dot_general3A_74 = arith.constant dense<0.000000e+00> : vector<4000x64xf32>
    %dot_general3A_75 = tpu.matmul %sub3A_70, %get3A_73, %dot_general3A_74 {dimension_numbers = #tpu.dot_dimension_numbers<[1], [0], [0], [1], [0, 0, 1, 1], [], []>, transpose_lhs_hint = false} : vector<4000x64xf32>, vector<64x64xf32>, vector<4000x64xf32> -> vector<4000x64xf32>
    %get3A_76 = arith.constant 0 : index
    %get3A_77 = arith.constant 0 : index
    %get3A_78 = vector.load %arg13[%get3A_76, %get3A_77] : memref<1x64xf32, #tpu.memory_space<vmem>>, vector<1x64xf32>
    %add3A_79 = vector.broadcast %get3A_78 : vector<1x64xf32> to vector<4000x64xf32>
    %add3A_80 = arith.addf %dot_general3A_75, %add3A_79 : vector<4000x64xf32>
    %custom_jvp_call3A_81 = arith.constant 0.000000e+00 : f32
    %max3A_82 = vector.broadcast %custom_jvp_call3A_81 : f32 to vector<4000x64xf32>
    %max3A_83 = arith.maximumf %add3A_80, %max3A_82 : vector<4000x64xf32>
    %sub3A_84 = vector.broadcast %custom_jvp_call3A_81 : f32 to vector<4000x64xf32>
    %sub3A_85 = arith.subf %add3A_80, %sub3A_84 : vector<4000x64xf32>
    %ne3A_86 = arith.cmpf one, %sub3A_85, %sub3A_85 : vector<4000x64xf32>
    %add3A_87 = vector.broadcast %custom_jvp_call3A_81 : f32 to vector<4000x64xf32>
    %add3A_88 = arith.addf %add3A_80, %add3A_87 : vector<4000x64xf32>
    %abs3A_89 = math.absf %sub3A_85 : vector<4000x64xf32>
    %neg3A_90 = arith.constant 0.000000e+00 : f32
    %neg3A_91 = vector.broadcast %neg3A_90 : f32 to vector<4000x64xf32>
    %neg3A_92 = arith.subf %neg3A_91, %abs3A_89 : vector<4000x64xf32>
    %exp3A_93 = math.exp %neg3A_92 : vector<4000x64xf32>
    %log1p3A_94 = math.log1p %exp3A_93 : vector<4000x64xf32>
    %add3A_95 = arith.addf %max3A_83, %log1p3A_94 : vector<4000x64xf32>
    %select_n3A_96 = arith.select %ne3A_86, %add3A_88, %add3A_95 : vector<4000x64xi1>, vector<4000x64xf32>
    %sub3A_97 = arith.constant 0.693147182 : f32
    %sub3A_98 = vector.broadcast %sub3A_97 : f32 to vector<4000x64xf32>
    %sub3A_99 = arith.subf %select_n3A_96, %sub3A_98 : vector<4000x64xf32>
    %get3A_100 = arith.constant 0 : index
    %get3A_101 = arith.constant 0 : index
    %get3A_102 = vector.load %arg14[%get3A_100, %get3A_101] : memref<64x32xf32, #tpu.memory_space<vmem>>, vector<64x32xf32>
    %dot_general3A_103 = arith.constant dense<0.000000e+00> : vector<4000x32xf32>
    %dot_general3A_104 = tpu.matmul %sub3A_99, %get3A_102, %dot_general3A_103 {dimension_numbers = #tpu.dot_dimension_numbers<[1], [0], [0], [1], [0, 0, 1, 1], [], []>, transpose_lhs_hint = false} : vector<4000x64xf32>, vector<64x32xf32>, vector<4000x32xf32> -> vector<4000x32xf32>
    %get3A_105 = arith.constant 0 : index
    %get3A_106 = arith.constant 0 : index
    %get3A_107 = vector.load %arg15[%get3A_105, %get3A_106] : memref<1x32xf32, #tpu.memory_space<vmem>>, vector<1x32xf32>
    %add3A_108 = vector.broadcast %get3A_107 : vector<1x32xf32> to vector<4000x32xf32>
    %add3A_109 = arith.addf %dot_general3A_104, %add3A_108 : vector<4000x32xf32>
    %custom_jvp_call3A_110 = arith.constant 0.000000e+00 : f32
    %max3A_111 = vector.broadcast %custom_jvp_call3A_110 : f32 to vector<4000x32xf32>
    %max3A_112 = arith.maximumf %add3A_109, %max3A_111 : vector<4000x32xf32>
    %sub3A_113 = vector.broadcast %custom_jvp_call3A_110 : f32 to vector<4000x32xf32>
    %sub3A_114 = arith.subf %add3A_109, %sub3A_113 : vector<4000x32xf32>
    %ne3A_115 = arith.cmpf one, %sub3A_114, %sub3A_114 : vector<4000x32xf32>
    %add3A_116 = vector.broadcast %custom_jvp_call3A_110 : f32 to vector<4000x32xf32>
    %add3A_117 = arith.addf %add3A_109, %add3A_116 : vector<4000x32xf32>
    %abs3A_118 = math.absf %sub3A_114 : vector<4000x32xf32>
    %neg3A_119 = arith.constant 0.000000e+00 : f32
    %neg3A_120 = vector.broadcast %neg3A_119 : f32 to vector<4000x32xf32>
    %neg3A_121 = arith.subf %neg3A_120, %abs3A_118 : vector<4000x32xf32>
    %exp3A_122 = math.exp %neg3A_121 : vector<4000x32xf32>
    %log1p3A_123 = math.log1p %exp3A_122 : vector<4000x32xf32>
    %add3A_124 = arith.addf %max3A_112, %log1p3A_123 : vector<4000x32xf32>
    %select_n3A_125 = arith.select %ne3A_115, %add3A_117, %add3A_124 : vector<4000x32xi1>, vector<4000x32xf32>
    %sub3A_126 = arith.constant 0.693147182 : f32
    %sub3A_127 = vector.broadcast %sub3A_126 : f32 to vector<4000x32xf32>
    %sub3A_128 = arith.subf %select_n3A_125, %sub3A_127 : vector<4000x32xf32>
    %add3A_129 = arith.addf %sub3A_128, %get3A_23 : vector<4000x32xf32>
    %swap3A = arith.constant 0 : index
    %swap3A_130 = arith.constant 0 : index
    %swap3A_131 = vector.load %arg16[%swap3A, %swap3A_130] : memref<4000x32xf32, #tpu.memory_space<vmem>>, vector<4000x32xf32>
    tpu.vector_store %arg16[%swap3A, %swap3A_130], %sub3A_128 {strides = array<i32>} : memref<4000x32xf32, #tpu.memory_space<vmem>>, vector<4000x32xf32>,
    %swap3A_132 = arith.constant 0 : index
    %swap3A_133 = arith.constant 0 : index
    %swap3A_134 = vector.load %arg17[%swap3A_132, %swap3A_133] : memref<4000x32xf32, #tpu.memory_space<vmem>>, vector<4000x32xf32>
    tpu.vector_store %arg17[%swap3A_132, %swap3A_133], %add3A_129 {strides = array<i32>} : memref<4000x32xf32, #tpu.memory_space<vmem>>, vector<4000x32xf32>,
    %reduce_sum3A = arith.constant dense<0.000000e+00> : vector<32xf32>
    %reduce_sum3A_135 = vector.multi_reduction <add>, %sub3A_128, %reduce_sum3A [0] : vector<4000x32xf32> to vector<32xf32>
    %broadcast_in_dim3A = vector.shape_cast %reduce_sum3A_135 : vector<32xf32> to vector<1x32xf32>
    %reduce_sum3A_136 = arith.constant dense<0.000000e+00> : vector<32xf32>
    %reduce_sum3A_137 = vector.multi_reduction <add>, %add3A_129, %reduce_sum3A_136 [0] : vector<4000x32xf32> to vector<32xf32>
    %broadcast_in_dim3A_138 = vector.shape_cast %reduce_sum3A_137 : vector<32xf32> to vector<1x32xf32>
    %broadcast_in_dim3A_139 = arith.constant 0.000000e+00 : f32
    %broadcast_in_dim3A_140 = vector.broadcast %broadcast_in_dim3A_139 : f32 to vector<1x64xf32>
    %concatenate3A = tpu.concatenate %broadcast_in_dim3A, %broadcast_in_dim3A_138, %broadcast_in_dim3A_140 in 1 : vector<1x32xf32>, vector<1x32xf32>, vector<1x64xf32> -> vector<1x128xf32>
    %reshape3A_141 = vector.shape_cast %concatenate3A : vector<1x128xf32> to vector<1x1x128xf32>
    %swap3A_142 = arith.constant 0 : index
    %swap3A_143 = arith.constant 0 : index
    %swap3A_144 = arith.constant 0 : index
    %swap3A_145 = vector.load %arg18[%swap3A_142, %swap3A_143, %swap3A_144] : memref<1x1x128xf32, #tpu.memory_space<vmem>>, vector<1x1x128xf32>
    tpu.vector_store %arg18[%swap3A_142, %swap3A_143, %swap3A_144], %reshape3A_141 {strides = array<i32>} : memref<1x1x128xf32, #tpu.memory_space<vmem>>, vector<1x1x128xf32>,
    return
  }
  func.func @transform_0(%arg0: i32) -> (i32, i32) {
    %c0_i32 = arith.constant 0 : i32
    %c0_i32_0 = arith.constant 0 : i32
    return %arg0, %c0_i32 : i32, i32
  }
  func.func @transform_1(%arg0: i32) -> (i32, i32) {
    %c0_i32 = arith.constant 0 : i32
    %c0_i32_0 = arith.constant 0 : i32
    return %arg0, %c0_i32 : i32, i32
  }
  func.func @transform_2(%arg0: i32) -> (i32, i32) {
    %c0_i32 = arith.constant 0 : i32
    %c0_i32_0 = arith.constant 0 : i32
    return %arg0, %c0_i32 : i32, i32
  }
  func.func @transform_3(%arg0: i32) -> (i32, i32) {
    %c0_i32 = arith.constant 0 : i32
    %c0_i32_0 = arith.constant 0 : i32
    %c0_i32_1 = arith.constant 0 : i32
    return %c0_i32, %c0_i32_0 : i32, i32
  }
  func.func @transform_4(%arg0: i32) -> (i32, i32) {
    %c0_i32 = arith.constant 0 : i32
    %c0_i32_0 = arith.constant 0 : i32
    %c0_i32_1 = arith.constant 0 : i32
    return %c0_i32, %c0_i32_0 : i32, i32
  }
  func.func @transform_5(%arg0: i32) -> (i32, i32) {
    %c0_i32 = arith.constant 0 : i32
    %c0_i32_0 = arith.constant 0 : i32
    %c0_i32_1 = arith.constant 0 : i32
    return %c0_i32, %c0_i32_0 : i32, i32
  }
  func.func @transform_6(%arg0: i32) -> (i32, i32) {
    %c0_i32 = arith.constant 0 : i32
    %c0_i32_0 = arith.constant 0 : i32
    %c0_i32_1 = arith.constant 0 : i32
    return %c0_i32, %c0_i32_0 : i32, i32
  }
  func.func @transform_7(%arg0: i32) -> (i32, i32) {
    %c0_i32 = arith.constant 0 : i32
    %c0_i32_0 = arith.constant 0 : i32
    %c0_i32_1 = arith.constant 0 : i32
    return %c0_i32, %c0_i32_0 : i32, i32
  }
  func.func @transform_8(%arg0: i32) -> (i32, i32) {
    %c0_i32 = arith.constant 0 : i32
    %c0_i32_0 = arith.constant 0 : i32
    %c0_i32_1 = arith.constant 0 : i32
    return %c0_i32, %c0_i32_0 : i32, i32
  }
  func.func @transform_9(%arg0: i32) -> (i32, i32) {
    %c0_i32 = arith.constant 0 : i32
    %c0_i32_0 = arith.constant 0 : i32
    %c0_i32_1 = arith.constant 0 : i32
    return %c0_i32, %c0_i32_0 : i32, i32
  }
  func.func @transform_10(%arg0: i32) -> (i32, i32) {
    %c0_i32 = arith.constant 0 : i32
    %c0_i32_0 = arith.constant 0 : i32
    %c0_i32_1 = arith.constant 0 : i32
    return %c0_i32, %c0_i32_0 : i32, i32
  }
  func.func @transform_11(%arg0: i32) -> (i32, i32) {
    %c0_i32 = arith.constant 0 : i32
    %c0_i32_0 = arith.constant 0 : i32
    %c0_i32_1 = arith.constant 0 : i32
    return %c0_i32, %c0_i32_0 : i32, i32
  }
  func.func @transform_12(%arg0: i32) -> (i32, i32) {
    %c0_i32 = arith.constant 0 : i32
    %c0_i32_0 = arith.constant 0 : i32
    %c0_i32_1 = arith.constant 0 : i32
    return %c0_i32, %c0_i32_0 : i32, i32
  }
  func.func @transform_13(%arg0: i32) -> (i32, i32) {
    %c0_i32 = arith.constant 0 : i32
    %c0_i32_0 = arith.constant 0 : i32
    %c0_i32_1 = arith.constant 0 : i32
    return %c0_i32, %c0_i32_0 : i32, i32
  }
  func.func @transform_14(%arg0: i32) -> (i32, i32) {
    %c0_i32 = arith.constant 0 : i32
    %c0_i32_0 = arith.constant 0 : i32
    %c0_i32_1 = arith.constant 0 : i32
    return %c0_i32, %c0_i32_0 : i32, i32
  }
  func.func @transform_15(%arg0: i32) -> (i32, i32) {
    %c0_i32 = arith.constant 0 : i32
    %c0_i32_0 = arith.constant 0 : i32
    return %arg0, %c0_i32 : i32, i32
  }
  func.func @transform_16(%arg0: i32) -> (i32, i32) {
    %c0_i32 = arith.constant 0 : i32
    %c0_i32_0 = arith.constant 0 : i32
    return %arg0, %c0_i32 : i32, i32
  }
  func.func @transform_17(%arg0: i32) -> (i32, i32, i32) {
    %c0_i32 = arith.constant 0 : i32
    %c0_i32_0 = arith.constant 0 : i32
    %c0_i32_1 = arith.constant 0 : i32
    return %arg0, %c0_i32, %c0_i32_0 : i32, i32, i32
  }
}

module attributes {stable_mosaic.version = 14 : i64} {
  func.func @_node_block_body(%arg0: i32, %arg1: memref<2000x32xf32, #tpu.memory_space<vmem>>, %arg2: memref<2000x32xf32, #tpu.memory_space<vmem>>, %arg3: memref<2000x32xf32, #tpu.memory_space<vmem>>, %arg4: memref<2000x16xf32, #tpu.memory_space<vmem>>, %arg5: memref<32x32xf32, #tpu.memory_space<vmem>>, %arg6: memref<32x64xf32, #tpu.memory_space<vmem>>, %arg7: memref<32x64xf32, #tpu.memory_space<vmem>>, %arg8: memref<32x64xf32, #tpu.memory_space<vmem>>, %arg9: memref<1x64xf32, #tpu.memory_space<vmem>>, %arg10: memref<64x64xf32, #tpu.memory_space<vmem>>, %arg11: memref<1x64xf32, #tpu.memory_space<vmem>>, %arg12: memref<64x32xf32, #tpu.memory_space<vmem>>, %arg13: memref<1x32xf32, #tpu.memory_space<vmem>>, %arg14: memref<2000x32xf32, #tpu.memory_space<vmem>>, %arg15: memref<1x1x128xf32, #tpu.memory_space<vmem>>) attributes {dimension_semantics = [#tpu.dimension_semantics<arbitrary>], iteration_bounds = array<i64: 25>, scalar_prefetch = 0 : i64, scratch_operands = 0 : i64, tpu.core_type = #tpu.core_type<tc>, window_params = [{transform_indices = @transform_0, window_bounds = array<i64: 2000, 32>}, {transform_indices = @transform_1, window_bounds = array<i64: 2000, 32>}, {transform_indices = @transform_2, window_bounds = array<i64: 2000, 32>}, {transform_indices = @transform_3, window_bounds = array<i64: 2000, 16>}, {pipeline_mode = #tpu.pipeline_mode<synchronous>, transform_indices = @transform_4, window_bounds = array<i64: 32, 32>}, {pipeline_mode = #tpu.pipeline_mode<synchronous>, transform_indices = @transform_5, window_bounds = array<i64: 32, 64>}, {pipeline_mode = #tpu.pipeline_mode<synchronous>, transform_indices = @transform_6, window_bounds = array<i64: 32, 64>}, {pipeline_mode = #tpu.pipeline_mode<synchronous>, transform_indices = @transform_7, window_bounds = array<i64: 32, 64>}, {pipeline_mode = #tpu.pipeline_mode<synchronous>, transform_indices = @transform_8, window_bounds = array<i64: 1, 64>}, {pipeline_mode = #tpu.pipeline_mode<synchronous>, transform_indices = @transform_9, window_bounds = array<i64: 64, 64>}, {pipeline_mode = #tpu.pipeline_mode<synchronous>, transform_indices = @transform_10, window_bounds = array<i64: 1, 64>}, {pipeline_mode = #tpu.pipeline_mode<synchronous>, transform_indices = @transform_11, window_bounds = array<i64: 64, 32>}, {pipeline_mode = #tpu.pipeline_mode<synchronous>, transform_indices = @transform_12, window_bounds = array<i64: 1, 32>}, {transform_indices = @transform_13, window_bounds = array<i64: 2000, 32>}, {transform_indices = @transform_14, window_bounds = array<i64: 1, 1, 128>}]} {
    %iota3A = tpu.iota {dimensions = array<i32: 0>} : vector<32x1xi32>
    %eq3A = vector.broadcast %arg0 : i32 to vector<32x1xi32>
    %eq3A_0 = arith.cmpi eq, %iota3A, %eq3A : vector<32x1xi32>
    %convert_element_type3A = arith.extui %eq3A_0 : vector<32x1xi1> to vector<32x1xi32>
    %convert_element_type3A_1 = arith.sitofp %convert_element_type3A : vector<32x1xi32> to vector<32x1xf32>
    %reshape3A = vector.shape_cast %convert_element_type3A_1 : vector<32x1xf32> to vector<1x32xf32>
    %get3A = arith.constant 0 : index
    %get3A_2 = arith.constant 0 : index
    %get3A_3 = vector.load %arg5[%get3A, %get3A_2] : memref<32x32xf32, #tpu.memory_space<vmem>>, vector<32x32xf32>
    %dot_general3A = arith.constant dense<0.000000e+00> : vector<1x32xf32>
    %dot_general3A_4 = tpu.matmul %reshape3A, %get3A_3, %dot_general3A {dimension_numbers = #tpu.dot_dimension_numbers<[1], [0], [0], [1], [0, 0, 1, 1], [], []>, transpose_lhs_hint = false} : vector<1x32xf32>, vector<32x32xf32>, vector<1x32xf32> -> vector<1x32xf32>
    %get3A_5 = arith.constant 0 : index
    %get3A_6 = arith.constant 0 : index
    %get3A_7 = vector.load %arg3[%get3A_5, %get3A_6] : memref<2000x32xf32, #tpu.memory_space<vmem>>, vector<2000x32xf32>
    %get3A_8 = arith.constant 0 : index
    %get3A_9 = arith.constant 0 : index
    %get3A_10 = vector.load %arg4[%get3A_8, %get3A_9] : memref<2000x16xf32, #tpu.memory_space<vmem>>, vector<2000x16xf32>
    %reduce_sum3A = arith.constant dense<0.000000e+00> : vector<2000xf32>
    %reduce_sum3A_11 = vector.multi_reduction <add>, %get3A_10, %reduce_sum3A [1] : vector<2000x16xf32> to vector<2000xf32>
    %broadcast_in_dim3A = vector.shape_cast %reduce_sum3A_11 : vector<2000xf32> to vector<2000x1xf32>
    %max3A = arith.constant 1.000000e+00 : f32
    %max3A_12 = vector.broadcast %max3A : f32 to vector<2000x1xf32>
    %max3A_13 = arith.maximumf %broadcast_in_dim3A, %max3A_12 : vector<2000x1xf32>
    %div3A = vector.broadcast %max3A_13 : vector<2000x1xf32> to vector<2000x32xf32>
    %div3A_14 = arith.divf %get3A_7, %div3A : vector<2000x32xf32>
    %get3A_15 = arith.constant 0 : index
    %get3A_16 = arith.constant 0 : index
    %get3A_17 = vector.load %arg2[%get3A_15, %get3A_16] : memref<2000x32xf32, #tpu.memory_space<vmem>>, vector<2000x32xf32>
    %get3A_18 = arith.constant 0 : index
    %get3A_19 = arith.constant 0 : index
    %get3A_20 = vector.load %arg6[%get3A_18, %get3A_19] : memref<32x64xf32, #tpu.memory_space<vmem>>, vector<32x64xf32>
    %dot_general3A_21 = arith.constant dense<0.000000e+00> : vector<2000x64xf32>
    %dot_general3A_22 = tpu.matmul %get3A_17, %get3A_20, %dot_general3A_21 {dimension_numbers = #tpu.dot_dimension_numbers<[1], [0], [0], [1], [0, 0, 1, 1], [], []>, transpose_lhs_hint = false} : vector<2000x32xf32>, vector<32x64xf32>, vector<2000x64xf32> -> vector<2000x64xf32>
    %get3A_23 = arith.constant 0 : index
    %get3A_24 = arith.constant 0 : index
    %get3A_25 = vector.load %arg7[%get3A_23, %get3A_24] : memref<32x64xf32, #tpu.memory_space<vmem>>, vector<32x64xf32>
    %dot_general3A_26 = arith.constant dense<0.000000e+00> : vector<2000x64xf32>
    %dot_general3A_27 = tpu.matmul %div3A_14, %get3A_25, %dot_general3A_26 {dimension_numbers = #tpu.dot_dimension_numbers<[1], [0], [0], [1], [0, 0, 1, 1], [], []>, transpose_lhs_hint = false} : vector<2000x32xf32>, vector<32x64xf32>, vector<2000x64xf32> -> vector<2000x64xf32>
    %add3A = arith.addf %dot_general3A_22, %dot_general3A_27 : vector<2000x64xf32>
    %get3A_28 = arith.constant 0 : index
    %get3A_29 = arith.constant 0 : index
    %get3A_30 = vector.load %arg8[%get3A_28, %get3A_29] : memref<32x64xf32, #tpu.memory_space<vmem>>, vector<32x64xf32>
    %dot_general3A_31 = arith.constant dense<0.000000e+00> : vector<1x64xf32>
    %dot_general3A_32 = tpu.matmul %dot_general3A_4, %get3A_30, %dot_general3A_31 {dimension_numbers = #tpu.dot_dimension_numbers<[1], [0], [0], [1], [0, 0, 1, 1], [], []>, transpose_lhs_hint = false} : vector<1x32xf32>, vector<32x64xf32>, vector<1x64xf32> -> vector<1x64xf32>
    %add3A_33 = vector.broadcast %dot_general3A_32 : vector<1x64xf32> to vector<2000x64xf32>
    %add3A_34 = arith.addf %add3A, %add3A_33 : vector<2000x64xf32>
    %get3A_35 = arith.constant 0 : index
    %get3A_36 = arith.constant 0 : index
    %get3A_37 = vector.load %arg9[%get3A_35, %get3A_36] : memref<1x64xf32, #tpu.memory_space<vmem>>, vector<1x64xf32>
    %add3A_38 = vector.broadcast %get3A_37 : vector<1x64xf32> to vector<2000x64xf32>
    %add3A_39 = arith.addf %add3A_34, %add3A_38 : vector<2000x64xf32>
    %custom_jvp_call3A = arith.constant 0.000000e+00 : f32
    %max3A_40 = vector.broadcast %custom_jvp_call3A : f32 to vector<2000x64xf32>
    %max3A_41 = arith.maximumf %add3A_39, %max3A_40 : vector<2000x64xf32>
    %sub3A = vector.broadcast %custom_jvp_call3A : f32 to vector<2000x64xf32>
    %sub3A_42 = arith.subf %add3A_39, %sub3A : vector<2000x64xf32>
    %ne3A = arith.cmpf one, %sub3A_42, %sub3A_42 : vector<2000x64xf32>
    %add3A_43 = vector.broadcast %custom_jvp_call3A : f32 to vector<2000x64xf32>
    %add3A_44 = arith.addf %add3A_39, %add3A_43 : vector<2000x64xf32>
    %abs3A = math.absf %sub3A_42 : vector<2000x64xf32>
    %neg3A = arith.constant 0.000000e+00 : f32
    %neg3A_45 = vector.broadcast %neg3A : f32 to vector<2000x64xf32>
    %neg3A_46 = arith.subf %neg3A_45, %abs3A : vector<2000x64xf32>
    %exp3A = math.exp %neg3A_46 : vector<2000x64xf32>
    %log1p3A = math.log1p %exp3A : vector<2000x64xf32>
    %add3A_47 = arith.addf %max3A_41, %log1p3A : vector<2000x64xf32>
    %select_n3A = arith.select %ne3A, %add3A_44, %add3A_47 : vector<2000x64xi1>, vector<2000x64xf32>
    %sub3A_48 = arith.constant 0.693147182 : f32
    %sub3A_49 = vector.broadcast %sub3A_48 : f32 to vector<2000x64xf32>
    %sub3A_50 = arith.subf %select_n3A, %sub3A_49 : vector<2000x64xf32>
    %get3A_51 = arith.constant 0 : index
    %get3A_52 = arith.constant 0 : index
    %get3A_53 = vector.load %arg10[%get3A_51, %get3A_52] : memref<64x64xf32, #tpu.memory_space<vmem>>, vector<64x64xf32>
    %dot_general3A_54 = arith.constant dense<0.000000e+00> : vector<2000x64xf32>
    %dot_general3A_55 = tpu.matmul %sub3A_50, %get3A_53, %dot_general3A_54 {dimension_numbers = #tpu.dot_dimension_numbers<[1], [0], [0], [1], [0, 0, 1, 1], [], []>, transpose_lhs_hint = false} : vector<2000x64xf32>, vector<64x64xf32>, vector<2000x64xf32> -> vector<2000x64xf32>
    %get3A_56 = arith.constant 0 : index
    %get3A_57 = arith.constant 0 : index
    %get3A_58 = vector.load %arg11[%get3A_56, %get3A_57] : memref<1x64xf32, #tpu.memory_space<vmem>>, vector<1x64xf32>
    %add3A_59 = vector.broadcast %get3A_58 : vector<1x64xf32> to vector<2000x64xf32>
    %add3A_60 = arith.addf %dot_general3A_55, %add3A_59 : vector<2000x64xf32>
    %custom_jvp_call3A_61 = arith.constant 0.000000e+00 : f32
    %max3A_62 = vector.broadcast %custom_jvp_call3A_61 : f32 to vector<2000x64xf32>
    %max3A_63 = arith.maximumf %add3A_60, %max3A_62 : vector<2000x64xf32>
    %sub3A_64 = vector.broadcast %custom_jvp_call3A_61 : f32 to vector<2000x64xf32>
    %sub3A_65 = arith.subf %add3A_60, %sub3A_64 : vector<2000x64xf32>
    %ne3A_66 = arith.cmpf one, %sub3A_65, %sub3A_65 : vector<2000x64xf32>
    %add3A_67 = vector.broadcast %custom_jvp_call3A_61 : f32 to vector<2000x64xf32>
    %add3A_68 = arith.addf %add3A_60, %add3A_67 : vector<2000x64xf32>
    %abs3A_69 = math.absf %sub3A_65 : vector<2000x64xf32>
    %neg3A_70 = arith.constant 0.000000e+00 : f32
    %neg3A_71 = vector.broadcast %neg3A_70 : f32 to vector<2000x64xf32>
    %neg3A_72 = arith.subf %neg3A_71, %abs3A_69 : vector<2000x64xf32>
    %exp3A_73 = math.exp %neg3A_72 : vector<2000x64xf32>
    %log1p3A_74 = math.log1p %exp3A_73 : vector<2000x64xf32>
    %add3A_75 = arith.addf %max3A_63, %log1p3A_74 : vector<2000x64xf32>
    %select_n3A_76 = arith.select %ne3A_66, %add3A_68, %add3A_75 : vector<2000x64xi1>, vector<2000x64xf32>
    %sub3A_77 = arith.constant 0.693147182 : f32
    %sub3A_78 = vector.broadcast %sub3A_77 : f32 to vector<2000x64xf32>
    %sub3A_79 = arith.subf %select_n3A_76, %sub3A_78 : vector<2000x64xf32>
    %get3A_80 = arith.constant 0 : index
    %get3A_81 = arith.constant 0 : index
    %get3A_82 = vector.load %arg12[%get3A_80, %get3A_81] : memref<64x32xf32, #tpu.memory_space<vmem>>, vector<64x32xf32>
    %dot_general3A_83 = arith.constant dense<0.000000e+00> : vector<2000x32xf32>
    %dot_general3A_84 = tpu.matmul %sub3A_79, %get3A_82, %dot_general3A_83 {dimension_numbers = #tpu.dot_dimension_numbers<[1], [0], [0], [1], [0, 0, 1, 1], [], []>, transpose_lhs_hint = false} : vector<2000x64xf32>, vector<64x32xf32>, vector<2000x32xf32> -> vector<2000x32xf32>
    %get3A_85 = arith.constant 0 : index
    %get3A_86 = arith.constant 0 : index
    %get3A_87 = vector.load %arg13[%get3A_85, %get3A_86] : memref<1x32xf32, #tpu.memory_space<vmem>>, vector<1x32xf32>
    %add3A_88 = vector.broadcast %get3A_87 : vector<1x32xf32> to vector<2000x32xf32>
    %add3A_89 = arith.addf %dot_general3A_84, %add3A_88 : vector<2000x32xf32>
    %custom_jvp_call3A_90 = arith.constant 0.000000e+00 : f32
    %max3A_91 = vector.broadcast %custom_jvp_call3A_90 : f32 to vector<2000x32xf32>
    %max3A_92 = arith.maximumf %add3A_89, %max3A_91 : vector<2000x32xf32>
    %sub3A_93 = vector.broadcast %custom_jvp_call3A_90 : f32 to vector<2000x32xf32>
    %sub3A_94 = arith.subf %add3A_89, %sub3A_93 : vector<2000x32xf32>
    %ne3A_95 = arith.cmpf one, %sub3A_94, %sub3A_94 : vector<2000x32xf32>
    %add3A_96 = vector.broadcast %custom_jvp_call3A_90 : f32 to vector<2000x32xf32>
    %add3A_97 = arith.addf %add3A_89, %add3A_96 : vector<2000x32xf32>
    %abs3A_98 = math.absf %sub3A_94 : vector<2000x32xf32>
    %neg3A_99 = arith.constant 0.000000e+00 : f32
    %neg3A_100 = vector.broadcast %neg3A_99 : f32 to vector<2000x32xf32>
    %neg3A_101 = arith.subf %neg3A_100, %abs3A_98 : vector<2000x32xf32>
    %exp3A_102 = math.exp %neg3A_101 : vector<2000x32xf32>
    %log1p3A_103 = math.log1p %exp3A_102 : vector<2000x32xf32>
    %add3A_104 = arith.addf %max3A_92, %log1p3A_103 : vector<2000x32xf32>
    %select_n3A_105 = arith.select %ne3A_95, %add3A_97, %add3A_104 : vector<2000x32xi1>, vector<2000x32xf32>
    %sub3A_106 = arith.constant 0.693147182 : f32
    %sub3A_107 = vector.broadcast %sub3A_106 : f32 to vector<2000x32xf32>
    %sub3A_108 = arith.subf %select_n3A_105, %sub3A_107 : vector<2000x32xf32>
    %get3A_109 = arith.constant 0 : index
    %get3A_110 = arith.constant 0 : index
    %get3A_111 = vector.load %arg1[%get3A_109, %get3A_110] : memref<2000x32xf32, #tpu.memory_space<vmem>>, vector<2000x32xf32>
    %add3A_112 = arith.addf %sub3A_108, %get3A_111 : vector<2000x32xf32>
    %swap3A = arith.constant 0 : index
    %swap3A_113 = arith.constant 0 : index
    %swap3A_114 = vector.load %arg14[%swap3A, %swap3A_113] : memref<2000x32xf32, #tpu.memory_space<vmem>>, vector<2000x32xf32>
    tpu.vector_store %arg14[%swap3A, %swap3A_113], %add3A_112 {strides = array<i32>} : memref<2000x32xf32, #tpu.memory_space<vmem>>, vector<2000x32xf32>,
    %reduce_sum3A_115 = arith.constant dense<0.000000e+00> : vector<32xf32>
    %reduce_sum3A_116 = vector.multi_reduction <add>, %sub3A_108, %reduce_sum3A_115 [0] : vector<2000x32xf32> to vector<32xf32>
    %broadcast_in_dim3A_117 = vector.shape_cast %reduce_sum3A_116 : vector<32xf32> to vector<1x32xf32>
    %reduce_sum3A_118 = arith.constant dense<0.000000e+00> : vector<32xf32>
    %reduce_sum3A_119 = vector.multi_reduction <add>, %add3A_112, %reduce_sum3A_118 [0] : vector<2000x32xf32> to vector<32xf32>
    %broadcast_in_dim3A_120 = vector.shape_cast %reduce_sum3A_119 : vector<32xf32> to vector<1x32xf32>
    %broadcast_in_dim3A_121 = arith.constant 0.000000e+00 : f32
    %broadcast_in_dim3A_122 = vector.broadcast %broadcast_in_dim3A_121 : f32 to vector<1x64xf32>
    %concatenate3A = tpu.concatenate %broadcast_in_dim3A_117, %broadcast_in_dim3A_120, %broadcast_in_dim3A_122 in 1 : vector<1x32xf32>, vector<1x32xf32>, vector<1x64xf32> -> vector<1x128xf32>
    %reshape3A_123 = vector.shape_cast %concatenate3A : vector<1x128xf32> to vector<1x1x128xf32>
    %swap3A_124 = arith.constant 0 : index
    %swap3A_125 = arith.constant 0 : index
    %swap3A_126 = arith.constant 0 : index
    %swap3A_127 = vector.load %arg15[%swap3A_124, %swap3A_125, %swap3A_126] : memref<1x1x128xf32, #tpu.memory_space<vmem>>, vector<1x1x128xf32>
    tpu.vector_store %arg15[%swap3A_124, %swap3A_125, %swap3A_126], %reshape3A_123 {strides = array<i32>} : memref<1x1x128xf32, #tpu.memory_space<vmem>>, vector<1x1x128xf32>,
    return
  }
  func.func @transform_0(%arg0: i32) -> (i32, i32) {
    %c0_i32 = arith.constant 0 : i32
    %c0_i32_0 = arith.constant 0 : i32
    return %arg0, %c0_i32 : i32, i32
  }
  func.func @transform_1(%arg0: i32) -> (i32, i32) {
    %c0_i32 = arith.constant 0 : i32
    %c0_i32_0 = arith.constant 0 : i32
    return %arg0, %c0_i32 : i32, i32
  }
  func.func @transform_2(%arg0: i32) -> (i32, i32) {
    %c0_i32 = arith.constant 0 : i32
    %c0_i32_0 = arith.constant 0 : i32
    return %arg0, %c0_i32 : i32, i32
  }
  func.func @transform_3(%arg0: i32) -> (i32, i32) {
    %c0_i32 = arith.constant 0 : i32
    %c0_i32_0 = arith.constant 0 : i32
    return %arg0, %c0_i32 : i32, i32
  }
  func.func @transform_4(%arg0: i32) -> (i32, i32) {
    %c0_i32 = arith.constant 0 : i32
    %c0_i32_0 = arith.constant 0 : i32
    %c0_i32_1 = arith.constant 0 : i32
    return %c0_i32, %c0_i32_0 : i32, i32
  }
  func.func @transform_5(%arg0: i32) -> (i32, i32) {
    %c0_i32 = arith.constant 0 : i32
    %c0_i32_0 = arith.constant 0 : i32
    %c0_i32_1 = arith.constant 0 : i32
    return %c0_i32, %c0_i32_0 : i32, i32
  }
  func.func @transform_6(%arg0: i32) -> (i32, i32) {
    %c0_i32 = arith.constant 0 : i32
    %c0_i32_0 = arith.constant 0 : i32
    %c0_i32_1 = arith.constant 0 : i32
    return %c0_i32, %c0_i32_0 : i32, i32
  }
  func.func @transform_7(%arg0: i32) -> (i32, i32) {
    %c0_i32 = arith.constant 0 : i32
    %c0_i32_0 = arith.constant 0 : i32
    %c0_i32_1 = arith.constant 0 : i32
    return %c0_i32, %c0_i32_0 : i32, i32
  }
  func.func @transform_8(%arg0: i32) -> (i32, i32) {
    %c0_i32 = arith.constant 0 : i32
    %c0_i32_0 = arith.constant 0 : i32
    %c0_i32_1 = arith.constant 0 : i32
    return %c0_i32, %c0_i32_0 : i32, i32
  }
  func.func @transform_9(%arg0: i32) -> (i32, i32) {
    %c0_i32 = arith.constant 0 : i32
    %c0_i32_0 = arith.constant 0 : i32
    %c0_i32_1 = arith.constant 0 : i32
    return %c0_i32, %c0_i32_0 : i32, i32
  }
  func.func @transform_10(%arg0: i32) -> (i32, i32) {
    %c0_i32 = arith.constant 0 : i32
    %c0_i32_0 = arith.constant 0 : i32
    %c0_i32_1 = arith.constant 0 : i32
    return %c0_i32, %c0_i32_0 : i32, i32
  }
  func.func @transform_11(%arg0: i32) -> (i32, i32) {
    %c0_i32 = arith.constant 0 : i32
    %c0_i32_0 = arith.constant 0 : i32
    %c0_i32_1 = arith.constant 0 : i32
    return %c0_i32, %c0_i32_0 : i32, i32
  }
  func.func @transform_12(%arg0: i32) -> (i32, i32) {
    %c0_i32 = arith.constant 0 : i32
    %c0_i32_0 = arith.constant 0 : i32
    %c0_i32_1 = arith.constant 0 : i32
    return %c0_i32, %c0_i32_0 : i32, i32
  }
  func.func @transform_13(%arg0: i32) -> (i32, i32) {
    %c0_i32 = arith.constant 0 : i32
    %c0_i32_0 = arith.constant 0 : i32
    return %arg0, %c0_i32 : i32, i32
  }
  func.func @transform_14(%arg0: i32) -> (i32, i32, i32) {
    %c0_i32 = arith.constant 0 : i32
    %c0_i32_0 = arith.constant 0 : i32
    %c0_i32_1 = arith.constant 0 : i32
    return %arg0, %c0_i32, %c0_i32_0 : i32, i32, i32
  }
}

module attributes {stable_mosaic.version = 14 : i64} {
  func.func @_dense32_body(%arg0: i32, %arg1: memref<2000x32xf32, #tpu.memory_space<vmem>>, %arg2: memref<32x32xf32, #tpu.memory_space<vmem>>, %arg3: memref<1x32xf32, #tpu.memory_space<vmem>>, %arg4: memref<2000x32xf32, #tpu.memory_space<vmem>>) attributes {dimension_semantics = [#tpu.dimension_semantics<arbitrary>], iteration_bounds = array<i64: 25>, scalar_prefetch = 0 : i64, scratch_operands = 0 : i64, tpu.core_type = #tpu.core_type<tc>, window_params = [{transform_indices = @transform_0, window_bounds = array<i64: 2000, 32>}, {pipeline_mode = #tpu.pipeline_mode<synchronous>, transform_indices = @transform_1, window_bounds = array<i64: 32, 32>}, {pipeline_mode = #tpu.pipeline_mode<synchronous>, transform_indices = @transform_2, window_bounds = array<i64: 1, 32>}, {transform_indices = @transform_3, window_bounds = array<i64: 2000, 32>}]} {
    %get3A = arith.constant 0 : index
    %get3A_0 = arith.constant 0 : index
    %get3A_1 = vector.load %arg1[%get3A, %get3A_0] : memref<2000x32xf32, #tpu.memory_space<vmem>>, vector<2000x32xf32>
    %get3A_2 = arith.constant 0 : index
    %get3A_3 = arith.constant 0 : index
    %get3A_4 = vector.load %arg2[%get3A_2, %get3A_3] : memref<32x32xf32, #tpu.memory_space<vmem>>, vector<32x32xf32>
    %dot_general3A = arith.constant dense<0.000000e+00> : vector<2000x32xf32>
    %dot_general3A_5 = tpu.matmul %get3A_1, %get3A_4, %dot_general3A {dimension_numbers = #tpu.dot_dimension_numbers<[1], [0], [0], [1], [0, 0, 1, 1], [], []>, transpose_lhs_hint = false} : vector<2000x32xf32>, vector<32x32xf32>, vector<2000x32xf32> -> vector<2000x32xf32>
    %get3A_6 = arith.constant 0 : index
    %get3A_7 = arith.constant 0 : index
    %get3A_8 = vector.load %arg3[%get3A_6, %get3A_7] : memref<1x32xf32, #tpu.memory_space<vmem>>, vector<1x32xf32>
    %add3A = vector.broadcast %get3A_8 : vector<1x32xf32> to vector<2000x32xf32>
    %add3A_9 = arith.addf %dot_general3A_5, %add3A : vector<2000x32xf32>
    %custom_jvp_call3A = arith.constant 0.000000e+00 : f32
    %max3A = vector.broadcast %custom_jvp_call3A : f32 to vector<2000x32xf32>
    %max3A_10 = arith.maximumf %add3A_9, %max3A : vector<2000x32xf32>
    %sub3A = vector.broadcast %custom_jvp_call3A : f32 to vector<2000x32xf32>
    %sub3A_11 = arith.subf %add3A_9, %sub3A : vector<2000x32xf32>
    %ne3A = arith.cmpf one, %sub3A_11, %sub3A_11 : vector<2000x32xf32>
    %add3A_12 = vector.broadcast %custom_jvp_call3A : f32 to vector<2000x32xf32>
    %add3A_13 = arith.addf %add3A_9, %add3A_12 : vector<2000x32xf32>
    %abs3A = math.absf %sub3A_11 : vector<2000x32xf32>
    %neg3A = arith.constant 0.000000e+00 : f32
    %neg3A_14 = vector.broadcast %neg3A : f32 to vector<2000x32xf32>
    %neg3A_15 = arith.subf %neg3A_14, %abs3A : vector<2000x32xf32>
    %exp3A = math.exp %neg3A_15 : vector<2000x32xf32>
    %log1p3A = math.log1p %exp3A : vector<2000x32xf32>
    %add3A_16 = arith.addf %max3A_10, %log1p3A : vector<2000x32xf32>
    %select_n3A = arith.select %ne3A, %add3A_13, %add3A_16 : vector<2000x32xi1>, vector<2000x32xf32>
    %sub3A_17 = arith.constant 0.693147182 : f32
    %sub3A_18 = vector.broadcast %sub3A_17 : f32 to vector<2000x32xf32>
    %sub3A_19 = arith.subf %select_n3A, %sub3A_18 : vector<2000x32xf32>
    %swap3A = arith.constant 0 : index
    %swap3A_20 = arith.constant 0 : index
    %swap3A_21 = vector.load %arg4[%swap3A, %swap3A_20] : memref<2000x32xf32, #tpu.memory_space<vmem>>, vector<2000x32xf32>
    tpu.vector_store %arg4[%swap3A, %swap3A_20], %sub3A_19 {strides = array<i32>} : memref<2000x32xf32, #tpu.memory_space<vmem>>, vector<2000x32xf32>,
    return
  }
  func.func @transform_0(%arg0: i32) -> (i32, i32) {
    %c0_i32 = arith.constant 0 : i32
    %c0_i32_0 = arith.constant 0 : i32
    return %arg0, %c0_i32 : i32, i32
  }
  func.func @transform_1(%arg0: i32) -> (i32, i32) {
    %c0_i32 = arith.constant 0 : i32
    %c0_i32_0 = arith.constant 0 : i32
    %c0_i32_1 = arith.constant 0 : i32
    return %c0_i32, %c0_i32_0 : i32, i32
  }
  func.func @transform_2(%arg0: i32) -> (i32, i32) {
    %c0_i32 = arith.constant 0 : i32
    %c0_i32_0 = arith.constant 0 : i32
    %c0_i32_1 = arith.constant 0 : i32
    return %c0_i32, %c0_i32_0 : i32, i32
  }
  func.func @transform_3(%arg0: i32) -> (i32, i32) {
    %c0_i32 = arith.constant 0 : i32
    %c0_i32_0 = arith.constant 0 : i32
    return %arg0, %c0_i32 : i32, i32
  }
}

module attributes {stable_mosaic.version = 14 : i64} {
  func.func @_state_func_body(%arg0: memref<32x32xf32, #tpu.memory_space<vmem>>, %arg1: memref<32x32xf32, #tpu.memory_space<vmem>>, %arg2: memref<32x32xf32, #tpu.memory_space<vmem>>, %arg3: memref<32x32xf32, #tpu.memory_space<vmem>>, %arg4: memref<32x64xf32, #tpu.memory_space<vmem>>, %arg5: memref<32x64xf32, #tpu.memory_space<vmem>>, %arg6: memref<32x64xf32, #tpu.memory_space<vmem>>, %arg7: memref<1x64xf32, #tpu.memory_space<vmem>>, %arg8: memref<64x64xf32, #tpu.memory_space<vmem>>, %arg9: memref<1x64xf32, #tpu.memory_space<vmem>>, %arg10: memref<64x32xf32, #tpu.memory_space<vmem>>, %arg11: memref<1x32xf32, #tpu.memory_space<vmem>>, %arg12: memref<32x32xf32, #tpu.memory_space<vmem>>) attributes {dimension_semantics = [], scalar_prefetch = 0 : i64, scratch_operands = 0 : i64, tpu.core_type = #tpu.core_type<tc>} {
    %get3A = arith.constant 0 : index
    %get3A_0 = arith.constant 0 : index
    %get3A_1 = vector.load %arg1[%get3A, %get3A_0] : memref<32x32xf32, #tpu.memory_space<vmem>>, vector<32x32xf32>
    %get3A_2 = arith.constant 0 : index
    %get3A_3 = arith.constant 0 : index
    %get3A_4 = vector.load %arg4[%get3A_2, %get3A_3] : memref<32x64xf32, #tpu.memory_space<vmem>>, vector<32x64xf32>
    %dot_general3A = arith.constant dense<0.000000e+00> : vector<32x64xf32>
    %dot_general3A_5 = tpu.matmul %get3A_1, %get3A_4, %dot_general3A {dimension_numbers = #tpu.dot_dimension_numbers<[1], [0], [0], [1], [0, 0, 1, 1], [], []>, transpose_lhs_hint = false} : vector<32x32xf32>, vector<32x64xf32>, vector<32x64xf32> -> vector<32x64xf32>
    %get3A_6 = arith.constant 0 : index
    %get3A_7 = arith.constant 0 : index
    %get3A_8 = vector.load %arg2[%get3A_6, %get3A_7] : memref<32x32xf32, #tpu.memory_space<vmem>>, vector<32x32xf32>
    %get3A_9 = arith.constant 0 : index
    %get3A_10 = arith.constant 0 : index
    %get3A_11 = vector.load %arg5[%get3A_9, %get3A_10] : memref<32x64xf32, #tpu.memory_space<vmem>>, vector<32x64xf32>
    %dot_general3A_12 = arith.constant dense<0.000000e+00> : vector<32x64xf32>
    %dot_general3A_13 = tpu.matmul %get3A_8, %get3A_11, %dot_general3A_12 {dimension_numbers = #tpu.dot_dimension_numbers<[1], [0], [0], [1], [0, 0, 1, 1], [], []>, transpose_lhs_hint = false} : vector<32x32xf32>, vector<32x64xf32>, vector<32x64xf32> -> vector<32x64xf32>
    %add3A = arith.addf %dot_general3A_5, %dot_general3A_13 : vector<32x64xf32>
    %get3A_14 = arith.constant 0 : index
    %get3A_15 = arith.constant 0 : index
    %get3A_16 = vector.load %arg3[%get3A_14, %get3A_15] : memref<32x32xf32, #tpu.memory_space<vmem>>, vector<32x32xf32>
    %get3A_17 = arith.constant 0 : index
    %get3A_18 = arith.constant 0 : index
    %get3A_19 = vector.load %arg6[%get3A_17, %get3A_18] : memref<32x64xf32, #tpu.memory_space<vmem>>, vector<32x64xf32>
    %dot_general3A_20 = arith.constant dense<0.000000e+00> : vector<32x64xf32>
    %dot_general3A_21 = tpu.matmul %get3A_16, %get3A_19, %dot_general3A_20 {dimension_numbers = #tpu.dot_dimension_numbers<[1], [0], [0], [1], [0, 0, 1, 1], [], []>, transpose_lhs_hint = false} : vector<32x32xf32>, vector<32x64xf32>, vector<32x64xf32> -> vector<32x64xf32>
    %add3A_22 = arith.addf %add3A, %dot_general3A_21 : vector<32x64xf32>
    %get3A_23 = arith.constant 0 : index
    %get3A_24 = arith.constant 0 : index
    %get3A_25 = vector.load %arg7[%get3A_23, %get3A_24] : memref<1x64xf32, #tpu.memory_space<vmem>>, vector<1x64xf32>
    %add3A_26 = vector.broadcast %get3A_25 : vector<1x64xf32> to vector<32x64xf32>
    %add3A_27 = arith.addf %add3A_22, %add3A_26 : vector<32x64xf32>
    %custom_jvp_call3A = arith.constant 0.000000e+00 : f32
    %max3A = vector.broadcast %custom_jvp_call3A : f32 to vector<32x64xf32>
    %max3A_28 = arith.maximumf %add3A_27, %max3A : vector<32x64xf32>
    %sub3A = vector.broadcast %custom_jvp_call3A : f32 to vector<32x64xf32>
    %sub3A_29 = arith.subf %add3A_27, %sub3A : vector<32x64xf32>
    %ne3A = arith.cmpf one, %sub3A_29, %sub3A_29 : vector<32x64xf32>
    %add3A_30 = vector.broadcast %custom_jvp_call3A : f32 to vector<32x64xf32>
    %add3A_31 = arith.addf %add3A_27, %add3A_30 : vector<32x64xf32>
    %abs3A = math.absf %sub3A_29 : vector<32x64xf32>
    %neg3A = arith.constant 0.000000e+00 : f32
    %neg3A_32 = vector.broadcast %neg3A : f32 to vector<32x64xf32>
    %neg3A_33 = arith.subf %neg3A_32, %abs3A : vector<32x64xf32>
    %exp3A = math.exp %neg3A_33 : vector<32x64xf32>
    %log1p3A = math.log1p %exp3A : vector<32x64xf32>
    %add3A_34 = arith.addf %max3A_28, %log1p3A : vector<32x64xf32>
    %select_n3A = arith.select %ne3A, %add3A_31, %add3A_34 : vector<32x64xi1>, vector<32x64xf32>
    %sub3A_35 = arith.constant 0.693147182 : f32
    %sub3A_36 = vector.broadcast %sub3A_35 : f32 to vector<32x64xf32>
    %sub3A_37 = arith.subf %select_n3A, %sub3A_36 : vector<32x64xf32>
    %get3A_38 = arith.constant 0 : index
    %get3A_39 = arith.constant 0 : index
    %get3A_40 = vector.load %arg8[%get3A_38, %get3A_39] : memref<64x64xf32, #tpu.memory_space<vmem>>, vector<64x64xf32>
    %dot_general3A_41 = arith.constant dense<0.000000e+00> : vector<32x64xf32>
    %dot_general3A_42 = tpu.matmul %sub3A_37, %get3A_40, %dot_general3A_41 {dimension_numbers = #tpu.dot_dimension_numbers<[1], [0], [0], [1], [0, 0, 1, 1], [], []>, transpose_lhs_hint = false} : vector<32x64xf32>, vector<64x64xf32>, vector<32x64xf32> -> vector<32x64xf32>
    %get3A_43 = arith.constant 0 : index
    %get3A_44 = arith.constant 0 : index
    %get3A_45 = vector.load %arg9[%get3A_43, %get3A_44] : memref<1x64xf32, #tpu.memory_space<vmem>>, vector<1x64xf32>
    %add3A_46 = vector.broadcast %get3A_45 : vector<1x64xf32> to vector<32x64xf32>
    %add3A_47 = arith.addf %dot_general3A_42, %add3A_46 : vector<32x64xf32>
    %custom_jvp_call3A_48 = arith.constant 0.000000e+00 : f32
    %max3A_49 = vector.broadcast %custom_jvp_call3A_48 : f32 to vector<32x64xf32>
    %max3A_50 = arith.maximumf %add3A_47, %max3A_49 : vector<32x64xf32>
    %sub3A_51 = vector.broadcast %custom_jvp_call3A_48 : f32 to vector<32x64xf32>
    %sub3A_52 = arith.subf %add3A_47, %sub3A_51 : vector<32x64xf32>
    %ne3A_53 = arith.cmpf one, %sub3A_52, %sub3A_52 : vector<32x64xf32>
    %add3A_54 = vector.broadcast %custom_jvp_call3A_48 : f32 to vector<32x64xf32>
    %add3A_55 = arith.addf %add3A_47, %add3A_54 : vector<32x64xf32>
    %abs3A_56 = math.absf %sub3A_52 : vector<32x64xf32>
    %neg3A_57 = arith.constant 0.000000e+00 : f32
    %neg3A_58 = vector.broadcast %neg3A_57 : f32 to vector<32x64xf32>
    %neg3A_59 = arith.subf %neg3A_58, %abs3A_56 : vector<32x64xf32>
    %exp3A_60 = math.exp %neg3A_59 : vector<32x64xf32>
    %log1p3A_61 = math.log1p %exp3A_60 : vector<32x64xf32>
    %add3A_62 = arith.addf %max3A_50, %log1p3A_61 : vector<32x64xf32>
    %select_n3A_63 = arith.select %ne3A_53, %add3A_55, %add3A_62 : vector<32x64xi1>, vector<32x64xf32>
    %sub3A_64 = arith.constant 0.693147182 : f32
    %sub3A_65 = vector.broadcast %sub3A_64 : f32 to vector<32x64xf32>
    %sub3A_66 = arith.subf %select_n3A_63, %sub3A_65 : vector<32x64xf32>
    %get3A_67 = arith.constant 0 : index
    %get3A_68 = arith.constant 0 : index
    %get3A_69 = vector.load %arg10[%get3A_67, %get3A_68] : memref<64x32xf32, #tpu.memory_space<vmem>>, vector<64x32xf32>
    %dot_general3A_70 = arith.constant dense<0.000000e+00> : vector<32x32xf32>
    %dot_general3A_71 = tpu.matmul %sub3A_66, %get3A_69, %dot_general3A_70 {dimension_numbers = #tpu.dot_dimension_numbers<[1], [0], [0], [1], [0, 0, 1, 1], [], []>, transpose_lhs_hint = false} : vector<32x64xf32>, vector<64x32xf32>, vector<32x32xf32> -> vector<32x32xf32>
    %get3A_72 = arith.constant 0 : index
    %get3A_73 = arith.constant 0 : index
    %get3A_74 = vector.load %arg11[%get3A_72, %get3A_73] : memref<1x32xf32, #tpu.memory_space<vmem>>, vector<1x32xf32>
    %add3A_75 = vector.broadcast %get3A_74 : vector<1x32xf32> to vector<32x32xf32>
    %add3A_76 = arith.addf %dot_general3A_71, %add3A_75 : vector<32x32xf32>
    %custom_jvp_call3A_77 = arith.constant 0.000000e+00 : f32
    %max3A_78 = vector.broadcast %custom_jvp_call3A_77 : f32 to vector<32x32xf32>
    %max3A_79 = arith.maximumf %add3A_76, %max3A_78 : vector<32x32xf32>
    %sub3A_80 = vector.broadcast %custom_jvp_call3A_77 : f32 to vector<32x32xf32>
    %sub3A_81 = arith.subf %add3A_76, %sub3A_80 : vector<32x32xf32>
    %ne3A_82 = arith.cmpf one, %sub3A_81, %sub3A_81 : vector<32x32xf32>
    %add3A_83 = vector.broadcast %custom_jvp_call3A_77 : f32 to vector<32x32xf32>
    %add3A_84 = arith.addf %add3A_76, %add3A_83 : vector<32x32xf32>
    %abs3A_85 = math.absf %sub3A_81 : vector<32x32xf32>
    %neg3A_86 = arith.constant 0.000000e+00 : f32
    %neg3A_87 = vector.broadcast %neg3A_86 : f32 to vector<32x32xf32>
    %neg3A_88 = arith.subf %neg3A_87, %abs3A_85 : vector<32x32xf32>
    %exp3A_89 = math.exp %neg3A_88 : vector<32x32xf32>
    %log1p3A_90 = math.log1p %exp3A_89 : vector<32x32xf32>
    %add3A_91 = arith.addf %max3A_79, %log1p3A_90 : vector<32x32xf32>
    %select_n3A_92 = arith.select %ne3A_82, %add3A_84, %add3A_91 : vector<32x32xi1>, vector<32x32xf32>
    %sub3A_93 = arith.constant 0.693147182 : f32
    %sub3A_94 = vector.broadcast %sub3A_93 : f32 to vector<32x32xf32>
    %sub3A_95 = arith.subf %select_n3A_92, %sub3A_94 : vector<32x32xf32>
    %get3A_96 = arith.constant 0 : index
    %get3A_97 = arith.constant 0 : index
    %get3A_98 = vector.load %arg0[%get3A_96, %get3A_97] : memref<32x32xf32, #tpu.memory_space<vmem>>, vector<32x32xf32>
    %add3A_99 = arith.addf %sub3A_95, %get3A_98 : vector<32x32xf32>
    %swap3A = arith.constant 0 : index
    %swap3A_100 = arith.constant 0 : index
    %swap3A_101 = vector.load %arg12[%swap3A, %swap3A_100] : memref<32x32xf32, #tpu.memory_space<vmem>>, vector<32x32xf32>
    tpu.vector_store %arg12[%swap3A, %swap3A_100], %add3A_99 {strides = array<i32>} : memref<32x32xf32, #tpu.memory_space<vmem>>, vector<32x32xf32>,
    return
  }
}

module attributes {stable_mosaic.version = 14 : i64} {
  func.func @_dense32_body(%arg0: memref<32x32xf32, #tpu.memory_space<vmem>>, %arg1: memref<32x32xf32, #tpu.memory_space<vmem>>, %arg2: memref<1x32xf32, #tpu.memory_space<vmem>>, %arg3: memref<32x32xf32, #tpu.memory_space<vmem>>) attributes {dimension_semantics = [], scalar_prefetch = 0 : i64, scratch_operands = 0 : i64, tpu.core_type = #tpu.core_type<tc>} {
    %get3A = arith.constant 0 : index
    %get3A_0 = arith.constant 0 : index
    %get3A_1 = vector.load %arg0[%get3A, %get3A_0] : memref<32x32xf32, #tpu.memory_space<vmem>>, vector<32x32xf32>
    %get3A_2 = arith.constant 0 : index
    %get3A_3 = arith.constant 0 : index
    %get3A_4 = vector.load %arg1[%get3A_2, %get3A_3] : memref<32x32xf32, #tpu.memory_space<vmem>>, vector<32x32xf32>
    %dot_general3A = arith.constant dense<0.000000e+00> : vector<32x32xf32>
    %dot_general3A_5 = tpu.matmul %get3A_1, %get3A_4, %dot_general3A {dimension_numbers = #tpu.dot_dimension_numbers<[1], [0], [0], [1], [0, 0, 1, 1], [], []>, transpose_lhs_hint = false} : vector<32x32xf32>, vector<32x32xf32>, vector<32x32xf32> -> vector<32x32xf32>
    %get3A_6 = arith.constant 0 : index
    %get3A_7 = arith.constant 0 : index
    %get3A_8 = vector.load %arg2[%get3A_6, %get3A_7] : memref<1x32xf32, #tpu.memory_space<vmem>>, vector<1x32xf32>
    %add3A = vector.broadcast %get3A_8 : vector<1x32xf32> to vector<32x32xf32>
    %add3A_9 = arith.addf %dot_general3A_5, %add3A : vector<32x32xf32>
    %custom_jvp_call3A = arith.constant 0.000000e+00 : f32
    %max3A = vector.broadcast %custom_jvp_call3A : f32 to vector<32x32xf32>
    %max3A_10 = arith.maximumf %add3A_9, %max3A : vector<32x32xf32>
    %sub3A = vector.broadcast %custom_jvp_call3A : f32 to vector<32x32xf32>
    %sub3A_11 = arith.subf %add3A_9, %sub3A : vector<32x32xf32>
    %ne3A = arith.cmpf one, %sub3A_11, %sub3A_11 : vector<32x32xf32>
    %add3A_12 = vector.broadcast %custom_jvp_call3A : f32 to vector<32x32xf32>
    %add3A_13 = arith.addf %add3A_9, %add3A_12 : vector<32x32xf32>
    %abs3A = math.absf %sub3A_11 : vector<32x32xf32>
    %neg3A = arith.constant 0.000000e+00 : f32
    %neg3A_14 = vector.broadcast %neg3A : f32 to vector<32x32xf32>
    %neg3A_15 = arith.subf %neg3A_14, %abs3A : vector<32x32xf32>
    %exp3A = math.exp %neg3A_15 : vector<32x32xf32>
    %log1p3A = math.log1p %exp3A : vector<32x32xf32>
    %add3A_16 = arith.addf %max3A_10, %log1p3A : vector<32x32xf32>
    %select_n3A = arith.select %ne3A, %add3A_13, %add3A_16 : vector<32x32xi1>, vector<32x32xf32>
    %sub3A_17 = arith.constant 0.693147182 : f32
    %sub3A_18 = vector.broadcast %sub3A_17 : f32 to vector<32x32xf32>
    %sub3A_19 = arith.subf %select_n3A, %sub3A_18 : vector<32x32xf32>
    %swap3A = arith.constant 0 : index
    %swap3A_20 = arith.constant 0 : index
    %swap3A_21 = vector.load %arg3[%swap3A, %swap3A_20] : memref<32x32xf32, #tpu.memory_space<vmem>>, vector<32x32xf32>
    tpu.vector_store %arg3[%swap3A, %swap3A_20], %sub3A_19 {strides = array<i32>} : memref<32x32xf32, #tpu.memory_space<vmem>>, vector<32x32xf32>,
    return
  }
}

module attributes {stable_mosaic.version = 14 : i64} {
  func.func @body(%arg0: i32, %arg1: memref<4000x32xf32, #tpu.memory_space<vmem>>, %arg2: memref<4000x32xf32, #tpu.memory_space<vmem>>, %arg3: memref<4000x32xf32, #tpu.memory_space<vmem>>, %arg4: memref<32x32xf32, #tpu.memory_space<vmem>>, %arg5: memref<32x32xf32, #tpu.memory_space<vmem>>, %arg6: memref<1x32xf32, #tpu.memory_space<vmem>>, %arg7: memref<32x64xf32, #tpu.memory_space<vmem>>, %arg8: memref<32x64xf32, #tpu.memory_space<vmem>>, %arg9: memref<32x64xf32, #tpu.memory_space<vmem>>, %arg10: memref<32x64xf32, #tpu.memory_space<vmem>>, %arg11: memref<1x64xf32, #tpu.memory_space<vmem>>, %arg12: memref<64x64xf32, #tpu.memory_space<vmem>>, %arg13: memref<1x64xf32, #tpu.memory_space<vmem>>, %arg14: memref<64x32xf32, #tpu.memory_space<vmem>>, %arg15: memref<1x32xf32, #tpu.memory_space<vmem>>, %arg16: memref<4000x32xf32, #tpu.memory_space<vmem>>, %arg17: memref<4000x32xf32, #tpu.memory_space<vmem>>, %arg18: memref<1x1x128xf32, #tpu.memory_space<vmem>>) attributes {dimension_semantics = [#tpu.dimension_semantics<arbitrary>], iteration_bounds = array<i64: 200>, scalar_prefetch = 0 : i64, scratch_operands = 0 : i64, tpu.core_type = #tpu.core_type<tc>, window_params = [{transform_indices = @transform_0, window_bounds = array<i64: 4000, 32>}, {transform_indices = @transform_1, window_bounds = array<i64: 4000, 32>}, {transform_indices = @transform_2, window_bounds = array<i64: 4000, 32>}, {pipeline_mode = #tpu.pipeline_mode<synchronous>, transform_indices = @transform_3, window_bounds = array<i64: 32, 32>}, {pipeline_mode = #tpu.pipeline_mode<synchronous>, transform_indices = @transform_4, window_bounds = array<i64: 32, 32>}, {pipeline_mode = #tpu.pipeline_mode<synchronous>, transform_indices = @transform_5, window_bounds = array<i64: 1, 32>}, {pipeline_mode = #tpu.pipeline_mode<synchronous>, transform_indices = @transform_6, window_bounds = array<i64: 32, 64>}, {pipeline_mode = #tpu.pipeline_mode<synchronous>, transform_indices = @transform_7, window_bounds = array<i64: 32, 64>}, {pipeline_mode = #tpu.pipeline_mode<synchronous>, transform_indices = @transform_8, window_bounds = array<i64: 32, 64>}, {pipeline_mode = #tpu.pipeline_mode<synchronous>, transform_indices = @transform_9, window_bounds = array<i64: 32, 64>}, {pipeline_mode = #tpu.pipeline_mode<synchronous>, transform_indices = @transform_10, window_bounds = array<i64: 1, 64>}, {pipeline_mode = #tpu.pipeline_mode<synchronous>, transform_indices = @transform_11, window_bounds = array<i64: 64, 64>}, {pipeline_mode = #tpu.pipeline_mode<synchronous>, transform_indices = @transform_12, window_bounds = array<i64: 1, 64>}, {pipeline_mode = #tpu.pipeline_mode<synchronous>, transform_indices = @transform_13, window_bounds = array<i64: 64, 32>}, {pipeline_mode = #tpu.pipeline_mode<synchronous>, transform_indices = @transform_14, window_bounds = array<i64: 1, 32>}, {transform_indices = @transform_15, window_bounds = array<i64: 4000, 32>}, {transform_indices = @transform_16, window_bounds = array<i64: 4000, 32>}, {transform_indices = @transform_17, window_bounds = array<i64: 1, 1, 128>}]} {
    %jit3A = arith.constant 8 : i32
    %div3A = arith.divsi %arg0, %jit3A : i32
    %sign3A = arith.constant 0 : i32
    %sign3A_0 = arith.cmpi sgt, %arg0, %sign3A : i32
    %sign3A_1 = arith.extui %sign3A_0 : i1 to i32
    %sign3A_2 = arith.constant 0 : i32
    %sign3A_3 = arith.cmpi slt, %arg0, %sign3A_2 : i32
    %sign3A_4 = arith.extui %sign3A_3 : i1 to i32
    %sign3A_5 = arith.subi %sign3A_1, %sign3A_4 : i32
    %sign3A_6 = arith.constant 0 : i32
    %sign3A_7 = arith.cmpi sgt, %jit3A, %sign3A_6 : i32
    %sign3A_8 = arith.extui %sign3A_7 : i1 to i32
    %sign3A_9 = arith.constant 0 : i32
    %sign3A_10 = arith.cmpi slt, %jit3A, %sign3A_9 : i32
    %sign3A_11 = arith.extui %sign3A_10 : i1 to i32
    %sign3A_12 = arith.subi %sign3A_8, %sign3A_11 : i32
    %ne3A = arith.cmpi ne, %sign3A_5, %sign3A_12 : i32
    %rem3A = arith.remsi %arg0, %jit3A : i32
    %ne3A_13 = arith.constant 0 : i32
    %ne3A_14 = arith.cmpi ne, %rem3A, %ne3A_13 : i32
    %and3A = arith.andi %ne3A, %ne3A_14 : i1
    %sub3A = arith.constant 1 : i32
    %sub3A_15 = arith.subi %div3A, %sub3A : i32
    %select_n3A = arith.select %and3A, %sub3A_15, %div3A : i32
    %iota3A = tpu.iota {dimensions = array<i32: 0>} : vector<32x1xi32>
    %eq3A = vector.broadcast %select_n3A : i32 to vector<32x1xi32>
    %eq3A_16 = arith.cmpi eq, %iota3A, %eq3A : vector<32x1xi32>
    %convert_element_type3A = arith.extui %eq3A_16 : vector<32x1xi1> to vector<32x1xi32>
    %convert_element_type3A_17 = arith.sitofp %convert_element_type3A : vector<32x1xi32> to vector<32x1xf32>
    %reshape3A = vector.shape_cast %convert_element_type3A_17 : vector<32x1xf32> to vector<1x32xf32>
    %get3A = arith.constant 0 : index
    %get3A_18 = arith.constant 0 : index
    %get3A_19 = vector.load %arg4[%get3A, %get3A_18] : memref<32x32xf32, #tpu.memory_space<vmem>>, vector<32x32xf32>
    %dot_general3A = arith.constant dense<0.000000e+00> : vector<1x32xf32>
    %dot_general3A_20 = tpu.matmul %reshape3A, %get3A_19, %dot_general3A {dimension_numbers = #tpu.dot_dimension_numbers<[1], [0], [0], [1], [0, 0, 1, 1], [], []>, transpose_lhs_hint = false} : vector<1x32xf32>, vector<32x32xf32>, vector<1x32xf32> -> vector<1x32xf32>
    %get3A_21 = arith.constant 0 : index
    %get3A_22 = arith.constant 0 : index
    %get3A_23 = vector.load %arg1[%get3A_21, %get3A_22] : memref<4000x32xf32, #tpu.memory_space<vmem>>, vector<4000x32xf32>
    %get3A_24 = arith.constant 0 : index
    %get3A_25 = arith.constant 0 : index
    %get3A_26 = vector.load %arg5[%get3A_24, %get3A_25] : memref<32x32xf32, #tpu.memory_space<vmem>>, vector<32x32xf32>
    %dot_general3A_27 = arith.constant dense<0.000000e+00> : vector<4000x32xf32>
    %dot_general3A_28 = tpu.matmul %get3A_23, %get3A_26, %dot_general3A_27 {dimension_numbers = #tpu.dot_dimension_numbers<[1], [0], [0], [1], [0, 0, 1, 1], [], []>, transpose_lhs_hint = false} : vector<4000x32xf32>, vector<32x32xf32>, vector<4000x32xf32> -> vector<4000x32xf32>
    %get3A_29 = arith.constant 0 : index
    %get3A_30 = arith.constant 0 : index
    %get3A_31 = vector.load %arg6[%get3A_29, %get3A_30] : memref<1x32xf32, #tpu.memory_space<vmem>>, vector<1x32xf32>
    %add3A = vector.broadcast %get3A_31 : vector<1x32xf32> to vector<4000x32xf32>
    %add3A_32 = arith.addf %dot_general3A_28, %add3A : vector<4000x32xf32>
    %custom_jvp_call3A = arith.constant 0.000000e+00 : f32
    %max3A = vector.broadcast %custom_jvp_call3A : f32 to vector<4000x32xf32>
    %max3A_33 = arith.maximumf %add3A_32, %max3A : vector<4000x32xf32>
    %sub3A_34 = vector.broadcast %custom_jvp_call3A : f32 to vector<4000x32xf32>
    %sub3A_35 = arith.subf %add3A_32, %sub3A_34 : vector<4000x32xf32>
    %ne3A_36 = arith.cmpf one, %sub3A_35, %sub3A_35 : vector<4000x32xf32>
    %add3A_37 = vector.broadcast %custom_jvp_call3A : f32 to vector<4000x32xf32>
    %add3A_38 = arith.addf %add3A_32, %add3A_37 : vector<4000x32xf32>
    %abs3A = math.absf %sub3A_35 : vector<4000x32xf32>
    %neg3A = arith.constant 0.000000e+00 : f32
    %neg3A_39 = vector.broadcast %neg3A : f32 to vector<4000x32xf32>
    %neg3A_40 = arith.subf %neg3A_39, %abs3A : vector<4000x32xf32>
    %exp3A = math.exp %neg3A_40 : vector<4000x32xf32>
    %log1p3A = math.log1p %exp3A : vector<4000x32xf32>
    %add3A_41 = arith.addf %max3A_33, %log1p3A : vector<4000x32xf32>
    %select_n3A_42 = arith.select %ne3A_36, %add3A_38, %add3A_41 : vector<4000x32xi1>, vector<4000x32xf32>
    %sub3A_43 = arith.constant 0.693147182 : f32
    %sub3A_44 = vector.broadcast %sub3A_43 : f32 to vector<4000x32xf32>
    %sub3A_45 = arith.subf %select_n3A_42, %sub3A_44 : vector<4000x32xf32>
    %get3A_46 = arith.constant 0 : index
    %get3A_47 = arith.constant 0 : index
    %get3A_48 = vector.load %arg2[%get3A_46, %get3A_47] : memref<4000x32xf32, #tpu.memory_space<vmem>>, vector<4000x32xf32>
    %get3A_49 = arith.constant 0 : index
    %get3A_50 = arith.constant 0 : index
    %get3A_51 = vector.load %arg7[%get3A_49, %get3A_50] : memref<32x64xf32, #tpu.memory_space<vmem>>, vector<32x64xf32>
    %dot_general3A_52 = arith.constant dense<0.000000e+00> : vector<4000x64xf32>
    %dot_general3A_53 = tpu.matmul %get3A_48, %get3A_51, %dot_general3A_52 {dimension_numbers = #tpu.dot_dimension_numbers<[1], [0], [0], [1], [0, 0, 1, 1], [], []>, transpose_lhs_hint = false} : vector<4000x32xf32>, vector<32x64xf32>, vector<4000x64xf32> -> vector<4000x64xf32>
    %get3A_54 = arith.constant 0 : index
    %get3A_55 = arith.constant 0 : index
    %get3A_56 = vector.load %arg3[%get3A_54, %get3A_55] : memref<4000x32xf32, #tpu.memory_space<vmem>>, vector<4000x32xf32>
    %get3A_57 = arith.constant 0 : index
    %get3A_58 = arith.constant 0 : index
    %get3A_59 = vector.load %arg8[%get3A_57, %get3A_58] : memref<32x64xf32, #tpu.memory_space<vmem>>, vector<32x64xf32>
    %dot_general3A_60 = arith.constant dense<0.000000e+00> : vector<4000x64xf32>
    %dot_general3A_61 = tpu.matmul %get3A_56, %get3A_59, %dot_general3A_60 {dimension_numbers = #tpu.dot_dimension_numbers<[1], [0], [0], [1], [0, 0, 1, 1], [], []>, transpose_lhs_hint = false} : vector<4000x32xf32>, vector<32x64xf32>, vector<4000x64xf32> -> vector<4000x64xf32>
    %add3A_62 = arith.addf %dot_general3A_53, %dot_general3A_61 : vector<4000x64xf32>
    %get3A_63 = arith.constant 0 : index
    %get3A_64 = arith.constant 0 : index
    %get3A_65 = vector.load %arg9[%get3A_63, %get3A_64] : memref<32x64xf32, #tpu.memory_space<vmem>>, vector<32x64xf32>
    %dot_general3A_66 = arith.constant dense<0.000000e+00> : vector<4000x64xf32>
    %dot_general3A_67 = tpu.matmul %sub3A_45, %get3A_65, %dot_general3A_66 {dimension_numbers = #tpu.dot_dimension_numbers<[1], [0], [0], [1], [0, 0, 1, 1], [], []>, transpose_lhs_hint = false} : vector<4000x32xf32>, vector<32x64xf32>, vector<4000x64xf32> -> vector<4000x64xf32>
    %add3A_68 = arith.addf %add3A_62, %dot_general3A_67 : vector<4000x64xf32>
    %get3A_69 = arith.constant 0 : index
    %get3A_70 = arith.constant 0 : index
    %get3A_71 = vector.load %arg10[%get3A_69, %get3A_70] : memref<32x64xf32, #tpu.memory_space<vmem>>, vector<32x64xf32>
    %dot_general3A_72 = arith.constant dense<0.000000e+00> : vector<1x64xf32>
    %dot_general3A_73 = tpu.matmul %dot_general3A_20, %get3A_71, %dot_general3A_72 {dimension_numbers = #tpu.dot_dimension_numbers<[1], [0], [0], [1], [0, 0, 1, 1], [], []>, transpose_lhs_hint = false} : vector<1x32xf32>, vector<32x64xf32>, vector<1x64xf32> -> vector<1x64xf32>
    %add3A_74 = vector.broadcast %dot_general3A_73 : vector<1x64xf32> to vector<4000x64xf32>
    %add3A_75 = arith.addf %add3A_68, %add3A_74 : vector<4000x64xf32>
    %get3A_76 = arith.constant 0 : index
    %get3A_77 = arith.constant 0 : index
    %get3A_78 = vector.load %arg11[%get3A_76, %get3A_77] : memref<1x64xf32, #tpu.memory_space<vmem>>, vector<1x64xf32>
    %add3A_79 = vector.broadcast %get3A_78 : vector<1x64xf32> to vector<4000x64xf32>
    %add3A_80 = arith.addf %add3A_75, %add3A_79 : vector<4000x64xf32>
    %custom_jvp_call3A_81 = arith.constant 0.000000e+00 : f32
    %max3A_82 = vector.broadcast %custom_jvp_call3A_81 : f32 to vector<4000x64xf32>
    %max3A_83 = arith.maximumf %add3A_80, %max3A_82 : vector<4000x64xf32>
    %sub3A_84 = vector.broadcast %custom_jvp_call3A_81 : f32 to vector<4000x64xf32>
    %sub3A_85 = arith.subf %add3A_80, %sub3A_84 : vector<4000x64xf32>
    %ne3A_86 = arith.cmpf one, %sub3A_85, %sub3A_85 : vector<4000x64xf32>
    %add3A_87 = vector.broadcast %custom_jvp_call3A_81 : f32 to vector<4000x64xf32>
    %add3A_88 = arith.addf %add3A_80, %add3A_87 : vector<4000x64xf32>
    %abs3A_89 = math.absf %sub3A_85 : vector<4000x64xf32>
    %neg3A_90 = arith.constant 0.000000e+00 : f32
    %neg3A_91 = vector.broadcast %neg3A_90 : f32 to vector<4000x64xf32>
    %neg3A_92 = arith.subf %neg3A_91, %abs3A_89 : vector<4000x64xf32>
    %exp3A_93 = math.exp %neg3A_92 : vector<4000x64xf32>
    %log1p3A_94 = math.log1p %exp3A_93 : vector<4000x64xf32>
    %add3A_95 = arith.addf %max3A_83, %log1p3A_94 : vector<4000x64xf32>
    %select_n3A_96 = arith.select %ne3A_86, %add3A_88, %add3A_95 : vector<4000x64xi1>, vector<4000x64xf32>
    %sub3A_97 = arith.constant 0.693147182 : f32
    %sub3A_98 = vector.broadcast %sub3A_97 : f32 to vector<4000x64xf32>
    %sub3A_99 = arith.subf %select_n3A_96, %sub3A_98 : vector<4000x64xf32>
    %get3A_100 = arith.constant 0 : index
    %get3A_101 = arith.constant 0 : index
    %get3A_102 = vector.load %arg12[%get3A_100, %get3A_101] : memref<64x64xf32, #tpu.memory_space<vmem>>, vector<64x64xf32>
    %dot_general3A_103 = arith.constant dense<0.000000e+00> : vector<4000x64xf32>
    %dot_general3A_104 = tpu.matmul %sub3A_99, %get3A_102, %dot_general3A_103 {dimension_numbers = #tpu.dot_dimension_numbers<[1], [0], [0], [1], [0, 0, 1, 1], [], []>, transpose_lhs_hint = false} : vector<4000x64xf32>, vector<64x64xf32>, vector<4000x64xf32> -> vector<4000x64xf32>
    %get3A_105 = arith.constant 0 : index
    %get3A_106 = arith.constant 0 : index
    %get3A_107 = vector.load %arg13[%get3A_105, %get3A_106] : memref<1x64xf32, #tpu.memory_space<vmem>>, vector<1x64xf32>
    %add3A_108 = vector.broadcast %get3A_107 : vector<1x64xf32> to vector<4000x64xf32>
    %add3A_109 = arith.addf %dot_general3A_104, %add3A_108 : vector<4000x64xf32>
    %custom_jvp_call3A_110 = arith.constant 0.000000e+00 : f32
    %max3A_111 = vector.broadcast %custom_jvp_call3A_110 : f32 to vector<4000x64xf32>
    %max3A_112 = arith.maximumf %add3A_109, %max3A_111 : vector<4000x64xf32>
    %sub3A_113 = vector.broadcast %custom_jvp_call3A_110 : f32 to vector<4000x64xf32>
    %sub3A_114 = arith.subf %add3A_109, %sub3A_113 : vector<4000x64xf32>
    %ne3A_115 = arith.cmpf one, %sub3A_114, %sub3A_114 : vector<4000x64xf32>
    %add3A_116 = vector.broadcast %custom_jvp_call3A_110 : f32 to vector<4000x64xf32>
    %add3A_117 = arith.addf %add3A_109, %add3A_116 : vector<4000x64xf32>
    %abs3A_118 = math.absf %sub3A_114 : vector<4000x64xf32>
    %neg3A_119 = arith.constant 0.000000e+00 : f32
    %neg3A_120 = vector.broadcast %neg3A_119 : f32 to vector<4000x64xf32>
    %neg3A_121 = arith.subf %neg3A_120, %abs3A_118 : vector<4000x64xf32>
    %exp3A_122 = math.exp %neg3A_121 : vector<4000x64xf32>
    %log1p3A_123 = math.log1p %exp3A_122 : vector<4000x64xf32>
    %add3A_124 = arith.addf %max3A_112, %log1p3A_123 : vector<4000x64xf32>
    %select_n3A_125 = arith.select %ne3A_115, %add3A_117, %add3A_124 : vector<4000x64xi1>, vector<4000x64xf32>
    %sub3A_126 = arith.constant 0.693147182 : f32
    %sub3A_127 = vector.broadcast %sub3A_126 : f32 to vector<4000x64xf32>
    %sub3A_128 = arith.subf %select_n3A_125, %sub3A_127 : vector<4000x64xf32>
    %get3A_129 = arith.constant 0 : index
    %get3A_130 = arith.constant 0 : index
    %get3A_131 = vector.load %arg14[%get3A_129, %get3A_130] : memref<64x32xf32, #tpu.memory_space<vmem>>, vector<64x32xf32>
    %dot_general3A_132 = arith.constant dense<0.000000e+00> : vector<4000x32xf32>
    %dot_general3A_133 = tpu.matmul %sub3A_128, %get3A_131, %dot_general3A_132 {dimension_numbers = #tpu.dot_dimension_numbers<[1], [0], [0], [1], [0, 0, 1, 1], [], []>, transpose_lhs_hint = false} : vector<4000x64xf32>, vector<64x32xf32>, vector<4000x32xf32> -> vector<4000x32xf32>
    %get3A_134 = arith.constant 0 : index
    %get3A_135 = arith.constant 0 : index
    %get3A_136 = vector.load %arg15[%get3A_134, %get3A_135] : memref<1x32xf32, #tpu.memory_space<vmem>>, vector<1x32xf32>
    %add3A_137 = vector.broadcast %get3A_136 : vector<1x32xf32> to vector<4000x32xf32>
    %add3A_138 = arith.addf %dot_general3A_133, %add3A_137 : vector<4000x32xf32>
    %custom_jvp_call3A_139 = arith.constant 0.000000e+00 : f32
    %max3A_140 = vector.broadcast %custom_jvp_call3A_139 : f32 to vector<4000x32xf32>
    %max3A_141 = arith.maximumf %add3A_138, %max3A_140 : vector<4000x32xf32>
    %sub3A_142 = vector.broadcast %custom_jvp_call3A_139 : f32 to vector<4000x32xf32>
    %sub3A_143 = arith.subf %add3A_138, %sub3A_142 : vector<4000x32xf32>
    %ne3A_144 = arith.cmpf one, %sub3A_143, %sub3A_143 : vector<4000x32xf32>
    %add3A_145 = vector.broadcast %custom_jvp_call3A_139 : f32 to vector<4000x32xf32>
    %add3A_146 = arith.addf %add3A_138, %add3A_145 : vector<4000x32xf32>
    %abs3A_147 = math.absf %sub3A_143 : vector<4000x32xf32>
    %neg3A_148 = arith.constant 0.000000e+00 : f32
    %neg3A_149 = vector.broadcast %neg3A_148 : f32 to vector<4000x32xf32>
    %neg3A_150 = arith.subf %neg3A_149, %abs3A_147 : vector<4000x32xf32>
    %exp3A_151 = math.exp %neg3A_150 : vector<4000x32xf32>
    %log1p3A_152 = math.log1p %exp3A_151 : vector<4000x32xf32>
    %add3A_153 = arith.addf %max3A_141, %log1p3A_152 : vector<4000x32xf32>
    %select_n3A_154 = arith.select %ne3A_144, %add3A_146, %add3A_153 : vector<4000x32xi1>, vector<4000x32xf32>
    %sub3A_155 = arith.constant 0.693147182 : f32
    %sub3A_156 = vector.broadcast %sub3A_155 : f32 to vector<4000x32xf32>
    %sub3A_157 = arith.subf %select_n3A_154, %sub3A_156 : vector<4000x32xf32>
    %add3A_158 = arith.addf %sub3A_157, %get3A_23 : vector<4000x32xf32>
    %swap3A = arith.constant 0 : index
    %swap3A_159 = arith.constant 0 : index
    %swap3A_160 = vector.load %arg16[%swap3A, %swap3A_159] : memref<4000x32xf32, #tpu.memory_space<vmem>>, vector<4000x32xf32>
    tpu.vector_store %arg16[%swap3A, %swap3A_159], %sub3A_157 {strides = array<i32>} : memref<4000x32xf32, #tpu.memory_space<vmem>>, vector<4000x32xf32>,
    %swap3A_161 = arith.constant 0 : index
    %swap3A_162 = arith.constant 0 : index
    %swap3A_163 = vector.load %arg17[%swap3A_161, %swap3A_162] : memref<4000x32xf32, #tpu.memory_space<vmem>>, vector<4000x32xf32>
    tpu.vector_store %arg17[%swap3A_161, %swap3A_162], %add3A_158 {strides = array<i32>} : memref<4000x32xf32, #tpu.memory_space<vmem>>, vector<4000x32xf32>,
    %reduce_sum3A = arith.constant dense<0.000000e+00> : vector<32xf32>
    %reduce_sum3A_164 = vector.multi_reduction <add>, %sub3A_157, %reduce_sum3A [0] : vector<4000x32xf32> to vector<32xf32>
    %broadcast_in_dim3A = vector.shape_cast %reduce_sum3A_164 : vector<32xf32> to vector<1x32xf32>
    %reduce_sum3A_165 = arith.constant dense<0.000000e+00> : vector<32xf32>
    %reduce_sum3A_166 = vector.multi_reduction <add>, %add3A_158, %reduce_sum3A_165 [0] : vector<4000x32xf32> to vector<32xf32>
    %broadcast_in_dim3A_167 = vector.shape_cast %reduce_sum3A_166 : vector<32xf32> to vector<1x32xf32>
    %broadcast_in_dim3A_168 = arith.constant 0.000000e+00 : f32
    %broadcast_in_dim3A_169 = vector.broadcast %broadcast_in_dim3A_168 : f32 to vector<1x64xf32>
    %concatenate3A = tpu.concatenate %broadcast_in_dim3A, %broadcast_in_dim3A_167, %broadcast_in_dim3A_169 in 1 : vector<1x32xf32>, vector<1x32xf32>, vector<1x64xf32> -> vector<1x128xf32>
    %reshape3A_170 = vector.shape_cast %concatenate3A : vector<1x128xf32> to vector<1x1x128xf32>
    %swap3A_171 = arith.constant 0 : index
    %swap3A_172 = arith.constant 0 : index
    %swap3A_173 = arith.constant 0 : index
    %swap3A_174 = vector.load %arg18[%swap3A_171, %swap3A_172, %swap3A_173] : memref<1x1x128xf32, #tpu.memory_space<vmem>>, vector<1x1x128xf32>
    tpu.vector_store %arg18[%swap3A_171, %swap3A_172, %swap3A_173], %reshape3A_170 {strides = array<i32>} : memref<1x1x128xf32, #tpu.memory_space<vmem>>, vector<1x1x128xf32>,
    return
  }
  func.func @transform_0(%arg0: i32) -> (i32, i32) {
    %c0_i32 = arith.constant 0 : i32
    %c0_i32_0 = arith.constant 0 : i32
    return %arg0, %c0_i32 : i32, i32
  }
  func.func @transform_1(%arg0: i32) -> (i32, i32) {
    %c0_i32 = arith.constant 0 : i32
    %c0_i32_0 = arith.constant 0 : i32
    return %arg0, %c0_i32 : i32, i32
  }
  func.func @transform_2(%arg0: i32) -> (i32, i32) {
    %c0_i32 = arith.constant 0 : i32
    %c0_i32_0 = arith.constant 0 : i32
    return %arg0, %c0_i32 : i32, i32
  }
  func.func @transform_3(%arg0: i32) -> (i32, i32) {
    %c0_i32 = arith.constant 0 : i32
    %c0_i32_0 = arith.constant 0 : i32
    %c0_i32_1 = arith.constant 0 : i32
    return %c0_i32, %c0_i32_0 : i32, i32
  }
  func.func @transform_4(%arg0: i32) -> (i32, i32) {
    %c0_i32 = arith.constant 0 : i32
    %c0_i32_0 = arith.constant 0 : i32
    %c0_i32_1 = arith.constant 0 : i32
    return %c0_i32, %c0_i32_0 : i32, i32
  }
  func.func @transform_5(%arg0: i32) -> (i32, i32) {
    %c0_i32 = arith.constant 0 : i32
    %c0_i32_0 = arith.constant 0 : i32
    %c0_i32_1 = arith.constant 0 : i32
    return %c0_i32, %c0_i32_0 : i32, i32
  }
  func.func @transform_6(%arg0: i32) -> (i32, i32) {
    %c0_i32 = arith.constant 0 : i32
    %c0_i32_0 = arith.constant 0 : i32
    %c0_i32_1 = arith.constant 0 : i32
    return %c0_i32, %c0_i32_0 : i32, i32
  }
  func.func @transform_7(%arg0: i32) -> (i32, i32) {
    %c0_i32 = arith.constant 0 : i32
    %c0_i32_0 = arith.constant 0 : i32
    %c0_i32_1 = arith.constant 0 : i32
    return %c0_i32, %c0_i32_0 : i32, i32
  }
  func.func @transform_8(%arg0: i32) -> (i32, i32) {
    %c0_i32 = arith.constant 0 : i32
    %c0_i32_0 = arith.constant 0 : i32
    %c0_i32_1 = arith.constant 0 : i32
    return %c0_i32, %c0_i32_0 : i32, i32
  }
  func.func @transform_9(%arg0: i32) -> (i32, i32) {
    %c0_i32 = arith.constant 0 : i32
    %c0_i32_0 = arith.constant 0 : i32
    %c0_i32_1 = arith.constant 0 : i32
    return %c0_i32, %c0_i32_0 : i32, i32
  }
  func.func @transform_10(%arg0: i32) -> (i32, i32) {
    %c0_i32 = arith.constant 0 : i32
    %c0_i32_0 = arith.constant 0 : i32
    %c0_i32_1 = arith.constant 0 : i32
    return %c0_i32, %c0_i32_0 : i32, i32
  }
  func.func @transform_11(%arg0: i32) -> (i32, i32) {
    %c0_i32 = arith.constant 0 : i32
    %c0_i32_0 = arith.constant 0 : i32
    %c0_i32_1 = arith.constant 0 : i32
    return %c0_i32, %c0_i32_0 : i32, i32
  }
  func.func @transform_12(%arg0: i32) -> (i32, i32) {
    %c0_i32 = arith.constant 0 : i32
    %c0_i32_0 = arith.constant 0 : i32
    %c0_i32_1 = arith.constant 0 : i32
    return %c0_i32, %c0_i32_0 : i32, i32
  }
  func.func @transform_13(%arg0: i32) -> (i32, i32) {
    %c0_i32 = arith.constant 0 : i32
    %c0_i32_0 = arith.constant 0 : i32
    %c0_i32_1 = arith.constant 0 : i32
    return %c0_i32, %c0_i32_0 : i32, i32
  }
  func.func @transform_14(%arg0: i32) -> (i32, i32) {
    %c0_i32 = arith.constant 0 : i32
    %c0_i32_0 = arith.constant 0 : i32
    %c0_i32_1 = arith.constant 0 : i32
    return %c0_i32, %c0_i32_0 : i32, i32
  }
  func.func @transform_15(%arg0: i32) -> (i32, i32) {
    %c0_i32 = arith.constant 0 : i32
    %c0_i32_0 = arith.constant 0 : i32
    return %arg0, %c0_i32 : i32, i32
  }
  func.func @transform_16(%arg0: i32) -> (i32, i32) {
    %c0_i32 = arith.constant 0 : i32
    %c0_i32_0 = arith.constant 0 : i32
    return %arg0, %c0_i32 : i32, i32
  }
  func.func @transform_17(%arg0: i32) -> (i32, i32, i32) {
    %c0_i32 = arith.constant 0 : i32
    %c0_i32_0 = arith.constant 0 : i32
    %c0_i32_1 = arith.constant 0 : i32
    return %arg0, %c0_i32, %c0_i32_0 : i32, i32, i32
  }
}

module attributes {stable_mosaic.version = 14 : i64} {
  func.func @_final_body(%arg0: memref<32x32xf32, #tpu.memory_space<vmem>>, %arg1: memref<32x32xf32, #tpu.memory_space<vmem>>, %arg2: memref<32x32xf32, #tpu.memory_space<vmem>>, %arg3: memref<256x32xf32, #tpu.memory_space<vmem>>, %arg4: memref<1x32xf32, #tpu.memory_space<vmem>>, %arg5: memref<32x16xf32, #tpu.memory_space<vmem>>, %arg6: memref<1x16xf32, #tpu.memory_space<vmem>>, %arg7: memref<16x88xf32, #tpu.memory_space<vmem>>, %arg8: memref<1x88xf32, #tpu.memory_space<vmem>>, %arg9: memref<32x88xf32, #tpu.memory_space<vmem>>) attributes {dimension_semantics = [], scalar_prefetch = 0 : i64, scratch_operands = 0 : i64, tpu.core_type = #tpu.core_type<tc>} {
    %broadcast_in_dim3A = arith.constant 0.000000e+00 : f32
    %broadcast_in_dim3A_0 = vector.broadcast %broadcast_in_dim3A : f32 to vector<32x32xf32>
    %get3A = arith.constant 0 : index
    %get3A_1 = arith.constant 0 : index
    %get3A_2 = vector.load %arg0[%get3A, %get3A_1] : memref<32x32xf32, #tpu.memory_space<vmem>>, vector<32x32xf32>
    %get3A_3 = arith.constant 0 : index
    %get3A_4 = arith.constant 0 : index
    %get3A_5 = vector.load %arg1[%get3A_3, %get3A_4] : memref<32x32xf32, #tpu.memory_space<vmem>>, vector<32x32xf32>
    %get3A_6 = arith.constant 0 : index
    %get3A_7 = arith.constant 0 : index
    %get3A_8 = vector.load %arg2[%get3A_6, %get3A_7] : memref<32x32xf32, #tpu.memory_space<vmem>>, vector<32x32xf32>
    %broadcast_in_dim3A_9 = arith.constant 0.000000e+00 : f32
    %broadcast_in_dim3A_10 = vector.broadcast %broadcast_in_dim3A_9 : f32 to vector<32x96xf32>
    %concatenate3A = tpu.concatenate %broadcast_in_dim3A_0, %get3A_2, %broadcast_in_dim3A_0, %get3A_5, %get3A_8, %broadcast_in_dim3A_10 in 1 : vector<32x32xf32>, vector<32x32xf32>, vector<32x32xf32>, vector<32x32xf32>, vector<32x32xf32>, vector<32x96xf32> -> vector<32x256xf32>
    %get3A_11 = arith.constant 0 : index
    %get3A_12 = arith.constant 0 : index
    %get3A_13 = vector.load %arg3[%get3A_11, %get3A_12] : memref<256x32xf32, #tpu.memory_space<vmem>>, vector<256x32xf32>
    %dot_general3A = arith.constant dense<0.000000e+00> : vector<32x32xf32>
    %dot_general3A_14 = tpu.matmul %concatenate3A, %get3A_13, %dot_general3A {dimension_numbers = #tpu.dot_dimension_numbers<[1], [0], [0], [1], [0, 0, 1, 1], [], []>, transpose_lhs_hint = false} : vector<32x256xf32>, vector<256x32xf32>, vector<32x32xf32> -> vector<32x32xf32>
    %get3A_15 = arith.constant 0 : index
    %get3A_16 = arith.constant 0 : index
    %get3A_17 = vector.load %arg4[%get3A_15, %get3A_16] : memref<1x32xf32, #tpu.memory_space<vmem>>, vector<1x32xf32>
    %add3A = vector.broadcast %get3A_17 : vector<1x32xf32> to vector<32x32xf32>
    %add3A_18 = arith.addf %dot_general3A_14, %add3A : vector<32x32xf32>
    %custom_jvp_call3A = arith.constant 0.000000e+00 : f32
    %max3A = vector.broadcast %custom_jvp_call3A : f32 to vector<32x32xf32>
    %max3A_19 = arith.maximumf %add3A_18, %max3A : vector<32x32xf32>
    %sub3A = vector.broadcast %custom_jvp_call3A : f32 to vector<32x32xf32>
    %sub3A_20 = arith.subf %add3A_18, %sub3A : vector<32x32xf32>
    %ne3A = arith.cmpf one, %sub3A_20, %sub3A_20 : vector<32x32xf32>
    %add3A_21 = vector.broadcast %custom_jvp_call3A : f32 to vector<32x32xf32>
    %add3A_22 = arith.addf %add3A_18, %add3A_21 : vector<32x32xf32>
    %abs3A = math.absf %sub3A_20 : vector<32x32xf32>
    %neg3A = arith.constant 0.000000e+00 : f32
    %neg3A_23 = vector.broadcast %neg3A : f32 to vector<32x32xf32>
    %neg3A_24 = arith.subf %neg3A_23, %abs3A : vector<32x32xf32>
    %exp3A = math.exp %neg3A_24 : vector<32x32xf32>
    %log1p3A = math.log1p %exp3A : vector<32x32xf32>
    %add3A_25 = arith.addf %max3A_19, %log1p3A : vector<32x32xf32>
    %select_n3A = arith.select %ne3A, %add3A_22, %add3A_25 : vector<32x32xi1>, vector<32x32xf32>
    %sub3A_26 = arith.constant 0.693147182 : f32
    %sub3A_27 = vector.broadcast %sub3A_26 : f32 to vector<32x32xf32>
    %sub3A_28 = arith.subf %select_n3A, %sub3A_27 : vector<32x32xf32>
    %get3A_29 = arith.constant 0 : index
    %get3A_30 = arith.constant 0 : index
    %get3A_31 = vector.load %arg5[%get3A_29, %get3A_30] : memref<32x16xf32, #tpu.memory_space<vmem>>, vector<32x16xf32>
    %dot_general3A_32 = arith.constant dense<0.000000e+00> : vector<32x16xf32>
    %dot_general3A_33 = tpu.matmul %sub3A_28, %get3A_31, %dot_general3A_32 {dimension_numbers = #tpu.dot_dimension_numbers<[1], [0], [0], [1], [0, 0, 1, 1], [], []>, transpose_lhs_hint = false} : vector<32x32xf32>, vector<32x16xf32>, vector<32x16xf32> -> vector<32x16xf32>
    %get3A_34 = arith.constant 0 : index
    %get3A_35 = arith.constant 0 : index
    %get3A_36 = vector.load %arg6[%get3A_34, %get3A_35] : memref<1x16xf32, #tpu.memory_space<vmem>>, vector<1x16xf32>
    %add3A_37 = vector.broadcast %get3A_36 : vector<1x16xf32> to vector<32x16xf32>
    %add3A_38 = arith.addf %dot_general3A_33, %add3A_37 : vector<32x16xf32>
    %custom_jvp_call3A_39 = arith.constant 0.000000e+00 : f32
    %max3A_40 = vector.broadcast %custom_jvp_call3A_39 : f32 to vector<32x16xf32>
    %max3A_41 = arith.maximumf %add3A_38, %max3A_40 : vector<32x16xf32>
    %sub3A_42 = vector.broadcast %custom_jvp_call3A_39 : f32 to vector<32x16xf32>
    %sub3A_43 = arith.subf %add3A_38, %sub3A_42 : vector<32x16xf32>
    %ne3A_44 = arith.cmpf one, %sub3A_43, %sub3A_43 : vector<32x16xf32>
    %add3A_45 = vector.broadcast %custom_jvp_call3A_39 : f32 to vector<32x16xf32>
    %add3A_46 = arith.addf %add3A_38, %add3A_45 : vector<32x16xf32>
    %abs3A_47 = math.absf %sub3A_43 : vector<32x16xf32>
    %neg3A_48 = arith.constant 0.000000e+00 : f32
    %neg3A_49 = vector.broadcast %neg3A_48 : f32 to vector<32x16xf32>
    %neg3A_50 = arith.subf %neg3A_49, %abs3A_47 : vector<32x16xf32>
    %exp3A_51 = math.exp %neg3A_50 : vector<32x16xf32>
    %log1p3A_52 = math.log1p %exp3A_51 : vector<32x16xf32>
    %add3A_53 = arith.addf %max3A_41, %log1p3A_52 : vector<32x16xf32>
    %select_n3A_54 = arith.select %ne3A_44, %add3A_46, %add3A_53 : vector<32x16xi1>, vector<32x16xf32>
    %sub3A_55 = arith.constant 0.693147182 : f32
    %sub3A_56 = vector.broadcast %sub3A_55 : f32 to vector<32x16xf32>
    %sub3A_57 = arith.subf %select_n3A_54, %sub3A_56 : vector<32x16xf32>
    %get3A_58 = arith.constant 0 : index
    %get3A_59 = arith.constant 0 : index
    %get3A_60 = vector.load %arg7[%get3A_58, %get3A_59] : memref<16x88xf32, #tpu.memory_space<vmem>>, vector<16x88xf32>
    %dot_general3A_61 = arith.constant dense<0.000000e+00> : vector<32x88xf32>
    %dot_general3A_62 = tpu.matmul %sub3A_57, %get3A_60, %dot_general3A_61 {dimension_numbers = #tpu.dot_dimension_numbers<[1], [0], [0], [1], [0, 0, 1, 1], [], []>, transpose_lhs_hint = false} : vector<32x16xf32>, vector<16x88xf32>, vector<32x88xf32> -> vector<32x88xf32>
    %get3A_63 = arith.constant 0 : index
    %get3A_64 = arith.constant 0 : index
    %get3A_65 = vector.load %arg8[%get3A_63, %get3A_64] : memref<1x88xf32, #tpu.memory_space<vmem>>, vector<1x88xf32>
    %add3A_66 = vector.broadcast %get3A_65 : vector<1x88xf32> to vector<32x88xf32>
    %add3A_67 = arith.addf %dot_general3A_62, %add3A_66 : vector<32x88xf32>
    %swap3A = arith.constant 0 : index
    %swap3A_68 = arith.constant 0 : index
    %swap3A_69 = vector.load %arg9[%swap3A, %swap3A_68] : memref<32x88xf32, #tpu.memory_space<vmem>>, vector<32x88xf32>
    tpu.vector_store %arg9[%swap3A, %swap3A_68], %add3A_67 {strides = array<i32>} : memref<32x88xf32, #tpu.memory_space<vmem>>, vector<32x88xf32>,
    return
  }
}

</mosaic_0001>

<sc_bundles>
// kernel: kernel.25.cloned.1.call-start
scs
__scs_entry_jumppad:
0x0: {  	(pc) =	sbr.rel $0x88, $3  }
0x1: {  	(tag) =	ssettag $0x0;
	lr =	simm.s32 $0x1  }
0x2: {  	[smem:$0x3F47] =	sst lr;
	_ =	strace $0xD0000000  }
0x3: {  	_ = 	snop  }
0x4: {  	_ = 	snop  }
0x5: {  	_ = 	snop  }
0x6: {  	_ = 	snop  }
0x7: {  	_ = 	snop  }
__scs_overlays_trampoline_lowered:
0x8: {  	[smem:$0x3F56] =	sst s0  }
0x9: {  	[smem:$0x3F57] =	sst s1  }
0xa: {  	[smem:$0x3F58] =	sst s2  }
0xb: {  	[smem:$0x3F59] =	sst s3  }
0xc: {  	[smem:$0x3F5A] =	sst s4  }
0xd: {  	[smem:$0x3F5B] =	sst s5  }
0xe: {  	[smem:$0x3F5C] =	sst s6  }
0xf: {  	[smem:$0x3F5D] =	sst s7  }
0x10: {  	[smem:$0x3F5E] =	sst s8  }
0x11: {  	[smem:$0x3F5F] =	sst s9;
	s0 =	simm.s32 @!p0 $0x0  }
0x12: {  	s1 =	sld [smem:$0x3F45];
	s0 =	simm.s32 @p0 $0x1  }
0x13: {  	[smem:$0x3F60] =	sst s0;
	s0 =	simm.s32 @!p1 $0x0  }
0x14: {  	s2 =	sld [smem:$0x3F44];
	s0 =	simm.s32 @p1 $0x1  }
0x15: {  	[smem:$0x3F61] =	sst s0;
	s0 =	simm.s32 @!p2 $0x0  }
0x16: {  	s3 =	sld [smem:$0x3FDB];
	s0 =	simm.s32 @p2 $0x1  }
0x17: {  	s4 =	simm.s32 $0x1BF5;
	[smem:$0x3F63] =	sst s0  }
0x18: {  	s0 =	sld [smem:$0x3F46];
	_ =	swait.ge [sflag:s4], $0x0  }
0x19: {  	s7 =	sld [smem:$0x3F47]  }
0x1a: {  	s8 =	sadd.s32 $0xFFFFE003, lr  }
0x1b: {  	s9 =	sadd.s32 $0xFFFFFEF7, lr;
	s5 =	simm.s32 $0xFFFFFFFF;
	p2 =	slt.u32 s8, $0xFFFFF086  }
0x1c: {  	p1 =	slt.u32 s9, $0xF7A;
	s5 =	simm.s32 @!p2 $0x0  }
0x1d: {  	s5 =	simm.s32 @p1 $0x1;
	p0 =	seq.s32 s7, s2  }
0x1e: {  	s7 =	smul.u32 @!p0 $0xF7A, s2;
	p2 =	seq.s32 @!p0 s5, $0x0  }
0x1f: {  	s9 =	smul.u32 $0xF7A, s1;
	s8 =	simm.s32 @!p0 $0x1BF5;
	p2 =	por !p2, p0  }
0x20: {  	[sflag:s8] =	ssyncset.s32 @!p0 $0xFFFFF086;
	s6 =	sadd.s32 @!p0 s3, s7;
	s7 =	simm.s32 @!p0 $0x108  }
0x21: {  	s3 =	sadd.s32 s3, s9;
	s6 =	sadd.s32 @!p0 $0x88, s6;
	s7 =	simm.s32 @p2 $0x1082  }
0x22: {  	[simem:s7], [sflag:s8] =	dma.local @!p0 [hbm:s6], $0xF7A  }
0x23: {  	s9 =	sor.u32 $0xD0000000, s2;
	s6 =	simm.s32 $0x108;
	_ =	swait.ge @!p0 [sflag:s8], $0x0  }
0x24: {  	s3 =	sadd.s32 $0x88, s3;
	s6 =	simm.s32 @!p1 $0x1082;
	[sflag:s4] =	ssyncset.s32 $0xFFFFF086  }
0x25: {  	[simem:s6], [sflag:s4] =	dma.local [hbm:s3], $0xF7A  }
0x26: {  	[smem:$0x3F47] =	sst s1;
	(tag) =	ssettag s2;
	_ =	strace s9  }
0x27: {  	s1 =	sld [smem:$0x3F57]  }
0x28: {  	s2 =	sld [smem:$0x3F58]  }
0x29: {  	s4 =	sld [smem:$0x3F5A]  }
0x2a: {  	p0 =	seq.s32 s5, $0x0;
	s5 =	sld [smem:$0x3F5B]  }
0x2b: {  	s6 =	sld [smem:$0x3F5C]  }
0x2c: {  	s7 =	sld [smem:$0x3F5D]  }
0x2d: {  	s3 =	simm.s32 $0x108;
	s8 =	sld [smem:$0x3F5E]  }
0x2e: {  	s3 =	simm.s32 @!p0 $0x1082;
	s9 =	sld [smem:$0x3F5F]  }
0x2f: {  	lr =	sadd.s32 s0, s3;
	s0 =	sld [smem:$0x3F56]  }
0x30: {  	s3 =	sld [smem:$0x3F59]  }
0x31: {  	[smem:$0x3F62] =	sst s10  }
0x32: {  	s10 =	sld [smem:$0x3F60];
	_ =	sdelay $0x3  }
0x33: {  	p0 =	seq.s32 s10, $0x1;
	s10 =	sld [smem:$0x3F62];
	_ =	sdelay $0x3  }
0x34: {  	[smem:$0x3F62] =	sst s10  }
0x35: {  	s10 =	sld [smem:$0x3F61];
	_ =	sdelay $0x3  }
0x36: {  	p1 =	seq.s32 s10, $0x1;
	s10 =	sld [smem:$0x3F62];
	_ =	sdelay $0x3  }
0x37: {  	[smem:$0x3F62] =	sst s10  }
0x38: {  	s10 =	sld [smem:$0x3F63]  }
0x39: {  	_ = 	snop;
	(pc) =	sbr.ind lr, $3  }
0x3a: {  	_ = 	snop  }
0x3b: {  	_ = 	snop  }
0x3c: {  	p2 =	seq.s32 s10, $0x1;
	s10 =	sld [smem:$0x3F62]  }
0x3d: {  	_ =	shalt  }
0x3e: {  	_ =	shalt  }
0x3f: {  	_ =	shalt  }
0x40: {  	_ =	shalt  }
0x41: {  	_ =	shalt  }
0x42: {  	_ =	shalt  }
0x43: {  	_ =	shalt  }
0x44: {  	_ =	shalt  }
0x45: {  	_ =	shalt  }
0x46: {  	_ =	shalt  }
0x47: {  	_ =	shalt  }
0x48: {  	_ =	shalt  }
0x49: {  	_ =	shalt  }
0x4a: {  	_ =	shalt  }
0x4b: {  	_ =	shalt  }
0x4c: {  	_ =	shalt  }
0x4d: {  	_ =	shalt  }
0x4e: {  	_ =	shalt  }
0x4f: {  	_ =	shalt  }
0x50: {  	_ =	shalt  }
0x51: {  	_ =	shalt  }
0x52: {  	_ =	shalt  }
0x53: {  	_ =	shalt  }
0x54: {  	_ =	shalt  }
0x55: {  	_ =	shalt  }
0x56: {  	_ =	shalt  }
0x57: {  	_ =	shalt  }
0x58: {  	_ =	shalt  }
0x59: {  	_ =	shalt  }
0x5a: {  	_ =	shalt  }
0x5b: {  	_ =	shalt  }
0x5c: {  	_ =	shalt  }
0x5d: {  	_ =	shalt  }
0x5e: {  	_ =	shalt  }
0x5f: {  	_ =	shalt  }
0x60: {  	_ =	shalt  }
0x61: {  	_ =	shalt  }
0x62: {  	_ =	shalt  }
0x63: {  	_ =	shalt  }
0x64: {  	_ =	shalt  }
0x65: {  	_ =	shalt  }
0x66: {  	_ =	shalt  }
0x67: {  	_ =	shalt  }
0x68: {  	_ =	shalt  }
0x69: {  	_ =	shalt  }
0x6a: {  	_ =	shalt  }
0x6b: {  	_ =	shalt  }
0x6c: {  	_ =	shalt  }
0x6d: {  	_ =	shalt  }
0x6e: {  	_ =	shalt  }
0x6f: {  	_ =	shalt  }
0x70: {  	_ =	shalt  }
0x71: {  	_ =	shalt  }
0x72: {  	_ =	shalt  }
0x73: {  	_ =	shalt  }
0x74: {  	_ =	shalt  }
0x75: {  	_ =	shalt  }
0x76: {  	_ =	shalt  }
0x77: {  	_ =	shalt  }
0x78: {  	_ =	shalt  }
0x79: {  	_ =	shalt  }
0x7a: {  	_ =	shalt  }
0x7b: {  	_ =	shalt  }
0x7c: {  	_ =	shalt  }
0x7d: {  	_ =	shalt  }
0x7e: {  	_ =	shalt  }
0x7f: {  	_ =	shalt  }
0x80: {  	_ =	shalt  }
0x81: {  	_ =	shalt  }
0x82: {  	_ =	shalt  }
0x83: {  	_ =	shalt  }
0x84: {  	_ =	shalt  }
0x85: {  	_ =	shalt  }
0x86: {  	_ =	shalt  }
0x87: {  	_ =	shalt  }
.Lfunc_end0:
.L_simem_size_0:
called_computation_lowered:
.L_overlay_start_0:
0x88: {  	s2 =	sld [smem:$0x3FD9]  }
0x89: {  	s3 =	sld [smem:$0x3FFE];
	_ =	sdelay $0x1  }
0x8a: {  	s1 =	srdreg.scid  }
0x8b: {  	s0 =	sand.u32 $0x1, s1  }
0x8c: {  	s16 =	sshll.u32 s0, $0xA;
	s2 =	sadd.s32 s3, s2  }
0x8d: {  	s2 =	sadd.s32 s2, s16  }
0x8e: {  	[smem:$0x3F6E] =	sst s2  }
0x8f: {  	_ = 	snop  }
0x90: {  	(tm) =	ssettm $0x1  }
0x91: {  	s17 =	sld [smem:$0x3FFB];
	_ =	sdelay $0x3  }
0x92: {  	_ =	strace s17  }
0x93: {  	s2 =	sld [smem:$0x3FFC];
	_ =	sdelay $0x3  }
0x94: {  	_ =	strace s2  }
0x95: {  	s2 =	sld [smem:$0x3FFD];
	_ =	sdelay $0x3  }
0x96: {  	_ =	strace s2  }
0x97: {  	_ =	strace $0x8FFFFFFF  }
0x98: {  	s18 =	sld [smem:$0x3FDB];
	_ =	sdelay $0x1  }
0x99: {  	s19 =	simm.s32 $_scs_section_size  }
0x9a: {  	s4 =	simm.s32 $_size__tile_overlayer_lowered;
	s5 =	simm.s32 $_tile_overlayer_lowered  }
0x9b: {  	s22 =	simm.s32 $0x1BFF;
	s21 =	sshll.u32 s5, $0x1;
	s2 =	sadd.s32 s19, s18  }
0x9c: {  	s6 =	simm.s32 $0x0;
	s20 =	sshll.u32 s4, $0x1;
	s4 =	sadd.s32 s21, s2  }
0x9d: {  	[timem:s6], [sflag:s22] =	dma.local [hbm:s4], s20  }
0x9e: {  	_ =	swait.ge [sflag:s22], s20  }
0x9f: {  	s3 =	ssub.s32 $0x0, s20;
	[sflag:s22] =	ssyncset.done $0x0  }
0xa0: {  	[sflag:s22] =	ssyncadd.s32 s3;
	_ =	sdelay $0x1  }
0xa1: {  	s23 =	simm.s32 $0x1B8B  }
0xa2: {  	_ =	swait.ge [sflag:s23], $0x1  }
0xa3: {  	[sflag:s23] =	ssyncset.done $0x0  }
0xa4: {  	s25 =	simm.s32 $0x1B8E;
	s24 =	sld [smem:$0x3FFE];
	[sflag:s23] =	ssyncadd.s32 $0xFFFFFFFF  }
0xa5: {  	s26 =	simm.s32 $execute0_lowered;
	[smem:$0x3FD2] =	sst s25  }
0xa6: {  	s4 =	sshll.u32 s26, $0x1;
	_ =	strace $0x80000046;
	[dreg:$0x1] =	wrdreg $0xFFFFFFFF  }
0xa7: {  	s28 =	simm.s32 $_size_execute0_lowered;
	s2 =	sadd.s32 s2, s4;
	[dreg:$0x0] =	wrdreg $0x0  }
0xa8: {  	s4 =	sshll.u32 s28, $0x1;
	[dreg:$0x2] =	wrdreg s2  }
0xa9: {  	[dreg:$0x3] =	wrdreg s4  }
0xaa: {  	[dreg:$0x4] =	wrdreg $0xC0  }
0xab: {  	_ =	task [dreg:s6], $0x5FFFF  }
0xac: {  	[dreg:$0x1] =	wrdreg $0xFFFFFFFF  }
0xad: {  	[dreg:$0x0] =	wrdreg $0x60  }
0xae: {  	[dreg:$0x2] =	wrdreg s24  }
0xaf: {  	[dreg:$0x3] =	wrdreg $0x9  }
0xb0: {  	_ =	task.clear_ibuf [dreg:s6], $0x4FFFF;
	_ =	strace $0x90000046  }
0xb1: {  	s29 =	simm.s32 $0x9;
	_ =	strace $0x80000048  }
0xb2: {  	_ =	swait.ge [sflag:s29], $0x1  }
0xb3: {  	[sflag:s29] =	ssyncadd.s32 $0xFFFFFFFF  }
0xb4: {  	_ =	strace $0x90000048  }
0xb5: {  	_ =	sfence  }
0xb6: {  	s30 =	sld [smem:$0x0];
	_ =	sdelay $0x2  }
0xb7: {  	s31 =	sshll.u32 s1, $0xD;
	s1 =	sshrl.u32 s1, $0x2  }
0xb8: {  	s3 =	sand.u32 $0x4000, s31;
	s1 =	sadd.s32 s1, s30  }
0xb9: {  	s0 =	sor.u32 s3, s0;
	s1 =	sshll.u32 s1, $0x11  }
0xba: {  	s0 =	sor.u32 s1, s0  }
0xbb: {  	s0 =	sadd.s32 $0x8F2B, s0  }
0xbc: {  	[sflag:s0] =	ssyncadd.remote.s32 $0x1  }
0xbd: {  	_ =	sfence.sel $0xFFFF  }
0xbe: {  	[dreg:$0x0] =	wrdreg $0xFFFFFFFF;
	(pc) =	sbr.abs _section_cstart, $3  }
0xbf: {  	[dreg:$0x1] =	wrdreg $0xFFFFFFFF  }
0xc0: {  	_ =	task.clear_ibuf [dreg:s6], $0x2FFFF;
	_ =	strace $0x9FFFFFFF  }
0xc1: {  	(tm) =	ssettm $0x7FFFFFFF  }
tec
execute0_lowered:
.L_overlay_start_1:
0x0: {  	(tag) =	ssettag $0x1  }
0x1: {  	s0 =	srdreg.scid  }
0x2: {  	s12 =	stileid.u32;
	s1 =	rddreg [dreg:$0x0]  }
0x3: {  	s2 =	simm.s32 $0x0;
	s17 =	simm.s32 $0x5;
	s18 =	simm.s32 $0x6200  }
0x4: {  	s19 =	simm.s32 $0x80;
	s28 =	simm.s32 $0x4;
	s11 =	smul.u32 $0xC350, s12  }
0x5: {  	s29 =	simm.s32 $0x6180;
	s0 =	sand.u32 $0x1, s0;
	s24 =	smul.u32 $0x30D40, s12  }
0x6: {  	s30 =	simm.s32 $0xC380;
	s3 =	sshll.u32 s12, $0x1;
	s22 =	smul.u32 $0x61A8, s0  }
0x7: {  	s4 =	sor.u32 s0, s3;
	s6 =	ssub.s32 $0x2, s0;
	s0 =	smul.u32 $0x186A0, s0  }
0x8: {  	[smem:$0x7FF] =	sst s2;
	s16 =	sadd.s32 $0x4F2A00, s1;
	s5 =	smul.u32 $0xC40, s4  }
0x9: {  	s31 =	simm.s32 $0x0;
	_ =	strace $0x80000047;
	s7 =	smul.u32 $0xC3500, s4  }
0xa: {  	s3 =	sadd.s32 $0x5EA00, s1;
	s8 =	sshrl.u32 s6, $0x1;
	s4 =	smul.u32 $0x186A0, s4  }
0xb: {  	s26 =	sadd.s32 s24, s16;
	s6 =	ssub.s32 s6, s8;
	s5 =	sadd.s32 s5, s1  }
0xc: {  	s1 =	sadd.s32 $0x1E5600, s1;
	s7 =	sshrl.u32 s7, $0x3;
	s8 =	smax.u32 s6, $0x1  }
0xd: {  	s23 =	sadd.s32 $0x18400, s4;
	s4 =	sadd.s32 $0x184A0, s4;
	s20 =	sadd.s32 $0x46200, s5  }
0xe: {  	s7 =	sadd.s32 $0x184A0, s7;
	s5 =	sadd.s32 $0x2DA00, s5;
	s9 =	sadd.s32 s16, s23  }
0xf: {  	s10 =	sadd.s32 s1, s23;
	s12 =	sadd.s32 s1, s4;
	s25 =	sadd.s32 s24, s1  }
0x10: {  	s23 =	simm.s32 $0xF400;
	s24 =	simm.s32 $0x1;
	[dreg:$0x2] =	wrdreg s20  }
0x11: {  	[dreg:$0x3] =	wrdreg s5;
	s21 =	sadd.s32 s16, s7;
	s7 =	sadd.s32 s1, s7  }
0x12: {  	s5 =	sadd.s32 s22, s11;
	s11 =	sadd.s32 s16, s4;
	s15 =	sadd.s32 s0, s25  }
0x13: {  	s20 =	simm.s32 $0xC400;
	s22 =	simm.s32 $0xE400;
	s5 =	sshll.u32 s5, $0x2  }
0x14: {  	s25 =	simm.s32 $0x2;
	[dreg:$0x4] =	wrdreg s21;
	s5 =	sadd.s32 $0x200, s5  }
0x15: {  	[dreg:$0x5] =	wrdreg s7;
	s21 =	simm.s32 $0xD400;
	s13 =	sadd.s32 s5, s16  }
0x16: {  	s14 =	sadd.s32 s5, s1;
	s16 =	sadd.s32 s0, s26;
	s26 =	simm.s32 $0x3  }
.LBB2_1:
0x17: {  	s0 =	rddreg [dreg:$0x2]  }
0x18: {  	[tilespmem:s2], [sflag:$0x5] =	stream.linear.gather [hbm4b:s0+s2], $0x6200, $0x38;
	[tilespmem:$0x10400] =	vst v63  }
0x19: {  	_ =	swait.ge [sflag:s17], $0x6200  }
0x1a: {  	[sflag:s17] =	ssyncset.done $0x0  }
0x1b: {  	s4 =	rddreg [dreg:$0x3];
	[sflag:s17] =	ssyncadd.s32 $0xFFFF9E00  }
0x1c: {  	[tilespmem:s18], [sflag:$0x5] =	stream.linear.gather [hbm4b:s4+s2], $0x6200, $0x38;
	[tilespmem:$0x10400] =	vst v63  }
0x1d: {  	_ =	swait.ge [sflag:s17], $0x6200  }
0x1e: {  	[sflag:s17] =	ssyncset.done $0x0  }
0x1f: {  	[sflag:s17] =	ssyncadd.s32 $0xFFFF9E00  }
0x20: {  	[tilespmem:s20], [sflag:$0x1] =	stream.indirect.gather [hbm4b:s3+s19], $0x20, s2, s19, $0xb8;
	[tilespmem:$0x10400] =	vst v63  }
0x21: {  	_ = 	snop  }
0x22: {  	[tilespmem:s21], [sflag:$0x2] =	stream.indirect.gather [hbm4b:s3+s19], $0x20, s18, s19, $0xb8;
	[tilespmem:$0x10400] =	vst v63  }
0x23: {  	s5 =	simm.s32 $0x80  }
0x24: {  	[tilespmem:s22], [sflag:$0x3] =	stream.indirect.gather [hbm4b:s3+s19], $0x20, s5, s19, $0xb8;
	[tilespmem:$0x10400] =	vst v63  }
0x25: {  	s6 =	simm.s32 $0x6280  }
0x26: {  	[tilespmem:s23], [sflag:$0x4] =	stream.indirect.gather [hbm4b:s3+s19], $0x20, s6, s19, $0xb8;
	[tilespmem:$0x10400] =	vst v63  }
0x27: {  	_ =	swait.ge [sflag:s24], $0x1000  }
0x28: {  	[sflag:s24] =	ssyncset.done $0x0  }
0x29: {  	[sflag:s24] =	ssyncadd.s32 $0xFFFFF000  }
0x2a: {  	_ =	swait.ge [sflag:s25], $0x1000  }
0x2b: {  	[sflag:s25] =	ssyncset.done $0x0  }
0x2c: {  	s7 =	sadd.s32 $0x0, s16;
	[sflag:s25] =	ssyncadd.s32 $0xFFFFF000  }
0x2d: {  	[hbm4b:s7+s2] =	stream.linear.scatter [tilespmem:s20], [sflag:$0x5], $0x1000, $0x38;
	[tilespmem:$0x10400] =	vst v63  }
0x2e: {  	_ =	swait.ge [sflag:s17], $0x1000  }
0x2f: {  	[sflag:s17] =	ssyncset.done $0x0  }
0x30: {  	s1 =	sadd.s32 $0x0, s15;
	[sflag:s17] =	ssyncadd.s32 $0xFFFFF000  }
0x31: {  	[hbm4b:s1+s2] =	stream.linear.scatter [tilespmem:s21], [sflag:$0x5], $0x1000, $0x38;
	[tilespmem:$0x10400] =	vst v63  }
0x32: {  	_ =	swait.ge [sflag:s17], $0x1000  }
0x33: {  	[sflag:s17] =	ssyncset.done $0x0  }
0x34: {  	s4 =	simm.s32 $0x100;
	[sflag:s17] =	ssyncadd.s32 $0xFFFFF000  }
0x35: {  	[tilespmem:s20], [sflag:$0x1] =	stream.indirect.gather [hbm4b:s3+s19], $0x20, s4, s19, $0xb8;
	[tilespmem:$0x10400] =	vst v63  }
0x36: {  	s5 =	simm.s32 $0x6300  }
0x37: {  	[tilespmem:s21], [sflag:$0x2] =	stream.indirect.gather [hbm4b:s3+s19], $0x20, s5, s19, $0xb8;
	[tilespmem:$0x10400] =	vst v63  }
0x38: {  	_ =	swait.ge [sflag:s26], $0x1000  }
0x39: {  	[sflag:s26] =	ssyncset.done $0x0  }
0x3a: {  	[sflag:s26] =	ssyncadd.s32 $0xFFFFF000  }
0x3b: {  	_ =	swait.ge [sflag:s28], $0x1000  }
0x3c: {  	[sflag:s28] =	ssyncset.done $0x0  }
0x3d: {  	s6 =	sadd.s32 $0x0, s13;
	[sflag:s28] =	ssyncadd.s32 $0xFFFFF000  }
0x3e: {  	[hbm4b:s6+s2] =	stream.linear.scatter [tilespmem:s22], [sflag:$0x5], $0x1000, $0x38;
	[tilespmem:$0x10400] =	vst v63  }
0x3f: {  	_ =	swait.ge [sflag:s17], $0x1000  }
0x40: {  	[sflag:s17] =	ssyncset.done $0x0  }
0x41: {  	s7 =	sadd.s32 $0x0, s14;
	[sflag:s17] =	ssyncadd.s32 $0xFFFFF000  }
0x42: {  	[hbm4b:s7+s2] =	stream.linear.scatter [tilespmem:s23], [sflag:$0x5], $0x1000, $0x38;
	[tilespmem:$0x10400] =	vst v63  }
0x43: {  	s0 =	simm.s32 $0x100;
	_ =	swait.ge [sflag:s17], $0x1000  }
0x44: {  	s1 =	simm.s32 $0x400;
	s4 =	simm.s32 $0x800;
	[sflag:s17] =	ssyncset.done $0x0  }
.LBB2_2:
0x45: {  	s7 =	sadd.s32 $0x80, s0  }
0x46: {  	[sflag:s17] =	ssyncadd.s32 $0xFFFFF000;
	s5 =	smov.u32 s4;
	s6 =	sadd.s32 $0x400, s4  }
0x47: {  	[tilespmem:s22], [sflag:$0x3] =	stream.indirect.gather [hbm4b:s3+s19], $0x20, s7, s19, $0xb8;
	[tilespmem:$0x10400] =	vst v63  }
0x48: {  	p0 =	sne.s32 s4, $0x18000;
	s4 =	sadd.s32 $0x6280, s0  }
0x49: {  	[tilespmem:s23], [sflag:$0x4] =	stream.indirect.gather [hbm4b:s3+s19], $0x20, s4, s19, $0xb8;
	[tilespmem:$0x10400] =	vst v63  }
0x4a: {  	_ =	swait.ge [sflag:s24], $0x1000  }
0x4b: {  	[sflag:s24] =	ssyncset.done $0x0  }
0x4c: {  	[sflag:s24] =	ssyncadd.s32 $0xFFFFF000  }
0x4d: {  	_ =	swait.ge [sflag:s25], $0x1000  }
0x4e: {  	[sflag:s25] =	ssyncset.done $0x0  }
0x4f: {  	s4 =	sadd.s32 s1, s16;
	[sflag:s25] =	ssyncadd.s32 $0xFFFFF000  }
0x50: {  	[hbm4b:s4+s2] =	stream.linear.scatter [tilespmem:s20], [sflag:$0x5], $0x1000, $0x38;
	[tilespmem:$0x10400] =	vst v63  }
0x51: {  	_ =	swait.ge [sflag:s17], $0x1000  }
0x52: {  	[sflag:s17] =	ssyncset.done $0x0  }
0x53: {  	s4 =	sadd.s32 s1, s15;
	[sflag:s17] =	ssyncadd.s32 $0xFFFFF000  }
0x54: {  	[hbm4b:s4+s2] =	stream.linear.scatter [tilespmem:s21], [sflag:$0x5], $0x1000, $0x38;
	[tilespmem:$0x10400] =	vst v63  }
0x55: {  	_ =	swait.ge [sflag:s17], $0x1000  }
0x56: {  	[sflag:s17] =	ssyncset.done $0x0  }
0x57: {  	s4 =	sadd.s32 $0x100, s0;
	[sflag:s17] =	ssyncadd.s32 $0xFFFFF000  }
0x58: {  	[tilespmem:s20], [sflag:$0x1] =	stream.indirect.gather [hbm4b:s3+s19], $0x20, s4, s19, $0xb8;
	[tilespmem:$0x10400] =	vst v63  }
0x59: {  	s0 =	sadd.s32 $0x6300, s0  }
0x5a: {  	[tilespmem:s21], [sflag:$0x2] =	stream.indirect.gather [hbm4b:s3+s19], $0x20, s0, s19, $0xb8;
	[tilespmem:$0x10400] =	vst v63  }
0x5b: {  	_ =	swait.ge [sflag:s26], $0x1000  }
0x5c: {  	[sflag:s26] =	ssyncset.done $0x0  }
0x5d: {  	[sflag:s26] =	ssyncadd.s32 $0xFFFFF000  }
0x5e: {  	_ =	swait.ge [sflag:s28], $0x1000  }
0x5f: {  	[sflag:s28] =	ssyncset.done $0x0  }
0x60: {  	s0 =	sadd.s32 s1, s13;
	[sflag:s28] =	ssyncadd.s32 $0xFFFFF000  }
0x61: {  	[hbm4b:s0+s2] =	stream.linear.scatter [tilespmem:s22], [sflag:$0x5], $0x1000, $0x38;
	[tilespmem:$0x10400] =	vst v63  }
0x62: {  	_ =	swait.ge [sflag:s17], $0x1000  }
.Ltmp0:
0x63: {  	[sflag:s17] =	ssyncset.done $0x0;
	(pc) =	sbr.rel @p0 .LBB2_2-.Ltmp0, $4  }
0x64: {  	s0 =	sadd.s32 s1, s14;
	s1 =	smov.u32 s5;
	[sflag:s17] =	ssyncadd.s32 $0xFFFFF000  }
0x65: {  	[hbm4b:s0+s2] =	stream.linear.scatter [tilespmem:s23], [sflag:$0x5], $0x1000, $0x38;
	[tilespmem:$0x10400] =	vst v63  }
0x66: {  	_ =	swait.ge [sflag:s17], $0x1000  }
0x67: {  	s4 =	smov.u32 s6;
	s0 =	sshra.s32 s1, $0x2;
	[sflag:s17] =	ssyncset.done $0x0  }
0x68: {  	s4 =	sadd.s32 $0x80, s0;
	[sflag:s17] =	ssyncadd.s32 $0xFFFFF000  }
0x69: {  	[tilespmem:s22], [sflag:$0x3] =	stream.indirect.gather [hbm4b:s3+s19], $0x20, s4, s19, $0xb8;
	[tilespmem:$0x10400] =	vst v63  }
0x6a: {  	s6 =	sadd.s32 $0x6280, s0  }
0x6b: {  	[tilespmem:s23], [sflag:$0x4] =	stream.indirect.gather [hbm4b:s3+s19], $0x20, s6, s19, $0xb8;
	[tilespmem:$0x10400] =	vst v63  }
0x6c: {  	_ =	swait.ge [sflag:s24], $0x1000  }
0x6d: {  	[sflag:s24] =	ssyncset.done $0x0  }
0x6e: {  	[sflag:s24] =	ssyncadd.s32 $0xFFFFF000  }
0x6f: {  	_ =	swait.ge [sflag:s25], $0x1000  }
0x70: {  	[sflag:s25] =	ssyncset.done $0x0  }
0x71: {  	s7 =	sadd.s32 s1, s16;
	[sflag:s25] =	ssyncadd.s32 $0xFFFFF000  }
0x72: {  	[hbm4b:s7+s2] =	stream.linear.scatter [tilespmem:s20], [sflag:$0x5], $0x1000, $0x38;
	[tilespmem:$0x10400] =	vst v63  }
0x73: {  	_ =	swait.ge [sflag:s17], $0x1000  }
0x74: {  	[sflag:s17] =	ssyncset.done $0x0  }
0x75: {  	s5 =	sadd.s32 s1, s15;
	[sflag:s17] =	ssyncadd.s32 $0xFFFFF000  }
0x76: {  	[hbm4b:s5+s2] =	stream.linear.scatter [tilespmem:s21], [sflag:$0x5], $0x1000, $0x38;
	[tilespmem:$0x10400] =	vst v63  }
0x77: {  	_ =	swait.ge [sflag:s17], $0x1000  }
0x78: {  	[sflag:s17] =	ssyncset.done $0x0  }
0x79: {  	s6 =	sadd.s32 $0x100, s0;
	[sflag:s17] =	ssyncadd.s32 $0xFFFFF000  }
0x7a: {  	[tilespmem:s20], [sflag:$0x1] =	stream.indirect.gather [hbm4b:s3+s19], $0x20, s6, s19, $0xb8;
	[tilespmem:$0x10400] =	vst v63  }
0x7b: {  	s7 =	sadd.s32 $0x6300, s0  }
0x7c: {  	[tilespmem:s21], [sflag:$0x2] =	stream.indirect.gather [hbm4b:s3+s19], $0x20, s7, s19, $0xb8;
	[tilespmem:$0x10400] =	vst v63  }
0x7d: {  	_ =	swait.ge [sflag:s26], $0x1000  }
0x7e: {  	[sflag:s26] =	ssyncset.done $0x0  }
0x7f: {  	[sflag:s26] =	ssyncadd.s32 $0xFFFFF000  }
0x80: {  	_ =	swait.ge [sflag:s28], $0x1000  }
0x81: {  	[sflag:s28] =	ssyncset.done $0x0  }
0x82: {  	s4 =	sadd.s32 s1, s13;
	[sflag:s28] =	ssyncadd.s32 $0xFFFFF000  }
0x83: {  	[hbm4b:s4+s2] =	stream.linear.scatter [tilespmem:s22], [sflag:$0x5], $0x1000, $0x38;
	[tilespmem:$0x10400] =	vst v63  }
0x84: {  	_ =	swait.ge [sflag:s17], $0x1000  }
0x85: {  	[sflag:s17] =	ssyncset.done $0x0  }
0x86: {  	s5 =	sadd.s32 s1, s14;
	[sflag:s17] =	ssyncadd.s32 $0xFFFFF000  }
0x87: {  	[hbm4b:s5+s2] =	stream.linear.scatter [tilespmem:s23], [sflag:$0x5], $0x1000, $0x38;
	[tilespmem:$0x10400] =	vst v63  }
0x88: {  	_ =	swait.ge [sflag:s17], $0x1000  }
0x89: {  	[sflag:s17] =	ssyncset.done $0x0  }
0x8a: {  	[sflag:s17] =	ssyncadd.s32 $0xFFFFF000  }
0x8b: {  	[tilespmem:s22], [sflag:$0x3] =	stream.indirect.gather [hbm4b:s3+s19], $0x20, s29, s19, $0xb8;
	[tilespmem:$0x10400] =	vst v63  }
0x8c: {  	_ = 	snop  }
0x8d: {  	[tilespmem:s23], [sflag:$0x4] =	stream.indirect.gather [hbm4b:s3+s19], $0x20, s30, s19, $0xb8;
	[tilespmem:$0x10400] =	vst v63  }
0x8e: {  	_ =	swait.ge [sflag:s24], $0x1000  }
0x8f: {  	[sflag:s24] =	ssyncset.done $0x0  }
0x90: {  	[sflag:s24] =	ssyncadd.s32 $0xFFFFF000  }
0x91: {  	_ =	swait.ge [sflag:s25], $0x1000  }
0x92: {  	[sflag:s25] =	ssyncset.done $0x0  }
0x93: {  	[sflag:s25] =	ssyncadd.s32 $0xFFFFF000  }
0x94: {  	[hbm4b:s9+s2] =	stream.linear.scatter [tilespmem:s20], [sflag:$0x5], $0x1000, $0x38;
	[tilespmem:$0x10400] =	vst v63  }
0x95: {  	_ =	swait.ge [sflag:s17], $0x1000  }
0x96: {  	[sflag:s17] =	ssyncset.done $0x0  }
0x97: {  	[sflag:s17] =	ssyncadd.s32 $0xFFFFF000  }
0x98: {  	[hbm4b:s10+s2] =	stream.linear.scatter [tilespmem:s21], [sflag:$0x5], $0x1000, $0x38;
	[tilespmem:$0x10400] =	vst v63  }
0x99: {  	_ =	swait.ge [sflag:s17], $0x1000  }
0x9a: {  	[sflag:s17] =	ssyncset.done $0x0  }
0x9b: {  	[sflag:s17] =	ssyncadd.s32 $0xFFFFF000  }
0x9c: {  	[tilespmem:s20], [sflag:$0x1] =	stream.indirect.gather [hbm4b:s3+s19], $0x20, s29, s19, $0xb8;
	[tilespmem:$0x10400] =	vst v63  }
0x9d: {  	_ = 	snop  }
0x9e: {  	[tilespmem:s21], [sflag:$0x2] =	stream.indirect.gather [hbm4b:s3+s19], $0x20, s30, s19, $0xb8;
	[tilespmem:$0x10400] =	vst v63  }
0x9f: {  	_ =	swait.ge [sflag:s26], $0x1000  }
0xa0: {  	[sflag:s26] =	ssyncset.done $0x0  }
0xa1: {  	[sflag:s26] =	ssyncadd.s32 $0xFFFFF000  }
0xa2: {  	_ =	swait.ge [sflag:s28], $0x1000  }
0xa3: {  	[sflag:s28] =	ssyncset.done $0x0  }
0xa4: {  	[sflag:s28] =	ssyncadd.s32 $0xFFFFF000  }
0xa5: {  	[hbm4b:s11+s2] =	stream.linear.scatter [tilespmem:s22], [sflag:$0x5], $0x1000, $0x38;
	[tilespmem:$0x10400] =	vst v63  }
0xa6: {  	_ =	swait.ge [sflag:s17], $0x1000  }
0xa7: {  	[sflag:s17] =	ssyncset.done $0x0  }
0xa8: {  	[sflag:s17] =	ssyncadd.s32 $0xFFFFF000  }
0xa9: {  	[hbm4b:s12+s2] =	stream.linear.scatter [tilespmem:s23], [sflag:$0x5], $0x1000, $0x38;
	[tilespmem:$0x10400] =	vst v63  }
0xaa: {  	_ =	swait.ge [sflag:s17], $0x1000  }
0xab: {  	[sflag:s17] =	ssyncset.done $0x0  }
0xac: {  	[sflag:s17] =	ssyncadd.s32 $0xFFFFF000  }
0xad: {  	_ =	swait.ge [sflag:s24], $0x1000  }
0xae: {  	[sflag:s24] =	ssyncset.done $0x0  }
0xaf: {  	[sflag:s24] =	ssyncadd.s32 $0xFFFFF000  }
0xb0: {  	_ =	swait.ge [sflag:s25], $0x1000  }
0xb1: {  	[sflag:s25] =	ssyncset.done $0x0  }
0xb2: {  	s6 =	rddreg [dreg:$0x4];
	[sflag:s25] =	ssyncadd.s32 $0xFFFFF000  }
0xb3: {  	[hbm4b:s6+s2] =	stream.linear.scatter [tilespmem:s20], [sflag:$0x5], $0x1000, $0x38;
	[tilespmem:$0x10400] =	vst v63  }
0xb4: {  	s31 =	sadd.s32 $0x1, s31;
	_ =	swait.ge [sflag:s17], $0x1000  }
0xb5: {  	p0 =	sne.s32 s31, s8;
	[sflag:s17] =	ssyncset.done $0x0  }
.Ltmp1:
0xb6: {  	s7 =	rddreg [dreg:$0x5];
	[sflag:s17] =	ssyncadd.s32 $0xFFFFF000;
	(pc) =	sbr.rel @p0 .LBB2_1-.Ltmp1, $4  }
0xb7: {  	[hbm4b:s7+s2] =	stream.linear.scatter [tilespmem:s21], [sflag:$0x5], $0x1000, $0x38;
	[tilespmem:$0x10400] =	vst v63  }
0xb8: {  	_ =	swait.ge [sflag:s17], $0x1000  }
0xb9: {  	[sflag:s17] =	ssyncset.done $0x0  }
0xba: {  	[sflag:s17] =	ssyncadd.s32 $0xFFFFF000  }
0xbb: {  	_ =	sfence.sel $0x180000  }
0xbc: {  	[bflag:$0x0] =	sbarrier.arrive $0xFFFF  }
0xbd: {  	_ =	strace $0x90000047  }
0xbe: {  	s0 =	stileid.u32;
	[bflag:$0x2] =	sbarrier.arrive $0xFFFF  }
0xbf: {  	p0 =	sne.s32 s0, $0x0;
	s0 =	rddreg [dreg:$0x1]  }
0xc0: {  	s0 =	sadd.s32 @!p0 $0x100000, s0  }
0xc1: {  	[sflag:s0] =	ssyncadd.tile.s32 @!p0 $0x1;
	_ =	shalt  }
.Lfunc_end2:
_tile_overlayer_lowered:
.L_overlay_start_2:
0xc2: {  	(tag) =	ssettag $0x2  }
0xc3: {  	s0 =	rddreg [dreg:$0x0];
	s2 =	stileid.u32  }
0xc4: {  	s1 =	rddreg [dreg:$0x1];
	p0 =	sne.s32 s2, $0x0  }
0xc5: {  	s3 =	rddreg [dreg:$0x2];
	[bflag:$0x3] =	sbarrier.arrive $0xFFFF;
	s2 =	simm.s32 @!p0 $0x1C05  }
0xc6: {  	[timem:s3], [sflag:s2] =	dma.local @!p0 [hbm:s0], s1  }
0xc7: {  	s0 =	simm.s32 @!p0 $0x5  }
0xc8: {  	_ =	swait.ge @!p0 [sflag:s0], s1  }
0xc9: {  	s1 =	ssub.s32 @!p0 $0x0, s1;
	[sflag:s0] =	ssyncset.done @!p0 $0x0  }
0xca: {  	[sflag:s0] =	ssyncadd.s32 @!p0 s1  }
0xcb: {  	[bflag:$0x3] =	sbarrier.arrive $0xFFFF  }
0xcc: {  	_ =	shalt  }

// kernel: kernel.28.cloned.1.call-start
scs
__scs_entry_jumppad:
0x0: {  	(pc) =	sbr.rel $0x88, $3  }
0x1: {  	(tag) =	ssettag $0x0;
	lr =	simm.s32 $0x1  }
0x2: {  	[smem:$0x3F47] =	sst lr;
	_ =	strace $0xD0000000  }
0x3: {  	_ = 	snop  }
0x4: {  	_ = 	snop  }
0x5: {  	_ = 	snop  }
0x6: {  	_ = 	snop  }
0x7: {  	_ = 	snop  }
__scs_overlays_trampoline_lowered:
0x8: {  	[smem:$0x3F56] =	sst s0  }
0x9: {  	[smem:$0x3F57] =	sst s1  }
0xa: {  	[smem:$0x3F58] =	sst s2  }
0xb: {  	[smem:$0x3F59] =	sst s3  }
0xc: {  	[smem:$0x3F5A] =	sst s4  }
0xd: {  	[smem:$0x3F5B] =	sst s5  }
0xe: {  	[smem:$0x3F5C] =	sst s6  }
0xf: {  	[smem:$0x3F5D] =	sst s7  }
0x10: {  	[smem:$0x3F5E] =	sst s8  }
0x11: {  	[smem:$0x3F5F] =	sst s9;
	s0 =	simm.s32 @!p0 $0x0  }
0x12: {  	s1 =	sld [smem:$0x3F45];
	s0 =	simm.s32 @p0 $0x1  }
0x13: {  	[smem:$0x3F60] =	sst s0;
	s0 =	simm.s32 @!p1 $0x0  }
0x14: {  	s2 =	sld [smem:$0x3F44];
	s0 =	simm.s32 @p1 $0x1  }
0x15: {  	[smem:$0x3F61] =	sst s0;
	s0 =	simm.s32 @!p2 $0x0  }
0x16: {  	s3 =	sld [smem:$0x3FDB];
	s0 =	simm.s32 @p2 $0x1  }
0x17: {  	s4 =	simm.s32 $0x1BF5;
	[smem:$0x3F63] =	sst s0  }
0x18: {  	s0 =	sld [smem:$0x3F46];
	_ =	swait.ge [sflag:s4], $0x0  }
0x19: {  	s7 =	sld [smem:$0x3F47]  }
0x1a: {  	s8 =	sadd.s32 $0xFFFFE003, lr  }
0x1b: {  	s9 =	sadd.s32 $0xFFFFFEF7, lr;
	s5 =	simm.s32 $0xFFFFFFFF;
	p2 =	slt.u32 s8, $0xFFFFF086  }
0x1c: {  	p1 =	slt.u32 s9, $0xF7A;
	s5 =	simm.s32 @!p2 $0x0  }
0x1d: {  	s5 =	simm.s32 @p1 $0x1;
	p0 =	seq.s32 s7, s2  }
0x1e: {  	s7 =	smul.u32 @!p0 $0xF7A, s2;
	p2 =	seq.s32 @!p0 s5, $0x0  }
0x1f: {  	s9 =	smul.u32 $0xF7A, s1;
	s8 =	simm.s32 @!p0 $0x1BF5;
	p2 =	por !p2, p0  }
0x20: {  	[sflag:s8] =	ssyncset.s32 @!p0 $0xFFFFF086;
	s6 =	sadd.s32 @!p0 s3, s7;
	s7 =	simm.s32 @!p0 $0x108  }
0x21: {  	s3 =	sadd.s32 s3, s9;
	s6 =	sadd.s32 @!p0 $0x88, s6;
	s7 =	simm.s32 @p2 $0x1082  }
0x22: {  	[simem:s7], [sflag:s8] =	dma.local @!p0 [hbm:s6], $0xF7A  }
0x23: {  	s9 =	sor.u32 $0xD0000000, s2;
	s6 =	simm.s32 $0x108;
	_ =	swait.ge @!p0 [sflag:s8], $0x0  }
0x24: {  	s3 =	sadd.s32 $0x88, s3;
	s6 =	simm.s32 @!p1 $0x1082;
	[sflag:s4] =	ssyncset.s32 $0xFFFFF086  }
0x25: {  	[simem:s6], [sflag:s4] =	dma.local [hbm:s3], $0xF7A  }
0x26: {  	[smem:$0x3F47] =	sst s1;
	(tag) =	ssettag s2;
	_ =	strace s9  }
0x27: {  	s1 =	sld [smem:$0x3F57]  }
0x28: {  	s2 =	sld [smem:$0x3F58]  }
0x29: {  	s4 =	sld [smem:$0x3F5A]  }
0x2a: {  	p0 =	seq.s32 s5, $0x0;
	s5 =	sld [smem:$0x3F5B]  }
0x2b: {  	s6 =	sld [smem:$0x3F5C]  }
0x2c: {  	s7 =	sld [smem:$0x3F5D]  }
0x2d: {  	s3 =	simm.s32 $0x108;
	s8 =	sld [smem:$0x3F5E]  }
0x2e: {  	s3 =	simm.s32 @!p0 $0x1082;
	s9 =	sld [smem:$0x3F5F]  }
0x2f: {  	lr =	sadd.s32 s0, s3;
	s0 =	sld [smem:$0x3F56]  }
0x30: {  	s3 =	sld [smem:$0x3F59]  }
0x31: {  	[smem:$0x3F62] =	sst s10  }
0x32: {  	s10 =	sld [smem:$0x3F60];
	_ =	sdelay $0x3  }
0x33: {  	p0 =	seq.s32 s10, $0x1;
	s10 =	sld [smem:$0x3F62];
	_ =	sdelay $0x3  }
0x34: {  	[smem:$0x3F62] =	sst s10  }
0x35: {  	s10 =	sld [smem:$0x3F61];
	_ =	sdelay $0x3  }
0x36: {  	p1 =	seq.s32 s10, $0x1;
	s10 =	sld [smem:$0x3F62];
	_ =	sdelay $0x3  }
0x37: {  	[smem:$0x3F62] =	sst s10  }
0x38: {  	s10 =	sld [smem:$0x3F63]  }
0x39: {  	_ = 	snop;
	(pc) =	sbr.ind lr, $3  }
0x3a: {  	_ = 	snop  }
0x3b: {  	_ = 	snop  }
0x3c: {  	p2 =	seq.s32 s10, $0x1;
	s10 =	sld [smem:$0x3F62]  }
0x3d: {  	_ =	shalt  }
0x3e: {  	_ =	shalt  }
0x3f: {  	_ =	shalt  }
0x40: {  	_ =	shalt  }
0x41: {  	_ =	shalt  }
0x42: {  	_ =	shalt  }
0x43: {  	_ =	shalt  }
0x44: {  	_ =	shalt  }
0x45: {  	_ =	shalt  }
0x46: {  	_ =	shalt  }
0x47: {  	_ =	shalt  }
0x48: {  	_ =	shalt  }
0x49: {  	_ =	shalt  }
0x4a: {  	_ =	shalt  }
0x4b: {  	_ =	shalt  }
0x4c: {  	_ =	shalt  }
0x4d: {  	_ =	shalt  }
0x4e: {  	_ =	shalt  }
0x4f: {  	_ =	shalt  }
0x50: {  	_ =	shalt  }
0x51: {  	_ =	shalt  }
0x52: {  	_ =	shalt  }
0x53: {  	_ =	shalt  }
0x54: {  	_ =	shalt  }
0x55: {  	_ =	shalt  }
0x56: {  	_ =	shalt  }
0x57: {  	_ =	shalt  }
0x58: {  	_ =	shalt  }
0x59: {  	_ =	shalt  }
0x5a: {  	_ =	shalt  }
0x5b: {  	_ =	shalt  }
0x5c: {  	_ =	shalt  }
0x5d: {  	_ =	shalt  }
0x5e: {  	_ =	shalt  }
0x5f: {  	_ =	shalt  }
0x60: {  	_ =	shalt  }
0x61: {  	_ =	shalt  }
0x62: {  	_ =	shalt  }
0x63: {  	_ =	shalt  }
0x64: {  	_ =	shalt  }
0x65: {  	_ =	shalt  }
0x66: {  	_ =	shalt  }
0x67: {  	_ =	shalt  }
0x68: {  	_ =	shalt  }
0x69: {  	_ =	shalt  }
0x6a: {  	_ =	shalt  }
0x6b: {  	_ =	shalt  }
0x6c: {  	_ =	shalt  }
0x6d: {  	_ =	shalt  }
0x6e: {  	_ =	shalt  }
0x6f: {  	_ =	shalt  }
0x70: {  	_ =	shalt  }
0x71: {  	_ =	shalt  }
0x72: {  	_ =	shalt  }
0x73: {  	_ =	shalt  }
0x74: {  	_ =	shalt  }
0x75: {  	_ =	shalt  }
0x76: {  	_ =	shalt  }
0x77: {  	_ =	shalt  }
0x78: {  	_ =	shalt  }
0x79: {  	_ =	shalt  }
0x7a: {  	_ =	shalt  }
0x7b: {  	_ =	shalt  }
0x7c: {  	_ =	shalt  }
0x7d: {  	_ =	shalt  }
0x7e: {  	_ =	shalt  }
0x7f: {  	_ =	shalt  }
0x80: {  	_ =	shalt  }
0x81: {  	_ =	shalt  }
0x82: {  	_ =	shalt  }
0x83: {  	_ =	shalt  }
0x84: {  	_ =	shalt  }
0x85: {  	_ =	shalt  }
0x86: {  	_ =	shalt  }
0x87: {  	_ =	shalt  }
.Lfunc_end0:
.L_simem_size_0:
called_computation.1_lowered:
.L_overlay_start_0:
0x88: {  	s2 =	sld [smem:$0x3FD9]  }
0x89: {  	s3 =	sld [smem:$0x3FFE];
	_ =	sdelay $0x1  }
0x8a: {  	s1 =	srdreg.scid  }
0x8b: {  	s0 =	sand.u32 $0x1, s1  }
0x8c: {  	s16 =	sshll.u32 s0, $0xA;
	s2 =	sadd.s32 s3, s2  }
0x8d: {  	s2 =	sadd.s32 s2, s16  }
0x8e: {  	[smem:$0x3F6E] =	sst s2  }
0x8f: {  	_ = 	snop  }
0x90: {  	(tm) =	ssettm $0x1  }
0x91: {  	s17 =	sld [smem:$0x3FFB];
	_ =	sdelay $0x3  }
0x92: {  	_ =	strace s17  }
0x93: {  	s2 =	sld [smem:$0x3FFC];
	_ =	sdelay $0x3  }
0x94: {  	_ =	strace s2  }
0x95: {  	s2 =	sld [smem:$0x3FFD];
	_ =	sdelay $0x3  }
0x96: {  	_ =	strace s2  }
0x97: {  	_ =	strace $0x8FFFFFFF  }
0x98: {  	s18 =	sld [smem:$0x3FDB];
	_ =	sdelay $0x1  }
0x99: {  	s19 =	simm.s32 $_scs_section_size  }
0x9a: {  	s4 =	simm.s32 $_size__tile_overlayer_lowered;
	s5 =	simm.s32 $_tile_overlayer_lowered  }
0x9b: {  	s22 =	simm.s32 $0x1BFF;
	s21 =	sshll.u32 s5, $0x1;
	s2 =	sadd.s32 s19, s18  }
0x9c: {  	s6 =	simm.s32 $0x0;
	s20 =	sshll.u32 s4, $0x1;
	s4 =	sadd.s32 s21, s2  }
0x9d: {  	[timem:s6], [sflag:s22] =	dma.local [hbm:s4], s20  }
0x9e: {  	_ =	swait.ge [sflag:s22], s20  }
0x9f: {  	s3 =	ssub.s32 $0x0, s20;
	[sflag:s22] =	ssyncset.done $0x0  }
0xa0: {  	[sflag:s22] =	ssyncadd.s32 s3;
	_ =	sdelay $0x1  }
0xa1: {  	s23 =	simm.s32 $0x1B8B  }
0xa2: {  	_ =	swait.ge [sflag:s23], $0x1  }
0xa3: {  	[sflag:s23] =	ssyncset.done $0x0  }
0xa4: {  	s25 =	simm.s32 $0x1B8E;
	s24 =	sld [smem:$0x3FFE];
	[sflag:s23] =	ssyncadd.s32 $0xFFFFFFFF  }
0xa5: {  	s26 =	simm.s32 $execute0_lowered;
	[smem:$0x3FD2] =	sst s25  }
0xa6: {  	s4 =	sshll.u32 s26, $0x1;
	_ =	strace $0x80000049;
	[dreg:$0x1] =	wrdreg $0xFFFFFFFF  }
0xa7: {  	s28 =	simm.s32 $_size_execute0_lowered;
	s2 =	sadd.s32 s2, s4;
	[dreg:$0x0] =	wrdreg $0x0  }
0xa8: {  	s4 =	sshll.u32 s28, $0x1;
	[dreg:$0x2] =	wrdreg s2  }
0xa9: {  	[dreg:$0x3] =	wrdreg s4  }
0xaa: {  	[dreg:$0x4] =	wrdreg $0xC0  }
0xab: {  	_ =	task [dreg:s6], $0x5FFFF  }
0xac: {  	[dreg:$0x1] =	wrdreg $0xFFFFFFFF  }
0xad: {  	[dreg:$0x0] =	wrdreg $0x60  }
0xae: {  	[dreg:$0x2] =	wrdreg s24  }
0xaf: {  	[dreg:$0x3] =	wrdreg $0x9  }
0xb0: {  	_ =	task.clear_ibuf [dreg:s6], $0x4FFFF;
	_ =	strace $0x90000049  }
0xb1: {  	s29 =	simm.s32 $0x9;
	_ =	strace $0x8000004B  }
0xb2: {  	_ =	swait.ge [sflag:s29], $0x1  }
0xb3: {  	[sflag:s29] =	ssyncadd.s32 $0xFFFFFFFF  }
0xb4: {  	_ =	strace $0x9000004B  }
0xb5: {  	_ =	sfence  }
0xb6: {  	s30 =	sld [smem:$0x0];
	_ =	sdelay $0x2  }
0xb7: {  	s31 =	sshll.u32 s1, $0xD;
	s1 =	sshrl.u32 s1, $0x2  }
0xb8: {  	s3 =	sand.u32 $0x4000, s31;
	s1 =	sadd.s32 s1, s30  }
0xb9: {  	s0 =	sor.u32 s3, s0;
	s1 =	sshll.u32 s1, $0x11  }
0xba: {  	s0 =	sor.u32 s1, s0  }
0xbb: {  	s0 =	sadd.s32 $0x8F2B, s0  }
0xbc: {  	[sflag:s0] =	ssyncadd.remote.s32 $0x1  }
0xbd: {  	_ =	sfence.sel $0xFFFF  }
0xbe: {  	[dreg:$0x0] =	wrdreg $0xFFFFFFFF;
	(pc) =	sbr.abs _section_cstart, $3  }
0xbf: {  	[dreg:$0x1] =	wrdreg $0xFFFFFFFF  }
0xc0: {  	_ =	task.clear_ibuf [dreg:s6], $0x2FFFF;
	_ =	strace $0x9FFFFFFF  }
0xc1: {  	(tm) =	ssettm $0x7FFFFFFF  }
tec
execute0_lowered:
.L_overlay_start_1:
0x0: {  	(tag) =	ssettag $0x1  }
0x1: {  	s1 =	srdreg.scid;
	s0 =	stileid.u32  }
0x2: {  	s8 =	sand.u32 $0x1, s1;
	s3 =	sshll.u32 s0, $0x1  }
0x3: {  	s9 =	sor.u32 s8, s3  }
0x4: {  	p0 =	sgt.u32 s9, $0x18  }
.Ltmp0:
0x5: {  	_ = 	snop;
	(pc) =	sbr.rel @p0 .LBB2_7-.Ltmp0, $4  }
0x6: {  	_ = 	snop  }
0x7: {  	s7 =	rddreg [dreg:$0x0];
	s2 =	simm.s32 $0x0  }
0x8: {  	[smem:$0x7FF] =	sst s2  }
0x9: {  	s1 =	rddreg [dreg:$0x1];
	_ =	strace $0x8000004A  }
0xa: {  	s3 =	sadd.s32 $0x1E5600, s7;
	s10 =	smul.u32 $0x1F40, s9;
	s4 =	sadd.s32 $0x15200, s7  }
0xb: {  	s5 =	sadd.s32 $0x5F800, s7;
	s11 =	smul.u32 $0xFA0, s9;
	s6 =	sadd.s32 $0x61800, s7  }
0xc: {  	s12 =	ssub.s32 $0x2, s8;
	s13 =	smul.u32 $0xFFFFF830, s9;
	s15 =	simm.s32 $0x0  }
0xd: {  	s14 =	sshrl.u32 s12, $0x1;
	s10 =	sadd.s32 s10, s7;
	s11 =	sadd.s32 s11, s7  }
0xe: {  	s7 =	smul.u32 $0x7D00, s9;
	s31 =	ssub.s32 s12, s14;
	s12 =	simm.s32 $0x1  }
0xf: {  	v0 =	vlaneseq.u32;
	v1 =	vmov s13;
	s13 =	simm.s32 $0x14C80;
	s14 =	simm.s32 $0x0;
	s8 =	sadd.s32 $0x7B000, s10  }
0x10: {  	v2 =	vimm.f32 $1.000000000e+00;
	v3 =	vmul.u32 $0x20, v0;
	s9 =	sadd.s32 $0x62800, s11;
	s10 =	smax.u32 s31, $0x1;
	s11 =	simm.s32 $0x5280  }
.LBB2_2:
0x11: {  	[tilespmem:s11], [sflag:$0x1] =	stream.linear.gather [hbm4b:s5+s15], $0xFA00, $0x38;
	[tilespmem:$0x1C980] =	vst v63  }
0x12: {  	_ =	swait.ge [sflag:s12], $0xFA00  }
0x13: {  	[sflag:s12] =	ssyncset.done $0x0  }
0x14: {  	[sflag:s12] =	ssyncadd.s32 $0xFFFF0600  }
0x15: {  	[tilespmem:s13], [sflag:$0x1] =	stream.linear.gather [hbm4b:s6+s15], $0x7D00, $0x38;
	[tilespmem:$0x1C980] =	vst v63  }
0x16: {  	_ =	swait.ge [sflag:s12], $0x7D00  }
0x17: {  	[sflag:s12] =	ssyncset.done $0x0  }
0x18: {  	s16 =	simm.s32 $0x0;
	[sflag:s12] =	ssyncadd.s32 $0xFFFF8300  }
.LBB2_3:
0x19: {  	s17 =	smul.u32 $0x280, s16;
	_ =	sdelay $0x1  }
0x1a: {  	s17 =	sadd.s32 s7, s17  }
0x1b: {  	s18 =	sshll.u32 s17, $0x2  }
0x1c: {  	s18 =	sadd.s32 s3, s18  }
0x1d: {  	[tilespmem:s15], [sflag:$0x1] =	stream.linear.gather [hbm4b:s18+s15], $0x5000, $0x38;
	[tilespmem:$0x1C980] =	vst v63  }
0x1e: {  	_ =	swait.ge [sflag:s12], $0x5000  }
0x1f: {  	s17 =	sshrl.u32 s17, $0x3;
	[sflag:s12] =	ssyncset.done $0x0  }
0x20: {  	s31 =	sadd.s32 s4, s17;
	s17 =	simm.s32 $0x5000;
	[sflag:s12] =	ssyncadd.s32 $0xFFFFB000  }
0x21: {  	[tilespmem:s17], [sflag:$0x1] =	stream.linear.gather [hbm4b:s31+s15], $0x280, $0x38;
	[tilespmem:$0x1C980] =	vst v63  }
0x22: {  	_ =	swait.ge [sflag:s12], $0x280  }
0x23: {  	[sflag:s12] =	ssyncset.done $0x0  }
0x24: {  	[sflag:s12] =	ssyncadd.s32 $0xFFFFFD80  }
0x25: {  	v4 =	vld [tilespmem:s17+$0x0];
	_ =	sdelay $0x4  }
0x26: {  	v4 =	vadd.s32 v1, v4  }
0x27: {  	v5 =	vmov s15;
	v6 =	vshll.u32 v4, $0x4  }
0x28: {  	v5 =	vshll.u32 v5, $0x5;
	v6 =	vor.u32 v0, v6  }
0x29: {  	v5 =	vor.u32 v3, v5;
	_ =	sdelay $0x3  }
0x2a: {  	[tilespmem:v6+s13+$0x0] =	vst.idx.add.f32.msk $0xffff, v2  }
0x2b: {  	v7 =	vshll.u32 v4, $0x5;
	v6 =	vld.idx.msk [tilespmem:v5+s2+$0x0], $0xffff  }
0x2c: {  	v4 =	vor.u32 $0x1, v5;
	_ =	sdelay $0x3  }
0x2d: {  	[tilespmem:v7+s11+$0x0] =	vst.idx.add.f32.msk $0xffff, v6  }
0x2e: {  	v6 =	vor.u32 $0x1, v7;
	v4 =	vld.idx.msk [tilespmem:v4+s2+$0x0], $0xffff  }
0x2f: {  	v8 =	vor.u32 $0x2, v5;
	_ =	sdelay $0x3  }
0x30: {  	[tilespmem:v6+s11+$0x0] =	vst.idx.add.f32.msk $0xffff, v4  }
0x31: {  	v6 =	vor.u32 $0x2, v7;
	v4 =	vld.idx.msk [tilespmem:v8+s2+$0x0], $0xffff  }
0x32: {  	v36 =	vor.u32 $0x3, v5;
	_ =	sdelay $0x3  }
0x33: {  	[tilespmem:v6+s11+$0x0] =	vst.idx.add.f32.msk $0xffff, v4  }
0x34: {  	v6 =	vor.u32 $0x3, v7;
	v4 =	vld.idx.msk [tilespmem:v36+s2+$0x0], $0xffff  }
0x35: {  	v37 =	vor.u32 $0x4, v5;
	_ =	sdelay $0x3  }
0x36: {  	[tilespmem:v6+s11+$0x0] =	vst.idx.add.f32.msk $0xffff, v4  }
0x37: {  	v6 =	vor.u32 $0x4, v7;
	v4 =	vld.idx.msk [tilespmem:v37+s2+$0x0], $0xffff  }
0x38: {  	v38 =	vor.u32 $0x5, v5;
	_ =	sdelay $0x3  }
0x39: {  	[tilespmem:v6+s11+$0x0] =	vst.idx.add.f32.msk $0xffff, v4  }
0x3a: {  	v6 =	vor.u32 $0x5, v7;
	v4 =	vld.idx.msk [tilespmem:v38+s2+$0x0], $0xffff  }
0x3b: {  	v39 =	vor.u32 $0x6, v5;
	_ =	sdelay $0x3  }
0x3c: {  	[tilespmem:v6+s11+$0x0] =	vst.idx.add.f32.msk $0xffff, v4  }
0x3d: {  	v6 =	vor.u32 $0x6, v7;
	v4 =	vld.idx.msk [tilespmem:v39+s2+$0x0], $0xffff  }
0x3e: {  	v40 =	vor.u32 $0x7, v5;
	_ =	sdelay $0x3  }
0x3f: {  	[tilespmem:v6+s11+$0x0] =	vst.idx.add.f32.msk $0xffff, v4  }
0x40: {  	v6 =	vor.u32 $0x7, v7;
	v4 =	vld.idx.msk [tilespmem:v40+s2+$0x0], $0xffff  }
0x41: {  	v41 =	vor.u32 $0x8, v5;
	_ =	sdelay $0x3  }
0x42: {  	[tilespmem:v6+s11+$0x0] =	vst.idx.add.f32.msk $0xffff, v4  }
0x43: {  	v6 =	vor.u32 $0x8, v7;
	v4 =	vld.idx.msk [tilespmem:v41+s2+$0x0], $0xffff  }
0x44: {  	v42 =	vor.u32 $0x9, v5;
	_ =	sdelay $0x3  }
0x45: {  	[tilespmem:v6+s11+$0x0] =	vst.idx.add.f32.msk $0xffff, v4  }
0x46: {  	v6 =	vor.u32 $0x9, v7;
	v4 =	vld.idx.msk [tilespmem:v42+s2+$0x0], $0xffff  }
0x47: {  	v43 =	vor.u32 $0xA, v5;
	_ =	sdelay $0x3  }
0x48: {  	[tilespmem:v6+s11+$0x0] =	vst.idx.add.f32.msk $0xffff, v4  }
0x49: {  	v6 =	vor.u32 $0xA, v7;
	v4 =	vld.idx.msk [tilespmem:v43+s2+$0x0], $0xffff  }
0x4a: {  	v44 =	vor.u32 $0xB, v5;
	_ =	sdelay $0x3  }
0x4b: {  	[tilespmem:v6+s11+$0x0] =	vst.idx.add.f32.msk $0xffff, v4  }
0x4c: {  	v6 =	vor.u32 $0xB, v7;
	v4 =	vld.idx.msk [tilespmem:v44+s2+$0x0], $0xffff  }
0x4d: {  	v45 =	vor.u32 $0xC, v5;
	_ =	sdelay $0x3  }
0x4e: {  	[tilespmem:v6+s11+$0x0] =	vst.idx.add.f32.msk $0xffff, v4  }
0x4f: {  	v6 =	vor.u32 $0xC, v7;
	v4 =	vld.idx.msk [tilespmem:v45+s2+$0x0], $0xffff  }
0x50: {  	v46 =	vor.u32 $0xD, v5;
	_ =	sdelay $0x3  }
0x51: {  	[tilespmem:v6+s11+$0x0] =	vst.idx.add.f32.msk $0xffff, v4  }
0x52: {  	v6 =	vor.u32 $0xD, v7;
	v4 =	vld.idx.msk [tilespmem:v46+s2+$0x0], $0xffff  }
0x53: {  	v47 =	vor.u32 $0xE, v5;
	_ =	sdelay $0x3  }
0x54: {  	[tilespmem:v6+s11+$0x0] =	vst.idx.add.f32.msk $0xffff, v4  }
0x55: {  	v6 =	vor.u32 $0xE, v7;
	v4 =	vld.idx.msk [tilespmem:v47+s2+$0x0], $0xffff  }
0x56: {  	v48 =	vor.u32 $0xF, v5;
	_ =	sdelay $0x3  }
0x57: {  	[tilespmem:v6+s11+$0x0] =	vst.idx.add.f32.msk $0xffff, v4  }
0x58: {  	v6 =	vor.u32 $0xF, v7;
	v4 =	vld.idx.msk [tilespmem:v48+s2+$0x0], $0xffff  }
0x59: {  	v49 =	vor.u32 $0x10, v5;
	_ =	sdelay $0x3  }
0x5a: {  	[tilespmem:v6+s11+$0x0] =	vst.idx.add.f32.msk $0xffff, v4  }
0x5b: {  	v6 =	vor.u32 $0x10, v7;
	v4 =	vld.idx.msk [tilespmem:v49+s2+$0x0], $0xffff  }
0x5c: {  	v50 =	vor.u32 $0x11, v5;
	_ =	sdelay $0x3  }
0x5d: {  	[tilespmem:v6+s11+$0x0] =	vst.idx.add.f32.msk $0xffff, v4  }
0x5e: {  	v6 =	vor.u32 $0x11, v7;
	v4 =	vld.idx.msk [tilespmem:v50+s2+$0x0], $0xffff  }
0x5f: {  	v51 =	vor.u32 $0x12, v5;
	_ =	sdelay $0x3  }
0x60: {  	[tilespmem:v6+s11+$0x0] =	vst.idx.add.f32.msk $0xffff, v4  }
0x61: {  	v6 =	vor.u32 $0x12, v7;
	v4 =	vld.idx.msk [tilespmem:v51+s2+$0x0], $0xffff  }
0x62: {  	v52 =	vor.u32 $0x13, v5;
	_ =	sdelay $0x3  }
0x63: {  	[tilespmem:v6+s11+$0x0] =	vst.idx.add.f32.msk $0xffff, v4  }
0x64: {  	v6 =	vor.u32 $0x13, v7;
	v4 =	vld.idx.msk [tilespmem:v52+s2+$0x0], $0xffff  }
0x65: {  	v53 =	vor.u32 $0x14, v5;
	_ =	sdelay $0x3  }
0x66: {  	[tilespmem:v6+s11+$0x0] =	vst.idx.add.f32.msk $0xffff, v4  }
0x67: {  	v6 =	vor.u32 $0x14, v7;
	v4 =	vld.idx.msk [tilespmem:v53+s2+$0x0], $0xffff  }
0x68: {  	v54 =	vor.u32 $0x15, v5;
	_ =	sdelay $0x3  }
0x69: {  	[tilespmem:v6+s11+$0x0] =	vst.idx.add.f32.msk $0xffff, v4  }
0x6a: {  	v6 =	vor.u32 $0x15, v7;
	v4 =	vld.idx.msk [tilespmem:v54+s2+$0x0], $0xffff  }
0x6b: {  	v55 =	vor.u32 $0x16, v5;
	_ =	sdelay $0x3  }
0x6c: {  	[tilespmem:v6+s11+$0x0] =	vst.idx.add.f32.msk $0xffff, v4  }
0x6d: {  	v6 =	vor.u32 $0x16, v7;
	v4 =	vld.idx.msk [tilespmem:v55+s2+$0x0], $0xffff  }
0x6e: {  	v56 =	vor.u32 $0x17, v5;
	_ =	sdelay $0x3  }
0x6f: {  	[tilespmem:v6+s11+$0x0] =	vst.idx.add.f32.msk $0xffff, v4  }
0x70: {  	v6 =	vor.u32 $0x17, v7;
	v4 =	vld.idx.msk [tilespmem:v56+s2+$0x0], $0xffff  }
0x71: {  	v57 =	vor.u32 $0x18, v5;
	_ =	sdelay $0x3  }
0x72: {  	[tilespmem:v6+s11+$0x0] =	vst.idx.add.f32.msk $0xffff, v4  }
0x73: {  	v6 =	vor.u32 $0x18, v7;
	v4 =	vld.idx.msk [tilespmem:v57+s2+$0x0], $0xffff  }
0x74: {  	v58 =	vor.u32 $0x19, v5;
	_ =	sdelay $0x3  }
0x75: {  	[tilespmem:v6+s11+$0x0] =	vst.idx.add.f32.msk $0xffff, v4  }
0x76: {  	v6 =	vor.u32 $0x19, v7;
	v4 =	vld.idx.msk [tilespmem:v58+s2+$0x0], $0xffff  }
0x77: {  	v59 =	vor.u32 $0x1A, v5;
	_ =	sdelay $0x3  }
0x78: {  	[tilespmem:v6+s11+$0x0] =	vst.idx.add.f32.msk $0xffff, v4  }
0x79: {  	v6 =	vor.u32 $0x1A, v7;
	v4 =	vld.idx.msk [tilespmem:v59+s2+$0x0], $0xffff  }
0x7a: {  	v60 =	vor.u32 $0x1B, v5;
	_ =	sdelay $0x3  }
0x7b: {  	[tilespmem:v6+s11+$0x0] =	vst.idx.add.f32.msk $0xffff, v4  }
0x7c: {  	v6 =	vor.u32 $0x1B, v7;
	v4 =	vld.idx.msk [tilespmem:v60+s2+$0x0], $0xffff  }
0x7d: {  	v61 =	vor.u32 $0x1C, v5;
	_ =	sdelay $0x3  }
0x7e: {  	[tilespmem:v6+s11+$0x0] =	vst.idx.add.f32.msk $0xffff, v4  }
0x7f: {  	v6 =	vor.u32 $0x1C, v7;
	v4 =	vld.idx.msk [tilespmem:v61+s2+$0x0], $0xffff  }
0x80: {  	v62 =	vor.u32 $0x1D, v5;
	_ =	sdelay $0x3  }
0x81: {  	[tilespmem:v6+s11+$0x0] =	vst.idx.add.f32.msk $0xffff, v4  }
0x82: {  	v6 =	vor.u32 $0x1D, v7;
	v4 =	vld.idx.msk [tilespmem:v62+s2+$0x0], $0xffff  }
0x83: {  	v63 =	vor.u32 $0x1E, v5;
	_ =	sdelay $0x3  }
0x84: {  	[tilespmem:v6+s11+$0x0] =	vst.idx.add.f32.msk $0xffff, v4  }
0x85: {  	v6 =	vor.u32 $0x1E, v7;
	v4 =	vld.idx.msk [tilespmem:v63+s2+$0x0], $0xffff  }
0x86: {  	v5 =	vor.u32 $0x1F, v5;
	_ =	sdelay $0x3  }
0x87: {  	[tilespmem:v6+s11+$0x0] =	vst.idx.add.f32.msk $0xffff, v4  }
0x88: {  	s18 =	simm.s32 $0x10;
	v4 =	vld.idx.msk [tilespmem:v5+s2+$0x0], $0xffff;
	v5 =	vor.u32 $0x1F, v7  }
.LBB2_4:
0x89: {  	_ =	sdelay $0x2  }
0x8a: {  	p0 =	sne.s32 s18, $0x270  }
0x8b: {  	s17 =	sadd.s32 $0x10, s17;
	s19 =	smov.u32 s18;
	s18 =	sadd.s32 $0x10, s18;
	[tilespmem:v5+s11+$0x0] =	vst.idx.add.f32.msk $0xffff, v4  }
0x8c: {  	v4 =	vld [tilespmem:s17+$0x0];
	_ =	sdelay $0x4  }
0x8d: {  	v5 =	vadd.s32 v1, v4  }
0x8e: {  	v4 =	vmov s19;
	v6 =	vshll.u32 v5, $0x4  }
0x8f: {  	v4 =	vshll.u32 v4, $0x5;
	v6 =	vor.u32 v0, v6  }
0x90: {  	v4 =	vor.u32 v3, v4;
	_ =	sdelay $0x3  }
0x91: {  	[tilespmem:v6+s13+$0x0] =	vst.idx.add.f32.msk $0xffff, v2  }
0x92: {  	v6 =	vld.idx.msk [tilespmem:v4+s2+$0x0], $0xffff  }
0x93: {  	v5 =	vshll.u32 v5, $0x5  }
0x94: {  	v7 =	vor.u32 $0x1, v4;
	_ =	sdelay $0x3  }
0x95: {  	[tilespmem:v5+s11+$0x0] =	vst.idx.add.f32.msk $0xffff, v6  }
0x96: {  	v6 =	vld.idx.msk [tilespmem:v7+s2+$0x0], $0xffff  }
0x97: {  	v7 =	vor.u32 $0x1, v5  }
0x98: {  	v8 =	vor.u32 $0x2, v4;
	_ =	sdelay $0x3  }
0x99: {  	[tilespmem:v7+s11+$0x0] =	vst.idx.add.f32.msk $0xffff, v6  }
0x9a: {  	v6 =	vld.idx.msk [tilespmem:v8+s2+$0x0], $0xffff  }
0x9b: {  	v7 =	vor.u32 $0x2, v5  }
0x9c: {  	v8 =	vor.u32 $0x3, v4;
	_ =	sdelay $0x3  }
0x9d: {  	[tilespmem:v7+s11+$0x0] =	vst.idx.add.f32.msk $0xffff, v6  }
0x9e: {  	v6 =	vld.idx.msk [tilespmem:v8+s2+$0x0], $0xffff  }
0x9f: {  	v7 =	vor.u32 $0x3, v5  }
0xa0: {  	v8 =	vor.u32 $0x4, v4;
	_ =	sdelay $0x3  }
0xa1: {  	[tilespmem:v7+s11+$0x0] =	vst.idx.add.f32.msk $0xffff, v6  }
0xa2: {  	v6 =	vld.idx.msk [tilespmem:v8+s2+$0x0], $0xffff  }
0xa3: {  	v7 =	vor.u32 $0x4, v5  }
0xa4: {  	v8 =	vor.u32 $0x5, v4;
	_ =	sdelay $0x3  }
0xa5: {  	[tilespmem:v7+s11+$0x0] =	vst.idx.add.f32.msk $0xffff, v6  }
0xa6: {  	v6 =	vld.idx.msk [tilespmem:v8+s2+$0x0], $0xffff  }
0xa7: {  	v7 =	vor.u32 $0x5, v5  }
0xa8: {  	v8 =	vor.u32 $0x6, v4;
	_ =	sdelay $0x3  }
0xa9: {  	[tilespmem:v7+s11+$0x0] =	vst.idx.add.f32.msk $0xffff, v6  }
0xaa: {  	v6 =	vld.idx.msk [tilespmem:v8+s2+$0x0], $0xffff  }
0xab: {  	v7 =	vor.u32 $0x6, v5  }
0xac: {  	v8 =	vor.u32 $0x7, v4;
	_ =	sdelay $0x3  }
0xad: {  	[tilespmem:v7+s11+$0x0] =	vst.idx.add.f32.msk $0xffff, v6  }
0xae: {  	v6 =	vld.idx.msk [tilespmem:v8+s2+$0x0], $0xffff  }
0xaf: {  	v7 =	vor.u32 $0x7, v5  }
0xb0: {  	v8 =	vor.u32 $0x8, v4;
	_ =	sdelay $0x3  }
0xb1: {  	[tilespmem:v7+s11+$0x0] =	vst.idx.add.f32.msk $0xffff, v6  }
0xb2: {  	v6 =	vld.idx.msk [tilespmem:v8+s2+$0x0], $0xffff  }
0xb3: {  	v7 =	vor.u32 $0x8, v5  }
0xb4: {  	v8 =	vor.u32 $0x9, v4;
	_ =	sdelay $0x3  }
0xb5: {  	[tilespmem:v7+s11+$0x0] =	vst.idx.add.f32.msk $0xffff, v6  }
0xb6: {  	v6 =	vld.idx.msk [tilespmem:v8+s2+$0x0], $0xffff  }
0xb7: {  	v7 =	vor.u32 $0x9, v5  }
0xb8: {  	v8 =	vor.u32 $0xA, v4;
	_ =	sdelay $0x3  }
0xb9: {  	[tilespmem:v7+s11+$0x0] =	vst.idx.add.f32.msk $0xffff, v6  }
0xba: {  	v6 =	vld.idx.msk [tilespmem:v8+s2+$0x0], $0xffff  }
0xbb: {  	v7 =	vor.u32 $0xA, v5  }
0xbc: {  	v8 =	vor.u32 $0xB, v4;
	_ =	sdelay $0x3  }
0xbd: {  	[tilespmem:v7+s11+$0x0] =	vst.idx.add.f32.msk $0xffff, v6  }
0xbe: {  	v6 =	vld.idx.msk [tilespmem:v8+s2+$0x0], $0xffff  }
0xbf: {  	v7 =	vor.u32 $0xB, v5  }
0xc0: {  	v8 =	vor.u32 $0xC, v4;
	_ =	sdelay $0x3  }
0xc1: {  	[tilespmem:v7+s11+$0x0] =	vst.idx.add.f32.msk $0xffff, v6  }
0xc2: {  	v6 =	vld.idx.msk [tilespmem:v8+s2+$0x0], $0xffff  }
0xc3: {  	v7 =	vor.u32 $0xC, v5  }
0xc4: {  	v8 =	vor.u32 $0xD, v4;
	_ =	sdelay $0x3  }
0xc5: {  	[tilespmem:v7+s11+$0x0] =	vst.idx.add.f32.msk $0xffff, v6  }
0xc6: {  	v6 =	vld.idx.msk [tilespmem:v8+s2+$0x0], $0xffff  }
0xc7: {  	v7 =	vor.u32 $0xD, v5  }
0xc8: {  	v8 =	vor.u32 $0xE, v4;
	_ =	sdelay $0x3  }
0xc9: {  	[tilespmem:v7+s11+$0x0] =	vst.idx.add.f32.msk $0xffff, v6  }
0xca: {  	v6 =	vld.idx.msk [tilespmem:v8+s2+$0x0], $0xffff  }
0xcb: {  	v7 =	vor.u32 $0xE, v5  }
0xcc: {  	v8 =	vor.u32 $0xF, v4;
	_ =	sdelay $0x3  }
0xcd: {  	[tilespmem:v7+s11+$0x0] =	vst.idx.add.f32.msk $0xffff, v6  }
0xce: {  	v6 =	vld.idx.msk [tilespmem:v8+s2+$0x0], $0xffff  }
0xcf: {  	v7 =	vor.u32 $0xF, v5  }
0xd0: {  	v8 =	vor.u32 $0x10, v4;
	_ =	sdelay $0x3  }
0xd1: {  	[tilespmem:v7+s11+$0x0] =	vst.idx.add.f32.msk $0xffff, v6  }
0xd2: {  	v6 =	vld.idx.msk [tilespmem:v8+s2+$0x0], $0xffff  }
0xd3: {  	v7 =	vor.u32 $0x10, v5  }
0xd4: {  	v8 =	vor.u32 $0x11, v4;
	_ =	sdelay $0x3  }
0xd5: {  	[tilespmem:v7+s11+$0x0] =	vst.idx.add.f32.msk $0xffff, v6  }
0xd6: {  	v6 =	vld.idx.msk [tilespmem:v8+s2+$0x0], $0xffff  }
0xd7: {  	v7 =	vor.u32 $0x11, v5  }
0xd8: {  	v8 =	vor.u32 $0x12, v4;
	_ =	sdelay $0x3  }
0xd9: {  	[tilespmem:v7+s11+$0x0] =	vst.idx.add.f32.msk $0xffff, v6  }
0xda: {  	v6 =	vld.idx.msk [tilespmem:v8+s2+$0x0], $0xffff  }
0xdb: {  	v7 =	vor.u32 $0x12, v5  }
0xdc: {  	v8 =	vor.u32 $0x13, v4;
	_ =	sdelay $0x3  }
0xdd: {  	[tilespmem:v7+s11+$0x0] =	vst.idx.add.f32.msk $0xffff, v6  }
0xde: {  	v6 =	vld.idx.msk [tilespmem:v8+s2+$0x0], $0xffff  }
0xdf: {  	v7 =	vor.u32 $0x13, v5  }
0xe0: {  	v8 =	vor.u32 $0x14, v4;
	_ =	sdelay $0x3  }
0xe1: {  	[tilespmem:v7+s11+$0x0] =	vst.idx.add.f32.msk $0xffff, v6  }
0xe2: {  	v6 =	vld.idx.msk [tilespmem:v8+s2+$0x0], $0xffff  }
0xe3: {  	v7 =	vor.u32 $0x14, v5  }
0xe4: {  	v8 =	vor.u32 $0x15, v4;
	_ =	sdelay $0x3  }
0xe5: {  	[tilespmem:v7+s11+$0x0] =	vst.idx.add.f32.msk $0xffff, v6  }
0xe6: {  	v6 =	vld.idx.msk [tilespmem:v8+s2+$0x0], $0xffff  }
0xe7: {  	v7 =	vor.u32 $0x15, v5  }
0xe8: {  	v8 =	vor.u32 $0x16, v4;
	_ =	sdelay $0x3  }
0xe9: {  	[tilespmem:v7+s11+$0x0] =	vst.idx.add.f32.msk $0xffff, v6  }
0xea: {  	v6 =	vld.idx.msk [tilespmem:v8+s2+$0x0], $0xffff  }
0xeb: {  	v7 =	vor.u32 $0x16, v5  }
0xec: {  	v8 =	vor.u32 $0x17, v4;
	_ =	sdelay $0x3  }
0xed: {  	[tilespmem:v7+s11+$0x0] =	vst.idx.add.f32.msk $0xffff, v6  }
0xee: {  	v6 =	vld.idx.msk [tilespmem:v8+s2+$0x0], $0xffff  }
0xef: {  	v7 =	vor.u32 $0x17, v5  }
0xf0: {  	v8 =	vor.u32 $0x18, v4;
	_ =	sdelay $0x3  }
0xf1: {  	[tilespmem:v7+s11+$0x0] =	vst.idx.add.f32.msk $0xffff, v6  }
0xf2: {  	v6 =	vld.idx.msk [tilespmem:v8+s2+$0x0], $0xffff  }
0xf3: {  	v7 =	vor.u32 $0x18, v5  }
0xf4: {  	v8 =	vor.u32 $0x19, v4;
	_ =	sdelay $0x3  }
0xf5: {  	[tilespmem:v7+s11+$0x0] =	vst.idx.add.f32.msk $0xffff, v6  }
0xf6: {  	v6 =	vld.idx.msk [tilespmem:v8+s2+$0x0], $0xffff  }
0xf7: {  	v7 =	vor.u32 $0x19, v5  }
0xf8: {  	v8 =	vor.u32 $0x1A, v4;
	_ =	sdelay $0x3  }
0xf9: {  	[tilespmem:v7+s11+$0x0] =	vst.idx.add.f32.msk $0xffff, v6  }
0xfa: {  	v6 =	vld.idx.msk [tilespmem:v8+s2+$0x0], $0xffff  }
0xfb: {  	v7 =	vor.u32 $0x1A, v5  }
0xfc: {  	v8 =	vor.u32 $0x1B, v4;
	_ =	sdelay $0x3  }
0xfd: {  	[tilespmem:v7+s11+$0x0] =	vst.idx.add.f32.msk $0xffff, v6  }
0xfe: {  	v6 =	vld.idx.msk [tilespmem:v8+s2+$0x0], $0xffff  }
0xff: {  	v7 =	vor.u32 $0x1B, v5  }
0x100: {  	v8 =	vor.u32 $0x1C, v4;
	_ =	sdelay $0x3  }
0x101: {  	[tilespmem:v7+s11+$0x0] =	vst.idx.add.f32.msk $0xffff, v6  }
0x102: {  	v6 =	vld.idx.msk [tilespmem:v8+s2+$0x0], $0xffff  }
0x103: {  	v7 =	vor.u32 $0x1C, v5  }
0x104: {  	v8 =	vor.u32 $0x1D, v4;
	_ =	sdelay $0x3  }
0x105: {  	[tilespmem:v7+s11+$0x0] =	vst.idx.add.f32.msk $0xffff, v6  }
0x106: {  	v6 =	vld.idx.msk [tilespmem:v8+s2+$0x0], $0xffff  }
0x107: {  	v7 =	vor.u32 $0x1D, v5  }
0x108: {  	v8 =	vor.u32 $0x1E, v4;
	_ =	sdelay $0x3  }
0x109: {  	[tilespmem:v7+s11+$0x0] =	vst.idx.add.f32.msk $0xffff, v6  }
0x10a: {  	v6 =	vld.idx.msk [tilespmem:v8+s2+$0x0], $0xffff  }
0x10b: {  	v7 =	vor.u32 $0x1E, v5  }
0x10c: {  	v4 =	vor.u32 $0x1F, v4;
	_ =	sdelay $0x1  }
.Ltmp1:
0x10d: {  	(pc) =	sbr.rel @p0 .LBB2_4-.Ltmp1, $4  }
0x10e: {  	_ = 	snop  }
0x10f: {  	[tilespmem:v7+s11+$0x0] =	vst.idx.add.f32.msk $0xffff, v6  }
0x110: {  	v4 =	vld.idx.msk [tilespmem:v4+s2+$0x0], $0xffff  }
0x111: {  	v5 =	vor.u32 $0x1F, v5  }
0x112: {  	s16 =	sadd.s32 $0x1, s16  }
0x113: {  	p0 =	sne.s32 s16, $0x32  }
.Ltmp2:
0x114: {  	_ = 	snop;
	(pc) =	sbr.rel @p0 .LBB2_3-.Ltmp2, $2  }
0x115: {  	_ =	sdelay $0x2  }
0x116: {  	[tilespmem:v5+s11+$0x0] =	vst.idx.add.f32.msk $0xffff, v4  }
0x117: {  	[hbm4b:s8+s2] =	stream.linear.scatter [tilespmem:s11], [sflag:$0x1], $0xFA00, $0x38;
	[tilespmem:$0x1C980] =	vst v63  }
0x118: {  	s14 =	sadd.s32 $0x1, s14;
	_ =	swait.ge [sflag:s12], $0xFA00  }
0x119: {  	p0 =	sne.s32 s14, s10;
	[sflag:s12] =	ssyncset.done $0x0  }
.Ltmp3:
0x11a: {  	[sflag:s12] =	ssyncadd.s32 $0xFFFF0600;
	(pc) =	sbr.rel @p0 .LBB2_2-.Ltmp3, $4  }
0x11b: {  	[hbm4b:s9+s2] =	stream.linear.scatter [tilespmem:s13], [sflag:$0x1], $0x7D00, $0x38;
	[tilespmem:$0x1C980] =	vst v63  }
0x11c: {  	_ =	swait.ge [sflag:s12], $0x7D00  }
0x11d: {  	[sflag:s12] =	ssyncset.done $0x0  }
0x11e: {  	[sflag:s12] =	ssyncadd.s32 $0xFFFF8300  }
.LBB2_7:
0x11f: {  	_ =	sfence.sel $0x180000  }
0x120: {  	[bflag:$0x0] =	sbarrier.arrive $0xFFFF  }
0x121: {  	p0 =	sne.s32 s0, $0x0;
	_ =	strace $0x9000004A  }
0x122: {  	s0 =	sadd.s32 @!p0 $0x100000, s1;
	[bflag:$0x2] =	sbarrier.arrive $0xFFFF  }
0x123: {  	[sflag:s0] =	ssyncadd.tile.s32 @!p0 $0x1;
	_ =	shalt  }
.Lfunc_end2:
_tile_overlayer_lowered:
.L_overlay_start_2:
0x124: {  	(tag) =	ssettag $0x2  }
0x125: {  	s0 =	rddreg [dreg:$0x0];
	s2 =	stileid.u32  }
0x126: {  	s1 =	rddreg [dreg:$0x1];
	p0 =	sne.s32 s2, $0x0  }
0x127: {  	s3 =	rddreg [dreg:$0x2];
	[bflag:$0x3] =	sbarrier.arrive $0xFFFF;
	s2 =	simm.s32 @!p0 $0x1C01  }
0x128: {  	[timem:s3], [sflag:s2] =	dma.local @!p0 [hbm:s0], s1  }
0x129: {  	s0 =	simm.s32 @!p0 $0x1  }
0x12a: {  	_ =	swait.ge @!p0 [sflag:s0], s1  }
0x12b: {  	s1 =	ssub.s32 @!p0 $0x0, s1;
	[sflag:s0] =	ssyncset.done @!p0 $0x0  }
0x12c: {  	[sflag:s0] =	ssyncadd.s32 @!p0 s1  }
0x12d: {  	[bflag:$0x3] =	sbarrier.arrive $0xFFFF  }
0x12e: {  	_ =	shalt  }

// kernel: kernel.31.cloned.1.call-start
scs
__scs_entry_jumppad:
0x0: {  	(pc) =	sbr.rel $0x88, $3  }
0x1: {  	(tag) =	ssettag $0x0;
	lr =	simm.s32 $0x1  }
0x2: {  	[smem:$0x3F47] =	sst lr;
	_ =	strace $0xD0000000  }
0x3: {  	_ = 	snop  }
0x4: {  	_ = 	snop  }
0x5: {  	_ = 	snop  }
0x6: {  	_ = 	snop  }
0x7: {  	_ = 	snop  }
__scs_overlays_trampoline_lowered:
0x8: {  	[smem:$0x3F56] =	sst s0  }
0x9: {  	[smem:$0x3F57] =	sst s1  }
0xa: {  	[smem:$0x3F58] =	sst s2  }
0xb: {  	[smem:$0x3F59] =	sst s3  }
0xc: {  	[smem:$0x3F5A] =	sst s4  }
0xd: {  	[smem:$0x3F5B] =	sst s5  }
0xe: {  	[smem:$0x3F5C] =	sst s6  }
0xf: {  	[smem:$0x3F5D] =	sst s7  }
0x10: {  	[smem:$0x3F5E] =	sst s8  }
0x11: {  	[smem:$0x3F5F] =	sst s9;
	s0 =	simm.s32 @!p0 $0x0  }
0x12: {  	s1 =	sld [smem:$0x3F45];
	s0 =	simm.s32 @p0 $0x1  }
0x13: {  	[smem:$0x3F60] =	sst s0;
	s0 =	simm.s32 @!p1 $0x0  }
0x14: {  	s2 =	sld [smem:$0x3F44];
	s0 =	simm.s32 @p1 $0x1  }
0x15: {  	[smem:$0x3F61] =	sst s0;
	s0 =	simm.s32 @!p2 $0x0  }
0x16: {  	s3 =	sld [smem:$0x3FDB];
	s0 =	simm.s32 @p2 $0x1  }
0x17: {  	s4 =	simm.s32 $0x1BF5;
	[smem:$0x3F63] =	sst s0  }
0x18: {  	s0 =	sld [smem:$0x3F46];
	_ =	swait.ge [sflag:s4], $0x0  }
0x19: {  	s7 =	sld [smem:$0x3F47]  }
0x1a: {  	s8 =	sadd.s32 $0xFFFFE003, lr  }
0x1b: {  	s9 =	sadd.s32 $0xFFFFFEF7, lr;
	s5 =	simm.s32 $0xFFFFFFFF;
	p2 =	slt.u32 s8, $0xFFFFF086  }
0x1c: {  	p1 =	slt.u32 s9, $0xF7A;
	s5 =	simm.s32 @!p2 $0x0  }
0x1d: {  	s5 =	simm.s32 @p1 $0x1;
	p0 =	seq.s32 s7, s2  }
0x1e: {  	s7 =	smul.u32 @!p0 $0xF7A, s2;
	p2 =	seq.s32 @!p0 s5, $0x0  }
0x1f: {  	s9 =	smul.u32 $0xF7A, s1;
	s8 =	simm.s32 @!p0 $0x1BF5;
	p2 =	por !p2, p0  }
0x20: {  	[sflag:s8] =	ssyncset.s32 @!p0 $0xFFFFF086;
	s6 =	sadd.s32 @!p0 s3, s7;
	s7 =	simm.s32 @!p0 $0x108  }
0x21: {  	s3 =	sadd.s32 s3, s9;
	s6 =	sadd.s32 @!p0 $0x88, s6;
	s7 =	simm.s32 @p2 $0x1082  }
0x22: {  	[simem:s7], [sflag:s8] =	dma.local @!p0 [hbm:s6], $0xF7A  }
0x23: {  	s9 =	sor.u32 $0xD0000000, s2;
	s6 =	simm.s32 $0x108;
	_ =	swait.ge @!p0 [sflag:s8], $0x0  }
0x24: {  	s3 =	sadd.s32 $0x88, s3;
	s6 =	simm.s32 @!p1 $0x1082;
	[sflag:s4] =	ssyncset.s32 $0xFFFFF086  }
0x25: {  	[simem:s6], [sflag:s4] =	dma.local [hbm:s3], $0xF7A  }
0x26: {  	[smem:$0x3F47] =	sst s1;
	(tag) =	ssettag s2;
	_ =	strace s9  }
0x27: {  	s1 =	sld [smem:$0x3F57]  }
0x28: {  	s2 =	sld [smem:$0x3F58]  }
0x29: {  	s4 =	sld [smem:$0x3F5A]  }
0x2a: {  	p0 =	seq.s32 s5, $0x0;
	s5 =	sld [smem:$0x3F5B]  }
0x2b: {  	s6 =	sld [smem:$0x3F5C]  }
0x2c: {  	s7 =	sld [smem:$0x3F5D]  }
0x2d: {  	s3 =	simm.s32 $0x108;
	s8 =	sld [smem:$0x3F5E]  }
0x2e: {  	s3 =	simm.s32 @!p0 $0x1082;
	s9 =	sld [smem:$0x3F5F]  }
0x2f: {  	lr =	sadd.s32 s0, s3;
	s0 =	sld [smem:$0x3F56]  }
0x30: {  	s3 =	sld [smem:$0x3F59]  }
0x31: {  	[smem:$0x3F62] =	sst s10  }
0x32: {  	s10 =	sld [smem:$0x3F60];
	_ =	sdelay $0x3  }
0x33: {  	p0 =	seq.s32 s10, $0x1;
	s10 =	sld [smem:$0x3F62];
	_ =	sdelay $0x3  }
0x34: {  	[smem:$0x3F62] =	sst s10  }
0x35: {  	s10 =	sld [smem:$0x3F61];
	_ =	sdelay $0x3  }
0x36: {  	p1 =	seq.s32 s10, $0x1;
	s10 =	sld [smem:$0x3F62];
	_ =	sdelay $0x3  }
0x37: {  	[smem:$0x3F62] =	sst s10  }
0x38: {  	s10 =	sld [smem:$0x3F63]  }
0x39: {  	_ = 	snop;
	(pc) =	sbr.ind lr, $3  }
0x3a: {  	_ = 	snop  }
0x3b: {  	_ = 	snop  }
0x3c: {  	p2 =	seq.s32 s10, $0x1;
	s10 =	sld [smem:$0x3F62]  }
0x3d: {  	_ =	shalt  }
0x3e: {  	_ =	shalt  }
0x3f: {  	_ =	shalt  }
0x40: {  	_ =	shalt  }
0x41: {  	_ =	shalt  }
0x42: {  	_ =	shalt  }
0x43: {  	_ =	shalt  }
0x44: {  	_ =	shalt  }
0x45: {  	_ =	shalt  }
0x46: {  	_ =	shalt  }
0x47: {  	_ =	shalt  }
0x48: {  	_ =	shalt  }
0x49: {  	_ =	shalt  }
0x4a: {  	_ =	shalt  }
0x4b: {  	_ =	shalt  }
0x4c: {  	_ =	shalt  }
0x4d: {  	_ =	shalt  }
0x4e: {  	_ =	shalt  }
0x4f: {  	_ =	shalt  }
0x50: {  	_ =	shalt  }
0x51: {  	_ =	shalt  }
0x52: {  	_ =	shalt  }
0x53: {  	_ =	shalt  }
0x54: {  	_ =	shalt  }
0x55: {  	_ =	shalt  }
0x56: {  	_ =	shalt  }
0x57: {  	_ =	shalt  }
0x58: {  	_ =	shalt  }
0x59: {  	_ =	shalt  }
0x5a: {  	_ =	shalt  }
0x5b: {  	_ =	shalt  }
0x5c: {  	_ =	shalt  }
0x5d: {  	_ =	shalt  }
0x5e: {  	_ =	shalt  }
0x5f: {  	_ =	shalt  }
0x60: {  	_ =	shalt  }
0x61: {  	_ =	shalt  }
0x62: {  	_ =	shalt  }
0x63: {  	_ =	shalt  }
0x64: {  	_ =	shalt  }
0x65: {  	_ =	shalt  }
0x66: {  	_ =	shalt  }
0x67: {  	_ =	shalt  }
0x68: {  	_ =	shalt  }
0x69: {  	_ =	shalt  }
0x6a: {  	_ =	shalt  }
0x6b: {  	_ =	shalt  }
0x6c: {  	_ =	shalt  }
0x6d: {  	_ =	shalt  }
0x6e: {  	_ =	shalt  }
0x6f: {  	_ =	shalt  }
0x70: {  	_ =	shalt  }
0x71: {  	_ =	shalt  }
0x72: {  	_ =	shalt  }
0x73: {  	_ =	shalt  }
0x74: {  	_ =	shalt  }
0x75: {  	_ =	shalt  }
0x76: {  	_ =	shalt  }
0x77: {  	_ =	shalt  }
0x78: {  	_ =	shalt  }
0x79: {  	_ =	shalt  }
0x7a: {  	_ =	shalt  }
0x7b: {  	_ =	shalt  }
0x7c: {  	_ =	shalt  }
0x7d: {  	_ =	shalt  }
0x7e: {  	_ =	shalt  }
0x7f: {  	_ =	shalt  }
0x80: {  	_ =	shalt  }
0x81: {  	_ =	shalt  }
0x82: {  	_ =	shalt  }
0x83: {  	_ =	shalt  }
0x84: {  	_ =	shalt  }
0x85: {  	_ =	shalt  }
0x86: {  	_ =	shalt  }
0x87: {  	_ =	shalt  }
.Lfunc_end0:
.L_simem_size_0:
called_computation.2_lowered:
.L_overlay_start_0:
0x88: {  	s2 =	sld [smem:$0x3FD9]  }
0x89: {  	s3 =	sld [smem:$0x3FFE];
	_ =	sdelay $0x1  }
0x8a: {  	s1 =	srdreg.scid  }
0x8b: {  	s0 =	sand.u32 $0x1, s1  }
0x8c: {  	s16 =	sshll.u32 s0, $0xA;
	s2 =	sadd.s32 s3, s2  }
0x8d: {  	s2 =	sadd.s32 s2, s16  }
0x8e: {  	[smem:$0x3F6E] =	sst s2  }
0x8f: {  	_ = 	snop  }
0x90: {  	(tm) =	ssettm $0x1  }
0x91: {  	s17 =	sld [smem:$0x3FFB];
	_ =	sdelay $0x3  }
0x92: {  	_ =	strace s17  }
0x93: {  	s2 =	sld [smem:$0x3FFC];
	_ =	sdelay $0x3  }
0x94: {  	_ =	strace s2  }
0x95: {  	s2 =	sld [smem:$0x3FFD];
	_ =	sdelay $0x3  }
0x96: {  	_ =	strace s2  }
0x97: {  	_ =	strace $0x8FFFFFFF  }
0x98: {  	s18 =	sld [smem:$0x3FDB];
	_ =	sdelay $0x1  }
0x99: {  	s19 =	simm.s32 $_scs_section_size  }
0x9a: {  	s4 =	simm.s32 $_size__tile_overlayer_lowered;
	s5 =	simm.s32 $_tile_overlayer_lowered  }
0x9b: {  	s22 =	simm.s32 $0x1BFF;
	s21 =	sshll.u32 s5, $0x1;
	s2 =	sadd.s32 s19, s18  }
0x9c: {  	s6 =	simm.s32 $0x0;
	s20 =	sshll.u32 s4, $0x1;
	s4 =	sadd.s32 s21, s2  }
0x9d: {  	[timem:s6], [sflag:s22] =	dma.local [hbm:s4], s20  }
0x9e: {  	_ =	swait.ge [sflag:s22], s20  }
0x9f: {  	s3 =	ssub.s32 $0x0, s20;
	[sflag:s22] =	ssyncset.done $0x0  }
0xa0: {  	[sflag:s22] =	ssyncadd.s32 s3;
	_ =	sdelay $0x1  }
0xa1: {  	s23 =	simm.s32 $0x1B8B  }
0xa2: {  	_ =	swait.ge [sflag:s23], $0x1  }
0xa3: {  	[sflag:s23] =	ssyncset.done $0x0  }
0xa4: {  	s25 =	simm.s32 $0x1B8E;
	s24 =	sld [smem:$0x3FFE];
	[sflag:s23] =	ssyncadd.s32 $0xFFFFFFFF  }
0xa5: {  	s26 =	simm.s32 $execute0_lowered;
	[smem:$0x3FD2] =	sst s25  }
0xa6: {  	s4 =	sshll.u32 s26, $0x1;
	_ =	strace $0x8000004C;
	[dreg:$0x1] =	wrdreg $0xFFFFFFFF  }
0xa7: {  	s28 =	simm.s32 $_size_execute0_lowered;
	s2 =	sadd.s32 s2, s4;
	[dreg:$0x0] =	wrdreg $0x0  }
0xa8: {  	s4 =	sshll.u32 s28, $0x1;
	[dreg:$0x2] =	wrdreg s2  }
0xa9: {  	[dreg:$0x3] =	wrdreg s4  }
0xaa: {  	[dreg:$0x4] =	wrdreg $0xC0  }
0xab: {  	_ =	task [dreg:s6], $0x5FFFF  }
0xac: {  	[dreg:$0x1] =	wrdreg $0xFFFFFFFF  }
0xad: {  	[dreg:$0x0] =	wrdreg $0x60  }
0xae: {  	[dreg:$0x2] =	wrdreg s24  }
0xaf: {  	[dreg:$0x3] =	wrdreg $0x9  }
0xb0: {  	_ =	task.clear_ibuf [dreg:s6], $0x4FFFF;
	_ =	strace $0x9000004C  }
0xb1: {  	s29 =	simm.s32 $0x9;
	_ =	strace $0x8000004E  }
0xb2: {  	_ =	swait.ge [sflag:s29], $0x1  }
0xb3: {  	[sflag:s29] =	ssyncadd.s32 $0xFFFFFFFF  }
0xb4: {  	_ =	strace $0x9000004E  }
0xb5: {  	_ =	sfence  }
0xb6: {  	s30 =	sld [smem:$0x0];
	_ =	sdelay $0x2  }
0xb7: {  	s31 =	sshll.u32 s1, $0xD;
	s1 =	sshrl.u32 s1, $0x2  }
0xb8: {  	s3 =	sand.u32 $0x4000, s31;
	s1 =	sadd.s32 s1, s30  }
0xb9: {  	s0 =	sor.u32 s3, s0;
	s1 =	sshll.u32 s1, $0x11  }
0xba: {  	s0 =	sor.u32 s1, s0  }
0xbb: {  	s0 =	sadd.s32 $0x8F2B, s0  }
0xbc: {  	[sflag:s0] =	ssyncadd.remote.s32 $0x1  }
0xbd: {  	_ =	sfence.sel $0xFFFF  }
0xbe: {  	[dreg:$0x0] =	wrdreg $0xFFFFFFFF;
	(pc) =	sbr.abs _section_cstart, $3  }
0xbf: {  	[dreg:$0x1] =	wrdreg $0xFFFFFFFF  }
0xc0: {  	_ =	task.clear_ibuf [dreg:s6], $0x2FFFF;
	_ =	strace $0x9FFFFFFF  }
0xc1: {  	(tm) =	ssettm $0x7FFFFFFF  }
tec
execute0_lowered:
.L_overlay_start_1:
0x0: {  	(tag) =	ssettag $0x1  }
0x1: {  	s0 =	srdreg.scid  }
0x2: {  	s12 =	stileid.u32;
	s1 =	rddreg [dreg:$0x0]  }
0x3: {  	s2 =	simm.s32 $0x0;
	s17 =	simm.s32 $0x5;
	s18 =	simm.s32 $0x6200  }
0x4: {  	s19 =	simm.s32 $0x80;
	s28 =	simm.s32 $0x4;
	s11 =	smul.u32 $0xC350, s12  }
0x5: {  	s29 =	simm.s32 $0x6180;
	s0 =	sand.u32 $0x1, s0;
	s24 =	smul.u32 $0x30D40, s12  }
0x6: {  	s30 =	simm.s32 $0xC380;
	s3 =	sshll.u32 s12, $0x1;
	s22 =	smul.u32 $0x61A8, s0  }
0x7: {  	s4 =	sor.u32 s0, s3;
	s6 =	ssub.s32 $0x2, s0;
	s0 =	smul.u32 $0x186A0, s0  }
0x8: {  	[smem:$0x7FF] =	sst s2;
	s16 =	sadd.s32 $0x73CC00, s1;
	s5 =	smul.u32 $0xC40, s4  }
0x9: {  	s31 =	simm.s32 $0x0;
	_ =	strace $0x8000004D;
	s7 =	smul.u32 $0xC3500, s4  }
0xa: {  	s3 =	sadd.s32 $0x125E00, s1;
	s8 =	sshrl.u32 s6, $0x1;
	s4 =	smul.u32 $0x186A0, s4  }
0xb: {  	s26 =	sadd.s32 s24, s16;
	s6 =	ssub.s32 s6, s8;
	s5 =	sadd.s32 s5, s1  }
0xc: {  	s1 =	sadd.s32 $0x42F800, s1;
	s7 =	sshrl.u32 s7, $0x3;
	s8 =	smax.u32 s6, $0x1  }
0xd: {  	s23 =	sadd.s32 $0x18400, s4;
	s4 =	sadd.s32 $0x184A0, s4;
	s20 =	sadd.s32 $0x46200, s5  }
0xe: {  	s7 =	sadd.s32 $0x184A0, s7;
	s5 =	sadd.s32 $0x2DA00, s5;
	s9 =	sadd.s32 s16, s23  }
0xf: {  	s10 =	sadd.s32 s1, s23;
	s12 =	sadd.s32 s1, s4;
	s25 =	sadd.s32 s24, s1  }
0x10: {  	s23 =	simm.s32 $0xF400;
	s24 =	simm.s32 $0x1;
	[dreg:$0x2] =	wrdreg s20  }
0x11: {  	[dreg:$0x3] =	wrdreg s5;
	s21 =	sadd.s32 s16, s7;
	s7 =	sadd.s32 s1, s7  }
0x12: {  	s5 =	sadd.s32 s22, s11;
	s11 =	sadd.s32 s16, s4;
	s15 =	sadd.s32 s0, s25  }
0x13: {  	s20 =	simm.s32 $0xC400;
	s22 =	simm.s32 $0xE400;
	s5 =	sshll.u32 s5, $0x2  }
0x14: {  	s25 =	simm.s32 $0x2;
	[dreg:$0x4] =	wrdreg s21;
	s5 =	sadd.s32 $0x200, s5  }
0x15: {  	[dreg:$0x5] =	wrdreg s7;
	s21 =	simm.s32 $0xD400;
	s13 =	sadd.s32 s5, s16  }
0x16: {  	s14 =	sadd.s32 s5, s1;
	s16 =	sadd.s32 s0, s26;
	s26 =	simm.s32 $0x3  }
.LBB2_1:
0x17: {  	s0 =	rddreg [dreg:$0x2]  }
0x18: {  	[tilespmem:s2], [sflag:$0x5] =	stream.linear.gather [hbm4b:s0+s2], $0x6200, $0x38;
	[tilespmem:$0x10400] =	vst v63  }
0x19: {  	_ =	swait.ge [sflag:s17], $0x6200  }
0x1a: {  	[sflag:s17] =	ssyncset.done $0x0  }
0x1b: {  	s4 =	rddreg [dreg:$0x3];
	[sflag:s17] =	ssyncadd.s32 $0xFFFF9E00  }
0x1c: {  	[tilespmem:s18], [sflag:$0x5] =	stream.linear.gather [hbm4b:s4+s2], $0x6200, $0x38;
	[tilespmem:$0x10400] =	vst v63  }
0x1d: {  	_ =	swait.ge [sflag:s17], $0x6200  }
0x1e: {  	[sflag:s17] =	ssyncset.done $0x0  }
0x1f: {  	[sflag:s17] =	ssyncadd.s32 $0xFFFF9E00  }
0x20: {  	[tilespmem:s20], [sflag:$0x1] =	stream.indirect.gather [hbm4b:s3+s19], $0x20, s2, s19, $0xb8;
	[tilespmem:$0x10400] =	vst v63  }
0x21: {  	_ = 	snop  }
0x22: {  	[tilespmem:s21], [sflag:$0x2] =	stream.indirect.gather [hbm4b:s3+s19], $0x20, s18, s19, $0xb8;
	[tilespmem:$0x10400] =	vst v63  }
0x23: {  	s5 =	simm.s32 $0x80  }
0x24: {  	[tilespmem:s22], [sflag:$0x3] =	stream.indirect.gather [hbm4b:s3+s19], $0x20, s5, s19, $0xb8;
	[tilespmem:$0x10400] =	vst v63  }
0x25: {  	s6 =	simm.s32 $0x6280  }
0x26: {  	[tilespmem:s23], [sflag:$0x4] =	stream.indirect.gather [hbm4b:s3+s19], $0x20, s6, s19, $0xb8;
	[tilespmem:$0x10400] =	vst v63  }
0x27: {  	_ =	swait.ge [sflag:s24], $0x1000  }
0x28: {  	[sflag:s24] =	ssyncset.done $0x0  }
0x29: {  	[sflag:s24] =	ssyncadd.s32 $0xFFFFF000  }
0x2a: {  	_ =	swait.ge [sflag:s25], $0x1000  }
0x2b: {  	[sflag:s25] =	ssyncset.done $0x0  }
0x2c: {  	s7 =	sadd.s32 $0x0, s16;
	[sflag:s25] =	ssyncadd.s32 $0xFFFFF000  }
0x2d: {  	[hbm4b:s7+s2] =	stream.linear.scatter [tilespmem:s20], [sflag:$0x5], $0x1000, $0x38;
	[tilespmem:$0x10400] =	vst v63  }
0x2e: {  	_ =	swait.ge [sflag:s17], $0x1000  }
0x2f: {  	[sflag:s17] =	ssyncset.done $0x0  }
0x30: {  	s1 =	sadd.s32 $0x0, s15;
	[sflag:s17] =	ssyncadd.s32 $0xFFFFF000  }
0x31: {  	[hbm4b:s1+s2] =	stream.linear.scatter [tilespmem:s21], [sflag:$0x5], $0x1000, $0x38;
	[tilespmem:$0x10400] =	vst v63  }
0x32: {  	_ =	swait.ge [sflag:s17], $0x1000  }
0x33: {  	[sflag:s17] =	ssyncset.done $0x0  }
0x34: {  	s4 =	simm.s32 $0x100;
	[sflag:s17] =	ssyncadd.s32 $0xFFFFF000  }
0x35: {  	[tilespmem:s20], [sflag:$0x1] =	stream.indirect.gather [hbm4b:s3+s19], $0x20, s4, s19, $0xb8;
	[tilespmem:$0x10400] =	vst v63  }
0x36: {  	s5 =	simm.s32 $0x6300  }
0x37: {  	[tilespmem:s21], [sflag:$0x2] =	stream.indirect.gather [hbm4b:s3+s19], $0x20, s5, s19, $0xb8;
	[tilespmem:$0x10400] =	vst v63  }
0x38: {  	_ =	swait.ge [sflag:s26], $0x1000  }
0x39: {  	[sflag:s26] =	ssyncset.done $0x0  }
0x3a: {  	[sflag:s26] =	ssyncadd.s32 $0xFFFFF000  }
0x3b: {  	_ =	swait.ge [sflag:s28], $0x1000  }
0x3c: {  	[sflag:s28] =	ssyncset.done $0x0  }
0x3d: {  	s6 =	sadd.s32 $0x0, s13;
	[sflag:s28] =	ssyncadd.s32 $0xFFFFF000  }
0x3e: {  	[hbm4b:s6+s2] =	stream.linear.scatter [tilespmem:s22], [sflag:$0x5], $0x1000, $0x38;
	[tilespmem:$0x10400] =	vst v63  }
0x3f: {  	_ =	swait.ge [sflag:s17], $0x1000  }
0x40: {  	[sflag:s17] =	ssyncset.done $0x0  }
0x41: {  	s7 =	sadd.s32 $0x0, s14;
	[sflag:s17] =	ssyncadd.s32 $0xFFFFF000  }
0x42: {  	[hbm4b:s7+s2] =	stream.linear.scatter [tilespmem:s23], [sflag:$0x5], $0x1000, $0x38;
	[tilespmem:$0x10400] =	vst v63  }
0x43: {  	s0 =	simm.s32 $0x100;
	_ =	swait.ge [sflag:s17], $0x1000  }
0x44: {  	s1 =	simm.s32 $0x400;
	s4 =	simm.s32 $0x800;
	[sflag:s17] =	ssyncset.done $0x0  }
.LBB2_2:
0x45: {  	s7 =	sadd.s32 $0x80, s0  }
0x46: {  	[sflag:s17] =	ssyncadd.s32 $0xFFFFF000;
	s5 =	smov.u32 s4;
	s6 =	sadd.s32 $0x400, s4  }
0x47: {  	[tilespmem:s22], [sflag:$0x3] =	stream.indirect.gather [hbm4b:s3+s19], $0x20, s7, s19, $0xb8;
	[tilespmem:$0x10400] =	vst v63  }
0x48: {  	p0 =	sne.s32 s4, $0x18000;
	s4 =	sadd.s32 $0x6280, s0  }
0x49: {  	[tilespmem:s23], [sflag:$0x4] =	stream.indirect.gather [hbm4b:s3+s19], $0x20, s4, s19, $0xb8;
	[tilespmem:$0x10400] =	vst v63  }
0x4a: {  	_ =	swait.ge [sflag:s24], $0x1000  }
0x4b: {  	[sflag:s24] =	ssyncset.done $0x0  }
0x4c: {  	[sflag:s24] =	ssyncadd.s32 $0xFFFFF000  }
0x4d: {  	_ =	swait.ge [sflag:s25], $0x1000  }
0x4e: {  	[sflag:s25] =	ssyncset.done $0x0  }
0x4f: {  	s4 =	sadd.s32 s1, s16;
	[sflag:s25] =	ssyncadd.s32 $0xFFFFF000  }
0x50: {  	[hbm4b:s4+s2] =	stream.linear.scatter [tilespmem:s20], [sflag:$0x5], $0x1000, $0x38;
	[tilespmem:$0x10400] =	vst v63  }
0x51: {  	_ =	swait.ge [sflag:s17], $0x1000  }
0x52: {  	[sflag:s17] =	ssyncset.done $0x0  }
0x53: {  	s4 =	sadd.s32 s1, s15;
	[sflag:s17] =	ssyncadd.s32 $0xFFFFF000  }
0x54: {  	[hbm4b:s4+s2] =	stream.linear.scatter [tilespmem:s21], [sflag:$0x5], $0x1000, $0x38;
	[tilespmem:$0x10400] =	vst v63  }
0x55: {  	_ =	swait.ge [sflag:s17], $0x1000  }
0x56: {  	[sflag:s17] =	ssyncset.done $0x0  }
0x57: {  	s4 =	sadd.s32 $0x100, s0;
	[sflag:s17] =	ssyncadd.s32 $0xFFFFF000  }
0x58: {  	[tilespmem:s20], [sflag:$0x1] =	stream.indirect.gather [hbm4b:s3+s19], $0x20, s4, s19, $0xb8;
	[tilespmem:$0x10400] =	vst v63  }
0x59: {  	s0 =	sadd.s32 $0x6300, s0  }
0x5a: {  	[tilespmem:s21], [sflag:$0x2] =	stream.indirect.gather [hbm4b:s3+s19], $0x20, s0, s19, $0xb8;
	[tilespmem:$0x10400] =	vst v63  }
0x5b: {  	_ =	swait.ge [sflag:s26], $0x1000  }
0x5c: {  	[sflag:s26] =	ssyncset.done $0x0  }
0x5d: {  	[sflag:s26] =	ssyncadd.s32 $0xFFFFF000  }
0x5e: {  	_ =	swait.ge [sflag:s28], $0x1000  }
0x5f: {  	[sflag:s28] =	ssyncset.done $0x0  }
0x60: {  	s0 =	sadd.s32 s1, s13;
	[sflag:s28] =	ssyncadd.s32 $0xFFFFF000  }
0x61: {  	[hbm4b:s0+s2] =	stream.linear.scatter [tilespmem:s22], [sflag:$0x5], $0x1000, $0x38;
	[tilespmem:$0x10400] =	vst v63  }
0x62: {  	_ =	swait.ge [sflag:s17], $0x1000  }
.Ltmp0:
0x63: {  	[sflag:s17] =	ssyncset.done $0x0;
	(pc) =	sbr.rel @p0 .LBB2_2-.Ltmp0, $4  }
0x64: {  	s0 =	sadd.s32 s1, s14;
	s1 =	smov.u32 s5;
	[sflag:s17] =	ssyncadd.s32 $0xFFFFF000  }
0x65: {  	[hbm4b:s0+s2] =	stream.linear.scatter [tilespmem:s23], [sflag:$0x5], $0x1000, $0x38;
	[tilespmem:$0x10400] =	vst v63  }
0x66: {  	_ =	swait.ge [sflag:s17], $0x1000  }
0x67: {  	s4 =	smov.u32 s6;
	s0 =	sshra.s32 s1, $0x2;
	[sflag:s17] =	ssyncset.done $0x0  }
0x68: {  	s4 =	sadd.s32 $0x80, s0;
	[sflag:s17] =	ssyncadd.s32 $0xFFFFF000  }
0x69: {  	[tilespmem:s22], [sflag:$0x3] =	stream.indirect.gather [hbm4b:s3+s19], $0x20, s4, s19, $0xb8;
	[tilespmem:$0x10400] =	vst v63  }
0x6a: {  	s6 =	sadd.s32 $0x6280, s0  }
0x6b: {  	[tilespmem:s23], [sflag:$0x4] =	stream.indirect.gather [hbm4b:s3+s19], $0x20, s6, s19, $0xb8;
	[tilespmem:$0x10400] =	vst v63  }
0x6c: {  	_ =	swait.ge [sflag:s24], $0x1000  }
0x6d: {  	[sflag:s24] =	ssyncset.done $0x0  }
0x6e: {  	[sflag:s24] =	ssyncadd.s32 $0xFFFFF000  }
0x6f: {  	_ =	swait.ge [sflag:s25], $0x1000  }
0x70: {  	[sflag:s25] =	ssyncset.done $0x0  }
0x71: {  	s7 =	sadd.s32 s1, s16;
	[sflag:s25] =	ssyncadd.s32 $0xFFFFF000  }
0x72: {  	[hbm4b:s7+s2] =	stream.linear.scatter [tilespmem:s20], [sflag:$0x5], $0x1000, $0x38;
	[tilespmem:$0x10400] =	vst v63  }
0x73: {  	_ =	swait.ge [sflag:s17], $0x1000  }
0x74: {  	[sflag:s17] =	ssyncset.done $0x0  }
0x75: {  	s5 =	sadd.s32 s1, s15;
	[sflag:s17] =	ssyncadd.s32 $0xFFFFF000  }
0x76: {  	[hbm4b:s5+s2] =	stream.linear.scatter [tilespmem:s21], [sflag:$0x5], $0x1000, $0x38;
	[tilespmem:$0x10400] =	vst v63  }
0x77: {  	_ =	swait.ge [sflag:s17], $0x1000  }
0x78: {  	[sflag:s17] =	ssyncset.done $0x0  }
0x79: {  	s6 =	sadd.s32 $0x100, s0;
	[sflag:s17] =	ssyncadd.s32 $0xFFFFF000  }
0x7a: {  	[tilespmem:s20], [sflag:$0x1] =	stream.indirect.gather [hbm4b:s3+s19], $0x20, s6, s19, $0xb8;
	[tilespmem:$0x10400] =	vst v63  }
0x7b: {  	s7 =	sadd.s32 $0x6300, s0  }
0x7c: {  	[tilespmem:s21], [sflag:$0x2] =	stream.indirect.gather [hbm4b:s3+s19], $0x20, s7, s19, $0xb8;
	[tilespmem:$0x10400] =	vst v63  }
0x7d: {  	_ =	swait.ge [sflag:s26], $0x1000  }
0x7e: {  	[sflag:s26] =	ssyncset.done $0x0  }
0x7f: {  	[sflag:s26] =	ssyncadd.s32 $0xFFFFF000  }
0x80: {  	_ =	swait.ge [sflag:s28], $0x1000  }
0x81: {  	[sflag:s28] =	ssyncset.done $0x0  }
0x82: {  	s4 =	sadd.s32 s1, s13;
	[sflag:s28] =	ssyncadd.s32 $0xFFFFF000  }
0x83: {  	[hbm4b:s4+s2] =	stream.linear.scatter [tilespmem:s22], [sflag:$0x5], $0x1000, $0x38;
	[tilespmem:$0x10400] =	vst v63  }
0x84: {  	_ =	swait.ge [sflag:s17], $0x1000  }
0x85: {  	[sflag:s17] =	ssyncset.done $0x0  }
0x86: {  	s5 =	sadd.s32 s1, s14;
	[sflag:s17] =	ssyncadd.s32 $0xFFFFF000  }
0x87: {  	[hbm4b:s5+s2] =	stream.linear.scatter [tilespmem:s23], [sflag:$0x5], $0x1000, $0x38;
	[tilespmem:$0x10400] =	vst v63  }
0x88: {  	_ =	swait.ge [sflag:s17], $0x1000  }
0x89: {  	[sflag:s17] =	ssyncset.done $0x0  }
0x8a: {  	[sflag:s17] =	ssyncadd.s32 $0xFFFFF000  }
0x8b: {  	[tilespmem:s22], [sflag:$0x3] =	stream.indirect.gather [hbm4b:s3+s19], $0x20, s29, s19, $0xb8;
	[tilespmem:$0x10400] =	vst v63  }
0x8c: {  	_ = 	snop  }
0x8d: {  	[tilespmem:s23], [sflag:$0x4] =	stream.indirect.gather [hbm4b:s3+s19], $0x20, s30, s19, $0xb8;
	[tilespmem:$0x10400] =	vst v63  }
0x8e: {  	_ =	swait.ge [sflag:s24], $0x1000  }
0x8f: {  	[sflag:s24] =	ssyncset.done $0x0  }
0x90: {  	[sflag:s24] =	ssyncadd.s32 $0xFFFFF000  }
0x91: {  	_ =	swait.ge [sflag:s25], $0x1000  }
0x92: {  	[sflag:s25] =	ssyncset.done $0x0  }
0x93: {  	[sflag:s25] =	ssyncadd.s32 $0xFFFFF000  }
0x94: {  	[hbm4b:s9+s2] =	stream.linear.scatter [tilespmem:s20], [sflag:$0x5], $0x1000, $0x38;
	[tilespmem:$0x10400] =	vst v63  }
0x95: {  	_ =	swait.ge [sflag:s17], $0x1000  }
0x96: {  	[sflag:s17] =	ssyncset.done $0x0  }
0x97: {  	[sflag:s17] =	ssyncadd.s32 $0xFFFFF000  }
0x98: {  	[hbm4b:s10+s2] =	stream.linear.scatter [tilespmem:s21], [sflag:$0x5], $0x1000, $0x38;
	[tilespmem:$0x10400] =	vst v63  }
0x99: {  	_ =	swait.ge [sflag:s17], $0x1000  }
0x9a: {  	[sflag:s17] =	ssyncset.done $0x0  }
0x9b: {  	[sflag:s17] =	ssyncadd.s32 $0xFFFFF000  }
0x9c: {  	[tilespmem:s20], [sflag:$0x1] =	stream.indirect.gather [hbm4b:s3+s19], $0x20, s29, s19, $0xb8;
	[tilespmem:$0x10400] =	vst v63  }
0x9d: {  	_ = 	snop  }
0x9e: {  	[tilespmem:s21], [sflag:$0x2] =	stream.indirect.gather [hbm4b:s3+s19], $0x20, s30, s19, $0xb8;
	[tilespmem:$0x10400] =	vst v63  }
0x9f: {  	_ =	swait.ge [sflag:s26], $0x1000  }
0xa0: {  	[sflag:s26] =	ssyncset.done $0x0  }
0xa1: {  	[sflag:s26] =	ssyncadd.s32 $0xFFFFF000  }
0xa2: {  	_ =	swait.ge [sflag:s28], $0x1000  }
0xa3: {  	[sflag:s28] =	ssyncset.done $0x0  }
0xa4: {  	[sflag:s28] =	ssyncadd.s32 $0xFFFFF000  }
0xa5: {  	[hbm4b:s11+s2] =	stream.linear.scatter [tilespmem:s22], [sflag:$0x5], $0x1000, $0x38;
	[tilespmem:$0x10400] =	vst v63  }
0xa6: {  	_ =	swait.ge [sflag:s17], $0x1000  }
0xa7: {  	[sflag:s17] =	ssyncset.done $0x0  }
0xa8: {  	[sflag:s17] =	ssyncadd.s32 $0xFFFFF000  }
0xa9: {  	[hbm4b:s12+s2] =	stream.linear.scatter [tilespmem:s23], [sflag:$0x5], $0x1000, $0x38;
	[tilespmem:$0x10400] =	vst v63  }
0xaa: {  	_ =	swait.ge [sflag:s17], $0x1000  }
0xab: {  	[sflag:s17] =	ssyncset.done $0x0  }
0xac: {  	[sflag:s17] =	ssyncadd.s32 $0xFFFFF000  }
0xad: {  	_ =	swait.ge [sflag:s24], $0x1000  }
0xae: {  	[sflag:s24] =	ssyncset.done $0x0  }
0xaf: {  	[sflag:s24] =	ssyncadd.s32 $0xFFFFF000  }
0xb0: {  	_ =	swait.ge [sflag:s25], $0x1000  }
0xb1: {  	[sflag:s25] =	ssyncset.done $0x0  }
0xb2: {  	s6 =	rddreg [dreg:$0x4];
	[sflag:s25] =	ssyncadd.s32 $0xFFFFF000  }
0xb3: {  	[hbm4b:s6+s2] =	stream.linear.scatter [tilespmem:s20], [sflag:$0x5], $0x1000, $0x38;
	[tilespmem:$0x10400] =	vst v63  }
0xb4: {  	s31 =	sadd.s32 $0x1, s31;
	_ =	swait.ge [sflag:s17], $0x1000  }
0xb5: {  	p0 =	sne.s32 s31, s8;
	[sflag:s17] =	ssyncset.done $0x0  }
.Ltmp1:
0xb6: {  	s7 =	rddreg [dreg:$0x5];
	[sflag:s17] =	ssyncadd.s32 $0xFFFFF000;
	(pc) =	sbr.rel @p0 .LBB2_1-.Ltmp1, $4  }
0xb7: {  	[hbm4b:s7+s2] =	stream.linear.scatter [tilespmem:s21], [sflag:$0x5], $0x1000, $0x38;
	[tilespmem:$0x10400] =	vst v63  }
0xb8: {  	_ =	swait.ge [sflag:s17], $0x1000  }
0xb9: {  	[sflag:s17] =	ssyncset.done $0x0  }
0xba: {  	[sflag:s17] =	ssyncadd.s32 $0xFFFFF000  }
0xbb: {  	_ =	sfence.sel $0x180000  }
0xbc: {  	[bflag:$0x0] =	sbarrier.arrive $0xFFFF  }
0xbd: {  	_ =	strace $0x9000004D  }
0xbe: {  	s0 =	stileid.u32;
	[bflag:$0x2] =	sbarrier.arrive $0xFFFF  }
0xbf: {  	p0 =	sne.s32 s0, $0x0;
	s0 =	rddreg [dreg:$0x1]  }
0xc0: {  	s0 =	sadd.s32 @!p0 $0x100000, s0  }
0xc1: {  	[sflag:s0] =	ssyncadd.tile.s32 @!p0 $0x1;
	_ =	shalt  }
.Lfunc_end2:
_tile_overlayer_lowered:
.L_overlay_start_2:
0xc2: {  	(tag) =	ssettag $0x2  }
0xc3: {  	s0 =	rddreg [dreg:$0x0];
	s2 =	stileid.u32  }
0xc4: {  	s1 =	rddreg [dreg:$0x1];
	p0 =	sne.s32 s2, $0x0  }
0xc5: {  	s3 =	rddreg [dreg:$0x2];
	[bflag:$0x3] =	sbarrier.arrive $0xFFFF;
	s2 =	simm.s32 @!p0 $0x1C05  }
0xc6: {  	[timem:s3], [sflag:s2] =	dma.local @!p0 [hbm:s0], s1  }
0xc7: {  	s0 =	simm.s32 @!p0 $0x5  }
0xc8: {  	_ =	swait.ge @!p0 [sflag:s0], s1  }
0xc9: {  	s1 =	ssub.s32 @!p0 $0x0, s1;
	[sflag:s0] =	ssyncset.done @!p0 $0x0  }
0xca: {  	[sflag:s0] =	ssyncadd.s32 @!p0 s1  }
0xcb: {  	[bflag:$0x3] =	sbarrier.arrive $0xFFFF  }
0xcc: {  	_ =	shalt  }

// kernel: kernel.34.cloned.1.call-start
scs
__scs_entry_jumppad:
0x0: {  	(pc) =	sbr.rel $0x88, $3  }
0x1: {  	(tag) =	ssettag $0x0;
	lr =	simm.s32 $0x1  }
0x2: {  	[smem:$0x3F47] =	sst lr;
	_ =	strace $0xD0000000  }
0x3: {  	_ = 	snop  }
0x4: {  	_ = 	snop  }
0x5: {  	_ = 	snop  }
0x6: {  	_ = 	snop  }
0x7: {  	_ = 	snop  }
__scs_overlays_trampoline_lowered:
0x8: {  	[smem:$0x3F56] =	sst s0  }
0x9: {  	[smem:$0x3F57] =	sst s1  }
0xa: {  	[smem:$0x3F58] =	sst s2  }
0xb: {  	[smem:$0x3F59] =	sst s3  }
0xc: {  	[smem:$0x3F5A] =	sst s4  }
0xd: {  	[smem:$0x3F5B] =	sst s5  }
0xe: {  	[smem:$0x3F5C] =	sst s6  }
0xf: {  	[smem:$0x3F5D] =	sst s7  }
0x10: {  	[smem:$0x3F5E] =	sst s8  }
0x11: {  	[smem:$0x3F5F] =	sst s9;
	s0 =	simm.s32 @!p0 $0x0  }
0x12: {  	s1 =	sld [smem:$0x3F45];
	s0 =	simm.s32 @p0 $0x1  }
0x13: {  	[smem:$0x3F60] =	sst s0;
	s0 =	simm.s32 @!p1 $0x0  }
0x14: {  	s2 =	sld [smem:$0x3F44];
	s0 =	simm.s32 @p1 $0x1  }
0x15: {  	[smem:$0x3F61] =	sst s0;
	s0 =	simm.s32 @!p2 $0x0  }
0x16: {  	s3 =	sld [smem:$0x3FDB];
	s0 =	simm.s32 @p2 $0x1  }
0x17: {  	s4 =	simm.s32 $0x1BF5;
	[smem:$0x3F63] =	sst s0  }
0x18: {  	s0 =	sld [smem:$0x3F46];
	_ =	swait.ge [sflag:s4], $0x0  }
0x19: {  	s7 =	sld [smem:$0x3F47]  }
0x1a: {  	s8 =	sadd.s32 $0xFFFFE003, lr  }
0x1b: {  	s9 =	sadd.s32 $0xFFFFFEF7, lr;
	s5 =	simm.s32 $0xFFFFFFFF;
	p2 =	slt.u32 s8, $0xFFFFF086  }
0x1c: {  	p1 =	slt.u32 s9, $0xF7A;
	s5 =	simm.s32 @!p2 $0x0  }
0x1d: {  	s5 =	simm.s32 @p1 $0x1;
	p0 =	seq.s32 s7, s2  }
0x1e: {  	s7 =	smul.u32 @!p0 $0xF7A, s2;
	p2 =	seq.s32 @!p0 s5, $0x0  }
0x1f: {  	s9 =	smul.u32 $0xF7A, s1;
	s8 =	simm.s32 @!p0 $0x1BF5;
	p2 =	por !p2, p0  }
0x20: {  	[sflag:s8] =	ssyncset.s32 @!p0 $0xFFFFF086;
	s6 =	sadd.s32 @!p0 s3, s7;
	s7 =	simm.s32 @!p0 $0x108  }
0x21: {  	s3 =	sadd.s32 s3, s9;
	s6 =	sadd.s32 @!p0 $0x88, s6;
	s7 =	simm.s32 @p2 $0x1082  }
0x22: {  	[simem:s7], [sflag:s8] =	dma.local @!p0 [hbm:s6], $0xF7A  }
0x23: {  	s9 =	sor.u32 $0xD0000000, s2;
	s6 =	simm.s32 $0x108;
	_ =	swait.ge @!p0 [sflag:s8], $0x0  }
0x24: {  	s3 =	sadd.s32 $0x88, s3;
	s6 =	simm.s32 @!p1 $0x1082;
	[sflag:s4] =	ssyncset.s32 $0xFFFFF086  }
0x25: {  	[simem:s6], [sflag:s4] =	dma.local [hbm:s3], $0xF7A  }
0x26: {  	[smem:$0x3F47] =	sst s1;
	(tag) =	ssettag s2;
	_ =	strace s9  }
0x27: {  	s1 =	sld [smem:$0x3F57]  }
0x28: {  	s2 =	sld [smem:$0x3F58]  }
0x29: {  	s4 =	sld [smem:$0x3F5A]  }
0x2a: {  	p0 =	seq.s32 s5, $0x0;
	s5 =	sld [smem:$0x3F5B]  }
0x2b: {  	s6 =	sld [smem:$0x3F5C]  }
0x2c: {  	s7 =	sld [smem:$0x3F5D]  }
0x2d: {  	s3 =	simm.s32 $0x108;
	s8 =	sld [smem:$0x3F5E]  }
0x2e: {  	s3 =	simm.s32 @!p0 $0x1082;
	s9 =	sld [smem:$0x3F5F]  }
0x2f: {  	lr =	sadd.s32 s0, s3;
	s0 =	sld [smem:$0x3F56]  }
0x30: {  	s3 =	sld [smem:$0x3F59]  }
0x31: {  	[smem:$0x3F62] =	sst s10  }
0x32: {  	s10 =	sld [smem:$0x3F60];
	_ =	sdelay $0x3  }
0x33: {  	p0 =	seq.s32 s10, $0x1;
	s10 =	sld [smem:$0x3F62];
	_ =	sdelay $0x3  }
0x34: {  	[smem:$0x3F62] =	sst s10  }
0x35: {  	s10 =	sld [smem:$0x3F61];
	_ =	sdelay $0x3  }
0x36: {  	p1 =	seq.s32 s10, $0x1;
	s10 =	sld [smem:$0x3F62];
	_ =	sdelay $0x3  }
0x37: {  	[smem:$0x3F62] =	sst s10  }
0x38: {  	s10 =	sld [smem:$0x3F63]  }
0x39: {  	_ = 	snop;
	(pc) =	sbr.ind lr, $3  }
0x3a: {  	_ = 	snop  }
0x3b: {  	_ = 	snop  }
0x3c: {  	p2 =	seq.s32 s10, $0x1;
	s10 =	sld [smem:$0x3F62]  }
0x3d: {  	_ =	shalt  }
0x3e: {  	_ =	shalt  }
0x3f: {  	_ =	shalt  }
0x40: {  	_ =	shalt  }
0x41: {  	_ =	shalt  }
0x42: {  	_ =	shalt  }
0x43: {  	_ =	shalt  }
0x44: {  	_ =	shalt  }
0x45: {  	_ =	shalt  }
0x46: {  	_ =	shalt  }
0x47: {  	_ =	shalt  }
0x48: {  	_ =	shalt  }
0x49: {  	_ =	shalt  }
0x4a: {  	_ =	shalt  }
0x4b: {  	_ =	shalt  }
0x4c: {  	_ =	shalt  }
0x4d: {  	_ =	shalt  }
0x4e: {  	_ =	shalt  }
0x4f: {  	_ =	shalt  }
0x50: {  	_ =	shalt  }
0x51: {  	_ =	shalt  }
0x52: {  	_ =	shalt  }
0x53: {  	_ =	shalt  }
0x54: {  	_ =	shalt  }
0x55: {  	_ =	shalt  }
0x56: {  	_ =	shalt  }
0x57: {  	_ =	shalt  }
0x58: {  	_ =	shalt  }
0x59: {  	_ =	shalt  }
0x5a: {  	_ =	shalt  }
0x5b: {  	_ =	shalt  }
0x5c: {  	_ =	shalt  }
0x5d: {  	_ =	shalt  }
0x5e: {  	_ =	shalt  }
0x5f: {  	_ =	shalt  }
0x60: {  	_ =	shalt  }
0x61: {  	_ =	shalt  }
0x62: {  	_ =	shalt  }
0x63: {  	_ =	shalt  }
0x64: {  	_ =	shalt  }
0x65: {  	_ =	shalt  }
0x66: {  	_ =	shalt  }
0x67: {  	_ =	shalt  }
0x68: {  	_ =	shalt  }
0x69: {  	_ =	shalt  }
0x6a: {  	_ =	shalt  }
0x6b: {  	_ =	shalt  }
0x6c: {  	_ =	shalt  }
0x6d: {  	_ =	shalt  }
0x6e: {  	_ =	shalt  }
0x6f: {  	_ =	shalt  }
0x70: {  	_ =	shalt  }
0x71: {  	_ =	shalt  }
0x72: {  	_ =	shalt  }
0x73: {  	_ =	shalt  }
0x74: {  	_ =	shalt  }
0x75: {  	_ =	shalt  }
0x76: {  	_ =	shalt  }
0x77: {  	_ =	shalt  }
0x78: {  	_ =	shalt  }
0x79: {  	_ =	shalt  }
0x7a: {  	_ =	shalt  }
0x7b: {  	_ =	shalt  }
0x7c: {  	_ =	shalt  }
0x7d: {  	_ =	shalt  }
0x7e: {  	_ =	shalt  }
0x7f: {  	_ =	shalt  }
0x80: {  	_ =	shalt  }
0x81: {  	_ =	shalt  }
0x82: {  	_ =	shalt  }
0x83: {  	_ =	shalt  }
0x84: {  	_ =	shalt  }
0x85: {  	_ =	shalt  }
0x86: {  	_ =	shalt  }
0x87: {  	_ =	shalt  }
.Lfunc_end0:
.L_simem_size_0:
called_computation.3_lowered:
.L_overlay_start_0:
0x88: {  	s2 =	sld [smem:$0x3FD9]  }
0x89: {  	s3 =	sld [smem:$0x3FFE];
	_ =	sdelay $0x1  }
0x8a: {  	s1 =	srdreg.scid  }
0x8b: {  	s0 =	sand.u32 $0x1, s1  }
0x8c: {  	s16 =	sshll.u32 s0, $0xA;
	s2 =	sadd.s32 s3, s2  }
0x8d: {  	s2 =	sadd.s32 s2, s16  }
0x8e: {  	[smem:$0x3F6E] =	sst s2  }
0x8f: {  	_ = 	snop  }
0x90: {  	(tm) =	ssettm $0x1  }
0x91: {  	s17 =	sld [smem:$0x3FFB];
	_ =	sdelay $0x3  }
0x92: {  	_ =	strace s17  }
0x93: {  	s2 =	sld [smem:$0x3FFC];
	_ =	sdelay $0x3  }
0x94: {  	_ =	strace s2  }
0x95: {  	s2 =	sld [smem:$0x3FFD];
	_ =	sdelay $0x3  }
0x96: {  	_ =	strace s2  }
0x97: {  	_ =	strace $0x8FFFFFFF  }
0x98: {  	s18 =	sld [smem:$0x3FDB];
	_ =	sdelay $0x1  }
0x99: {  	s19 =	simm.s32 $_scs_section_size  }
0x9a: {  	s4 =	simm.s32 $_size__tile_overlayer_lowered;
	s5 =	simm.s32 $_tile_overlayer_lowered  }
0x9b: {  	s22 =	simm.s32 $0x1BFF;
	s21 =	sshll.u32 s5, $0x1;
	s2 =	sadd.s32 s19, s18  }
0x9c: {  	s6 =	simm.s32 $0x0;
	s20 =	sshll.u32 s4, $0x1;
	s4 =	sadd.s32 s21, s2  }
0x9d: {  	[timem:s6], [sflag:s22] =	dma.local [hbm:s4], s20  }
0x9e: {  	_ =	swait.ge [sflag:s22], s20  }
0x9f: {  	s3 =	ssub.s32 $0x0, s20;
	[sflag:s22] =	ssyncset.done $0x0  }
0xa0: {  	[sflag:s22] =	ssyncadd.s32 s3;
	_ =	sdelay $0x1  }
0xa1: {  	s23 =	simm.s32 $0x1B8B  }
0xa2: {  	_ =	swait.ge [sflag:s23], $0x1  }
0xa3: {  	[sflag:s23] =	ssyncset.done $0x0  }
0xa4: {  	s25 =	simm.s32 $0x1B8E;
	s24 =	sld [smem:$0x3FFE];
	[sflag:s23] =	ssyncadd.s32 $0xFFFFFFFF  }
0xa5: {  	s26 =	simm.s32 $execute0_lowered;
	[smem:$0x3FD2] =	sst s25  }
0xa6: {  	s4 =	sshll.u32 s26, $0x1;
	_ =	strace $0x8000004F;
	[dreg:$0x1] =	wrdreg $0xFFFFFFFF  }
0xa7: {  	s28 =	simm.s32 $_size_execute0_lowered;
	s2 =	sadd.s32 s2, s4;
	[dreg:$0x0] =	wrdreg $0x0  }
0xa8: {  	s4 =	sshll.u32 s28, $0x1;
	[dreg:$0x2] =	wrdreg s2  }
0xa9: {  	[dreg:$0x3] =	wrdreg s4  }
0xaa: {  	[dreg:$0x4] =	wrdreg $0xC0  }
0xab: {  	_ =	task [dreg:s6], $0x5FFFF  }
0xac: {  	[dreg:$0x1] =	wrdreg $0xFFFFFFFF  }
0xad: {  	[dreg:$0x0] =	wrdreg $0x60  }
0xae: {  	[dreg:$0x2] =	wrdreg s24  }
0xaf: {  	[dreg:$0x3] =	wrdreg $0x9  }
0xb0: {  	_ =	task.clear_ibuf [dreg:s6], $0x4FFFF;
	_ =	strace $0x9000004F  }
0xb1: {  	s29 =	simm.s32 $0x9;
	_ =	strace $0x80000051  }
0xb2: {  	_ =	swait.ge [sflag:s29], $0x1  }
0xb3: {  	[sflag:s29] =	ssyncadd.s32 $0xFFFFFFFF  }
0xb4: {  	_ =	strace $0x90000051  }
0xb5: {  	_ =	sfence  }
0xb6: {  	s30 =	sld [smem:$0x0];
	_ =	sdelay $0x2  }
0xb7: {  	s31 =	sshll.u32 s1, $0xD;
	s1 =	sshrl.u32 s1, $0x2  }
0xb8: {  	s3 =	sand.u32 $0x4000, s31;
	s1 =	sadd.s32 s1, s30  }
0xb9: {  	s0 =	sor.u32 s3, s0;
	s1 =	sshll.u32 s1, $0x11  }
0xba: {  	s0 =	sor.u32 s1, s0  }
0xbb: {  	s0 =	sadd.s32 $0x8F2B, s0  }
0xbc: {  	[sflag:s0] =	ssyncadd.remote.s32 $0x1  }
0xbd: {  	_ =	sfence.sel $0xFFFF  }
0xbe: {  	[dreg:$0x0] =	wrdreg $0xFFFFFFFF;
	(pc) =	sbr.abs _section_cstart, $3  }
0xbf: {  	[dreg:$0x1] =	wrdreg $0xFFFFFFFF  }
0xc0: {  	_ =	task.clear_ibuf [dreg:s6], $0x2FFFF;
	_ =	strace $0x9FFFFFFF  }
0xc1: {  	(tm) =	ssettm $0x7FFFFFFF  }
tec
execute0_lowered:
.L_overlay_start_1:
0x0: {  	(tag) =	ssettag $0x1  }
0x1: {  	s1 =	srdreg.scid;
	s0 =	stileid.u32  }
0x2: {  	s8 =	sand.u32 $0x1, s1;
	s3 =	sshll.u32 s0, $0x1  }
0x3: {  	s9 =	sor.u32 s8, s3  }
0x4: {  	p0 =	sgt.u32 s9, $0x18  }
.Ltmp0:
0x5: {  	_ = 	snop;
	(pc) =	sbr.rel @p0 .LBB2_7-.Ltmp0, $4  }
0x6: {  	_ = 	snop  }
0x7: {  	s7 =	rddreg [dreg:$0x0];
	s2 =	simm.s32 $0x0  }
0x8: {  	[smem:$0x7FF] =	sst s2  }
0x9: {  	s1 =	rddreg [dreg:$0x1];
	_ =	strace $0x80000050  }
0xa: {  	s3 =	sadd.s32 $0x2EE9000, s7;
	s10 =	smul.u32 $0x1F40, s9;
	s4 =	sadd.s32 $0x15200, s7  }
0xb: {  	s5 =	sadd.s32 $0x5F800, s7;
	s11 =	smul.u32 $0xFA0, s9;
	s6 =	sadd.s32 $0x61800, s7  }
0xc: {  	s12 =	ssub.s32 $0x2, s8;
	s13 =	smul.u32 $0xFFFFF830, s9;
	s15 =	simm.s32 $0x0  }
0xd: {  	s14 =	sshrl.u32 s12, $0x1;
	s10 =	sadd.s32 s10, s7;
	s11 =	sadd.s32 s11, s7  }
0xe: {  	s7 =	smul.u32 $0x7D00, s9;
	s31 =	ssub.s32 s12, s14;
	s12 =	simm.s32 $0x1  }
0xf: {  	v0 =	vlaneseq.u32;
	v1 =	vmov s13;
	s13 =	simm.s32 $0x14C80;
	s14 =	simm.s32 $0x0;
	s8 =	sadd.s32 $0x13F400, s10  }
0x10: {  	v2 =	vimm.f32 $1.000000000e+00;
	v3 =	vmul.u32 $0x20, v0;
	s9 =	sadd.s32 $0x126C00, s11;
	s10 =	smax.u32 s31, $0x1;
	s11 =	simm.s32 $0x5280  }
.LBB2_2:
0x11: {  	[tilespmem:s11], [sflag:$0x1] =	stream.linear.gather [hbm4b:s5+s15], $0xFA00, $0x38;
	[tilespmem:$0x1C980] =	vst v63  }
0x12: {  	_ =	swait.ge [sflag:s12], $0xFA00  }
0x13: {  	[sflag:s12] =	ssyncset.done $0x0  }
0x14: {  	[sflag:s12] =	ssyncadd.s32 $0xFFFF0600  }
0x15: {  	[tilespmem:s13], [sflag:$0x1] =	stream.linear.gather [hbm4b:s6+s15], $0x7D00, $0x38;
	[tilespmem:$0x1C980] =	vst v63  }
0x16: {  	_ =	swait.ge [sflag:s12], $0x7D00  }
0x17: {  	[sflag:s12] =	ssyncset.done $0x0  }
0x18: {  	s16 =	simm.s32 $0x0;
	[sflag:s12] =	ssyncadd.s32 $0xFFFF8300  }
.LBB2_3:
0x19: {  	s17 =	smul.u32 $0x280, s16;
	_ =	sdelay $0x1  }
0x1a: {  	s17 =	sadd.s32 s7, s17  }
0x1b: {  	s18 =	sshll.u32 s17, $0x2  }
0x1c: {  	s18 =	sadd.s32 s3, s18  }
0x1d: {  	[tilespmem:s15], [sflag:$0x1] =	stream.linear.gather [hbm4b:s18+s15], $0x5000, $0x38;
	[tilespmem:$0x1C980] =	vst v63  }
0x1e: {  	_ =	swait.ge [sflag:s12], $0x5000  }
0x1f: {  	s17 =	sshrl.u32 s17, $0x3;
	[sflag:s12] =	ssyncset.done $0x0  }
0x20: {  	s31 =	sadd.s32 s4, s17;
	s17 =	simm.s32 $0x5000;
	[sflag:s12] =	ssyncadd.s32 $0xFFFFB000  }
0x21: {  	[tilespmem:s17], [sflag:$0x1] =	stream.linear.gather [hbm4b:s31+s15], $0x280, $0x38;
	[tilespmem:$0x1C980] =	vst v63  }
0x22: {  	_ =	swait.ge [sflag:s12], $0x280  }
0x23: {  	[sflag:s12] =	ssyncset.done $0x0  }
0x24: {  	[sflag:s12] =	ssyncadd.s32 $0xFFFFFD80  }
0x25: {  	v4 =	vld [tilespmem:s17+$0x0];
	_ =	sdelay $0x4  }
0x26: {  	v4 =	vadd.s32 v1, v4  }
0x27: {  	v5 =	vmov s15;
	v6 =	vshll.u32 v4, $0x4  }
0x28: {  	v5 =	vshll.u32 v5, $0x5;
	v6 =	vor.u32 v0, v6  }
0x29: {  	v5 =	vor.u32 v3, v5;
	_ =	sdelay $0x3  }
0x2a: {  	[tilespmem:v6+s13+$0x0] =	vst.idx.add.f32.msk $0xffff, v2  }
0x2b: {  	v7 =	vshll.u32 v4, $0x5;
	v6 =	vld.idx.msk [tilespmem:v5+s2+$0x0], $0xffff  }
0x2c: {  	v4 =	vor.u32 $0x1, v5;
	_ =	sdelay $0x3  }
0x2d: {  	[tilespmem:v7+s11+$0x0] =	vst.idx.add.f32.msk $0xffff, v6  }
0x2e: {  	v6 =	vor.u32 $0x1, v7;
	v4 =	vld.idx.msk [tilespmem:v4+s2+$0x0], $0xffff  }
0x2f: {  	v8 =	vor.u32 $0x2, v5;
	_ =	sdelay $0x3  }
0x30: {  	[tilespmem:v6+s11+$0x0] =	vst.idx.add.f32.msk $0xffff, v4  }
0x31: {  	v6 =	vor.u32 $0x2, v7;
	v4 =	vld.idx.msk [tilespmem:v8+s2+$0x0], $0xffff  }
0x32: {  	v36 =	vor.u32 $0x3, v5;
	_ =	sdelay $0x3  }
0x33: {  	[tilespmem:v6+s11+$0x0] =	vst.idx.add.f32.msk $0xffff, v4  }
0x34: {  	v6 =	vor.u32 $0x3, v7;
	v4 =	vld.idx.msk [tilespmem:v36+s2+$0x0], $0xffff  }
0x35: {  	v37 =	vor.u32 $0x4, v5;
	_ =	sdelay $0x3  }
0x36: {  	[tilespmem:v6+s11+$0x0] =	vst.idx.add.f32.msk $0xffff, v4  }
0x37: {  	v6 =	vor.u32 $0x4, v7;
	v4 =	vld.idx.msk [tilespmem:v37+s2+$0x0], $0xffff  }
0x38: {  	v38 =	vor.u32 $0x5, v5;
	_ =	sdelay $0x3  }
0x39: {  	[tilespmem:v6+s11+$0x0] =	vst.idx.add.f32.msk $0xffff, v4  }
0x3a: {  	v6 =	vor.u32 $0x5, v7;
	v4 =	vld.idx.msk [tilespmem:v38+s2+$0x0], $0xffff  }
0x3b: {  	v39 =	vor.u32 $0x6, v5;
	_ =	sdelay $0x3  }
0x3c: {  	[tilespmem:v6+s11+$0x0] =	vst.idx.add.f32.msk $0xffff, v4  }
0x3d: {  	v6 =	vor.u32 $0x6, v7;
	v4 =	vld.idx.msk [tilespmem:v39+s2+$0x0], $0xffff  }
0x3e: {  	v40 =	vor.u32 $0x7, v5;
	_ =	sdelay $0x3  }
0x3f: {  	[tilespmem:v6+s11+$0x0] =	vst.idx.add.f32.msk $0xffff, v4  }
0x40: {  	v6 =	vor.u32 $0x7, v7;
	v4 =	vld.idx.msk [tilespmem:v40+s2+$0x0], $0xffff  }
0x41: {  	v41 =	vor.u32 $0x8, v5;
	_ =	sdelay $0x3  }
0x42: {  	[tilespmem:v6+s11+$0x0] =	vst.idx.add.f32.msk $0xffff, v4  }
0x43: {  	v6 =	vor.u32 $0x8, v7;
	v4 =	vld.idx.msk [tilespmem:v41+s2+$0x0], $0xffff  }
0x44: {  	v42 =	vor.u32 $0x9, v5;
	_ =	sdelay $0x3  }
0x45: {  	[tilespmem:v6+s11+$0x0] =	vst.idx.add.f32.msk $0xffff, v4  }
0x46: {  	v6 =	vor.u32 $0x9, v7;
	v4 =	vld.idx.msk [tilespmem:v42+s2+$0x0], $0xffff  }
0x47: {  	v43 =	vor.u32 $0xA, v5;
	_ =	sdelay $0x3  }
0x48: {  	[tilespmem:v6+s11+$0x0] =	vst.idx.add.f32.msk $0xffff, v4  }
0x49: {  	v6 =	vor.u32 $0xA, v7;
	v4 =	vld.idx.msk [tilespmem:v43+s2+$0x0], $0xffff  }
0x4a: {  	v44 =	vor.u32 $0xB, v5;
	_ =	sdelay $0x3  }
0x4b: {  	[tilespmem:v6+s11+$0x0] =	vst.idx.add.f32.msk $0xffff, v4  }
0x4c: {  	v6 =	vor.u32 $0xB, v7;
	v4 =	vld.idx.msk [tilespmem:v44+s2+$0x0], $0xffff  }
0x4d: {  	v45 =	vor.u32 $0xC, v5;
	_ =	sdelay $0x3  }
0x4e: {  	[tilespmem:v6+s11+$0x0] =	vst.idx.add.f32.msk $0xffff, v4  }
0x4f: {  	v6 =	vor.u32 $0xC, v7;
	v4 =	vld.idx.msk [tilespmem:v45+s2+$0x0], $0xffff  }
0x50: {  	v46 =	vor.u32 $0xD, v5;
	_ =	sdelay $0x3  }
0x51: {  	[tilespmem:v6+s11+$0x0] =	vst.idx.add.f32.msk $0xffff, v4  }
0x52: {  	v6 =	vor.u32 $0xD, v7;
	v4 =	vld.idx.msk [tilespmem:v46+s2+$0x0], $0xffff  }
0x53: {  	v47 =	vor.u32 $0xE, v5;
	_ =	sdelay $0x3  }
0x54: {  	[tilespmem:v6+s11+$0x0] =	vst.idx.add.f32.msk $0xffff, v4  }
0x55: {  	v6 =	vor.u32 $0xE, v7;
	v4 =	vld.idx.msk [tilespmem:v47+s2+$0x0], $0xffff  }
0x56: {  	v48 =	vor.u32 $0xF, v5;
	_ =	sdelay $0x3  }
0x57: {  	[tilespmem:v6+s11+$0x0] =	vst.idx.add.f32.msk $0xffff, v4  }
0x58: {  	v6 =	vor.u32 $0xF, v7;
	v4 =	vld.idx.msk [tilespmem:v48+s2+$0x0], $0xffff  }
0x59: {  	v49 =	vor.u32 $0x10, v5;
	_ =	sdelay $0x3  }
0x5a: {  	[tilespmem:v6+s11+$0x0] =	vst.idx.add.f32.msk $0xffff, v4  }
0x5b: {  	v6 =	vor.u32 $0x10, v7;
	v4 =	vld.idx.msk [tilespmem:v49+s2+$0x0], $0xffff  }
0x5c: {  	v50 =	vor.u32 $0x11, v5;
	_ =	sdelay $0x3  }
0x5d: {  	[tilespmem:v6+s11+$0x0] =	vst.idx.add.f32.msk $0xffff, v4  }
0x5e: {  	v6 =	vor.u32 $0x11, v7;
	v4 =	vld.idx.msk [tilespmem:v50+s2+$0x0], $0xffff  }
0x5f: {  	v51 =	vor.u32 $0x12, v5;
	_ =	sdelay $0x3  }
0x60: {  	[tilespmem:v6+s11+$0x0] =	vst.idx.add.f32.msk $0xffff, v4  }
0x61: {  	v6 =	vor.u32 $0x12, v7;
	v4 =	vld.idx.msk [tilespmem:v51+s2+$0x0], $0xffff  }
0x62: {  	v52 =	vor.u32 $0x13, v5;
	_ =	sdelay $0x3  }
0x63: {  	[tilespmem:v6+s11+$0x0] =	vst.idx.add.f32.msk $0xffff, v4  }
0x64: {  	v6 =	vor.u32 $0x13, v7;
	v4 =	vld.idx.msk [tilespmem:v52+s2+$0x0], $0xffff  }
0x65: {  	v53 =	vor.u32 $0x14, v5;
	_ =	sdelay $0x3  }
0x66: {  	[tilespmem:v6+s11+$0x0] =	vst.idx.add.f32.msk $0xffff, v4  }
0x67: {  	v6 =	vor.u32 $0x14, v7;
	v4 =	vld.idx.msk [tilespmem:v53+s2+$0x0], $0xffff  }
0x68: {  	v54 =	vor.u32 $0x15, v5;
	_ =	sdelay $0x3  }
0x69: {  	[tilespmem:v6+s11+$0x0] =	vst.idx.add.f32.msk $0xffff, v4  }
0x6a: {  	v6 =	vor.u32 $0x15, v7;
	v4 =	vld.idx.msk [tilespmem:v54+s2+$0x0], $0xffff  }
0x6b: {  	v55 =	vor.u32 $0x16, v5;
	_ =	sdelay $0x3  }
0x6c: {  	[tilespmem:v6+s11+$0x0] =	vst.idx.add.f32.msk $0xffff, v4  }
0x6d: {  	v6 =	vor.u32 $0x16, v7;
	v4 =	vld.idx.msk [tilespmem:v55+s2+$0x0], $0xffff  }
0x6e: {  	v56 =	vor.u32 $0x17, v5;
	_ =	sdelay $0x3  }
0x6f: {  	[tilespmem:v6+s11+$0x0] =	vst.idx.add.f32.msk $0xffff, v4  }
0x70: {  	v6 =	vor.u32 $0x17, v7;
	v4 =	vld.idx.msk [tilespmem:v56+s2+$0x0], $0xffff  }
0x71: {  	v57 =	vor.u32 $0x18, v5;
	_ =	sdelay $0x3  }
0x72: {  	[tilespmem:v6+s11+$0x0] =	vst.idx.add.f32.msk $0xffff, v4  }
0x73: {  	v6 =	vor.u32 $0x18, v7;
	v4 =	vld.idx.msk [tilespmem:v57+s2+$0x0], $0xffff  }
0x74: {  	v58 =	vor.u32 $0x19, v5;
	_ =	sdelay $0x3  }
0x75: {  	[tilespmem:v6+s11+$0x0] =	vst.idx.add.f32.msk $0xffff, v4  }
0x76: {  	v6 =	vor.u32 $0x19, v7;
	v4 =	vld.idx.msk [tilespmem:v58+s2+$0x0], $0xffff  }
0x77: {  	v59 =	vor.u32 $0x1A, v5;
	_ =	sdelay $0x3  }
0x78: {  	[tilespmem:v6+s11+$0x0] =	vst.idx.add.f32.msk $0xffff, v4  }
0x79: {  	v6 =	vor.u32 $0x1A, v7;
	v4 =	vld.idx.msk [tilespmem:v59+s2+$0x0], $0xffff  }
0x7a: {  	v60 =	vor.u32 $0x1B, v5;
	_ =	sdelay $0x3  }
0x7b: {  	[tilespmem:v6+s11+$0x0] =	vst.idx.add.f32.msk $0xffff, v4  }
0x7c: {  	v6 =	vor.u32 $0x1B, v7;
	v4 =	vld.idx.msk [tilespmem:v60+s2+$0x0], $0xffff  }
0x7d: {  	v61 =	vor.u32 $0x1C, v5;
	_ =	sdelay $0x3  }
0x7e: {  	[tilespmem:v6+s11+$0x0] =	vst.idx.add.f32.msk $0xffff, v4  }
0x7f: {  	v6 =	vor.u32 $0x1C, v7;
	v4 =	vld.idx.msk [tilespmem:v61+s2+$0x0], $0xffff  }
0x80: {  	v62 =	vor.u32 $0x1D, v5;
	_ =	sdelay $0x3  }
0x81: {  	[tilespmem:v6+s11+$0x0] =	vst.idx.add.f32.msk $0xffff, v4  }
0x82: {  	v6 =	vor.u32 $0x1D, v7;
	v4 =	vld.idx.msk [tilespmem:v62+s2+$0x0], $0xffff  }
0x83: {  	v63 =	vor.u32 $0x1E, v5;
	_ =	sdelay $0x3  }
0x84: {  	[tilespmem:v6+s11+$0x0] =	vst.idx.add.f32.msk $0xffff, v4  }
0x85: {  	v6 =	vor.u32 $0x1E, v7;
	v4 =	vld.idx.msk [tilespmem:v63+s2+$0x0], $0xffff  }
0x86: {  	v5 =	vor.u32 $0x1F, v5;
	_ =	sdelay $0x3  }
0x87: {  	[tilespmem:v6+s11+$0x0] =	vst.idx.add.f32.msk $0xffff, v4  }
0x88: {  	s18 =	simm.s32 $0x10;
	v4 =	vld.idx.msk [tilespmem:v5+s2+$0x0], $0xffff;
	v5 =	vor.u32 $0x1F, v7  }
.LBB2_4:
0x89: {  	_ =	sdelay $0x2  }
0x8a: {  	p0 =	sne.s32 s18, $0x270  }
0x8b: {  	s17 =	sadd.s32 $0x10, s17;
	s19 =	smov.u32 s18;
	s18 =	sadd.s32 $0x10, s18;
	[tilespmem:v5+s11+$0x0] =	vst.idx.add.f32.msk $0xffff, v4  }
0x8c: {  	v4 =	vld [tilespmem:s17+$0x0];
	_ =	sdelay $0x4  }
0x8d: {  	v5 =	vadd.s32 v1, v4  }
0x8e: {  	v4 =	vmov s19;
	v6 =	vshll.u32 v5, $0x4  }
0x8f: {  	v4 =	vshll.u32 v4, $0x5;
	v6 =	vor.u32 v0, v6  }
0x90: {  	v4 =	vor.u32 v3, v4;
	_ =	sdelay $0x3  }
0x91: {  	[tilespmem:v6+s13+$0x0] =	vst.idx.add.f32.msk $0xffff, v2  }
0x92: {  	v6 =	vld.idx.msk [tilespmem:v4+s2+$0x0], $0xffff  }
0x93: {  	v5 =	vshll.u32 v5, $0x5  }
0x94: {  	v7 =	vor.u32 $0x1, v4;
	_ =	sdelay $0x3  }
0x95: {  	[tilespmem:v5+s11+$0x0] =	vst.idx.add.f32.msk $0xffff, v6  }
0x96: {  	v6 =	vld.idx.msk [tilespmem:v7+s2+$0x0], $0xffff  }
0x97: {  	v7 =	vor.u32 $0x1, v5  }
0x98: {  	v8 =	vor.u32 $0x2, v4;
	_ =	sdelay $0x3  }
0x99: {  	[tilespmem:v7+s11+$0x0] =	vst.idx.add.f32.msk $0xffff, v6  }
0x9a: {  	v6 =	vld.idx.msk [tilespmem:v8+s2+$0x0], $0xffff  }
0x9b: {  	v7 =	vor.u32 $0x2, v5  }
0x9c: {  	v8 =	vor.u32 $0x3, v4;
	_ =	sdelay $0x3  }
0x9d: {  	[tilespmem:v7+s11+$0x0] =	vst.idx.add.f32.msk $0xffff, v6  }
0x9e: {  	v6 =	vld.idx.msk [tilespmem:v8+s2+$0x0], $0xffff  }
0x9f: {  	v7 =	vor.u32 $0x3, v5  }
0xa0: {  	v8 =	vor.u32 $0x4, v4;
	_ =	sdelay $0x3  }
0xa1: {  	[tilespmem:v7+s11+$0x0] =	vst.idx.add.f32.msk $0xffff, v6  }
0xa2: {  	v6 =	vld.idx.msk [tilespmem:v8+s2+$0x0], $0xffff  }
0xa3: {  	v7 =	vor.u32 $0x4, v5  }
0xa4: {  	v8 =	vor.u32 $0x5, v4;
	_ =	sdelay $0x3  }
0xa5: {  	[tilespmem:v7+s11+$0x0] =	vst.idx.add.f32.msk $0xffff, v6  }
0xa6: {  	v6 =	vld.idx.msk [tilespmem:v8+s2+$0x0], $0xffff  }
0xa7: {  	v7 =	vor.u32 $0x5, v5  }
0xa8: {  	v8 =	vor.u32 $0x6, v4;
	_ =	sdelay $0x3  }
0xa9: {  	[tilespmem:v7+s11+$0x0] =	vst.idx.add.f32.msk $0xffff, v6  }
0xaa: {  	v6 =	vld.idx.msk [tilespmem:v8+s2+$0x0], $0xffff  }
0xab: {  	v7 =	vor.u32 $0x6, v5  }
0xac: {  	v8 =	vor.u32 $0x7, v4;
	_ =	sdelay $0x3  }
0xad: {  	[tilespmem:v7+s11+$0x0] =	vst.idx.add.f32.msk $0xffff, v6  }
0xae: {  	v6 =	vld.idx.msk [tilespmem:v8+s2+$0x0], $0xffff  }
0xaf: {  	v7 =	vor.u32 $0x7, v5  }
0xb0: {  	v8 =	vor.u32 $0x8, v4;
	_ =	sdelay $0x3  }
0xb1: {  	[tilespmem:v7+s11+$0x0] =	vst.idx.add.f32.msk $0xffff, v6  }
0xb2: {  	v6 =	vld.idx.msk [tilespmem:v8+s2+$0x0], $0xffff  }
0xb3: {  	v7 =	vor.u32 $0x8, v5  }
0xb4: {  	v8 =	vor.u32 $0x9, v4;
	_ =	sdelay $0x3  }
0xb5: {  	[tilespmem:v7+s11+$0x0] =	vst.idx.add.f32.msk $0xffff, v6  }
0xb6: {  	v6 =	vld.idx.msk [tilespmem:v8+s2+$0x0], $0xffff  }
0xb7: {  	v7 =	vor.u32 $0x9, v5  }
0xb8: {  	v8 =	vor.u32 $0xA, v4;
	_ =	sdelay $0x3  }
0xb9: {  	[tilespmem:v7+s11+$0x0] =	vst.idx.add.f32.msk $0xffff, v6  }
0xba: {  	v6 =	vld.idx.msk [tilespmem:v8+s2+$0x0], $0xffff  }
0xbb: {  	v7 =	vor.u32 $0xA, v5  }
0xbc: {  	v8 =	vor.u32 $0xB, v4;
	_ =	sdelay $0x3  }
0xbd: {  	[tilespmem:v7+s11+$0x0] =	vst.idx.add.f32.msk $0xffff, v6  }
0xbe: {  	v6 =	vld.idx.msk [tilespmem:v8+s2+$0x0], $0xffff  }
0xbf: {  	v7 =	vor.u32 $0xB, v5  }
0xc0: {  	v8 =	vor.u32 $0xC, v4;
	_ =	sdelay $0x3  }
0xc1: {  	[tilespmem:v7+s11+$0x0] =	vst.idx.add.f32.msk $0xffff, v6  }
0xc2: {  	v6 =	vld.idx.msk [tilespmem:v8+s2+$0x0], $0xffff  }
0xc3: {  	v7 =	vor.u32 $0xC, v5  }
0xc4: {  	v8 =	vor.u32 $0xD, v4;
	_ =	sdelay $0x3  }
0xc5: {  	[tilespmem:v7+s11+$0x0] =	vst.idx.add.f32.msk $0xffff, v6  }
0xc6: {  	v6 =	vld.idx.msk [tilespmem:v8+s2+$0x0], $0xffff  }
0xc7: {  	v7 =	vor.u32 $0xD, v5  }
0xc8: {  	v8 =	vor.u32 $0xE, v4;
	_ =	sdelay $0x3  }
0xc9: {  	[tilespmem:v7+s11+$0x0] =	vst.idx.add.f32.msk $0xffff, v6  }
0xca: {  	v6 =	vld.idx.msk [tilespmem:v8+s2+$0x0], $0xffff  }
0xcb: {  	v7 =	vor.u32 $0xE, v5  }
0xcc: {  	v8 =	vor.u32 $0xF, v4;
	_ =	sdelay $0x3  }
0xcd: {  	[tilespmem:v7+s11+$0x0] =	vst.idx.add.f32.msk $0xffff, v6  }
0xce: {  	v6 =	vld.idx.msk [tilespmem:v8+s2+$0x0], $0xffff  }
0xcf: {  	v7 =	vor.u32 $0xF, v5  }
0xd0: {  	v8 =	vor.u32 $0x10, v4;
	_ =	sdelay $0x3  }
0xd1: {  	[tilespmem:v7+s11+$0x0] =	vst.idx.add.f32.msk $0xffff, v6  }
0xd2: {  	v6 =	vld.idx.msk [tilespmem:v8+s2+$0x0], $0xffff  }
0xd3: {  	v7 =	vor.u32 $0x10, v5  }
0xd4: {  	v8 =	vor.u32 $0x11, v4;
	_ =	sdelay $0x3  }
0xd5: {  	[tilespmem:v7+s11+$0x0] =	vst.idx.add.f32.msk $0xffff, v6  }
0xd6: {  	v6 =	vld.idx.msk [tilespmem:v8+s2+$0x0], $0xffff  }
0xd7: {  	v7 =	vor.u32 $0x11, v5  }
0xd8: {  	v8 =	vor.u32 $0x12, v4;
	_ =	sdelay $0x3  }
0xd9: {  	[tilespmem:v7+s11+$0x0] =	vst.idx.add.f32.msk $0xffff, v6  }
0xda: {  	v6 =	vld.idx.msk [tilespmem:v8+s2+$0x0], $0xffff  }
0xdb: {  	v7 =	vor.u32 $0x12, v5  }
0xdc: {  	v8 =	vor.u32 $0x13, v4;
	_ =	sdelay $0x3  }
0xdd: {  	[tilespmem:v7+s11+$0x0] =	vst.idx.add.f32.msk $0xffff, v6  }
0xde: {  	v6 =	vld.idx.msk [tilespmem:v8+s2+$0x0], $0xffff  }
0xdf: {  	v7 =	vor.u32 $0x13, v5  }
0xe0: {  	v8 =	vor.u32 $0x14, v4;
	_ =	sdelay $0x3  }
0xe1: {  	[tilespmem:v7+s11+$0x0] =	vst.idx.add.f32.msk $0xffff, v6  }
0xe2: {  	v6 =	vld.idx.msk [tilespmem:v8+s2+$0x0], $0xffff  }
0xe3: {  	v7 =	vor.u32 $0x14, v5  }
0xe4: {  	v8 =	vor.u32 $0x15, v4;
	_ =	sdelay $0x3  }
0xe5: {  	[tilespmem:v7+s11+$0x0] =	vst.idx.add.f32.msk $0xffff, v6  }
0xe6: {  	v6 =	vld.idx.msk [tilespmem:v8+s2+$0x0], $0xffff  }
0xe7: {  	v7 =	vor.u32 $0x15, v5  }
0xe8: {  	v8 =	vor.u32 $0x16, v4;
	_ =	sdelay $0x3  }
0xe9: {  	[tilespmem:v7+s11+$0x0] =	vst.idx.add.f32.msk $0xffff, v6  }
0xea: {  	v6 =	vld.idx.msk [tilespmem:v8+s2+$0x0], $0xffff  }
0xeb: {  	v7 =	vor.u32 $0x16, v5  }
0xec: {  	v8 =	vor.u32 $0x17, v4;
	_ =	sdelay $0x3  }
0xed: {  	[tilespmem:v7+s11+$0x0] =	vst.idx.add.f32.msk $0xffff, v6  }
0xee: {  	v6 =	vld.idx.msk [tilespmem:v8+s2+$0x0], $0xffff  }
0xef: {  	v7 =	vor.u32 $0x17, v5  }
0xf0: {  	v8 =	vor.u32 $0x18, v4;
	_ =	sdelay $0x3  }
0xf1: {  	[tilespmem:v7+s11+$0x0] =	vst.idx.add.f32.msk $0xffff, v6  }
0xf2: {  	v6 =	vld.idx.msk [tilespmem:v8+s2+$0x0], $0xffff  }
0xf3: {  	v7 =	vor.u32 $0x18, v5  }
0xf4: {  	v8 =	vor.u32 $0x19, v4;
	_ =	sdelay $0x3  }
0xf5: {  	[tilespmem:v7+s11+$0x0] =	vst.idx.add.f32.msk $0xffff, v6  }
0xf6: {  	v6 =	vld.idx.msk [tilespmem:v8+s2+$0x0], $0xffff  }
0xf7: {  	v7 =	vor.u32 $0x19, v5  }
0xf8: {  	v8 =	vor.u32 $0x1A, v4;
	_ =	sdelay $0x3  }
0xf9: {  	[tilespmem:v7+s11+$0x0] =	vst.idx.add.f32.msk $0xffff, v6  }
0xfa: {  	v6 =	vld.idx.msk [tilespmem:v8+s2+$0x0], $0xffff  }
0xfb: {  	v7 =	vor.u32 $0x1A, v5  }
0xfc: {  	v8 =	vor.u32 $0x1B, v4;
	_ =	sdelay $0x3  }
0xfd: {  	[tilespmem:v7+s11+$0x0] =	vst.idx.add.f32.msk $0xffff, v6  }
0xfe: {  	v6 =	vld.idx.msk [tilespmem:v8+s2+$0x0], $0xffff  }
0xff: {  	v7 =	vor.u32 $0x1B, v5  }
0x100: {  	v8 =	vor.u32 $0x1C, v4;
	_ =	sdelay $0x3  }
0x101: {  	[tilespmem:v7+s11+$0x0] =	vst.idx.add.f32.msk $0xffff, v6  }
0x102: {  	v6 =	vld.idx.msk [tilespmem:v8+s2+$0x0], $0xffff  }
0x103: {  	v7 =	vor.u32 $0x1C, v5  }
0x104: {  	v8 =	vor.u32 $0x1D, v4;
	_ =	sdelay $0x3  }
0x105: {  	[tilespmem:v7+s11+$0x0] =	vst.idx.add.f32.msk $0xffff, v6  }
0x106: {  	v6 =	vld.idx.msk [tilespmem:v8+s2+$0x0], $0xffff  }
0x107: {  	v7 =	vor.u32 $0x1D, v5  }
0x108: {  	v8 =	vor.u32 $0x1E, v4;
	_ =	sdelay $0x3  }
0x109: {  	[tilespmem:v7+s11+$0x0] =	vst.idx.add.f32.msk $0xffff, v6  }
0x10a: {  	v6 =	vld.idx.msk [tilespmem:v8+s2+$0x0], $0xffff  }
0x10b: {  	v7 =	vor.u32 $0x1E, v5  }
0x10c: {  	v4 =	vor.u32 $0x1F, v4;
	_ =	sdelay $0x1  }
.Ltmp1:
0x10d: {  	(pc) =	sbr.rel @p0 .LBB2_4-.Ltmp1, $4  }
0x10e: {  	_ = 	snop  }
0x10f: {  	[tilespmem:v7+s11+$0x0] =	vst.idx.add.f32.msk $0xffff, v6  }
0x110: {  	v4 =	vld.idx.msk [tilespmem:v4+s2+$0x0], $0xffff  }
0x111: {  	v5 =	vor.u32 $0x1F, v5  }
0x112: {  	s16 =	sadd.s32 $0x1, s16  }
0x113: {  	p0 =	sne.s32 s16, $0x32  }
.Ltmp2:
0x114: {  	_ = 	snop;
	(pc) =	sbr.rel @p0 .LBB2_3-.Ltmp2, $2  }
0x115: {  	_ =	sdelay $0x2  }
0x116: {  	[tilespmem:v5+s11+$0x0] =	vst.idx.add.f32.msk $0xffff, v4  }
0x117: {  	[hbm4b:s8+s2] =	stream.linear.scatter [tilespmem:s11], [sflag:$0x1], $0xFA00, $0x38;
	[tilespmem:$0x1C980] =	vst v63  }
0x118: {  	s14 =	sadd.s32 $0x1, s14;
	_ =	swait.ge [sflag:s12], $0xFA00  }
0x119: {  	p0 =	sne.s32 s14, s10;
	[sflag:s12] =	ssyncset.done $0x0  }
.Ltmp3:
0x11a: {  	[sflag:s12] =	ssyncadd.s32 $0xFFFF0600;
	(pc) =	sbr.rel @p0 .LBB2_2-.Ltmp3, $4  }
0x11b: {  	[hbm4b:s9+s2] =	stream.linear.scatter [tilespmem:s13], [sflag:$0x1], $0x7D00, $0x38;
	[tilespmem:$0x1C980] =	vst v63  }
0x11c: {  	_ =	swait.ge [sflag:s12], $0x7D00  }
0x11d: {  	[sflag:s12] =	ssyncset.done $0x0  }
0x11e: {  	[sflag:s12] =	ssyncadd.s32 $0xFFFF8300  }
.LBB2_7:
0x11f: {  	_ =	sfence.sel $0x180000  }
0x120: {  	[bflag:$0x0] =	sbarrier.arrive $0xFFFF  }
0x121: {  	p0 =	sne.s32 s0, $0x0;
	_ =	strace $0x90000050  }
0x122: {  	s0 =	sadd.s32 @!p0 $0x100000, s1;
	[bflag:$0x2] =	sbarrier.arrive $0xFFFF  }
0x123: {  	[sflag:s0] =	ssyncadd.tile.s32 @!p0 $0x1;
	_ =	shalt  }
.Lfunc_end2:
_tile_overlayer_lowered:
.L_overlay_start_2:
0x124: {  	(tag) =	ssettag $0x2  }
0x125: {  	s0 =	rddreg [dreg:$0x0];
	s2 =	stileid.u32  }
0x126: {  	s1 =	rddreg [dreg:$0x1];
	p0 =	sne.s32 s2, $0x0  }
0x127: {  	s3 =	rddreg [dreg:$0x2];
	[bflag:$0x3] =	sbarrier.arrive $0xFFFF;
	s2 =	simm.s32 @!p0 $0x1C01  }
0x128: {  	[timem:s3], [sflag:s2] =	dma.local @!p0 [hbm:s0], s1  }
0x129: {  	s0 =	simm.s32 @!p0 $0x1  }
0x12a: {  	_ =	swait.ge @!p0 [sflag:s0], s1  }
0x12b: {  	s1 =	ssub.s32 @!p0 $0x0, s1;
	[sflag:s0] =	ssyncset.done @!p0 $0x0  }
0x12c: {  	[sflag:s0] =	ssyncadd.s32 @!p0 s1  }
0x12d: {  	[bflag:$0x3] =	sbarrier.arrive $0xFFFF  }
0x12e: {  	_ =	shalt  }

// kernel: kernel.37.cloned.1.call-start
scs
__scs_entry_jumppad:
0x0: {  	(pc) =	sbr.rel $0x88, $3  }
0x1: {  	(tag) =	ssettag $0x0;
	lr =	simm.s32 $0x1  }
0x2: {  	[smem:$0x3F47] =	sst lr;
	_ =	strace $0xD0000000  }
0x3: {  	_ = 	snop  }
0x4: {  	_ = 	snop  }
0x5: {  	_ = 	snop  }
0x6: {  	_ = 	snop  }
0x7: {  	_ = 	snop  }
__scs_overlays_trampoline_lowered:
0x8: {  	[smem:$0x3F56] =	sst s0  }
0x9: {  	[smem:$0x3F57] =	sst s1  }
0xa: {  	[smem:$0x3F58] =	sst s2  }
0xb: {  	[smem:$0x3F59] =	sst s3  }
0xc: {  	[smem:$0x3F5A] =	sst s4  }
0xd: {  	[smem:$0x3F5B] =	sst s5  }
0xe: {  	[smem:$0x3F5C] =	sst s6  }
0xf: {  	[smem:$0x3F5D] =	sst s7  }
0x10: {  	[smem:$0x3F5E] =	sst s8  }
0x11: {  	[smem:$0x3F5F] =	sst s9;
	s0 =	simm.s32 @!p0 $0x0  }
0x12: {  	s1 =	sld [smem:$0x3F45];
	s0 =	simm.s32 @p0 $0x1  }
0x13: {  	[smem:$0x3F60] =	sst s0;
	s0 =	simm.s32 @!p1 $0x0  }
0x14: {  	s2 =	sld [smem:$0x3F44];
	s0 =	simm.s32 @p1 $0x1  }
0x15: {  	[smem:$0x3F61] =	sst s0;
	s0 =	simm.s32 @!p2 $0x0  }
0x16: {  	s3 =	sld [smem:$0x3FDB];
	s0 =	simm.s32 @p2 $0x1  }
0x17: {  	s4 =	simm.s32 $0x1BF5;
	[smem:$0x3F63] =	sst s0  }
0x18: {  	s0 =	sld [smem:$0x3F46];
	_ =	swait.ge [sflag:s4], $0x0  }
0x19: {  	s7 =	sld [smem:$0x3F47]  }
0x1a: {  	s8 =	sadd.s32 $0xFFFFE003, lr  }
0x1b: {  	s9 =	sadd.s32 $0xFFFFFEF7, lr;
	s5 =	simm.s32 $0xFFFFFFFF;
	p2 =	slt.u32 s8, $0xFFFFF086  }
0x1c: {  	p1 =	slt.u32 s9, $0xF7A;
	s5 =	simm.s32 @!p2 $0x0  }
0x1d: {  	s5 =	simm.s32 @p1 $0x1;
	p0 =	seq.s32 s7, s2  }
0x1e: {  	s7 =	smul.u32 @!p0 $0xF7A, s2;
	p2 =	seq.s32 @!p0 s5, $0x0  }
0x1f: {  	s9 =	smul.u32 $0xF7A, s1;
	s8 =	simm.s32 @!p0 $0x1BF5;
	p2 =	por !p2, p0  }
0x20: {  	[sflag:s8] =	ssyncset.s32 @!p0 $0xFFFFF086;
	s6 =	sadd.s32 @!p0 s3, s7;
	s7 =	simm.s32 @!p0 $0x108  }
0x21: {  	s3 =	sadd.s32 s3, s9;
	s6 =	sadd.s32 @!p0 $0x88, s6;
	s7 =	simm.s32 @p2 $0x1082  }
0x22: {  	[simem:s7], [sflag:s8] =	dma.local @!p0 [hbm:s6], $0xF7A  }
0x23: {  	s9 =	sor.u32 $0xD0000000, s2;
	s6 =	simm.s32 $0x108;
	_ =	swait.ge @!p0 [sflag:s8], $0x0  }
0x24: {  	s3 =	sadd.s32 $0x88, s3;
	s6 =	simm.s32 @!p1 $0x1082;
	[sflag:s4] =	ssyncset.s32 $0xFFFFF086  }
0x25: {  	[simem:s6], [sflag:s4] =	dma.local [hbm:s3], $0xF7A  }
0x26: {  	[smem:$0x3F47] =	sst s1;
	(tag) =	ssettag s2;
	_ =	strace s9  }
0x27: {  	s1 =	sld [smem:$0x3F57]  }
0x28: {  	s2 =	sld [smem:$0x3F58]  }
0x29: {  	s4 =	sld [smem:$0x3F5A]  }
0x2a: {  	p0 =	seq.s32 s5, $0x0;
	s5 =	sld [smem:$0x3F5B]  }
0x2b: {  	s6 =	sld [smem:$0x3F5C]  }
0x2c: {  	s7 =	sld [smem:$0x3F5D]  }
0x2d: {  	s3 =	simm.s32 $0x108;
	s8 =	sld [smem:$0x3F5E]  }
0x2e: {  	s3 =	simm.s32 @!p0 $0x1082;
	s9 =	sld [smem:$0x3F5F]  }
0x2f: {  	lr =	sadd.s32 s0, s3;
	s0 =	sld [smem:$0x3F56]  }
0x30: {  	s3 =	sld [smem:$0x3F59]  }
0x31: {  	[smem:$0x3F62] =	sst s10  }
0x32: {  	s10 =	sld [smem:$0x3F60];
	_ =	sdelay $0x3  }
0x33: {  	p0 =	seq.s32 s10, $0x1;
	s10 =	sld [smem:$0x3F62];
	_ =	sdelay $0x3  }
0x34: {  	[smem:$0x3F62] =	sst s10  }
0x35: {  	s10 =	sld [smem:$0x3F61];
	_ =	sdelay $0x3  }
0x36: {  	p1 =	seq.s32 s10, $0x1;
	s10 =	sld [smem:$0x3F62];
	_ =	sdelay $0x3  }
0x37: {  	[smem:$0x3F62] =	sst s10  }
0x38: {  	s10 =	sld [smem:$0x3F63]  }
0x39: {  	_ = 	snop;
	(pc) =	sbr.ind lr, $3  }
0x3a: {  	_ = 	snop  }
0x3b: {  	_ = 	snop  }
0x3c: {  	p2 =	seq.s32 s10, $0x1;
	s10 =	sld [smem:$0x3F62]  }
0x3d: {  	_ =	shalt  }
0x3e: {  	_ =	shalt  }
0x3f: {  	_ =	shalt  }
0x40: {  	_ =	shalt  }
0x41: {  	_ =	shalt  }
0x42: {  	_ =	shalt  }
0x43: {  	_ =	shalt  }
0x44: {  	_ =	shalt  }
0x45: {  	_ =	shalt  }
0x46: {  	_ =	shalt  }
0x47: {  	_ =	shalt  }
0x48: {  	_ =	shalt  }
0x49: {  	_ =	shalt  }
0x4a: {  	_ =	shalt  }
0x4b: {  	_ =	shalt  }
0x4c: {  	_ =	shalt  }
0x4d: {  	_ =	shalt  }
0x4e: {  	_ =	shalt  }
0x4f: {  	_ =	shalt  }
0x50: {  	_ =	shalt  }
0x51: {  	_ =	shalt  }
0x52: {  	_ =	shalt  }
0x53: {  	_ =	shalt  }
0x54: {  	_ =	shalt  }
0x55: {  	_ =	shalt  }
0x56: {  	_ =	shalt  }
0x57: {  	_ =	shalt  }
0x58: {  	_ =	shalt  }
0x59: {  	_ =	shalt  }
0x5a: {  	_ =	shalt  }
0x5b: {  	_ =	shalt  }
0x5c: {  	_ =	shalt  }
0x5d: {  	_ =	shalt  }
0x5e: {  	_ =	shalt  }
0x5f: {  	_ =	shalt  }
0x60: {  	_ =	shalt  }
0x61: {  	_ =	shalt  }
0x62: {  	_ =	shalt  }
0x63: {  	_ =	shalt  }
0x64: {  	_ =	shalt  }
0x65: {  	_ =	shalt  }
0x66: {  	_ =	shalt  }
0x67: {  	_ =	shalt  }
0x68: {  	_ =	shalt  }
0x69: {  	_ =	shalt  }
0x6a: {  	_ =	shalt  }
0x6b: {  	_ =	shalt  }
0x6c: {  	_ =	shalt  }
0x6d: {  	_ =	shalt  }
0x6e: {  	_ =	shalt  }
0x6f: {  	_ =	shalt  }
0x70: {  	_ =	shalt  }
0x71: {  	_ =	shalt  }
0x72: {  	_ =	shalt  }
0x73: {  	_ =	shalt  }
0x74: {  	_ =	shalt  }
0x75: {  	_ =	shalt  }
0x76: {  	_ =	shalt  }
0x77: {  	_ =	shalt  }
0x78: {  	_ =	shalt  }
0x79: {  	_ =	shalt  }
0x7a: {  	_ =	shalt  }
0x7b: {  	_ =	shalt  }
0x7c: {  	_ =	shalt  }
0x7d: {  	_ =	shalt  }
0x7e: {  	_ =	shalt  }
0x7f: {  	_ =	shalt  }
0x80: {  	_ =	shalt  }
0x81: {  	_ =	shalt  }
0x82: {  	_ =	shalt  }
0x83: {  	_ =	shalt  }
0x84: {  	_ =	shalt  }
0x85: {  	_ =	shalt  }
0x86: {  	_ =	shalt  }
0x87: {  	_ =	shalt  }
.Lfunc_end0:
.L_simem_size_0:
called_computation.4_lowered:
.L_overlay_start_0:
0x88: {  	s2 =	sld [smem:$0x3FD9]  }
0x89: {  	s3 =	sld [smem:$0x3FFE];
	_ =	sdelay $0x1  }
0x8a: {  	s1 =	srdreg.scid  }
0x8b: {  	s0 =	sand.u32 $0x1, s1  }
0x8c: {  	s16 =	sshll.u32 s0, $0xA;
	s2 =	sadd.s32 s3, s2  }
0x8d: {  	s2 =	sadd.s32 s2, s16  }
0x8e: {  	[smem:$0x3F6E] =	sst s2  }
0x8f: {  	_ = 	snop  }
0x90: {  	(tm) =	ssettm $0x1  }
0x91: {  	s17 =	sld [smem:$0x3FFB];
	_ =	sdelay $0x3  }
0x92: {  	_ =	strace s17  }
0x93: {  	s2 =	sld [smem:$0x3FFC];
	_ =	sdelay $0x3  }
0x94: {  	_ =	strace s2  }
0x95: {  	s2 =	sld [smem:$0x3FFD];
	_ =	sdelay $0x3  }
0x96: {  	_ =	strace s2  }
0x97: {  	_ =	strace $0x8FFFFFFF  }
0x98: {  	s18 =	sld [smem:$0x3FDB];
	_ =	sdelay $0x1  }
0x99: {  	s19 =	simm.s32 $_scs_section_size  }
0x9a: {  	s4 =	simm.s32 $_size__tile_overlayer_lowered;
	s5 =	simm.s32 $_tile_overlayer_lowered  }
0x9b: {  	s22 =	simm.s32 $0x1BFF;
	s21 =	sshll.u32 s5, $0x1;
	s2 =	sadd.s32 s19, s18  }
0x9c: {  	s6 =	simm.s32 $0x0;
	s20 =	sshll.u32 s4, $0x1;
	s4 =	sadd.s32 s21, s2  }
0x9d: {  	[timem:s6], [sflag:s22] =	dma.local [hbm:s4], s20  }
0x9e: {  	_ =	swait.ge [sflag:s22], s20  }
0x9f: {  	s3 =	ssub.s32 $0x0, s20;
	[sflag:s22] =	ssyncset.done $0x0  }
0xa0: {  	[sflag:s22] =	ssyncadd.s32 s3;
	_ =	sdelay $0x1  }
0xa1: {  	s23 =	simm.s32 $0x1B8B  }
0xa2: {  	_ =	swait.ge [sflag:s23], $0x1  }
0xa3: {  	[sflag:s23] =	ssyncset.done $0x0  }
0xa4: {  	s25 =	simm.s32 $0x1B8E;
	s24 =	sld [smem:$0x3FFE];
	[sflag:s23] =	ssyncadd.s32 $0xFFFFFFFF  }
0xa5: {  	s26 =	simm.s32 $execute0_lowered;
	[smem:$0x3FD2] =	sst s25  }
0xa6: {  	s4 =	sshll.u32 s26, $0x1;
	_ =	strace $0x80000052;
	[dreg:$0x1] =	wrdreg $0xFFFFFFFF  }
0xa7: {  	s28 =	simm.s32 $_size_execute0_lowered;
	s2 =	sadd.s32 s2, s4;
	[dreg:$0x0] =	wrdreg $0x0  }
0xa8: {  	s4 =	sshll.u32 s28, $0x1;
	[dreg:$0x2] =	wrdreg s2  }
0xa9: {  	[dreg:$0x3] =	wrdreg s4  }
0xaa: {  	[dreg:$0x4] =	wrdreg $0xC0  }
0xab: {  	_ =	task [dreg:s6], $0x5FFFF  }
0xac: {  	[dreg:$0x1] =	wrdreg $0xFFFFFFFF  }
0xad: {  	[dreg:$0x0] =	wrdreg $0x60  }
0xae: {  	[dreg:$0x2] =	wrdreg s24  }
0xaf: {  	[dreg:$0x3] =	wrdreg $0x9  }
0xb0: {  	_ =	task.clear_ibuf [dreg:s6], $0x4FFFF;
	_ =	strace $0x90000052  }
0xb1: {  	s29 =	simm.s32 $0x9;
	_ =	strace $0x80000054  }
0xb2: {  	_ =	swait.ge [sflag:s29], $0x1  }
0xb3: {  	[sflag:s29] =	ssyncadd.s32 $0xFFFFFFFF  }
0xb4: {  	_ =	strace $0x90000054  }
0xb5: {  	_ =	sfence  }
0xb6: {  	s30 =	sld [smem:$0x0];
	_ =	sdelay $0x2  }
0xb7: {  	s31 =	sshll.u32 s1, $0xD;
	s1 =	sshrl.u32 s1, $0x2  }
0xb8: {  	s3 =	sand.u32 $0x4000, s31;
	s1 =	sadd.s32 s1, s30  }
0xb9: {  	s0 =	sor.u32 s3, s0;
	s1 =	sshll.u32 s1, $0x11  }
0xba: {  	s0 =	sor.u32 s1, s0  }
0xbb: {  	s0 =	sadd.s32 $0x8F2B, s0  }
0xbc: {  	[sflag:s0] =	ssyncadd.remote.s32 $0x1  }
0xbd: {  	_ =	sfence.sel $0xFFFF  }
0xbe: {  	[dreg:$0x0] =	wrdreg $0xFFFFFFFF;
	(pc) =	sbr.abs _section_cstart, $3  }
0xbf: {  	[dreg:$0x1] =	wrdreg $0xFFFFFFFF  }
0xc0: {  	_ =	task.clear_ibuf [dreg:s6], $0x2FFFF;
	_ =	strace $0x9FFFFFFF  }
0xc1: {  	(tm) =	ssettm $0x7FFFFFFF  }
tec
execute0_lowered:
.L_overlay_start_1:
0x0: {  	(tag) =	ssettag $0x1  }
0x1: {  	s0 =	srdreg.scid  }
0x2: {  	s12 =	stileid.u32;
	s1 =	rddreg [dreg:$0x0]  }
0x3: {  	s2 =	simm.s32 $0x0;
	s17 =	simm.s32 $0x5;
	s18 =	simm.s32 $0x6200  }
0x4: {  	s19 =	simm.s32 $0x80;
	s28 =	simm.s32 $0x4;
	s11 =	smul.u32 $0xC350, s12  }
0x5: {  	s29 =	simm.s32 $0x6180;
	s0 =	sand.u32 $0x1, s0;
	s24 =	smul.u32 $0x30D40, s12  }
0x6: {  	s30 =	simm.s32 $0xC380;
	s3 =	sshll.u32 s12, $0x1;
	s22 =	smul.u32 $0x61A8, s0  }
0x7: {  	s4 =	sor.u32 s0, s3;
	s6 =	ssub.s32 $0x2, s0;
	s0 =	smul.u32 $0x186A0, s0  }
0x8: {  	[smem:$0x7FF] =	sst s2;
	s16 =	sadd.s32 $0x800200, s1;
	s5 =	smul.u32 $0xC40, s4  }
0x9: {  	s31 =	simm.s32 $0x0;
	_ =	strace $0x80000053;
	s7 =	smul.u32 $0xC3500, s4  }
0xa: {  	s3 =	sadd.s32 $0x126C00, s1;
	s8 =	sshrl.u32 s6, $0x1;
	s4 =	smul.u32 $0x186A0, s4  }
0xb: {  	s26 =	sadd.s32 s24, s16;
	s6 =	ssub.s32 s6, s8;
	s5 =	sadd.s32 s5, s1  }
0xc: {  	s1 =	sadd.s32 $0x4F2E00, s1;
	s7 =	sshrl.u32 s7, $0x3;
	s8 =	smax.u32 s6, $0x1  }
0xd: {  	s23 =	sadd.s32 $0x18400, s4;
	s4 =	sadd.s32 $0x184A0, s4;
	s20 =	sadd.s32 $0x46200, s5  }
0xe: {  	s7 =	sadd.s32 $0x184A0, s7;
	s5 =	sadd.s32 $0x2DA00, s5;
	s9 =	sadd.s32 s16, s23  }
0xf: {  	s10 =	sadd.s32 s1, s23;
	s12 =	sadd.s32 s1, s4;
	s25 =	sadd.s32 s24, s1  }
0x10: {  	s23 =	simm.s32 $0xF400;
	s24 =	simm.s32 $0x1;
	[dreg:$0x2] =	wrdreg s20  }
0x11: {  	[dreg:$0x3] =	wrdreg s5;
	s21 =	sadd.s32 s16, s7;
	s7 =	sadd.s32 s1, s7  }
0x12: {  	s5 =	sadd.s32 s22, s11;
	s11 =	sadd.s32 s16, s4;
	s15 =	sadd.s32 s0, s25  }
0x13: {  	s20 =	simm.s32 $0xC400;
	s22 =	simm.s32 $0xE400;
	s5 =	sshll.u32 s5, $0x2  }
0x14: {  	s25 =	simm.s32 $0x2;
	[dreg:$0x4] =	wrdreg s21;
	s5 =	sadd.s32 $0x200, s5  }
0x15: {  	[dreg:$0x5] =	wrdreg s7;
	s21 =	simm.s32 $0xD400;
	s13 =	sadd.s32 s5, s16  }
0x16: {  	s14 =	sadd.s32 s5, s1;
	s16 =	sadd.s32 s0, s26;
	s26 =	simm.s32 $0x3  }
.LBB2_1:
0x17: {  	s0 =	rddreg [dreg:$0x2]  }
0x18: {  	[tilespmem:s2], [sflag:$0x5] =	stream.linear.gather [hbm4b:s0+s2], $0x6200, $0x38;
	[tilespmem:$0x10400] =	vst v63  }
0x19: {  	_ =	swait.ge [sflag:s17], $0x6200  }
0x1a: {  	[sflag:s17] =	ssyncset.done $0x0  }
0x1b: {  	s4 =	rddreg [dreg:$0x3];
	[sflag:s17] =	ssyncadd.s32 $0xFFFF9E00  }
0x1c: {  	[tilespmem:s18], [sflag:$0x5] =	stream.linear.gather [hbm4b:s4+s2], $0x6200, $0x38;
	[tilespmem:$0x10400] =	vst v63  }
0x1d: {  	_ =	swait.ge [sflag:s17], $0x6200  }
0x1e: {  	[sflag:s17] =	ssyncset.done $0x0  }
0x1f: {  	[sflag:s17] =	ssyncadd.s32 $0xFFFF9E00  }
0x20: {  	[tilespmem:s20], [sflag:$0x1] =	stream.indirect.gather [hbm4b:s3+s19], $0x20, s2, s19, $0xb8;
	[tilespmem:$0x10400] =	vst v63  }
0x21: {  	_ = 	snop  }
0x22: {  	[tilespmem:s21], [sflag:$0x2] =	stream.indirect.gather [hbm4b:s3+s19], $0x20, s18, s19, $0xb8;
	[tilespmem:$0x10400] =	vst v63  }
0x23: {  	s5 =	simm.s32 $0x80  }
0x24: {  	[tilespmem:s22], [sflag:$0x3] =	stream.indirect.gather [hbm4b:s3+s19], $0x20, s5, s19, $0xb8;
	[tilespmem:$0x10400] =	vst v63  }
0x25: {  	s6 =	simm.s32 $0x6280  }
0x26: {  	[tilespmem:s23], [sflag:$0x4] =	stream.indirect.gather [hbm4b:s3+s19], $0x20, s6, s19, $0xb8;
	[tilespmem:$0x10400] =	vst v63  }
0x27: {  	_ =	swait.ge [sflag:s24], $0x1000  }
0x28: {  	[sflag:s24] =	ssyncset.done $0x0  }
0x29: {  	[sflag:s24] =	ssyncadd.s32 $0xFFFFF000  }
0x2a: {  	_ =	swait.ge [sflag:s25], $0x1000  }
0x2b: {  	[sflag:s25] =	ssyncset.done $0x0  }
0x2c: {  	s7 =	sadd.s32 $0x0, s16;
	[sflag:s25] =	ssyncadd.s32 $0xFFFFF000  }
0x2d: {  	[hbm4b:s7+s2] =	stream.linear.scatter [tilespmem:s20], [sflag:$0x5], $0x1000, $0x38;
	[tilespmem:$0x10400] =	vst v63  }
0x2e: {  	_ =	swait.ge [sflag:s17], $0x1000  }
0x2f: {  	[sflag:s17] =	ssyncset.done $0x0  }
0x30: {  	s1 =	sadd.s32 $0x0, s15;
	[sflag:s17] =	ssyncadd.s32 $0xFFFFF000  }
0x31: {  	[hbm4b:s1+s2] =	stream.linear.scatter [tilespmem:s21], [sflag:$0x5], $0x1000, $0x38;
	[tilespmem:$0x10400] =	vst v63  }
0x32: {  	_ =	swait.ge [sflag:s17], $0x1000  }
0x33: {  	[sflag:s17] =	ssyncset.done $0x0  }
0x34: {  	s4 =	simm.s32 $0x100;
	[sflag:s17] =	ssyncadd.s32 $0xFFFFF000  }
0x35: {  	[tilespmem:s20], [sflag:$0x1] =	stream.indirect.gather [hbm4b:s3+s19], $0x20, s4, s19, $0xb8;
	[tilespmem:$0x10400] =	vst v63  }
0x36: {  	s5 =	simm.s32 $0x6300  }
0x37: {  	[tilespmem:s21], [sflag:$0x2] =	stream.indirect.gather [hbm4b:s3+s19], $0x20, s5, s19, $0xb8;
	[tilespmem:$0x10400] =	vst v63  }
0x38: {  	_ =	swait.ge [sflag:s26], $0x1000  }
0x39: {  	[sflag:s26] =	ssyncset.done $0x0  }
0x3a: {  	[sflag:s26] =	ssyncadd.s32 $0xFFFFF000  }
0x3b: {  	_ =	swait.ge [sflag:s28], $0x1000  }
0x3c: {  	[sflag:s28] =	ssyncset.done $0x0  }
0x3d: {  	s6 =	sadd.s32 $0x0, s13;
	[sflag:s28] =	ssyncadd.s32 $0xFFFFF000  }
0x3e: {  	[hbm4b:s6+s2] =	stream.linear.scatter [tilespmem:s22], [sflag:$0x5], $0x1000, $0x38;
	[tilespmem:$0x10400] =	vst v63  }
0x3f: {  	_ =	swait.ge [sflag:s17], $0x1000  }
0x40: {  	[sflag:s17] =	ssyncset.done $0x0  }
0x41: {  	s7 =	sadd.s32 $0x0, s14;
	[sflag:s17] =	ssyncadd.s32 $0xFFFFF000  }
0x42: {  	[hbm4b:s7+s2] =	stream.linear.scatter [tilespmem:s23], [sflag:$0x5], $0x1000, $0x38;
	[tilespmem:$0x10400] =	vst v63  }
0x43: {  	s0 =	simm.s32 $0x100;
	_ =	swait.ge [sflag:s17], $0x1000  }
0x44: {  	s1 =	simm.s32 $0x400;
	s4 =	simm.s32 $0x800;
	[sflag:s17] =	ssyncset.done $0x0  }
.LBB2_2:
0x45: {  	s7 =	sadd.s32 $0x80, s0  }
0x46: {  	[sflag:s17] =	ssyncadd.s32 $0xFFFFF000;
	s5 =	smov.u32 s4;
	s6 =	sadd.s32 $0x400, s4  }
0x47: {  	[tilespmem:s22], [sflag:$0x3] =	stream.indirect.gather [hbm4b:s3+s19], $0x20, s7, s19, $0xb8;
	[tilespmem:$0x10400] =	vst v63  }
0x48: {  	p0 =	sne.s32 s4, $0x18000;
	s4 =	sadd.s32 $0x6280, s0  }
0x49: {  	[tilespmem:s23], [sflag:$0x4] =	stream.indirect.gather [hbm4b:s3+s19], $0x20, s4, s19, $0xb8;
	[tilespmem:$0x10400] =	vst v63  }
0x4a: {  	_ =	swait.ge [sflag:s24], $0x1000  }
0x4b: {  	[sflag:s24] =	ssyncset.done $0x0  }
0x4c: {  	[sflag:s24] =	ssyncadd.s32 $0xFFFFF000  }
0x4d: {  	_ =	swait.ge [sflag:s25], $0x1000  }
0x4e: {  	[sflag:s25] =	ssyncset.done $0x0  }
0x4f: {  	s4 =	sadd.s32 s1, s16;
	[sflag:s25] =	ssyncadd.s32 $0xFFFFF000  }
0x50: {  	[hbm4b:s4+s2] =	stream.linear.scatter [tilespmem:s20], [sflag:$0x5], $0x1000, $0x38;
	[tilespmem:$0x10400] =	vst v63  }
0x51: {  	_ =	swait.ge [sflag:s17], $0x1000  }
0x52: {  	[sflag:s17] =	ssyncset.done $0x0  }
0x53: {  	s4 =	sadd.s32 s1, s15;
	[sflag:s17] =	ssyncadd.s32 $0xFFFFF000  }
0x54: {  	[hbm4b:s4+s2] =	stream.linear.scatter [tilespmem:s21], [sflag:$0x5], $0x1000, $0x38;
	[tilespmem:$0x10400] =	vst v63  }
0x55: {  	_ =	swait.ge [sflag:s17], $0x1000  }
0x56: {  	[sflag:s17] =	ssyncset.done $0x0  }
0x57: {  	s4 =	sadd.s32 $0x100, s0;
	[sflag:s17] =	ssyncadd.s32 $0xFFFFF000  }
0x58: {  	[tilespmem:s20], [sflag:$0x1] =	stream.indirect.gather [hbm4b:s3+s19], $0x20, s4, s19, $0xb8;
	[tilespmem:$0x10400] =	vst v63  }
0x59: {  	s0 =	sadd.s32 $0x6300, s0  }
0x5a: {  	[tilespmem:s21], [sflag:$0x2] =	stream.indirect.gather [hbm4b:s3+s19], $0x20, s0, s19, $0xb8;
	[tilespmem:$0x10400] =	vst v63  }
0x5b: {  	_ =	swait.ge [sflag:s26], $0x1000  }
0x5c: {  	[sflag:s26] =	ssyncset.done $0x0  }
0x5d: {  	[sflag:s26] =	ssyncadd.s32 $0xFFFFF000  }
0x5e: {  	_ =	swait.ge [sflag:s28], $0x1000  }
0x5f: {  	[sflag:s28] =	ssyncset.done $0x0  }
0x60: {  	s0 =	sadd.s32 s1, s13;
	[sflag:s28] =	ssyncadd.s32 $0xFFFFF000  }
0x61: {  	[hbm4b:s0+s2] =	stream.linear.scatter [tilespmem:s22], [sflag:$0x5], $0x1000, $0x38;
	[tilespmem:$0x10400] =	vst v63  }
0x62: {  	_ =	swait.ge [sflag:s17], $0x1000  }
.Ltmp0:
0x63: {  	[sflag:s17] =	ssyncset.done $0x0;
	(pc) =	sbr.rel @p0 .LBB2_2-.Ltmp0, $4  }
0x64: {  	s0 =	sadd.s32 s1, s14;
	s1 =	smov.u32 s5;
	[sflag:s17] =	ssyncadd.s32 $0xFFFFF000  }
0x65: {  	[hbm4b:s0+s2] =	stream.linear.scatter [tilespmem:s23], [sflag:$0x5], $0x1000, $0x38;
	[tilespmem:$0x10400] =	vst v63  }
0x66: {  	_ =	swait.ge [sflag:s17], $0x1000  }
0x67: {  	s4 =	smov.u32 s6;
	s0 =	sshra.s32 s1, $0x2;
	[sflag:s17] =	ssyncset.done $0x0  }
0x68: {  	s4 =	sadd.s32 $0x80, s0;
	[sflag:s17] =	ssyncadd.s32 $0xFFFFF000  }
0x69: {  	[tilespmem:s22], [sflag:$0x3] =	stream.indirect.gather [hbm4b:s3+s19], $0x20, s4, s19, $0xb8;
	[tilespmem:$0x10400] =	vst v63  }
0x6a: {  	s6 =	sadd.s32 $0x6280, s0  }
0x6b: {  	[tilespmem:s23], [sflag:$0x4] =	stream.indirect.gather [hbm4b:s3+s19], $0x20, s6, s19, $0xb8;
	[tilespmem:$0x10400] =	vst v63  }
0x6c: {  	_ =	swait.ge [sflag:s24], $0x1000  }
0x6d: {  	[sflag:s24] =	ssyncset.done $0x0  }
0x6e: {  	[sflag:s24] =	ssyncadd.s32 $0xFFFFF000  }
0x6f: {  	_ =	swait.ge [sflag:s25], $0x1000  }
0x70: {  	[sflag:s25] =	ssyncset.done $0x0  }
0x71: {  	s7 =	sadd.s32 s1, s16;
	[sflag:s25] =	ssyncadd.s32 $0xFFFFF000  }
0x72: {  	[hbm4b:s7+s2] =	stream.linear.scatter [tilespmem:s20], [sflag:$0x5], $0x1000, $0x38;
	[tilespmem:$0x10400] =	vst v63  }
0x73: {  	_ =	swait.ge [sflag:s17], $0x1000  }
0x74: {  	[sflag:s17] =	ssyncset.done $0x0  }
0x75: {  	s5 =	sadd.s32 s1, s15;
	[sflag:s17] =	ssyncadd.s32 $0xFFFFF000  }
0x76: {  	[hbm4b:s5+s2] =	stream.linear.scatter [tilespmem:s21], [sflag:$0x5], $0x1000, $0x38;
	[tilespmem:$0x10400] =	vst v63  }
0x77: {  	_ =	swait.ge [sflag:s17], $0x1000  }
0x78: {  	[sflag:s17] =	ssyncset.done $0x0  }
0x79: {  	s6 =	sadd.s32 $0x100, s0;
	[sflag:s17] =	ssyncadd.s32 $0xFFFFF000  }
0x7a: {  	[tilespmem:s20], [sflag:$0x1] =	stream.indirect.gather [hbm4b:s3+s19], $0x20, s6, s19, $0xb8;
	[tilespmem:$0x10400] =	vst v63  }
0x7b: {  	s7 =	sadd.s32 $0x6300, s0  }
0x7c: {  	[tilespmem:s21], [sflag:$0x2] =	stream.indirect.gather [hbm4b:s3+s19], $0x20, s7, s19, $0xb8;
	[tilespmem:$0x10400] =	vst v63  }
0x7d: {  	_ =	swait.ge [sflag:s26], $0x1000  }
0x7e: {  	[sflag:s26] =	ssyncset.done $0x0  }
0x7f: {  	[sflag:s26] =	ssyncadd.s32 $0xFFFFF000  }
0x80: {  	_ =	swait.ge [sflag:s28], $0x1000  }
0x81: {  	[sflag:s28] =	ssyncset.done $0x0  }
0x82: {  	s4 =	sadd.s32 s1, s13;
	[sflag:s28] =	ssyncadd.s32 $0xFFFFF000  }
0x83: {  	[hbm4b:s4+s2] =	stream.linear.scatter [tilespmem:s22], [sflag:$0x5], $0x1000, $0x38;
	[tilespmem:$0x10400] =	vst v63  }
0x84: {  	_ =	swait.ge [sflag:s17], $0x1000  }
0x85: {  	[sflag:s17] =	ssyncset.done $0x0  }
0x86: {  	s5 =	sadd.s32 s1, s14;
	[sflag:s17] =	ssyncadd.s32 $0xFFFFF000  }
0x87: {  	[hbm4b:s5+s2] =	stream.linear.scatter [tilespmem:s23], [sflag:$0x5], $0x1000, $0x38;
	[tilespmem:$0x10400] =	vst v63  }
0x88: {  	_ =	swait.ge [sflag:s17], $0x1000  }
0x89: {  	[sflag:s17] =	ssyncset.done $0x0  }
0x8a: {  	[sflag:s17] =	ssyncadd.s32 $0xFFFFF000  }
0x8b: {  	[tilespmem:s22], [sflag:$0x3] =	stream.indirect.gather [hbm4b:s3+s19], $0x20, s29, s19, $0xb8;
	[tilespmem:$0x10400] =	vst v63  }
0x8c: {  	_ = 	snop  }
0x8d: {  	[tilespmem:s23], [sflag:$0x4] =	stream.indirect.gather [hbm4b:s3+s19], $0x20, s30, s19, $0xb8;
	[tilespmem:$0x10400] =	vst v63  }
0x8e: {  	_ =	swait.ge [sflag:s24], $0x1000  }
0x8f: {  	[sflag:s24] =	ssyncset.done $0x0  }
0x90: {  	[sflag:s24] =	ssyncadd.s32 $0xFFFFF000  }
0x91: {  	_ =	swait.ge [sflag:s25], $0x1000  }
0x92: {  	[sflag:s25] =	ssyncset.done $0x0  }
0x93: {  	[sflag:s25] =	ssyncadd.s32 $0xFFFFF000  }
0x94: {  	[hbm4b:s9+s2] =	stream.linear.scatter [tilespmem:s20], [sflag:$0x5], $0x1000, $0x38;
	[tilespmem:$0x10400] =	vst v63  }
0x95: {  	_ =	swait.ge [sflag:s17], $0x1000  }
0x96: {  	[sflag:s17] =	ssyncset.done $0x0  }
0x97: {  	[sflag:s17] =	ssyncadd.s32 $0xFFFFF000  }
0x98: {  	[hbm4b:s10+s2] =	stream.linear.scatter [tilespmem:s21], [sflag:$0x5], $0x1000, $0x38;
	[tilespmem:$0x10400] =	vst v63  }
0x99: {  	_ =	swait.ge [sflag:s17], $0x1000  }
0x9a: {  	[sflag:s17] =	ssyncset.done $0x0  }
0x9b: {  	[sflag:s17] =	ssyncadd.s32 $0xFFFFF000  }
0x9c: {  	[tilespmem:s20], [sflag:$0x1] =	stream.indirect.gather [hbm4b:s3+s19], $0x20, s29, s19, $0xb8;
	[tilespmem:$0x10400] =	vst v63  }
0x9d: {  	_ = 	snop  }
0x9e: {  	[tilespmem:s21], [sflag:$0x2] =	stream.indirect.gather [hbm4b:s3+s19], $0x20, s30, s19, $0xb8;
	[tilespmem:$0x10400] =	vst v63  }
0x9f: {  	_ =	swait.ge [sflag:s26], $0x1000  }
0xa0: {  	[sflag:s26] =	ssyncset.done $0x0  }
0xa1: {  	[sflag:s26] =	ssyncadd.s32 $0xFFFFF000  }
0xa2: {  	_ =	swait.ge [sflag:s28], $0x1000  }
0xa3: {  	[sflag:s28] =	ssyncset.done $0x0  }
0xa4: {  	[sflag:s28] =	ssyncadd.s32 $0xFFFFF000  }
0xa5: {  	[hbm4b:s11+s2] =	stream.linear.scatter [tilespmem:s22], [sflag:$0x5], $0x1000, $0x38;
	[tilespmem:$0x10400] =	vst v63  }
0xa6: {  	_ =	swait.ge [sflag:s17], $0x1000  }
0xa7: {  	[sflag:s17] =	ssyncset.done $0x0  }
0xa8: {  	[sflag:s17] =	ssyncadd.s32 $0xFFFFF000  }
0xa9: {  	[hbm4b:s12+s2] =	stream.linear.scatter [tilespmem:s23], [sflag:$0x5], $0x1000, $0x38;
	[tilespmem:$0x10400] =	vst v63  }
0xaa: {  	_ =	swait.ge [sflag:s17], $0x1000  }
0xab: {  	[sflag:s17] =	ssyncset.done $0x0  }
0xac: {  	[sflag:s17] =	ssyncadd.s32 $0xFFFFF000  }
0xad: {  	_ =	swait.ge [sflag:s24], $0x1000  }
0xae: {  	[sflag:s24] =	ssyncset.done $0x0  }
0xaf: {  	[sflag:s24] =	ssyncadd.s32 $0xFFFFF000  }
0xb0: {  	_ =	swait.ge [sflag:s25], $0x1000  }
0xb1: {  	[sflag:s25] =	ssyncset.done $0x0  }
0xb2: {  	s6 =	rddreg [dreg:$0x4];
	[sflag:s25] =	ssyncadd.s32 $0xFFFFF000  }
0xb3: {  	[hbm4b:s6+s2] =	stream.linear.scatter [tilespmem:s20], [sflag:$0x5], $0x1000, $0x38;
	[tilespmem:$0x10400] =	vst v63  }
0xb4: {  	s31 =	sadd.s32 $0x1, s31;
	_ =	swait.ge [sflag:s17], $0x1000  }
0xb5: {  	p0 =	sne.s32 s31, s8;
	[sflag:s17] =	ssyncset.done $0x0  }
.Ltmp1:
0xb6: {  	s7 =	rddreg [dreg:$0x5];
	[sflag:s17] =	ssyncadd.s32 $0xFFFFF000;
	(pc) =	sbr.rel @p0 .LBB2_1-.Ltmp1, $4  }
0xb7: {  	[hbm4b:s7+s2] =	stream.linear.scatter [tilespmem:s21], [sflag:$0x5], $0x1000, $0x38;
	[tilespmem:$0x10400] =	vst v63  }
0xb8: {  	_ =	swait.ge [sflag:s17], $0x1000  }
0xb9: {  	[sflag:s17] =	ssyncset.done $0x0  }
0xba: {  	[sflag:s17] =	ssyncadd.s32 $0xFFFFF000  }
0xbb: {  	_ =	sfence.sel $0x180000  }
0xbc: {  	[bflag:$0x0] =	sbarrier.arrive $0xFFFF  }
0xbd: {  	_ =	strace $0x90000053  }
0xbe: {  	s0 =	stileid.u32;
	[bflag:$0x2] =	sbarrier.arrive $0xFFFF  }
0xbf: {  	p0 =	sne.s32 s0, $0x0;
	s0 =	rddreg [dreg:$0x1]  }
0xc0: {  	s0 =	sadd.s32 @!p0 $0x100000, s0  }
0xc1: {  	[sflag:s0] =	ssyncadd.tile.s32 @!p0 $0x1;
	_ =	shalt  }
.Lfunc_end2:
_tile_overlayer_lowered:
.L_overlay_start_2:
0xc2: {  	(tag) =	ssettag $0x2  }
0xc3: {  	s0 =	rddreg [dreg:$0x0];
	s2 =	stileid.u32  }
0xc4: {  	s1 =	rddreg [dreg:$0x1];
	p0 =	sne.s32 s2, $0x0  }
0xc5: {  	s3 =	rddreg [dreg:$0x2];
	[bflag:$0x3] =	sbarrier.arrive $0xFFFF;
	s2 =	simm.s32 @!p0 $0x1C05  }
0xc6: {  	[timem:s3], [sflag:s2] =	dma.local @!p0 [hbm:s0], s1  }
0xc7: {  	s0 =	simm.s32 @!p0 $0x5  }
0xc8: {  	_ =	swait.ge @!p0 [sflag:s0], s1  }
0xc9: {  	s1 =	ssub.s32 @!p0 $0x0, s1;
	[sflag:s0] =	ssyncset.done @!p0 $0x0  }
0xca: {  	[sflag:s0] =	ssyncadd.s32 @!p0 s1  }
0xcb: {  	[bflag:$0x3] =	sbarrier.arrive $0xFFFF  }
0xcc: {  	_ =	shalt  }

// kernel: kernel.40.cloned.1.call-start
scs
__scs_entry_jumppad:
0x0: {  	(pc) =	sbr.rel $0x88, $3  }
0x1: {  	(tag) =	ssettag $0x0;
	lr =	simm.s32 $0x1  }
0x2: {  	[smem:$0x3F47] =	sst lr;
	_ =	strace $0xD0000000  }
0x3: {  	_ = 	snop  }
0x4: {  	_ = 	snop  }
0x5: {  	_ = 	snop  }
0x6: {  	_ = 	snop  }
0x7: {  	_ = 	snop  }
__scs_overlays_trampoline_lowered:
0x8: {  	[smem:$0x3F56] =	sst s0  }
0x9: {  	[smem:$0x3F57] =	sst s1  }
0xa: {  	[smem:$0x3F58] =	sst s2  }
0xb: {  	[smem:$0x3F59] =	sst s3  }
0xc: {  	[smem:$0x3F5A] =	sst s4  }
0xd: {  	[smem:$0x3F5B] =	sst s5  }
0xe: {  	[smem:$0x3F5C] =	sst s6  }
0xf: {  	[smem:$0x3F5D] =	sst s7  }
0x10: {  	[smem:$0x3F5E] =	sst s8  }
0x11: {  	[smem:$0x3F5F] =	sst s9;
	s0 =	simm.s32 @!p0 $0x0  }
0x12: {  	s1 =	sld [smem:$0x3F45];
	s0 =	simm.s32 @p0 $0x1  }
0x13: {  	[smem:$0x3F60] =	sst s0;
	s0 =	simm.s32 @!p1 $0x0  }
0x14: {  	s2 =	sld [smem:$0x3F44];
	s0 =	simm.s32 @p1 $0x1  }
0x15: {  	[smem:$0x3F61] =	sst s0;
	s0 =	simm.s32 @!p2 $0x0  }
0x16: {  	s3 =	sld [smem:$0x3FDB];
	s0 =	simm.s32 @p2 $0x1  }
0x17: {  	s4 =	simm.s32 $0x1BF5;
	[smem:$0x3F63] =	sst s0  }
0x18: {  	s0 =	sld [smem:$0x3F46];
	_ =	swait.ge [sflag:s4], $0x0  }
0x19: {  	s7 =	sld [smem:$0x3F47]  }
0x1a: {  	s8 =	sadd.s32 $0xFFFFE003, lr  }
0x1b: {  	s9 =	sadd.s32 $0xFFFFFEF7, lr;
	s5 =	simm.s32 $0xFFFFFFFF;
	p2 =	slt.u32 s8, $0xFFFFF086  }
0x1c: {  	p1 =	slt.u32 s9, $0xF7A;
	s5 =	simm.s32 @!p2 $0x0  }
0x1d: {  	s5 =	simm.s32 @p1 $0x1;
	p0 =	seq.s32 s7, s2  }
0x1e: {  	s7 =	smul.u32 @!p0 $0xF7A, s2;
	p2 =	seq.s32 @!p0 s5, $0x0  }
0x1f: {  	s9 =	smul.u32 $0xF7A, s1;
	s8 =	simm.s32 @!p0 $0x1BF5;
	p2 =	por !p2, p0  }
0x20: {  	[sflag:s8] =	ssyncset.s32 @!p0 $0xFFFFF086;
	s6 =	sadd.s32 @!p0 s3, s7;
	s7 =	simm.s32 @!p0 $0x108  }
0x21: {  	s3 =	sadd.s32 s3, s9;
	s6 =	sadd.s32 @!p0 $0x88, s6;
	s7 =	simm.s32 @p2 $0x1082  }
0x22: {  	[simem:s7], [sflag:s8] =	dma.local @!p0 [hbm:s6], $0xF7A  }
0x23: {  	s9 =	sor.u32 $0xD0000000, s2;
	s6 =	simm.s32 $0x108;
	_ =	swait.ge @!p0 [sflag:s8], $0x0  }
0x24: {  	s3 =	sadd.s32 $0x88, s3;
	s6 =	simm.s32 @!p1 $0x1082;
	[sflag:s4] =	ssyncset.s32 $0xFFFFF086  }
0x25: {  	[simem:s6], [sflag:s4] =	dma.local [hbm:s3], $0xF7A  }
0x26: {  	[smem:$0x3F47] =	sst s1;
	(tag) =	ssettag s2;
	_ =	strace s9  }
0x27: {  	s1 =	sld [smem:$0x3F57]  }
0x28: {  	s2 =	sld [smem:$0x3F58]  }
0x29: {  	s4 =	sld [smem:$0x3F5A]  }
0x2a: {  	p0 =	seq.s32 s5, $0x0;
	s5 =	sld [smem:$0x3F5B]  }
0x2b: {  	s6 =	sld [smem:$0x3F5C]  }
0x2c: {  	s7 =	sld [smem:$0x3F5D]  }
0x2d: {  	s3 =	simm.s32 $0x108;
	s8 =	sld [smem:$0x3F5E]  }
0x2e: {  	s3 =	simm.s32 @!p0 $0x1082;
	s9 =	sld [smem:$0x3F5F]  }
0x2f: {  	lr =	sadd.s32 s0, s3;
	s0 =	sld [smem:$0x3F56]  }
0x30: {  	s3 =	sld [smem:$0x3F59]  }
0x31: {  	[smem:$0x3F62] =	sst s10  }
0x32: {  	s10 =	sld [smem:$0x3F60];
	_ =	sdelay $0x3  }
0x33: {  	p0 =	seq.s32 s10, $0x1;
	s10 =	sld [smem:$0x3F62];
	_ =	sdelay $0x3  }
0x34: {  	[smem:$0x3F62] =	sst s10  }
0x35: {  	s10 =	sld [smem:$0x3F61];
	_ =	sdelay $0x3  }
0x36: {  	p1 =	seq.s32 s10, $0x1;
	s10 =	sld [smem:$0x3F62];
	_ =	sdelay $0x3  }
0x37: {  	[smem:$0x3F62] =	sst s10  }
0x38: {  	s10 =	sld [smem:$0x3F63]  }
0x39: {  	_ = 	snop;
	(pc) =	sbr.ind lr, $3  }
0x3a: {  	_ = 	snop  }
0x3b: {  	_ = 	snop  }
0x3c: {  	p2 =	seq.s32 s10, $0x1;
	s10 =	sld [smem:$0x3F62]  }
0x3d: {  	_ =	shalt  }
0x3e: {  	_ =	shalt  }
0x3f: {  	_ =	shalt  }
0x40: {  	_ =	shalt  }
0x41: {  	_ =	shalt  }
0x42: {  	_ =	shalt  }
0x43: {  	_ =	shalt  }
0x44: {  	_ =	shalt  }
0x45: {  	_ =	shalt  }
0x46: {  	_ =	shalt  }
0x47: {  	_ =	shalt  }
0x48: {  	_ =	shalt  }
0x49: {  	_ =	shalt  }
0x4a: {  	_ =	shalt  }
0x4b: {  	_ =	shalt  }
0x4c: {  	_ =	shalt  }
0x4d: {  	_ =	shalt  }
0x4e: {  	_ =	shalt  }
0x4f: {  	_ =	shalt  }
0x50: {  	_ =	shalt  }
0x51: {  	_ =	shalt  }
0x52: {  	_ =	shalt  }
0x53: {  	_ =	shalt  }
0x54: {  	_ =	shalt  }
0x55: {  	_ =	shalt  }
0x56: {  	_ =	shalt  }
0x57: {  	_ =	shalt  }
0x58: {  	_ =	shalt  }
0x59: {  	_ =	shalt  }
0x5a: {  	_ =	shalt  }
0x5b: {  	_ =	shalt  }
0x5c: {  	_ =	shalt  }
0x5d: {  	_ =	shalt  }
0x5e: {  	_ =	shalt  }
0x5f: {  	_ =	shalt  }
0x60: {  	_ =	shalt  }
0x61: {  	_ =	shalt  }
0x62: {  	_ =	shalt  }
0x63: {  	_ =	shalt  }
0x64: {  	_ =	shalt  }
0x65: {  	_ =	shalt  }
0x66: {  	_ =	shalt  }
0x67: {  	_ =	shalt  }
0x68: {  	_ =	shalt  }
0x69: {  	_ =	shalt  }
0x6a: {  	_ =	shalt  }
0x6b: {  	_ =	shalt  }
0x6c: {  	_ =	shalt  }
0x6d: {  	_ =	shalt  }
0x6e: {  	_ =	shalt  }
0x6f: {  	_ =	shalt  }
0x70: {  	_ =	shalt  }
0x71: {  	_ =	shalt  }
0x72: {  	_ =	shalt  }
0x73: {  	_ =	shalt  }
0x74: {  	_ =	shalt  }
0x75: {  	_ =	shalt  }
0x76: {  	_ =	shalt  }
0x77: {  	_ =	shalt  }
0x78: {  	_ =	shalt  }
0x79: {  	_ =	shalt  }
0x7a: {  	_ =	shalt  }
0x7b: {  	_ =	shalt  }
0x7c: {  	_ =	shalt  }
0x7d: {  	_ =	shalt  }
0x7e: {  	_ =	shalt  }
0x7f: {  	_ =	shalt  }
0x80: {  	_ =	shalt  }
0x81: {  	_ =	shalt  }
0x82: {  	_ =	shalt  }
0x83: {  	_ =	shalt  }
0x84: {  	_ =	shalt  }
0x85: {  	_ =	shalt  }
0x86: {  	_ =	shalt  }
0x87: {  	_ =	shalt  }
.Lfunc_end0:
.L_simem_size_0:
called_computation.5_lowered:
.L_overlay_start_0:
0x88: {  	s2 =	sld [smem:$0x3FD9]  }
0x89: {  	s3 =	sld [smem:$0x3FFE];
	_ =	sdelay $0x1  }
0x8a: {  	s1 =	srdreg.scid  }
0x8b: {  	s0 =	sand.u32 $0x1, s1  }
0x8c: {  	s16 =	sshll.u32 s0, $0xA;
	s2 =	sadd.s32 s3, s2  }
0x8d: {  	s2 =	sadd.s32 s2, s16  }
0x8e: {  	[smem:$0x3F6E] =	sst s2  }
0x8f: {  	_ = 	snop  }
0x90: {  	(tm) =	ssettm $0x1  }
0x91: {  	s17 =	sld [smem:$0x3FFB];
	_ =	sdelay $0x3  }
0x92: {  	_ =	strace s17  }
0x93: {  	s2 =	sld [smem:$0x3FFC];
	_ =	sdelay $0x3  }
0x94: {  	_ =	strace s2  }
0x95: {  	s2 =	sld [smem:$0x3FFD];
	_ =	sdelay $0x3  }
0x96: {  	_ =	strace s2  }
0x97: {  	_ =	strace $0x8FFFFFFF  }
0x98: {  	s18 =	sld [smem:$0x3FDB];
	_ =	sdelay $0x1  }
0x99: {  	s19 =	simm.s32 $_scs_section_size  }
0x9a: {  	s4 =	simm.s32 $_size__tile_overlayer_lowered;
	s5 =	simm.s32 $_tile_overlayer_lowered  }
0x9b: {  	s22 =	simm.s32 $0x1BFF;
	s21 =	sshll.u32 s5, $0x1;
	s2 =	sadd.s32 s19, s18  }
0x9c: {  	s6 =	simm.s32 $0x0;
	s20 =	sshll.u32 s4, $0x1;
	s4 =	sadd.s32 s21, s2  }
0x9d: {  	[timem:s6], [sflag:s22] =	dma.local [hbm:s4], s20  }
0x9e: {  	_ =	swait.ge [sflag:s22], s20  }
0x9f: {  	s3 =	ssub.s32 $0x0, s20;
	[sflag:s22] =	ssyncset.done $0x0  }
0xa0: {  	[sflag:s22] =	ssyncadd.s32 s3;
	_ =	sdelay $0x1  }
0xa1: {  	s23 =	simm.s32 $0x1B8B  }
0xa2: {  	_ =	swait.ge [sflag:s23], $0x1  }
0xa3: {  	[sflag:s23] =	ssyncset.done $0x0  }
0xa4: {  	s25 =	simm.s32 $0x1B8E;
	s24 =	sld [smem:$0x3FFE];
	[sflag:s23] =	ssyncadd.s32 $0xFFFFFFFF  }
0xa5: {  	s26 =	simm.s32 $execute0_lowered;
	[smem:$0x3FD2] =	sst s25  }
0xa6: {  	s4 =	sshll.u32 s26, $0x1;
	_ =	strace $0x80000055;
	[dreg:$0x1] =	wrdreg $0xFFFFFFFF  }
0xa7: {  	s28 =	simm.s32 $_size_execute0_lowered;
	s2 =	sadd.s32 s2, s4;
	[dreg:$0x0] =	wrdreg $0x0  }
0xa8: {  	s4 =	sshll.u32 s28, $0x1;
	[dreg:$0x2] =	wrdreg s2  }
0xa9: {  	[dreg:$0x3] =	wrdreg s4  }
0xaa: {  	[dreg:$0x4] =	wrdreg $0xC0  }
0xab: {  	_ =	task [dreg:s6], $0x5FFFF  }
0xac: {  	[dreg:$0x1] =	wrdreg $0xFFFFFFFF  }
0xad: {  	[dreg:$0x0] =	wrdreg $0x60  }
0xae: {  	[dreg:$0x2] =	wrdreg s24  }
0xaf: {  	[dreg:$0x3] =	wrdreg $0x9  }
0xb0: {  	_ =	task.clear_ibuf [dreg:s6], $0x4FFFF;
	_ =	strace $0x90000055  }
0xb1: {  	s29 =	simm.s32 $0x9;
	_ =	strace $0x80000057  }
0xb2: {  	_ =	swait.ge [sflag:s29], $0x1  }
0xb3: {  	[sflag:s29] =	ssyncadd.s32 $0xFFFFFFFF  }
0xb4: {  	_ =	strace $0x90000057  }
0xb5: {  	_ =	sfence  }
0xb6: {  	s30 =	sld [smem:$0x0];
	_ =	sdelay $0x2  }
0xb7: {  	s31 =	sshll.u32 s1, $0xD;
	s1 =	sshrl.u32 s1, $0x2  }
0xb8: {  	s3 =	sand.u32 $0x4000, s31;
	s1 =	sadd.s32 s1, s30  }
0xb9: {  	s0 =	sor.u32 s3, s0;
	s1 =	sshll.u32 s1, $0x11  }
0xba: {  	s0 =	sor.u32 s1, s0  }
0xbb: {  	s0 =	sadd.s32 $0x8F2B, s0  }
0xbc: {  	[sflag:s0] =	ssyncadd.remote.s32 $0x1  }
0xbd: {  	_ =	sfence.sel $0xFFFF  }
0xbe: {  	[dreg:$0x0] =	wrdreg $0xFFFFFFFF;
	(pc) =	sbr.abs _section_cstart, $3  }
0xbf: {  	[dreg:$0x1] =	wrdreg $0xFFFFFFFF  }
0xc0: {  	_ =	task.clear_ibuf [dreg:s6], $0x2FFFF;
	_ =	strace $0x9FFFFFFF  }
0xc1: {  	(tm) =	ssettm $0x7FFFFFFF  }
tec
execute0_lowered:
.L_overlay_start_1:
0x0: {  	(tag) =	ssettag $0x1  }
0x1: {  	s1 =	srdreg.scid;
	s0 =	stileid.u32  }
0x2: {  	s8 =	sand.u32 $0x1, s1;
	s3 =	sshll.u32 s0, $0x1  }
0x3: {  	s9 =	sor.u32 s8, s3  }
0x4: {  	p0 =	sgt.u32 s9, $0x18  }
.Ltmp0:
0x5: {  	_ = 	snop;
	(pc) =	sbr.rel @p0 .LBB2_7-.Ltmp0, $4  }
0x6: {  	_ = 	snop  }
0x7: {  	s7 =	rddreg [dreg:$0x0];
	s2 =	simm.s32 $0x0  }
0x8: {  	[smem:$0x7FF] =	sst s2  }
0x9: {  	s1 =	rddreg [dreg:$0x1];
	_ =	strace $0x80000056  }
0xa: {  	s3 =	sadd.s32 $0x4F2E00, s7;
	s10 =	smul.u32 $0x1F40, s9;
	s4 =	sadd.s32 $0x15200, s7  }
0xb: {  	s5 =	sadd.s32 $0x5F800, s7;
	s11 =	smul.u32 $0xFA0, s9;
	s6 =	sadd.s32 $0x61800, s7  }
0xc: {  	s12 =	ssub.s32 $0x2, s8;
	s13 =	smul.u32 $0xFFFFF830, s9;
	s15 =	simm.s32 $0x0  }
0xd: {  	s14 =	sshrl.u32 s12, $0x1;
	s10 =	sadd.s32 s10, s7;
	s11 =	sadd.s32 s11, s7  }
0xe: {  	s7 =	smul.u32 $0x7D00, s9;
	s31 =	ssub.s32 s12, s14;
	s12 =	simm.s32 $0x1  }
0xf: {  	v0 =	vlaneseq.u32;
	v1 =	vmov s13;
	s13 =	simm.s32 $0x14C80;
	s14 =	simm.s32 $0x0;
	s8 =	sadd.s32 $0x125E00, s10  }
0x10: {  	v2 =	vimm.f32 $1.000000000e+00;
	v3 =	vmul.u32 $0x20, v0;
	s9 =	sadd.s32 $0x2E800, s11;
	s10 =	smax.u32 s31, $0x1;
	s11 =	simm.s32 $0x5280  }
.LBB2_2:
0x11: {  	[tilespmem:s11], [sflag:$0x1] =	stream.linear.gather [hbm4b:s5+s15], $0xFA00, $0x38;
	[tilespmem:$0x1C980] =	vst v63  }
0x12: {  	_ =	swait.ge [sflag:s12], $0xFA00  }
0x13: {  	[sflag:s12] =	ssyncset.done $0x0  }
0x14: {  	[sflag:s12] =	ssyncadd.s32 $0xFFFF0600  }
0x15: {  	[tilespmem:s13], [sflag:$0x1] =	stream.linear.gather [hbm4b:s6+s15], $0x7D00, $0x38;
	[tilespmem:$0x1C980] =	vst v63  }
0x16: {  	_ =	swait.ge [sflag:s12], $0x7D00  }
0x17: {  	[sflag:s12] =	ssyncset.done $0x0  }
0x18: {  	s16 =	simm.s32 $0x0;
	[sflag:s12] =	ssyncadd.s32 $0xFFFF8300  }
.LBB2_3:
0x19: {  	s17 =	smul.u32 $0x280, s16;
	_ =	sdelay $0x1  }
0x1a: {  	s17 =	sadd.s32 s7, s17  }
0x1b: {  	s18 =	sshll.u32 s17, $0x2  }
0x1c: {  	s18 =	sadd.s32 s3, s18  }
0x1d: {  	[tilespmem:s15], [sflag:$0x1] =	stream.linear.gather [hbm4b:s18+s15], $0x5000, $0x38;
	[tilespmem:$0x1C980] =	vst v63  }
0x1e: {  	_ =	swait.ge [sflag:s12], $0x5000  }
0x1f: {  	s17 =	sshrl.u32 s17, $0x3;
	[sflag:s12] =	ssyncset.done $0x0  }
0x20: {  	s31 =	sadd.s32 s4, s17;
	s17 =	simm.s32 $0x5000;
	[sflag:s12] =	ssyncadd.s32 $0xFFFFB000  }
0x21: {  	[tilespmem:s17], [sflag:$0x1] =	stream.linear.gather [hbm4b:s31+s15], $0x280, $0x38;
	[tilespmem:$0x1C980] =	vst v63  }
0x22: {  	_ =	swait.ge [sflag:s12], $0x280  }
0x23: {  	[sflag:s12] =	ssyncset.done $0x0  }
0x24: {  	[sflag:s12] =	ssyncadd.s32 $0xFFFFFD80  }
0x25: {  	v4 =	vld [tilespmem:s17+$0x0];
	_ =	sdelay $0x4  }
0x26: {  	v4 =	vadd.s32 v1, v4  }
0x27: {  	v5 =	vmov s15;
	v6 =	vshll.u32 v4, $0x4  }
0x28: {  	v5 =	vshll.u32 v5, $0x5;
	v6 =	vor.u32 v0, v6  }
0x29: {  	v5 =	vor.u32 v3, v5;
	_ =	sdelay $0x3  }
0x2a: {  	[tilespmem:v6+s13+$0x0] =	vst.idx.add.f32.msk $0xffff, v2  }
0x2b: {  	v7 =	vshll.u32 v4, $0x5;
	v6 =	vld.idx.msk [tilespmem:v5+s2+$0x0], $0xffff  }
0x2c: {  	v4 =	vor.u32 $0x1, v5;
	_ =	sdelay $0x3  }
0x2d: {  	[tilespmem:v7+s11+$0x0] =	vst.idx.add.f32.msk $0xffff, v6  }
0x2e: {  	v6 =	vor.u32 $0x1, v7;
	v4 =	vld.idx.msk [tilespmem:v4+s2+$0x0], $0xffff  }
0x2f: {  	v8 =	vor.u32 $0x2, v5;
	_ =	sdelay $0x3  }
0x30: {  	[tilespmem:v6+s11+$0x0] =	vst.idx.add.f32.msk $0xffff, v4  }
0x31: {  	v6 =	vor.u32 $0x2, v7;
	v4 =	vld.idx.msk [tilespmem:v8+s2+$0x0], $0xffff  }
0x32: {  	v36 =	vor.u32 $0x3, v5;
	_ =	sdelay $0x3  }
0x33: {  	[tilespmem:v6+s11+$0x0] =	vst.idx.add.f32.msk $0xffff, v4  }
0x34: {  	v6 =	vor.u32 $0x3, v7;
	v4 =	vld.idx.msk [tilespmem:v36+s2+$0x0], $0xffff  }
0x35: {  	v37 =	vor.u32 $0x4, v5;
	_ =	sdelay $0x3  }
0x36: {  	[tilespmem:v6+s11+$0x0] =	vst.idx.add.f32.msk $0xffff, v4  }
0x37: {  	v6 =	vor.u32 $0x4, v7;
	v4 =	vld.idx.msk [tilespmem:v37+s2+$0x0], $0xffff  }
0x38: {  	v38 =	vor.u32 $0x5, v5;
	_ =	sdelay $0x3  }
0x39: {  	[tilespmem:v6+s11+$0x0] =	vst.idx.add.f32.msk $0xffff, v4  }
0x3a: {  	v6 =	vor.u32 $0x5, v7;
	v4 =	vld.idx.msk [tilespmem:v38+s2+$0x0], $0xffff  }
0x3b: {  	v39 =	vor.u32 $0x6, v5;
	_ =	sdelay $0x3  }
0x3c: {  	[tilespmem:v6+s11+$0x0] =	vst.idx.add.f32.msk $0xffff, v4  }
0x3d: {  	v6 =	vor.u32 $0x6, v7;
	v4 =	vld.idx.msk [tilespmem:v39+s2+$0x0], $0xffff  }
0x3e: {  	v40 =	vor.u32 $0x7, v5;
	_ =	sdelay $0x3  }
0x3f: {  	[tilespmem:v6+s11+$0x0] =	vst.idx.add.f32.msk $0xffff, v4  }
0x40: {  	v6 =	vor.u32 $0x7, v7;
	v4 =	vld.idx.msk [tilespmem:v40+s2+$0x0], $0xffff  }
0x41: {  	v41 =	vor.u32 $0x8, v5;
	_ =	sdelay $0x3  }
0x42: {  	[tilespmem:v6+s11+$0x0] =	vst.idx.add.f32.msk $0xffff, v4  }
0x43: {  	v6 =	vor.u32 $0x8, v7;
	v4 =	vld.idx.msk [tilespmem:v41+s2+$0x0], $0xffff  }
0x44: {  	v42 =	vor.u32 $0x9, v5;
	_ =	sdelay $0x3  }
0x45: {  	[tilespmem:v6+s11+$0x0] =	vst.idx.add.f32.msk $0xffff, v4  }
0x46: {  	v6 =	vor.u32 $0x9, v7;
	v4 =	vld.idx.msk [tilespmem:v42+s2+$0x0], $0xffff  }
0x47: {  	v43 =	vor.u32 $0xA, v5;
	_ =	sdelay $0x3  }
0x48: {  	[tilespmem:v6+s11+$0x0] =	vst.idx.add.f32.msk $0xffff, v4  }
0x49: {  	v6 =	vor.u32 $0xA, v7;
	v4 =	vld.idx.msk [tilespmem:v43+s2+$0x0], $0xffff  }
0x4a: {  	v44 =	vor.u32 $0xB, v5;
	_ =	sdelay $0x3  }
0x4b: {  	[tilespmem:v6+s11+$0x0] =	vst.idx.add.f32.msk $0xffff, v4  }
0x4c: {  	v6 =	vor.u32 $0xB, v7;
	v4 =	vld.idx.msk [tilespmem:v44+s2+$0x0], $0xffff  }
0x4d: {  	v45 =	vor.u32 $0xC, v5;
	_ =	sdelay $0x3  }
0x4e: {  	[tilespmem:v6+s11+$0x0] =	vst.idx.add.f32.msk $0xffff, v4  }
0x4f: {  	v6 =	vor.u32 $0xC, v7;
	v4 =	vld.idx.msk [tilespmem:v45+s2+$0x0], $0xffff  }
0x50: {  	v46 =	vor.u32 $0xD, v5;
	_ =	sdelay $0x3  }
0x51: {  	[tilespmem:v6+s11+$0x0] =	vst.idx.add.f32.msk $0xffff, v4  }
0x52: {  	v6 =	vor.u32 $0xD, v7;
	v4 =	vld.idx.msk [tilespmem:v46+s2+$0x0], $0xffff  }
0x53: {  	v47 =	vor.u32 $0xE, v5;
	_ =	sdelay $0x3  }
0x54: {  	[tilespmem:v6+s11+$0x0] =	vst.idx.add.f32.msk $0xffff, v4  }
0x55: {  	v6 =	vor.u32 $0xE, v7;
	v4 =	vld.idx.msk [tilespmem:v47+s2+$0x0], $0xffff  }
0x56: {  	v48 =	vor.u32 $0xF, v5;
	_ =	sdelay $0x3  }
0x57: {  	[tilespmem:v6+s11+$0x0] =	vst.idx.add.f32.msk $0xffff, v4  }
0x58: {  	v6 =	vor.u32 $0xF, v7;
	v4 =	vld.idx.msk [tilespmem:v48+s2+$0x0], $0xffff  }
0x59: {  	v49 =	vor.u32 $0x10, v5;
	_ =	sdelay $0x3  }
0x5a: {  	[tilespmem:v6+s11+$0x0] =	vst.idx.add.f32.msk $0xffff, v4  }
0x5b: {  	v6 =	vor.u32 $0x10, v7;
	v4 =	vld.idx.msk [tilespmem:v49+s2+$0x0], $0xffff  }
0x5c: {  	v50 =	vor.u32 $0x11, v5;
	_ =	sdelay $0x3  }
0x5d: {  	[tilespmem:v6+s11+$0x0] =	vst.idx.add.f32.msk $0xffff, v4  }
0x5e: {  	v6 =	vor.u32 $0x11, v7;
	v4 =	vld.idx.msk [tilespmem:v50+s2+$0x0], $0xffff  }
0x5f: {  	v51 =	vor.u32 $0x12, v5;
	_ =	sdelay $0x3  }
0x60: {  	[tilespmem:v6+s11+$0x0] =	vst.idx.add.f32.msk $0xffff, v4  }
0x61: {  	v6 =	vor.u32 $0x12, v7;
	v4 =	vld.idx.msk [tilespmem:v51+s2+$0x0], $0xffff  }
0x62: {  	v52 =	vor.u32 $0x13, v5;
	_ =	sdelay $0x3  }
0x63: {  	[tilespmem:v6+s11+$0x0] =	vst.idx.add.f32.msk $0xffff, v4  }
0x64: {  	v6 =	vor.u32 $0x13, v7;
	v4 =	vld.idx.msk [tilespmem:v52+s2+$0x0], $0xffff  }
0x65: {  	v53 =	vor.u32 $0x14, v5;
	_ =	sdelay $0x3  }
0x66: {  	[tilespmem:v6+s11+$0x0] =	vst.idx.add.f32.msk $0xffff, v4  }
0x67: {  	v6 =	vor.u32 $0x14, v7;
	v4 =	vld.idx.msk [tilespmem:v53+s2+$0x0], $0xffff  }
0x68: {  	v54 =	vor.u32 $0x15, v5;
	_ =	sdelay $0x3  }
0x69: {  	[tilespmem:v6+s11+$0x0] =	vst.idx.add.f32.msk $0xffff, v4  }
0x6a: {  	v6 =	vor.u32 $0x15, v7;
	v4 =	vld.idx.msk [tilespmem:v54+s2+$0x0], $0xffff  }
0x6b: {  	v55 =	vor.u32 $0x16, v5;
	_ =	sdelay $0x3  }
0x6c: {  	[tilespmem:v6+s11+$0x0] =	vst.idx.add.f32.msk $0xffff, v4  }
0x6d: {  	v6 =	vor.u32 $0x16, v7;
	v4 =	vld.idx.msk [tilespmem:v55+s2+$0x0], $0xffff  }
0x6e: {  	v56 =	vor.u32 $0x17, v5;
	_ =	sdelay $0x3  }
0x6f: {  	[tilespmem:v6+s11+$0x0] =	vst.idx.add.f32.msk $0xffff, v4  }
0x70: {  	v6 =	vor.u32 $0x17, v7;
	v4 =	vld.idx.msk [tilespmem:v56+s2+$0x0], $0xffff  }
0x71: {  	v57 =	vor.u32 $0x18, v5;
	_ =	sdelay $0x3  }
0x72: {  	[tilespmem:v6+s11+$0x0] =	vst.idx.add.f32.msk $0xffff, v4  }
0x73: {  	v6 =	vor.u32 $0x18, v7;
	v4 =	vld.idx.msk [tilespmem:v57+s2+$0x0], $0xffff  }
0x74: {  	v58 =	vor.u32 $0x19, v5;
	_ =	sdelay $0x3  }
0x75: {  	[tilespmem:v6+s11+$0x0] =	vst.idx.add.f32.msk $0xffff, v4  }
0x76: {  	v6 =	vor.u32 $0x19, v7;
	v4 =	vld.idx.msk [tilespmem:v58+s2+$0x0], $0xffff  }
0x77: {  	v59 =	vor.u32 $0x1A, v5;
	_ =	sdelay $0x3  }
0x78: {  	[tilespmem:v6+s11+$0x0] =	vst.idx.add.f32.msk $0xffff, v4  }
0x79: {  	v6 =	vor.u32 $0x1A, v7;
	v4 =	vld.idx.msk [tilespmem:v59+s2+$0x0], $0xffff  }
0x7a: {  	v60 =	vor.u32 $0x1B, v5;
	_ =	sdelay $0x3  }
0x7b: {  	[tilespmem:v6+s11+$0x0] =	vst.idx.add.f32.msk $0xffff, v4  }
0x7c: {  	v6 =	vor.u32 $0x1B, v7;
	v4 =	vld.idx.msk [tilespmem:v60+s2+$0x0], $0xffff  }
0x7d: {  	v61 =	vor.u32 $0x1C, v5;
	_ =	sdelay $0x3  }
0x7e: {  	[tilespmem:v6+s11+$0x0] =	vst.idx.add.f32.msk $0xffff, v4  }
0x7f: {  	v6 =	vor.u32 $0x1C, v7;
	v4 =	vld.idx.msk [tilespmem:v61+s2+$0x0], $0xffff  }
0x80: {  	v62 =	vor.u32 $0x1D, v5;
	_ =	sdelay $0x3  }
0x81: {  	[tilespmem:v6+s11+$0x0] =	vst.idx.add.f32.msk $0xffff, v4  }
0x82: {  	v6 =	vor.u32 $0x1D, v7;
	v4 =	vld.idx.msk [tilespmem:v62+s2+$0x0], $0xffff  }
0x83: {  	v63 =	vor.u32 $0x1E, v5;
	_ =	sdelay $0x3  }
0x84: {  	[tilespmem:v6+s11+$0x0] =	vst.idx.add.f32.msk $0xffff, v4  }
0x85: {  	v6 =	vor.u32 $0x1E, v7;
	v4 =	vld.idx.msk [tilespmem:v63+s2+$0x0], $0xffff  }
0x86: {  	v5 =	vor.u32 $0x1F, v5;
	_ =	sdelay $0x3  }
0x87: {  	[tilespmem:v6+s11+$0x0] =	vst.idx.add.f32.msk $0xffff, v4  }
0x88: {  	s18 =	simm.s32 $0x10;
	v4 =	vld.idx.msk [tilespmem:v5+s2+$0x0], $0xffff;
	v5 =	vor.u32 $0x1F, v7  }
.LBB2_4:
0x89: {  	_ =	sdelay $0x2  }
0x8a: {  	p0 =	sne.s32 s18, $0x270  }
0x8b: {  	s17 =	sadd.s32 $0x10, s17;
	s19 =	smov.u32 s18;
	s18 =	sadd.s32 $0x10, s18;
	[tilespmem:v5+s11+$0x0] =	vst.idx.add.f32.msk $0xffff, v4  }
0x8c: {  	v4 =	vld [tilespmem:s17+$0x0];
	_ =	sdelay $0x4  }
0x8d: {  	v5 =	vadd.s32 v1, v4  }
0x8e: {  	v4 =	vmov s19;
	v6 =	vshll.u32 v5, $0x4  }
0x8f: {  	v4 =	vshll.u32 v4, $0x5;
	v6 =	vor.u32 v0, v6  }
0x90: {  	v4 =	vor.u32 v3, v4;
	_ =	sdelay $0x3  }
0x91: {  	[tilespmem:v6+s13+$0x0] =	vst.idx.add.f32.msk $0xffff, v2  }
0x92: {  	v6 =	vld.idx.msk [tilespmem:v4+s2+$0x0], $0xffff  }
0x93: {  	v5 =	vshll.u32 v5, $0x5  }
0x94: {  	v7 =	vor.u32 $0x1, v4;
	_ =	sdelay $0x3  }
0x95: {  	[tilespmem:v5+s11+$0x0] =	vst.idx.add.f32.msk $0xffff, v6  }
0x96: {  	v6 =	vld.idx.msk [tilespmem:v7+s2+$0x0], $0xffff  }
0x97: {  	v7 =	vor.u32 $0x1, v5  }
0x98: {  	v8 =	vor.u32 $0x2, v4;
	_ =	sdelay $0x3  }
0x99: {  	[tilespmem:v7+s11+$0x0] =	vst.idx.add.f32.msk $0xffff, v6  }
0x9a: {  	v6 =	vld.idx.msk [tilespmem:v8+s2+$0x0], $0xffff  }
0x9b: {  	v7 =	vor.u32 $0x2, v5  }
0x9c: {  	v8 =	vor.u32 $0x3, v4;
	_ =	sdelay $0x3  }
0x9d: {  	[tilespmem:v7+s11+$0x0] =	vst.idx.add.f32.msk $0xffff, v6  }
0x9e: {  	v6 =	vld.idx.msk [tilespmem:v8+s2+$0x0], $0xffff  }
0x9f: {  	v7 =	vor.u32 $0x3, v5  }
0xa0: {  	v8 =	vor.u32 $0x4, v4;
	_ =	sdelay $0x3  }
0xa1: {  	[tilespmem:v7+s11+$0x0] =	vst.idx.add.f32.msk $0xffff, v6  }
0xa2: {  	v6 =	vld.idx.msk [tilespmem:v8+s2+$0x0], $0xffff  }
0xa3: {  	v7 =	vor.u32 $0x4, v5  }
0xa4: {  	v8 =	vor.u32 $0x5, v4;
	_ =	sdelay $0x3  }
0xa5: {  	[tilespmem:v7+s11+$0x0] =	vst.idx.add.f32.msk $0xffff, v6  }
0xa6: {  	v6 =	vld.idx.msk [tilespmem:v8+s2+$0x0], $0xffff  }
0xa7: {  	v7 =	vor.u32 $0x5, v5  }
0xa8: {  	v8 =	vor.u32 $0x6, v4;
	_ =	sdelay $0x3  }
0xa9: {  	[tilespmem:v7+s11+$0x0] =	vst.idx.add.f32.msk $0xffff, v6  }
0xaa: {  	v6 =	vld.idx.msk [tilespmem:v8+s2+$0x0], $0xffff  }
0xab: {  	v7 =	vor.u32 $0x6, v5  }
0xac: {  	v8 =	vor.u32 $0x7, v4;
	_ =	sdelay $0x3  }
0xad: {  	[tilespmem:v7+s11+$0x0] =	vst.idx.add.f32.msk $0xffff, v6  }
0xae: {  	v6 =	vld.idx.msk [tilespmem:v8+s2+$0x0], $0xffff  }
0xaf: {  	v7 =	vor.u32 $0x7, v5  }
0xb0: {  	v8 =	vor.u32 $0x8, v4;
	_ =	sdelay $0x3  }
0xb1: {  	[tilespmem:v7+s11+$0x0] =	vst.idx.add.f32.msk $0xffff, v6  }
0xb2: {  	v6 =	vld.idx.msk [tilespmem:v8+s2+$0x0], $0xffff  }
0xb3: {  	v7 =	vor.u32 $0x8, v5  }
0xb4: {  	v8 =	vor.u32 $0x9, v4;
	_ =	sdelay $0x3  }
0xb5: {  	[tilespmem:v7+s11+$0x0] =	vst.idx.add.f32.msk $0xffff, v6  }
0xb6: {  	v6 =	vld.idx.msk [tilespmem:v8+s2+$0x0], $0xffff  }
0xb7: {  	v7 =	vor.u32 $0x9, v5  }
0xb8: {  	v8 =	vor.u32 $0xA, v4;
	_ =	sdelay $0x3  }
0xb9: {  	[tilespmem:v7+s11+$0x0] =	vst.idx.add.f32.msk $0xffff, v6  }
0xba: {  	v6 =	vld.idx.msk [tilespmem:v8+s2+$0x0], $0xffff  }
0xbb: {  	v7 =	vor.u32 $0xA, v5  }
0xbc: {  	v8 =	vor.u32 $0xB, v4;
	_ =	sdelay $0x3  }
0xbd: {  	[tilespmem:v7+s11+$0x0] =	vst.idx.add.f32.msk $0xffff, v6  }
0xbe: {  	v6 =	vld.idx.msk [tilespmem:v8+s2+$0x0], $0xffff  }
0xbf: {  	v7 =	vor.u32 $0xB, v5  }
0xc0: {  	v8 =	vor.u32 $0xC, v4;
	_ =	sdelay $0x3  }
0xc1: {  	[tilespmem:v7+s11+$0x0] =	vst.idx.add.f32.msk $0xffff, v6  }
0xc2: {  	v6 =	vld.idx.msk [tilespmem:v8+s2+$0x0], $0xffff  }
0xc3: {  	v7 =	vor.u32 $0xC, v5  }
0xc4: {  	v8 =	vor.u32 $0xD, v4;
	_ =	sdelay $0x3  }
0xc5: {  	[tilespmem:v7+s11+$0x0] =	vst.idx.add.f32.msk $0xffff, v6  }
0xc6: {  	v6 =	vld.idx.msk [tilespmem:v8+s2+$0x0], $0xffff  }
0xc7: {  	v7 =	vor.u32 $0xD, v5  }
0xc8: {  	v8 =	vor.u32 $0xE, v4;
	_ =	sdelay $0x3  }
0xc9: {  	[tilespmem:v7+s11+$0x0] =	vst.idx.add.f32.msk $0xffff, v6  }
0xca: {  	v6 =	vld.idx.msk [tilespmem:v8+s2+$0x0], $0xffff  }
0xcb: {  	v7 =	vor.u32 $0xE, v5  }
0xcc: {  	v8 =	vor.u32 $0xF, v4;
	_ =	sdelay $0x3  }
0xcd: {  	[tilespmem:v7+s11+$0x0] =	vst.idx.add.f32.msk $0xffff, v6  }
0xce: {  	v6 =	vld.idx.msk [tilespmem:v8+s2+$0x0], $0xffff  }
0xcf: {  	v7 =	vor.u32 $0xF, v5  }
0xd0: {  	v8 =	vor.u32 $0x10, v4;
	_ =	sdelay $0x3  }
0xd1: {  	[tilespmem:v7+s11+$0x0] =	vst.idx.add.f32.msk $0xffff, v6  }
0xd2: {  	v6 =	vld.idx.msk [tilespmem:v8+s2+$0x0], $0xffff  }
0xd3: {  	v7 =	vor.u32 $0x10, v5  }
0xd4: {  	v8 =	vor.u32 $0x11, v4;
	_ =	sdelay $0x3  }
0xd5: {  	[tilespmem:v7+s11+$0x0] =	vst.idx.add.f32.msk $0xffff, v6  }
0xd6: {  	v6 =	vld.idx.msk [tilespmem:v8+s2+$0x0], $0xffff  }
0xd7: {  	v7 =	vor.u32 $0x11, v5  }
0xd8: {  	v8 =	vor.u32 $0x12, v4;
	_ =	sdelay $0x3  }
0xd9: {  	[tilespmem:v7+s11+$0x0] =	vst.idx.add.f32.msk $0xffff, v6  }
0xda: {  	v6 =	vld.idx.msk [tilespmem:v8+s2+$0x0], $0xffff  }
0xdb: {  	v7 =	vor.u32 $0x12, v5  }
0xdc: {  	v8 =	vor.u32 $0x13, v4;
	_ =	sdelay $0x3  }
0xdd: {  	[tilespmem:v7+s11+$0x0] =	vst.idx.add.f32.msk $0xffff, v6  }
0xde: {  	v6 =	vld.idx.msk [tilespmem:v8+s2+$0x0], $0xffff  }
0xdf: {  	v7 =	vor.u32 $0x13, v5  }
0xe0: {  	v8 =	vor.u32 $0x14, v4;
	_ =	sdelay $0x3  }
0xe1: {  	[tilespmem:v7+s11+$0x0] =	vst.idx.add.f32.msk $0xffff, v6  }
0xe2: {  	v6 =	vld.idx.msk [tilespmem:v8+s2+$0x0], $0xffff  }
0xe3: {  	v7 =	vor.u32 $0x14, v5  }
0xe4: {  	v8 =	vor.u32 $0x15, v4;
	_ =	sdelay $0x3  }
0xe5: {  	[tilespmem:v7+s11+$0x0] =	vst.idx.add.f32.msk $0xffff, v6  }
0xe6: {  	v6 =	vld.idx.msk [tilespmem:v8+s2+$0x0], $0xffff  }
0xe7: {  	v7 =	vor.u32 $0x15, v5  }
0xe8: {  	v8 =	vor.u32 $0x16, v4;
	_ =	sdelay $0x3  }
0xe9: {  	[tilespmem:v7+s11+$0x0] =	vst.idx.add.f32.msk $0xffff, v6  }
0xea: {  	v6 =	vld.idx.msk [tilespmem:v8+s2+$0x0], $0xffff  }
0xeb: {  	v7 =	vor.u32 $0x16, v5  }
0xec: {  	v8 =	vor.u32 $0x17, v4;
	_ =	sdelay $0x3  }
0xed: {  	[tilespmem:v7+s11+$0x0] =	vst.idx.add.f32.msk $0xffff, v6  }
0xee: {  	v6 =	vld.idx.msk [tilespmem:v8+s2+$0x0], $0xffff  }
0xef: {  	v7 =	vor.u32 $0x17, v5  }
0xf0: {  	v8 =	vor.u32 $0x18, v4;
	_ =	sdelay $0x3  }
0xf1: {  	[tilespmem:v7+s11+$0x0] =	vst.idx.add.f32.msk $0xffff, v6  }
0xf2: {  	v6 =	vld.idx.msk [tilespmem:v8+s2+$0x0], $0xffff  }
0xf3: {  	v7 =	vor.u32 $0x18, v5  }
0xf4: {  	v8 =	vor.u32 $0x19, v4;
	_ =	sdelay $0x3  }
0xf5: {  	[tilespmem:v7+s11+$0x0] =	vst.idx.add.f32.msk $0xffff, v6  }
0xf6: {  	v6 =	vld.idx.msk [tilespmem:v8+s2+$0x0], $0xffff  }
0xf7: {  	v7 =	vor.u32 $0x19, v5  }
0xf8: {  	v8 =	vor.u32 $0x1A, v4;
	_ =	sdelay $0x3  }
0xf9: {  	[tilespmem:v7+s11+$0x0] =	vst.idx.add.f32.msk $0xffff, v6  }
0xfa: {  	v6 =	vld.idx.msk [tilespmem:v8+s2+$0x0], $0xffff  }
0xfb: {  	v7 =	vor.u32 $0x1A, v5  }
0xfc: {  	v8 =	vor.u32 $0x1B, v4;
	_ =	sdelay $0x3  }
0xfd: {  	[tilespmem:v7+s11+$0x0] =	vst.idx.add.f32.msk $0xffff, v6  }
0xfe: {  	v6 =	vld.idx.msk [tilespmem:v8+s2+$0x0], $0xffff  }
0xff: {  	v7 =	vor.u32 $0x1B, v5  }
0x100: {  	v8 =	vor.u32 $0x1C, v4;
	_ =	sdelay $0x3  }
0x101: {  	[tilespmem:v7+s11+$0x0] =	vst.idx.add.f32.msk $0xffff, v6  }
0x102: {  	v6 =	vld.idx.msk [tilespmem:v8+s2+$0x0], $0xffff  }
0x103: {  	v7 =	vor.u32 $0x1C, v5  }
0x104: {  	v8 =	vor.u32 $0x1D, v4;
	_ =	sdelay $0x3  }
0x105: {  	[tilespmem:v7+s11+$0x0] =	vst.idx.add.f32.msk $0xffff, v6  }
0x106: {  	v6 =	vld.idx.msk [tilespmem:v8+s2+$0x0], $0xffff  }
0x107: {  	v7 =	vor.u32 $0x1D, v5  }
0x108: {  	v8 =	vor.u32 $0x1E, v4;
	_ =	sdelay $0x3  }
0x109: {  	[tilespmem:v7+s11+$0x0] =	vst.idx.add.f32.msk $0xffff, v6  }
0x10a: {  	v6 =	vld.idx.msk [tilespmem:v8+s2+$0x0], $0xffff  }
0x10b: {  	v7 =	vor.u32 $0x1E, v5  }
0x10c: {  	v4 =	vor.u32 $0x1F, v4;
	_ =	sdelay $0x1  }
.Ltmp1:
0x10d: {  	(pc) =	sbr.rel @p0 .LBB2_4-.Ltmp1, $4  }
0x10e: {  	_ = 	snop  }
0x10f: {  	[tilespmem:v7+s11+$0x0] =	vst.idx.add.f32.msk $0xffff, v6  }
0x110: {  	v4 =	vld.idx.msk [tilespmem:v4+s2+$0x0], $0xffff  }
0x111: {  	v5 =	vor.u32 $0x1F, v5  }
0x112: {  	s16 =	sadd.s32 $0x1, s16  }
0x113: {  	p0 =	sne.s32 s16, $0x32  }
.Ltmp2:
0x114: {  	_ = 	snop;
	(pc) =	sbr.rel @p0 .LBB2_3-.Ltmp2, $2  }
0x115: {  	_ =	sdelay $0x2  }
0x116: {  	[tilespmem:v5+s11+$0x0] =	vst.idx.add.f32.msk $0xffff, v4  }
0x117: {  	[hbm4b:s8+s2] =	stream.linear.scatter [tilespmem:s11], [sflag:$0x1], $0xFA00, $0x38;
	[tilespmem:$0x1C980] =	vst v63  }
0x118: {  	s14 =	sadd.s32 $0x1, s14;
	_ =	swait.ge [sflag:s12], $0xFA00  }
0x119: {  	p0 =	sne.s32 s14, s10;
	[sflag:s12] =	ssyncset.done $0x0  }
.Ltmp3:
0x11a: {  	[sflag:s12] =	ssyncadd.s32 $0xFFFF0600;
	(pc) =	sbr.rel @p0 .LBB2_2-.Ltmp3, $4  }
0x11b: {  	[hbm4b:s9+s2] =	stream.linear.scatter [tilespmem:s13], [sflag:$0x1], $0x7D00, $0x38;
	[tilespmem:$0x1C980] =	vst v63  }
0x11c: {  	_ =	swait.ge [sflag:s12], $0x7D00  }
0x11d: {  	[sflag:s12] =	ssyncset.done $0x0  }
0x11e: {  	[sflag:s12] =	ssyncadd.s32 $0xFFFF8300  }
.LBB2_7:
0x11f: {  	_ =	sfence.sel $0x180000  }
0x120: {  	[bflag:$0x0] =	sbarrier.arrive $0xFFFF  }
0x121: {  	p0 =	sne.s32 s0, $0x0;
	_ =	strace $0x90000056  }
0x122: {  	s0 =	sadd.s32 @!p0 $0x100000, s1;
	[bflag:$0x2] =	sbarrier.arrive $0xFFFF  }
0x123: {  	[sflag:s0] =	ssyncadd.tile.s32 @!p0 $0x1;
	_ =	shalt  }
.Lfunc_end2:
_tile_overlayer_lowered:
.L_overlay_start_2:
0x124: {  	(tag) =	ssettag $0x2  }
0x125: {  	s0 =	rddreg [dreg:$0x0];
	s2 =	stileid.u32  }
0x126: {  	s1 =	rddreg [dreg:$0x1];
	p0 =	sne.s32 s2, $0x0  }
0x127: {  	s3 =	rddreg [dreg:$0x2];
	[bflag:$0x3] =	sbarrier.arrive $0xFFFF;
	s2 =	simm.s32 @!p0 $0x1C01  }
0x128: {  	[timem:s3], [sflag:s2] =	dma.local @!p0 [hbm:s0], s1  }
0x129: {  	s0 =	simm.s32 @!p0 $0x1  }
0x12a: {  	_ =	swait.ge @!p0 [sflag:s0], s1  }
0x12b: {  	s1 =	ssub.s32 @!p0 $0x0, s1;
	[sflag:s0] =	ssyncset.done @!p0 $0x0  }
0x12c: {  	[sflag:s0] =	ssyncadd.s32 @!p0 s1  }
0x12d: {  	[bflag:$0x3] =	sbarrier.arrive $0xFFFF  }
0x12e: {  	_ =	shalt  }

</sc_bundles>
